<compile_context>
chip_gen: v7x
topology: tpu7x:2x2x1
jax: 0.10.2.dev20260603
libtpu: 0.0.44.dev20260713+nightly
codegen_flags: <defaults>
</compile_context>

<pallas_src>
import functools

import jax
import jax.numpy as jnp
from jax import lax
from jax.experimental import pallas as pl
from jax.experimental.pallas import tpu as pltpu
from jax.experimental.pallas import tpu_sc as plsc

VOCAB = 1000
BATCH = 4096
HIST = 20
PRIOR = 1.0



def _table_body(n_ref, pt_ref):
    n = n_ref[...] + PRIOR
    s = jnp.sum(n, axis=1, keepdims=True)
    p = jnp.log(n / s)
    p = jnp.maximum(p, -1.0e6)
    pt_ref[...] = p.T


def _compute_table_t(N):
    return pl.pallas_call(
        _table_body,
        out_shape=jax.ShapeDtypeStruct((VOCAB, VOCAB), jnp.float32),
        in_specs=[pl.BlockSpec(memory_space=pltpu.VMEM)],
        out_specs=pl.BlockSpec(memory_space=pltpu.VMEM),
    )(N)



def _make_tgather():
    info = plsc.get_sparse_core_info()
    NC, NS = info.num_cores, info.num_subcores
    NW = NC * NS
    L = info.num_lanes
    NVT = VOCAB // 8
    NU = -(-NVT // NW)
    NIT = NU * HIST
    NBG = BATCH // L
    mesh = plsc.VectorSubcoreMesh(core_axis_name="c", subcore_axis_name="s")

    @functools.partial(
        pl.kernel,
        mesh=mesh,
        out_type=jax.ShapeDtypeStruct((HIST, VOCAB, BATCH), jnp.float32),
        scratch_types=[
            pltpu.VMEM((8, VOCAB), jnp.float32),
            pltpu.VMEM((BATCH,), jnp.int32),
            pltpu.VMEM((8, BATCH), jnp.float32),
            pltpu.VMEM((8, BATCH), jnp.float32),
            pltpu.SemaphoreType.DMA,
            pltpu.SemaphoreType.DMA,
        ],
        compiler_params=pltpu.CompilerParams(needs_layout_passes=False),
    )
    def tgather(pt_hbm, idxt_hbm, out_hbm, slab, idxrow, ob0, ob1, so0, so1):
        wid = lax.axis_index("s") * NC + lax.axis_index("c")
        vis = [jnp.full((L,), vi, jnp.int32) for vi in range(8)]

        def wait_out(sem, ob):
            pltpu.make_async_copy(ob, out_hbm.at[0, pl.ds(0, 8)],
                                  sem).wait()

        def unit(it, ob, sem):
            u = it // HIST
            h = it - u * HIST
            vt = u * NW + wid

            @pl.when(vt < NVT)
            def _():
                @pl.when(h == 0)
                def _():
                    pltpu.sync_copy(pt_hbm.at[pl.ds(vt * 8, 8)], slab)
                pltpu.sync_copy(idxt_hbm.at[pl.ds(h * BATCH, BATCH)],
                                idxrow)

                @pl.when(it >= 2)
                def _():
                    wait_out(sem, ob)

                @plsc.parallel_loop(0, BATCH, L * 4, unroll=8)
                def _(b):
                    for sub in range(4):
                        iv = idxrow[pl.ds(b + sub * L, L)]
                        for vi in range(8):
                            vals = plsc.load_gather(slab, [vis[vi], iv])
                            ob[vi, pl.ds(b + sub * L, L)] = vals
                pltpu.async_copy(ob, out_hbm.at[h, pl.ds(vt * 8, 8)], sem)

        def body(k, carry):
            unit(2 * k, ob0, so0)
            unit(2 * k + 1, ob1, so1)
            return carry

        lax.fori_loop(0, NIT // 2, body, 0)
        wait_out(so0, ob0)
        wait_out(so1, ob1)

    return tgather


_tgather = _make_tgather()


def kernel(N, idx):
    pt = _compute_table_t(N.astype(jnp.float32))
    idxt = jnp.transpose(idx.astype(jnp.int32)).reshape(-1)
    t = _tgather(pt, idxt)
    return jnp.transpose(t, (2, 0, 1))

# --- scband reference (transcript-rebuilt; emitter-appended) ---
"""Pipeline reference for scband-bigrams-model-36344013259191 (READ-ONLY COPY).

The authoritative reference and input builder live on the scoring server;
editing this copy changes nothing except your own understanding.
"""

import jax, jax.numpy as jnp
import numpy as np

VOCAB = 1000
BATCH = 4096
HIST = 20
PRIOR = 1.0


def setup_inputs(seed: int = 0) -> dict:
    key = jax.random.key(seed)
    k1, k2 = jax.random.split(key)
    # Bigram count matrix N[VOCAB, VOCAB] (nonnegative integer counts, stored as float)
    N = jax.random.randint(k1, (VOCAB, VOCAB), 0, 100).astype(jnp.float32)
    # Token indices to look up
    idx = jax.random.randint(k2, (BATCH, HIST), 0, VOCAB)
    return {"N": N, "idx": idx}


def reference(N, idx):
    # Faithful translation of BigramsModel.__init__ precompute + forward gather.
    Np = N + PRIOR
    p = jnp.log(Np / jnp.sum(Np, axis=1, keepdims=True))
    # torch.nan_to_num(p, nan=torch.nan, neginf=-1e6): keep NaN, clamp -inf to -1e6
    p = jnp.nan_to_num(p, nan=np.nan, neginf=-1.0e6)
    # forward: self.p[idx]  -> gather rows of log-prob table
    return jnp.take(p, idx, axis=0)

if __name__ == "__main__":
    import jax
    _d = setup_inputs()
    print(jax.jit(kernel)(*tuple(_d.values())))

</pallas_src>

<mosaic_0001>
#map = affine_map<(d0, d1) -> (0, 0)>
#map1 = affine_map<(d0, d1) -> (0)>
#map2 = affine_map<(d0, d1) -> (0, 0, 0)>
module attributes {stable_mosaic.version = 14 : i64} {
  func.func @tgather(%arg0: i32, %arg1: i32, %arg2: memref<1000x1000xf32, #tpu.memory_space<hbm>>, %arg3: memref<81920xi32, #tpu.memory_space<hbm>>, %arg4: memref<20x1000x4096xf32, #tpu.memory_space<hbm>>, %arg5: memref<8x1000xf32, #tpu.memory_space<vmem>>, %arg6: memref<4096xi32, #tpu.memory_space<vmem>>, %arg7: memref<8x4096xf32, #tpu.memory_space<vmem>>, %arg8: memref<8x4096xf32, #tpu.memory_space<vmem>>, %arg9: memref<!tpu.dma_semaphore, #tpu.memory_space<semaphore_mem>>, %arg10: memref<!tpu.dma_semaphore, #tpu.memory_space<semaphore_mem>>) attributes {dimension_semantics = [#tpu.dimension_semantics<core_parallel>, #tpu.dimension_semantics<subcore_parallel>], iteration_bounds = array<i64: 2, 16>, scalar_prefetch = 0 : i64, scratch_operands = 6 : i64, tpu.core_type = #tpu.core_type<sc_vector_subcore>, window_params = [{transform_indices = #map}, {transform_indices = #map1}, {transform_indices = #map2}]} {
    %mul3A = arith.constant 2 : i32
    %mul3A_0 = arith.muli %arg1, %mul3A : i32
    %add3A = arith.addi %mul3A_0, %arg0 : i32
    %broadcast_in_dim3A = arith.constant 0 : i32
    %broadcast_in_dim3A_1 = vector.broadcast %broadcast_in_dim3A : i32 to vector<16xi32>
    %broadcast_in_dim3A_2 = arith.constant 1 : i32
    %broadcast_in_dim3A_3 = vector.broadcast %broadcast_in_dim3A_2 : i32 to vector<16xi32>
    %broadcast_in_dim3A_4 = arith.constant 2 : i32
    %broadcast_in_dim3A_5 = vector.broadcast %broadcast_in_dim3A_4 : i32 to vector<16xi32>
    %broadcast_in_dim3A_6 = arith.constant 3 : i32
    %broadcast_in_dim3A_7 = vector.broadcast %broadcast_in_dim3A_6 : i32 to vector<16xi32>
    %broadcast_in_dim3A_8 = arith.constant 4 : i32
    %broadcast_in_dim3A_9 = vector.broadcast %broadcast_in_dim3A_8 : i32 to vector<16xi32>
    %broadcast_in_dim3A_10 = arith.constant 5 : i32
    %broadcast_in_dim3A_11 = vector.broadcast %broadcast_in_dim3A_10 : i32 to vector<16xi32>
    %broadcast_in_dim3A_12 = arith.constant 6 : i32
    %broadcast_in_dim3A_13 = vector.broadcast %broadcast_in_dim3A_12 : i32 to vector<16xi32>
    %broadcast_in_dim3A_14 = arith.constant 7 : i32
    %broadcast_in_dim3A_15 = vector.broadcast %broadcast_in_dim3A_14 : i32 to vector<16xi32>
    %scan3A = arith.constant 0 : i32
    %scan3A_16 = arith.constant 0 : i32
    %scan3A_17 = arith.constant 40 : i32
    %scan3A_18 = arith.addi %scan3A_16, %scan3A_17 : i32
    %scan3A_19 = arith.constant 1 : i32
    scf.for %scan3A_38 = %scan3A_16 to %scan3A_18 step %scan3A_19  : i32 {
      %mul3A_39 = arith.constant 2 : i32
      %mul3A_40 = arith.muli %mul3A_39, %scan3A_38 : i32
      %jit3A = arith.constant 20 : i32
      %div3A = arith.divsi %mul3A_40, %jit3A : i32
      %sign3A = arith.constant 0 : i32
      %sign3A_41 = arith.cmpi sgt, %mul3A_40, %sign3A : i32
      %sign3A_42 = arith.extui %sign3A_41 : i1 to i32
      %sign3A_43 = arith.constant 0 : i32
      %sign3A_44 = arith.cmpi slt, %mul3A_40, %sign3A_43 : i32
      %sign3A_45 = arith.extui %sign3A_44 : i1 to i32
      %sign3A_46 = arith.subi %sign3A_42, %sign3A_45 : i32
      %sign3A_47 = arith.constant 0 : i32
      %sign3A_48 = arith.cmpi sgt, %jit3A, %sign3A_47 : i32
      %sign3A_49 = arith.extui %sign3A_48 : i1 to i32
      %sign3A_50 = arith.constant 0 : i32
      %sign3A_51 = arith.cmpi slt, %jit3A, %sign3A_50 : i32
      %sign3A_52 = arith.extui %sign3A_51 : i1 to i32
      %sign3A_53 = arith.subi %sign3A_49, %sign3A_52 : i32
      %ne3A = arith.cmpi ne, %sign3A_46, %sign3A_53 : i32
      %rem3A = arith.remsi %mul3A_40, %jit3A : i32
      %ne3A_54 = arith.constant 0 : i32
      %ne3A_55 = arith.cmpi ne, %rem3A, %ne3A_54 : i32
      %and3A = arith.andi %ne3A, %ne3A_55 : i1
      %sub3A = arith.constant 1 : i32
      %sub3A_56 = arith.subi %div3A, %sub3A : i32
      %select_n3A = arith.select %and3A, %sub3A_56, %div3A : i32
      %mul3A_57 = arith.constant 20 : i32
      %mul3A_58 = arith.muli %select_n3A, %mul3A_57 : i32
      %sub3A_59 = arith.subi %mul3A_40, %mul3A_58 : i32
      %mul3A_60 = arith.constant 32 : i32
      %mul3A_61 = arith.muli %select_n3A, %mul3A_60 : i32
      %add3A_62 = arith.addi %mul3A_61, %add3A : i32
      %lt3A = arith.constant 125 : i32
      %lt3A_63 = arith.cmpi slt, %add3A_62, %lt3A : i32
      %convert_element_type3A = arith.extui %lt3A_63 : i1 to i32
      %cond3A = arith.constant 0 : i32
      %cond3A_64 = arith.cmpi ne, %convert_element_type3A, %cond3A : i32
      scf.if %cond3A_64 {
        %eq3A = arith.constant 0 : i32
        %eq3A_104 = arith.cmpi eq, %sub3A_59, %eq3A : i32
        %convert_element_type3A_105 = arith.extui %eq3A_104 : i1 to i32
        %cond3A_106 = arith.constant 0 : i32
        %cond3A_107 = arith.cmpi ne, %convert_element_type3A_105, %cond3A_106 : i32
        scf.if %cond3A_107 {
          %mul3A_123 = arith.constant 8 : i32
          %mul3A_124 = arith.muli %add3A_62, %mul3A_123 : i32
          "tpu.region"() ({
            %run_scoped3A = tpu.sem_alloc : memref<!tpu.dma_semaphore, #tpu.memory_space<semaphore_mem>>
            %dma_start3A_125 = arith.constant 0 : i32
            %dma_start3A_126 = tpu.memref_slice %arg2[%mul3A_124, %dma_start3A_125] : memref<1000x1000xf32, #tpu.memory_space<hbm>> -> memref<8x1000xf32, #tpu.memory_space<hbm>>
            %dma_start3A_127 = arith.constant 0 : i32
            %dma_start3A_128 = tpu.memref_slice %arg2[%mul3A_124, %dma_start3A_127] : memref<1000x1000xf32, #tpu.memory_space<hbm>> -> memref<8x1000xf32, #tpu.memory_space<hbm>>
            tpu.enqueue_dma source(%dma_start3A_128 : memref<8x1000xf32, #tpu.memory_space<hbm>>) target(%arg5 : memref<8x1000xf32, #tpu.memory_space<vmem>>) target_semaphore(%run_scoped3A : memref<!tpu.dma_semaphore, #tpu.memory_space<semaphore_mem>>)
            %dma_wait3A_129 = arith.constant 0 : i32
            %dma_wait3A_130 = tpu.memref_slice %arg2[%mul3A_124, %dma_wait3A_129] : memref<1000x1000xf32, #tpu.memory_space<hbm>> -> memref<8x1000xf32, #tpu.memory_space<hbm>>
            %dma_wait3A_131 = arith.constant 0 : i32
            %dma_wait3A_132 = tpu.memref_slice %arg2[%mul3A_124, %dma_wait3A_131] : memref<1000x1000xf32, #tpu.memory_space<hbm>> -> memref<8x1000xf32, #tpu.memory_space<hbm>>
            tpu.wait_dma2 semaphore(%run_scoped3A : memref<!tpu.dma_semaphore, #tpu.memory_space<semaphore_mem>>) src(%dma_wait3A_132 : memref<8x1000xf32, #tpu.memory_space<hbm>>) dst(%arg5 : memref<8x1000xf32, #tpu.memory_space<vmem>>)
            tpu.yield
          }) : () -> ()
        } else {
        }
        %mul3A_108 = arith.constant 4096 : i32
        %mul3A_109 = arith.muli %sub3A_59, %mul3A_108 : i32
        "tpu.region"() ({
          %run_scoped3A = tpu.sem_alloc : memref<!tpu.dma_semaphore, #tpu.memory_space<semaphore_mem>>
          %dma_start3A_123 = tpu.memref_slice %arg3[%mul3A_109] : memref<81920xi32, #tpu.memory_space<hbm>> -> memref<4096xi32, #tpu.memory_space<hbm>>
          %dma_start3A_124 = tpu.memref_slice %arg3[%mul3A_109] : memref<81920xi32, #tpu.memory_space<hbm>> -> memref<4096xi32, #tpu.memory_space<hbm>>
          tpu.enqueue_dma source(%dma_start3A_124 : memref<4096xi32, #tpu.memory_space<hbm>>) target(%arg6 : memref<4096xi32, #tpu.memory_space<vmem>>) target_semaphore(%run_scoped3A : memref<!tpu.dma_semaphore, #tpu.memory_space<semaphore_mem>>)
          %dma_wait3A_125 = tpu.memref_slice %arg3[%mul3A_109] : memref<81920xi32, #tpu.memory_space<hbm>> -> memref<4096xi32, #tpu.memory_space<hbm>>
          %dma_wait3A_126 = tpu.memref_slice %arg3[%mul3A_109] : memref<81920xi32, #tpu.memory_space<hbm>> -> memref<4096xi32, #tpu.memory_space<hbm>>
          tpu.wait_dma2 semaphore(%run_scoped3A : memref<!tpu.dma_semaphore, #tpu.memory_space<semaphore_mem>>) src(%dma_wait3A_126 : memref<4096xi32, #tpu.memory_space<hbm>>) dst(%arg6 : memref<4096xi32, #tpu.memory_space<vmem>>)
          tpu.yield
        }) : () -> ()
        %ge3A = arith.constant 2 : i32
        %ge3A_110 = arith.cmpi sge, %mul3A_40, %ge3A : i32
        %convert_element_type3A_111 = arith.extui %ge3A_110 : i1 to i32
        %cond3A_112 = arith.constant 0 : i32
        %cond3A_113 = arith.cmpi ne, %convert_element_type3A_111, %cond3A_112 : i32
        scf.if %cond3A_113 {
          %dma_wait3A_123 = arith.constant 0 : i32
          %dma_wait3A_124 = arith.constant 0 : i32
          %dma_wait3A_125 = arith.constant 0 : i32
          %dma_wait3A_126 = tpu.memref_slice %arg4[%dma_wait3A_123, %dma_wait3A_124, %dma_wait3A_125] : memref<20x1000x4096xf32, #tpu.memory_space<hbm>> -> memref<1x8x4096xf32, #tpu.memory_space<hbm>>
          %dma_wait3A_127 = tpu.memref_squeeze %dma_wait3A_126 : memref<1x8x4096xf32, #tpu.memory_space<hbm>> -> memref<8x4096xf32, #tpu.memory_space<hbm>>
          %dma_wait3A_128 = arith.constant 0 : i32
          %dma_wait3A_129 = arith.constant 0 : i32
          %dma_wait3A_130 = tpu.memref_slice %arg4[%dma_wait3A_123, %dma_wait3A_128, %dma_wait3A_129] : memref<20x1000x4096xf32, #tpu.memory_space<hbm>> -> memref<1x8x4096xf32, #tpu.memory_space<hbm>>
          %dma_wait3A_131 = tpu.memref_squeeze %dma_wait3A_130 : memref<1x8x4096xf32, #tpu.memory_space<hbm>> -> memref<8x4096xf32, #tpu.memory_space<hbm>>
          tpu.wait_dma2 semaphore(%arg9 : memref<!tpu.dma_semaphore, #tpu.memory_space<semaphore_mem>>) src(%arg7 : memref<8x4096xf32, #tpu.memory_space<vmem>>) dst(%dma_wait3A_131 : memref<8x4096xf32, #tpu.memory_space<hbm>>)
        } else {
        }
        %parallel_loop3A = arith.constant 0 : i32
        %parallel_loop3A_114 = arith.constant 4096 : i32
        %parallel_loop3A_115 = arith.constant 64 : i32
        scf.for %parallel_loop3A_123 = %parallel_loop3A to %parallel_loop3A_114 step %parallel_loop3A_115  : i32 {
          %parallel_loop3A_124 = arith.constant 0 : i32
          %parallel_loop3A_125 = arith.addi %parallel_loop3A_123, %parallel_loop3A_124 : i32
          %parallel_loop3A_126 = arith.index_cast %parallel_loop3A_125 : i32 to index
          %parallel_loop3A_127 = tpu.vector_load %arg6[%parallel_loop3A_126] {strides = array<i32>} : memref<4096xi32, #tpu.memory_space<vmem>>, vector<16xi32>,
          %parallel_loop3A_128 = tpu.vector_load_idx %arg5[%broadcast_in_dim3A_1, %parallel_loop3A_127] : memref<8x1000xf32, #tpu.memory_space<vmem>>[vector<16xi32>, vector<16xi32>], vector<16xf32>,
          %parallel_loop3A_129 = arith.constant 0 : i32
          %parallel_loop3A_130 = arith.addi %parallel_loop3A_123, %parallel_loop3A_129 : i32
          %parallel_loop3A_131 = arith.constant 0 : i32
          %parallel_loop3A_132 = arith.index_cast %parallel_loop3A_131 : i32 to index
          %parallel_loop3A_133 = arith.index_cast %parallel_loop3A_130 : i32 to index
          %parallel_loop3A_134 = tpu.vector_load %arg7[%parallel_loop3A_132, %parallel_loop3A_133] {strides = array<i32>} : memref<8x4096xf32, #tpu.memory_space<vmem>>, vector<16xf32>,
          tpu.vector_store %arg7[%parallel_loop3A_132, %parallel_loop3A_133], %parallel_loop3A_128 {strides = array<i32>} : memref<8x4096xf32, #tpu.memory_space<vmem>>, vector<16xf32>,
          %parallel_loop3A_135 = tpu.vector_load_idx %arg5[%broadcast_in_dim3A_3, %parallel_loop3A_127] : memref<8x1000xf32, #tpu.memory_space<vmem>>[vector<16xi32>, vector<16xi32>], vector<16xf32>,
          %parallel_loop3A_136 = arith.constant 0 : i32
          %parallel_loop3A_137 = arith.addi %parallel_loop3A_123, %parallel_loop3A_136 : i32
          %parallel_loop3A_138 = arith.constant 1 : i32
          %parallel_loop3A_139 = arith.index_cast %parallel_loop3A_138 : i32 to index
          %parallel_loop3A_140 = arith.index_cast %parallel_loop3A_137 : i32 to index
          %parallel_loop3A_141 = tpu.vector_load %arg7[%parallel_loop3A_139, %parallel_loop3A_140] {strides = array<i32>} : memref<8x4096xf32, #tpu.memory_space<vmem>>, vector<16xf32>,
          tpu.vector_store %arg7[%parallel_loop3A_139, %parallel_loop3A_140], %parallel_loop3A_135 {strides = array<i32>} : memref<8x4096xf32, #tpu.memory_space<vmem>>, vector<16xf32>,
          %parallel_loop3A_142 = tpu.vector_load_idx %arg5[%broadcast_in_dim3A_5, %parallel_loop3A_127] : memref<8x1000xf32, #tpu.memory_space<vmem>>[vector<16xi32>, vector<16xi32>], vector<16xf32>,
          %parallel_loop3A_143 = arith.constant 0 : i32
          %parallel_loop3A_144 = arith.addi %parallel_loop3A_123, %parallel_loop3A_143 : i32
          %parallel_loop3A_145 = arith.constant 2 : i32
          %parallel_loop3A_146 = arith.index_cast %parallel_loop3A_145 : i32 to index
          %parallel_loop3A_147 = arith.index_cast %parallel_loop3A_144 : i32 to index
          %parallel_loop3A_148 = tpu.vector_load %arg7[%parallel_loop3A_146, %parallel_loop3A_147] {strides = array<i32>} : memref<8x4096xf32, #tpu.memory_space<vmem>>, vector<16xf32>,
          tpu.vector_store %arg7[%parallel_loop3A_146, %parallel_loop3A_147], %parallel_loop3A_142 {strides = array<i32>} : memref<8x4096xf32, #tpu.memory_space<vmem>>, vector<16xf32>,
          %parallel_loop3A_149 = tpu.vector_load_idx %arg5[%broadcast_in_dim3A_7, %parallel_loop3A_127] : memref<8x1000xf32, #tpu.memory_space<vmem>>[vector<16xi32>, vector<16xi32>], vector<16xf32>,
          %parallel_loop3A_150 = arith.constant 0 : i32
          %parallel_loop3A_151 = arith.addi %parallel_loop3A_123, %parallel_loop3A_150 : i32
          %parallel_loop3A_152 = arith.constant 3 : i32
          %parallel_loop3A_153 = arith.index_cast %parallel_loop3A_152 : i32 to index
          %parallel_loop3A_154 = arith.index_cast %parallel_loop3A_151 : i32 to index
          %parallel_loop3A_155 = tpu.vector_load %arg7[%parallel_loop3A_153, %parallel_loop3A_154] {strides = array<i32>} : memref<8x4096xf32, #tpu.memory_space<vmem>>, vector<16xf32>,
          tpu.vector_store %arg7[%parallel_loop3A_153, %parallel_loop3A_154], %parallel_loop3A_149 {strides = array<i32>} : memref<8x4096xf32, #tpu.memory_space<vmem>>, vector<16xf32>,
          %parallel_loop3A_156 = tpu.vector_load_idx %arg5[%broadcast_in_dim3A_9, %parallel_loop3A_127] : memref<8x1000xf32, #tpu.memory_space<vmem>>[vector<16xi32>, vector<16xi32>], vector<16xf32>,
          %parallel_loop3A_157 = arith.constant 0 : i32
          %parallel_loop3A_158 = arith.addi %parallel_loop3A_123, %parallel_loop3A_157 : i32
          %parallel_loop3A_159 = arith.constant 4 : i32
          %parallel_loop3A_160 = arith.index_cast %parallel_loop3A_159 : i32 to index
          %parallel_loop3A_161 = arith.index_cast %parallel_loop3A_158 : i32 to index
          %parallel_loop3A_162 = tpu.vector_load %arg7[%parallel_loop3A_160, %parallel_loop3A_161] {strides = array<i32>} : memref<8x4096xf32, #tpu.memory_space<vmem>>, vector<16xf32>,
          tpu.vector_store %arg7[%parallel_loop3A_160, %parallel_loop3A_161], %parallel_loop3A_156 {strides = array<i32>} : memref<8x4096xf32, #tpu.memory_space<vmem>>, vector<16xf32>,
          %parallel_loop3A_163 = tpu.vector_load_idx %arg5[%broadcast_in_dim3A_11, %parallel_loop3A_127] : memref<8x1000xf32, #tpu.memory_space<vmem>>[vector<16xi32>, vector<16xi32>], vector<16xf32>,
          %parallel_loop3A_164 = arith.constant 0 : i32
          %parallel_loop3A_165 = arith.addi %parallel_loop3A_123, %parallel_loop3A_164 : i32
          %parallel_loop3A_166 = arith.constant 5 : i32
          %parallel_loop3A_167 = arith.index_cast %parallel_loop3A_166 : i32 to index
          %parallel_loop3A_168 = arith.index_cast %parallel_loop3A_165 : i32 to index
          %parallel_loop3A_169 = tpu.vector_load %arg7[%parallel_loop3A_167, %parallel_loop3A_168] {strides = array<i32>} : memref<8x4096xf32, #tpu.memory_space<vmem>>, vector<16xf32>,
          tpu.vector_store %arg7[%parallel_loop3A_167, %parallel_loop3A_168], %parallel_loop3A_163 {strides = array<i32>} : memref<8x4096xf32, #tpu.memory_space<vmem>>, vector<16xf32>,
          %parallel_loop3A_170 = tpu.vector_load_idx %arg5[%broadcast_in_dim3A_13, %parallel_loop3A_127] : memref<8x1000xf32, #tpu.memory_space<vmem>>[vector<16xi32>, vector<16xi32>], vector<16xf32>,
          %parallel_loop3A_171 = arith.constant 0 : i32
          %parallel_loop3A_172 = arith.addi %parallel_loop3A_123, %parallel_loop3A_171 : i32
          %parallel_loop3A_173 = arith.constant 6 : i32
          %parallel_loop3A_174 = arith.index_cast %parallel_loop3A_173 : i32 to index
          %parallel_loop3A_175 = arith.index_cast %parallel_loop3A_172 : i32 to index
          %parallel_loop3A_176 = tpu.vector_load %arg7[%parallel_loop3A_174, %parallel_loop3A_175] {strides = array<i32>} : memref<8x4096xf32, #tpu.memory_space<vmem>>, vector<16xf32>,
          tpu.vector_store %arg7[%parallel_loop3A_174, %parallel_loop3A_175], %parallel_loop3A_170 {strides = array<i32>} : memref<8x4096xf32, #tpu.memory_space<vmem>>, vector<16xf32>,
          %parallel_loop3A_177 = tpu.vector_load_idx %arg5[%broadcast_in_dim3A_15, %parallel_loop3A_127] : memref<8x1000xf32, #tpu.memory_space<vmem>>[vector<16xi32>, vector<16xi32>], vector<16xf32>,
          %parallel_loop3A_178 = arith.constant 0 : i32
          %parallel_loop3A_179 = arith.addi %parallel_loop3A_123, %parallel_loop3A_178 : i32
          %parallel_loop3A_180 = arith.constant 7 : i32
          %parallel_loop3A_181 = arith.index_cast %parallel_loop3A_180 : i32 to index
          %parallel_loop3A_182 = arith.index_cast %parallel_loop3A_179 : i32 to index
          %parallel_loop3A_183 = tpu.vector_load %arg7[%parallel_loop3A_181, %parallel_loop3A_182] {strides = array<i32>} : memref<8x4096xf32, #tpu.memory_space<vmem>>, vector<16xf32>,
          tpu.vector_store %arg7[%parallel_loop3A_181, %parallel_loop3A_182], %parallel_loop3A_177 {strides = array<i32>} : memref<8x4096xf32, #tpu.memory_space<vmem>>, vector<16xf32>,
          %parallel_loop3A_184 = arith.constant 16 : i32
          %parallel_loop3A_185 = arith.addi %parallel_loop3A_123, %parallel_loop3A_184 : i32
          %parallel_loop3A_186 = arith.index_cast %parallel_loop3A_185 : i32 to index
          %parallel_loop3A_187 = tpu.vector_load %arg6[%parallel_loop3A_186] {strides = array<i32>} : memref<4096xi32, #tpu.memory_space<vmem>>, vector<16xi32>,
          %parallel_loop3A_188 = tpu.vector_load_idx %arg5[%broadcast_in_dim3A_1, %parallel_loop3A_187] : memref<8x1000xf32, #tpu.memory_space<vmem>>[vector<16xi32>, vector<16xi32>], vector<16xf32>,
          %parallel_loop3A_189 = arith.constant 16 : i32
          %parallel_loop3A_190 = arith.addi %parallel_loop3A_123, %parallel_loop3A_189 : i32
          %parallel_loop3A_191 = arith.constant 0 : i32
          %parallel_loop3A_192 = arith.index_cast %parallel_loop3A_191 : i32 to index
          %parallel_loop3A_193 = arith.index_cast %parallel_loop3A_190 : i32 to index
          %parallel_loop3A_194 = tpu.vector_load %arg7[%parallel_loop3A_192, %parallel_loop3A_193] {strides = array<i32>} : memref<8x4096xf32, #tpu.memory_space<vmem>>, vector<16xf32>,
          tpu.vector_store %arg7[%parallel_loop3A_192, %parallel_loop3A_193], %parallel_loop3A_188 {strides = array<i32>} : memref<8x4096xf32, #tpu.memory_space<vmem>>, vector<16xf32>,
          %parallel_loop3A_195 = tpu.vector_load_idx %arg5[%broadcast_in_dim3A_3, %parallel_loop3A_187] : memref<8x1000xf32, #tpu.memory_space<vmem>>[vector<16xi32>, vector<16xi32>], vector<16xf32>,
          %parallel_loop3A_196 = arith.constant 16 : i32
          %parallel_loop3A_197 = arith.addi %parallel_loop3A_123, %parallel_loop3A_196 : i32
          %parallel_loop3A_198 = arith.constant 1 : i32
          %parallel_loop3A_199 = arith.index_cast %parallel_loop3A_198 : i32 to index
          %parallel_loop3A_200 = arith.index_cast %parallel_loop3A_197 : i32 to index
          %parallel_loop3A_201 = tpu.vector_load %arg7[%parallel_loop3A_199, %parallel_loop3A_200] {strides = array<i32>} : memref<8x4096xf32, #tpu.memory_space<vmem>>, vector<16xf32>,
          tpu.vector_store %arg7[%parallel_loop3A_199, %parallel_loop3A_200], %parallel_loop3A_195 {strides = array<i32>} : memref<8x4096xf32, #tpu.memory_space<vmem>>, vector<16xf32>,
          %parallel_loop3A_202 = tpu.vector_load_idx %arg5[%broadcast_in_dim3A_5, %parallel_loop3A_187] : memref<8x1000xf32, #tpu.memory_space<vmem>>[vector<16xi32>, vector<16xi32>], vector<16xf32>,
          %parallel_loop3A_203 = arith.constant 16 : i32
          %parallel_loop3A_204 = arith.addi %parallel_loop3A_123, %parallel_loop3A_203 : i32
          %parallel_loop3A_205 = arith.constant 2 : i32
          %parallel_loop3A_206 = arith.index_cast %parallel_loop3A_205 : i32 to index
          %parallel_loop3A_207 = arith.index_cast %parallel_loop3A_204 : i32 to index
          %parallel_loop3A_208 = tpu.vector_load %arg7[%parallel_loop3A_206, %parallel_loop3A_207] {strides = array<i32>} : memref<8x4096xf32, #tpu.memory_space<vmem>>, vector<16xf32>,
          tpu.vector_store %arg7[%parallel_loop3A_206, %parallel_loop3A_207], %parallel_loop3A_202 {strides = array<i32>} : memref<8x4096xf32, #tpu.memory_space<vmem>>, vector<16xf32>,
          %parallel_loop3A_209 = tpu.vector_load_idx %arg5[%broadcast_in_dim3A_7, %parallel_loop3A_187] : memref<8x1000xf32, #tpu.memory_space<vmem>>[vector<16xi32>, vector<16xi32>], vector<16xf32>,
          %parallel_loop3A_210 = arith.constant 16 : i32
          %parallel_loop3A_211 = arith.addi %parallel_loop3A_123, %parallel_loop3A_210 : i32
          %parallel_loop3A_212 = arith.constant 3 : i32
          %parallel_loop3A_213 = arith.index_cast %parallel_loop3A_212 : i32 to index
          %parallel_loop3A_214 = arith.index_cast %parallel_loop3A_211 : i32 to index
          %parallel_loop3A_215 = tpu.vector_load %arg7[%parallel_loop3A_213, %parallel_loop3A_214] {strides = array<i32>} : memref<8x4096xf32, #tpu.memory_space<vmem>>, vector<16xf32>,
          tpu.vector_store %arg7[%parallel_loop3A_213, %parallel_loop3A_214], %parallel_loop3A_209 {strides = array<i32>} : memref<8x4096xf32, #tpu.memory_space<vmem>>, vector<16xf32>,
          %parallel_loop3A_216 = tpu.vector_load_idx %arg5[%broadcast_in_dim3A_9, %parallel_loop3A_187] : memref<8x1000xf32, #tpu.memory_space<vmem>>[vector<16xi32>, vector<16xi32>], vector<16xf32>,
          %parallel_loop3A_217 = arith.constant 16 : i32
          %parallel_loop3A_218 = arith.addi %parallel_loop3A_123, %parallel_loop3A_217 : i32
          %parallel_loop3A_219 = arith.constant 4 : i32
          %parallel_loop3A_220 = arith.index_cast %parallel_loop3A_219 : i32 to index
          %parallel_loop3A_221 = arith.index_cast %parallel_loop3A_218 : i32 to index
          %parallel_loop3A_222 = tpu.vector_load %arg7[%parallel_loop3A_220, %parallel_loop3A_221] {strides = array<i32>} : memref<8x4096xf32, #tpu.memory_space<vmem>>, vector<16xf32>,
          tpu.vector_store %arg7[%parallel_loop3A_220, %parallel_loop3A_221], %parallel_loop3A_216 {strides = array<i32>} : memref<8x4096xf32, #tpu.memory_space<vmem>>, vector<16xf32>,
          %parallel_loop3A_223 = tpu.vector_load_idx %arg5[%broadcast_in_dim3A_11, %parallel_loop3A_187] : memref<8x1000xf32, #tpu.memory_space<vmem>>[vector<16xi32>, vector<16xi32>], vector<16xf32>,
          %parallel_loop3A_224 = arith.constant 16 : i32
          %parallel_loop3A_225 = arith.addi %parallel_loop3A_123, %parallel_loop3A_224 : i32
          %parallel_loop3A_226 = arith.constant 5 : i32
          %parallel_loop3A_227 = arith.index_cast %parallel_loop3A_226 : i32 to index
          %parallel_loop3A_228 = arith.index_cast %parallel_loop3A_225 : i32 to index
          %parallel_loop3A_229 = tpu.vector_load %arg7[%parallel_loop3A_227, %parallel_loop3A_228] {strides = array<i32>} : memref<8x4096xf32, #tpu.memory_space<vmem>>, vector<16xf32>,
          tpu.vector_store %arg7[%parallel_loop3A_227, %parallel_loop3A_228], %parallel_loop3A_223 {strides = array<i32>} : memref<8x4096xf32, #tpu.memory_space<vmem>>, vector<16xf32>,
          %parallel_loop3A_230 = tpu.vector_load_idx %arg5[%broadcast_in_dim3A_13, %parallel_loop3A_187] : memref<8x1000xf32, #tpu.memory_space<vmem>>[vector<16xi32>, vector<16xi32>], vector<16xf32>,
          %parallel_loop3A_231 = arith.constant 16 : i32
          %parallel_loop3A_232 = arith.addi %parallel_loop3A_123, %parallel_loop3A_231 : i32
          %parallel_loop3A_233 = arith.constant 6 : i32
          %parallel_loop3A_234 = arith.index_cast %parallel_loop3A_233 : i32 to index
          %parallel_loop3A_235 = arith.index_cast %parallel_loop3A_232 : i32 to index
          %parallel_loop3A_236 = tpu.vector_load %arg7[%parallel_loop3A_234, %parallel_loop3A_235] {strides = array<i32>} : memref<8x4096xf32, #tpu.memory_space<vmem>>, vector<16xf32>,
          tpu.vector_store %arg7[%parallel_loop3A_234, %parallel_loop3A_235], %parallel_loop3A_230 {strides = array<i32>} : memref<8x4096xf32, #tpu.memory_space<vmem>>, vector<16xf32>,
          %parallel_loop3A_237 = tpu.vector_load_idx %arg5[%broadcast_in_dim3A_15, %parallel_loop3A_187] : memref<8x1000xf32, #tpu.memory_space<vmem>>[vector<16xi32>, vector<16xi32>], vector<16xf32>,
          %parallel_loop3A_238 = arith.constant 16 : i32
          %parallel_loop3A_239 = arith.addi %parallel_loop3A_123, %parallel_loop3A_238 : i32
          %parallel_loop3A_240 = arith.constant 7 : i32
          %parallel_loop3A_241 = arith.index_cast %parallel_loop3A_240 : i32 to index
          %parallel_loop3A_242 = arith.index_cast %parallel_loop3A_239 : i32 to index
          %parallel_loop3A_243 = tpu.vector_load %arg7[%parallel_loop3A_241, %parallel_loop3A_242] {strides = array<i32>} : memref<8x4096xf32, #tpu.memory_space<vmem>>, vector<16xf32>,
          tpu.vector_store %arg7[%parallel_loop3A_241, %parallel_loop3A_242], %parallel_loop3A_237 {strides = array<i32>} : memref<8x4096xf32, #tpu.memory_space<vmem>>, vector<16xf32>,
          %parallel_loop3A_244 = arith.constant 32 : i32
          %parallel_loop3A_245 = arith.addi %parallel_loop3A_123, %parallel_loop3A_244 : i32
          %parallel_loop3A_246 = arith.index_cast %parallel_loop3A_245 : i32 to index
          %parallel_loop3A_247 = tpu.vector_load %arg6[%parallel_loop3A_246] {strides = array<i32>} : memref<4096xi32, #tpu.memory_space<vmem>>, vector<16xi32>,
          %parallel_loop3A_248 = tpu.vector_load_idx %arg5[%broadcast_in_dim3A_1, %parallel_loop3A_247] : memref<8x1000xf32, #tpu.memory_space<vmem>>[vector<16xi32>, vector<16xi32>], vector<16xf32>,
          %parallel_loop3A_249 = arith.constant 32 : i32
          %parallel_loop3A_250 = arith.addi %parallel_loop3A_123, %parallel_loop3A_249 : i32
          %parallel_loop3A_251 = arith.constant 0 : i32
          %parallel_loop3A_252 = arith.index_cast %parallel_loop3A_251 : i32 to index
          %parallel_loop3A_253 = arith.index_cast %parallel_loop3A_250 : i32 to index
          %parallel_loop3A_254 = tpu.vector_load %arg7[%parallel_loop3A_252, %parallel_loop3A_253] {strides = array<i32>} : memref<8x4096xf32, #tpu.memory_space<vmem>>, vector<16xf32>,
          tpu.vector_store %arg7[%parallel_loop3A_252, %parallel_loop3A_253], %parallel_loop3A_248 {strides = array<i32>} : memref<8x4096xf32, #tpu.memory_space<vmem>>, vector<16xf32>,
          %parallel_loop3A_255 = tpu.vector_load_idx %arg5[%broadcast_in_dim3A_3, %parallel_loop3A_247] : memref<8x1000xf32, #tpu.memory_space<vmem>>[vector<16xi32>, vector<16xi32>], vector<16xf32>,
          %parallel_loop3A_256 = arith.constant 32 : i32
          %parallel_loop3A_257 = arith.addi %parallel_loop3A_123, %parallel_loop3A_256 : i32
          %parallel_loop3A_258 = arith.constant 1 : i32
          %parallel_loop3A_259 = arith.index_cast %parallel_loop3A_258 : i32 to index
          %parallel_loop3A_260 = arith.index_cast %parallel_loop3A_257 : i32 to index
          %parallel_loop3A_261 = tpu.vector_load %arg7[%parallel_loop3A_259, %parallel_loop3A_260] {strides = array<i32>} : memref<8x4096xf32, #tpu.memory_space<vmem>>, vector<16xf32>,
          tpu.vector_store %arg7[%parallel_loop3A_259, %parallel_loop3A_260], %parallel_loop3A_255 {strides = array<i32>} : memref<8x4096xf32, #tpu.memory_space<vmem>>, vector<16xf32>,
          %parallel_loop3A_262 = tpu.vector_load_idx %arg5[%broadcast_in_dim3A_5, %parallel_loop3A_247] : memref<8x1000xf32, #tpu.memory_space<vmem>>[vector<16xi32>, vector<16xi32>], vector<16xf32>,
          %parallel_loop3A_263 = arith.constant 32 : i32
          %parallel_loop3A_264 = arith.addi %parallel_loop3A_123, %parallel_loop3A_263 : i32
          %parallel_loop3A_265 = arith.constant 2 : i32
          %parallel_loop3A_266 = arith.index_cast %parallel_loop3A_265 : i32 to index
          %parallel_loop3A_267 = arith.index_cast %parallel_loop3A_264 : i32 to index
          %parallel_loop3A_268 = tpu.vector_load %arg7[%parallel_loop3A_266, %parallel_loop3A_267] {strides = array<i32>} : memref<8x4096xf32, #tpu.memory_space<vmem>>, vector<16xf32>,
          tpu.vector_store %arg7[%parallel_loop3A_266, %parallel_loop3A_267], %parallel_loop3A_262 {strides = array<i32>} : memref<8x4096xf32, #tpu.memory_space<vmem>>, vector<16xf32>,
          %parallel_loop3A_269 = tpu.vector_load_idx %arg5[%broadcast_in_dim3A_7, %parallel_loop3A_247] : memref<8x1000xf32, #tpu.memory_space<vmem>>[vector<16xi32>, vector<16xi32>], vector<16xf32>,
          %parallel_loop3A_270 = arith.constant 32 : i32
          %parallel_loop3A_271 = arith.addi %parallel_loop3A_123, %parallel_loop3A_270 : i32
          %parallel_loop3A_272 = arith.constant 3 : i32
          %parallel_loop3A_273 = arith.index_cast %parallel_loop3A_272 : i32 to index
          %parallel_loop3A_274 = arith.index_cast %parallel_loop3A_271 : i32 to index
          %parallel_loop3A_275 = tpu.vector_load %arg7[%parallel_loop3A_273, %parallel_loop3A_274] {strides = array<i32>} : memref<8x4096xf32, #tpu.memory_space<vmem>>, vector<16xf32>,
          tpu.vector_store %arg7[%parallel_loop3A_273, %parallel_loop3A_274], %parallel_loop3A_269 {strides = array<i32>} : memref<8x4096xf32, #tpu.memory_space<vmem>>, vector<16xf32>,
          %parallel_loop3A_276 = tpu.vector_load_idx %arg5[%broadcast_in_dim3A_9, %parallel_loop3A_247] : memref<8x1000xf32, #tpu.memory_space<vmem>>[vector<16xi32>, vector<16xi32>], vector<16xf32>,
          %parallel_loop3A_277 = arith.constant 32 : i32
          %parallel_loop3A_278 = arith.addi %parallel_loop3A_123, %parallel_loop3A_277 : i32
          %parallel_loop3A_279 = arith.constant 4 : i32
          %parallel_loop3A_280 = arith.index_cast %parallel_loop3A_279 : i32 to index
          %parallel_loop3A_281 = arith.index_cast %parallel_loop3A_278 : i32 to index
          %parallel_loop3A_282 = tpu.vector_load %arg7[%parallel_loop3A_280, %parallel_loop3A_281] {strides = array<i32>} : memref<8x4096xf32, #tpu.memory_space<vmem>>, vector<16xf32>,
          tpu.vector_store %arg7[%parallel_loop3A_280, %parallel_loop3A_281], %parallel_loop3A_276 {strides = array<i32>} : memref<8x4096xf32, #tpu.memory_space<vmem>>, vector<16xf32>,
          %parallel_loop3A_283 = tpu.vector_load_idx %arg5[%broadcast_in_dim3A_11, %parallel_loop3A_247] : memref<8x1000xf32, #tpu.memory_space<vmem>>[vector<16xi32>, vector<16xi32>], vector<16xf32>,
          %parallel_loop3A_284 = arith.constant 32 : i32
          %parallel_loop3A_285 = arith.addi %parallel_loop3A_123, %parallel_loop3A_284 : i32
          %parallel_loop3A_286 = arith.constant 5 : i32
          %parallel_loop3A_287 = arith.index_cast %parallel_loop3A_286 : i32 to index
          %parallel_loop3A_288 = arith.index_cast %parallel_loop3A_285 : i32 to index
          %parallel_loop3A_289 = tpu.vector_load %arg7[%parallel_loop3A_287, %parallel_loop3A_288] {strides = array<i32>} : memref<8x4096xf32, #tpu.memory_space<vmem>>, vector<16xf32>,
          tpu.vector_store %arg7[%parallel_loop3A_287, %parallel_loop3A_288], %parallel_loop3A_283 {strides = array<i32>} : memref<8x4096xf32, #tpu.memory_space<vmem>>, vector<16xf32>,
          %parallel_loop3A_290 = tpu.vector_load_idx %arg5[%broadcast_in_dim3A_13, %parallel_loop3A_247] : memref<8x1000xf32, #tpu.memory_space<vmem>>[vector<16xi32>, vector<16xi32>], vector<16xf32>,
          %parallel_loop3A_291 = arith.constant 32 : i32
          %parallel_loop3A_292 = arith.addi %parallel_loop3A_123, %parallel_loop3A_291 : i32
          %parallel_loop3A_293 = arith.constant 6 : i32
          %parallel_loop3A_294 = arith.index_cast %parallel_loop3A_293 : i32 to index
          %parallel_loop3A_295 = arith.index_cast %parallel_loop3A_292 : i32 to index
          %parallel_loop3A_296 = tpu.vector_load %arg7[%parallel_loop3A_294, %parallel_loop3A_295] {strides = array<i32>} : memref<8x4096xf32, #tpu.memory_space<vmem>>, vector<16xf32>,
          tpu.vector_store %arg7[%parallel_loop3A_294, %parallel_loop3A_295], %parallel_loop3A_290 {strides = array<i32>} : memref<8x4096xf32, #tpu.memory_space<vmem>>, vector<16xf32>,
          %parallel_loop3A_297 = tpu.vector_load_idx %arg5[%broadcast_in_dim3A_15, %parallel_loop3A_247] : memref<8x1000xf32, #tpu.memory_space<vmem>>[vector<16xi32>, vector<16xi32>], vector<16xf32>,
          %parallel_loop3A_298 = arith.constant 32 : i32
          %parallel_loop3A_299 = arith.addi %parallel_loop3A_123, %parallel_loop3A_298 : i32
          %parallel_loop3A_300 = arith.constant 7 : i32
          %parallel_loop3A_301 = arith.index_cast %parallel_loop3A_300 : i32 to index
          %parallel_loop3A_302 = arith.index_cast %parallel_loop3A_299 : i32 to index
          %parallel_loop3A_303 = tpu.vector_load %arg7[%parallel_loop3A_301, %parallel_loop3A_302] {strides = array<i32>} : memref<8x4096xf32, #tpu.memory_space<vmem>>, vector<16xf32>,
          tpu.vector_store %arg7[%parallel_loop3A_301, %parallel_loop3A_302], %parallel_loop3A_297 {strides = array<i32>} : memref<8x4096xf32, #tpu.memory_space<vmem>>, vector<16xf32>,
          %parallel_loop3A_304 = arith.constant 48 : i32
          %parallel_loop3A_305 = arith.addi %parallel_loop3A_123, %parallel_loop3A_304 : i32
          %parallel_loop3A_306 = arith.index_cast %parallel_loop3A_305 : i32 to index
          %parallel_loop3A_307 = tpu.vector_load %arg6[%parallel_loop3A_306] {strides = array<i32>} : memref<4096xi32, #tpu.memory_space<vmem>>, vector<16xi32>,
          %parallel_loop3A_308 = tpu.vector_load_idx %arg5[%broadcast_in_dim3A_1, %parallel_loop3A_307] : memref<8x1000xf32, #tpu.memory_space<vmem>>[vector<16xi32>, vector<16xi32>], vector<16xf32>,
          %parallel_loop3A_309 = arith.constant 48 : i32
          %parallel_loop3A_310 = arith.addi %parallel_loop3A_123, %parallel_loop3A_309 : i32
          %parallel_loop3A_311 = arith.constant 0 : i32
          %parallel_loop3A_312 = arith.index_cast %parallel_loop3A_311 : i32 to index
          %parallel_loop3A_313 = arith.index_cast %parallel_loop3A_310 : i32 to index
          %parallel_loop3A_314 = tpu.vector_load %arg7[%parallel_loop3A_312, %parallel_loop3A_313] {strides = array<i32>} : memref<8x4096xf32, #tpu.memory_space<vmem>>, vector<16xf32>,
          tpu.vector_store %arg7[%parallel_loop3A_312, %parallel_loop3A_313], %parallel_loop3A_308 {strides = array<i32>} : memref<8x4096xf32, #tpu.memory_space<vmem>>, vector<16xf32>,
          %parallel_loop3A_315 = tpu.vector_load_idx %arg5[%broadcast_in_dim3A_3, %parallel_loop3A_307] : memref<8x1000xf32, #tpu.memory_space<vmem>>[vector<16xi32>, vector<16xi32>], vector<16xf32>,
          %parallel_loop3A_316 = arith.constant 48 : i32
          %parallel_loop3A_317 = arith.addi %parallel_loop3A_123, %parallel_loop3A_316 : i32
          %parallel_loop3A_318 = arith.constant 1 : i32
          %parallel_loop3A_319 = arith.index_cast %parallel_loop3A_318 : i32 to index
          %parallel_loop3A_320 = arith.index_cast %parallel_loop3A_317 : i32 to index
          %parallel_loop3A_321 = tpu.vector_load %arg7[%parallel_loop3A_319, %parallel_loop3A_320] {strides = array<i32>} : memref<8x4096xf32, #tpu.memory_space<vmem>>, vector<16xf32>,
          tpu.vector_store %arg7[%parallel_loop3A_319, %parallel_loop3A_320], %parallel_loop3A_315 {strides = array<i32>} : memref<8x4096xf32, #tpu.memory_space<vmem>>, vector<16xf32>,
          %parallel_loop3A_322 = tpu.vector_load_idx %arg5[%broadcast_in_dim3A_5, %parallel_loop3A_307] : memref<8x1000xf32, #tpu.memory_space<vmem>>[vector<16xi32>, vector<16xi32>], vector<16xf32>,
          %parallel_loop3A_323 = arith.constant 48 : i32
          %parallel_loop3A_324 = arith.addi %parallel_loop3A_123, %parallel_loop3A_323 : i32
          %parallel_loop3A_325 = arith.constant 2 : i32
          %parallel_loop3A_326 = arith.index_cast %parallel_loop3A_325 : i32 to index
          %parallel_loop3A_327 = arith.index_cast %parallel_loop3A_324 : i32 to index
          %parallel_loop3A_328 = tpu.vector_load %arg7[%parallel_loop3A_326, %parallel_loop3A_327] {strides = array<i32>} : memref<8x4096xf32, #tpu.memory_space<vmem>>, vector<16xf32>,
          tpu.vector_store %arg7[%parallel_loop3A_326, %parallel_loop3A_327], %parallel_loop3A_322 {strides = array<i32>} : memref<8x4096xf32, #tpu.memory_space<vmem>>, vector<16xf32>,
          %parallel_loop3A_329 = tpu.vector_load_idx %arg5[%broadcast_in_dim3A_7, %parallel_loop3A_307] : memref<8x1000xf32, #tpu.memory_space<vmem>>[vector<16xi32>, vector<16xi32>], vector<16xf32>,
          %parallel_loop3A_330 = arith.constant 48 : i32
          %parallel_loop3A_331 = arith.addi %parallel_loop3A_123, %parallel_loop3A_330 : i32
          %parallel_loop3A_332 = arith.constant 3 : i32
          %parallel_loop3A_333 = arith.index_cast %parallel_loop3A_332 : i32 to index
          %parallel_loop3A_334 = arith.index_cast %parallel_loop3A_331 : i32 to index
          %parallel_loop3A_335 = tpu.vector_load %arg7[%parallel_loop3A_333, %parallel_loop3A_334] {strides = array<i32>} : memref<8x4096xf32, #tpu.memory_space<vmem>>, vector<16xf32>,
          tpu.vector_store %arg7[%parallel_loop3A_333, %parallel_loop3A_334], %parallel_loop3A_329 {strides = array<i32>} : memref<8x4096xf32, #tpu.memory_space<vmem>>, vector<16xf32>,
          %parallel_loop3A_336 = tpu.vector_load_idx %arg5[%broadcast_in_dim3A_9, %parallel_loop3A_307] : memref<8x1000xf32, #tpu.memory_space<vmem>>[vector<16xi32>, vector<16xi32>], vector<16xf32>,
          %parallel_loop3A_337 = arith.constant 48 : i32
          %parallel_loop3A_338 = arith.addi %parallel_loop3A_123, %parallel_loop3A_337 : i32
          %parallel_loop3A_339 = arith.constant 4 : i32
          %parallel_loop3A_340 = arith.index_cast %parallel_loop3A_339 : i32 to index
          %parallel_loop3A_341 = arith.index_cast %parallel_loop3A_338 : i32 to index
          %parallel_loop3A_342 = tpu.vector_load %arg7[%parallel_loop3A_340, %parallel_loop3A_341] {strides = array<i32>} : memref<8x4096xf32, #tpu.memory_space<vmem>>, vector<16xf32>,
          tpu.vector_store %arg7[%parallel_loop3A_340, %parallel_loop3A_341], %parallel_loop3A_336 {strides = array<i32>} : memref<8x4096xf32, #tpu.memory_space<vmem>>, vector<16xf32>,
          %parallel_loop3A_343 = tpu.vector_load_idx %arg5[%broadcast_in_dim3A_11, %parallel_loop3A_307] : memref<8x1000xf32, #tpu.memory_space<vmem>>[vector<16xi32>, vector<16xi32>], vector<16xf32>,
          %parallel_loop3A_344 = arith.constant 48 : i32
          %parallel_loop3A_345 = arith.addi %parallel_loop3A_123, %parallel_loop3A_344 : i32
          %parallel_loop3A_346 = arith.constant 5 : i32
          %parallel_loop3A_347 = arith.index_cast %parallel_loop3A_346 : i32 to index
          %parallel_loop3A_348 = arith.index_cast %parallel_loop3A_345 : i32 to index
          %parallel_loop3A_349 = tpu.vector_load %arg7[%parallel_loop3A_347, %parallel_loop3A_348] {strides = array<i32>} : memref<8x4096xf32, #tpu.memory_space<vmem>>, vector<16xf32>,
          tpu.vector_store %arg7[%parallel_loop3A_347, %parallel_loop3A_348], %parallel_loop3A_343 {strides = array<i32>} : memref<8x4096xf32, #tpu.memory_space<vmem>>, vector<16xf32>,
          %parallel_loop3A_350 = tpu.vector_load_idx %arg5[%broadcast_in_dim3A_13, %parallel_loop3A_307] : memref<8x1000xf32, #tpu.memory_space<vmem>>[vector<16xi32>, vector<16xi32>], vector<16xf32>,
          %parallel_loop3A_351 = arith.constant 48 : i32
          %parallel_loop3A_352 = arith.addi %parallel_loop3A_123, %parallel_loop3A_351 : i32
          %parallel_loop3A_353 = arith.constant 6 : i32
          %parallel_loop3A_354 = arith.index_cast %parallel_loop3A_353 : i32 to index
          %parallel_loop3A_355 = arith.index_cast %parallel_loop3A_352 : i32 to index
          %parallel_loop3A_356 = tpu.vector_load %arg7[%parallel_loop3A_354, %parallel_loop3A_355] {strides = array<i32>} : memref<8x4096xf32, #tpu.memory_space<vmem>>, vector<16xf32>,
          tpu.vector_store %arg7[%parallel_loop3A_354, %parallel_loop3A_355], %parallel_loop3A_350 {strides = array<i32>} : memref<8x4096xf32, #tpu.memory_space<vmem>>, vector<16xf32>,
          %parallel_loop3A_357 = tpu.vector_load_idx %arg5[%broadcast_in_dim3A_15, %parallel_loop3A_307] : memref<8x1000xf32, #tpu.memory_space<vmem>>[vector<16xi32>, vector<16xi32>], vector<16xf32>,
          %parallel_loop3A_358 = arith.constant 48 : i32
          %parallel_loop3A_359 = arith.addi %parallel_loop3A_123, %parallel_loop3A_358 : i32
          %parallel_loop3A_360 = arith.constant 7 : i32
          %parallel_loop3A_361 = arith.index_cast %parallel_loop3A_360 : i32 to index
          %parallel_loop3A_362 = arith.index_cast %parallel_loop3A_359 : i32 to index
          %parallel_loop3A_363 = tpu.vector_load %arg7[%parallel_loop3A_361, %parallel_loop3A_362] {strides = array<i32>} : memref<8x4096xf32, #tpu.memory_space<vmem>>, vector<16xf32>,
          tpu.vector_store %arg7[%parallel_loop3A_361, %parallel_loop3A_362], %parallel_loop3A_357 {strides = array<i32>} : memref<8x4096xf32, #tpu.memory_space<vmem>>, vector<16xf32>,
        } {sc.loop_unroll_factor = 8 : i64, sc.parallel_access}
        %mul3A_116 = arith.constant 8 : i32
        %mul3A_117 = arith.muli %add3A_62, %mul3A_116 : i32
        %dma_start3A = arith.constant 0 : i32
        %dma_start3A_118 = tpu.memref_slice %arg4[%sub3A_59, %mul3A_117, %dma_start3A] : memref<20x1000x4096xf32, #tpu.memory_space<hbm>> -> memref<1x8x4096xf32, #tpu.memory_space<hbm>>
        %dma_start3A_119 = tpu.memref_squeeze %dma_start3A_118 : memref<1x8x4096xf32, #tpu.memory_space<hbm>> -> memref<8x4096xf32, #tpu.memory_space<hbm>>
        %dma_start3A_120 = arith.constant 0 : i32
        %dma_start3A_121 = tpu.memref_slice %arg4[%sub3A_59, %mul3A_117, %dma_start3A_120] : memref<20x1000x4096xf32, #tpu.memory_space<hbm>> -> memref<1x8x4096xf32, #tpu.memory_space<hbm>>
        %dma_start3A_122 = tpu.memref_squeeze %dma_start3A_121 : memref<1x8x4096xf32, #tpu.memory_space<hbm>> -> memref<8x4096xf32, #tpu.memory_space<hbm>>
        tpu.enqueue_dma source(%arg7 : memref<8x4096xf32, #tpu.memory_space<vmem>>) target(%dma_start3A_122 : memref<8x4096xf32, #tpu.memory_space<hbm>>) target_semaphore(%arg9 : memref<!tpu.dma_semaphore, #tpu.memory_space<semaphore_mem>>)
      } else {
      }
      %mul3A_65 = arith.constant 2 : i32
      %mul3A_66 = arith.muli %mul3A_65, %scan3A_38 : i32
      %add3A_67 = arith.constant 1 : i32
      %add3A_68 = arith.addi %mul3A_66, %add3A_67 : i32
      %jit3A_69 = arith.constant 20 : i32
      %div3A_70 = arith.divsi %add3A_68, %jit3A_69 : i32
      %sign3A_71 = arith.constant 0 : i32
      %sign3A_72 = arith.cmpi sgt, %add3A_68, %sign3A_71 : i32
      %sign3A_73 = arith.extui %sign3A_72 : i1 to i32
      %sign3A_74 = arith.constant 0 : i32
      %sign3A_75 = arith.cmpi slt, %add3A_68, %sign3A_74 : i32
      %sign3A_76 = arith.extui %sign3A_75 : i1 to i32
      %sign3A_77 = arith.subi %sign3A_73, %sign3A_76 : i32
      %sign3A_78 = arith.constant 0 : i32
      %sign3A_79 = arith.cmpi sgt, %jit3A_69, %sign3A_78 : i32
      %sign3A_80 = arith.extui %sign3A_79 : i1 to i32
      %sign3A_81 = arith.constant 0 : i32
      %sign3A_82 = arith.cmpi slt, %jit3A_69, %sign3A_81 : i32
      %sign3A_83 = arith.extui %sign3A_82 : i1 to i32
      %sign3A_84 = arith.subi %sign3A_80, %sign3A_83 : i32
      %ne3A_85 = arith.cmpi ne, %sign3A_77, %sign3A_84 : i32
      %rem3A_86 = arith.remsi %add3A_68, %jit3A_69 : i32
      %ne3A_87 = arith.constant 0 : i32
      %ne3A_88 = arith.cmpi ne, %rem3A_86, %ne3A_87 : i32
      %and3A_89 = arith.andi %ne3A_85, %ne3A_88 : i1
      %sub3A_90 = arith.constant 1 : i32
      %sub3A_91 = arith.subi %div3A_70, %sub3A_90 : i32
      %select_n3A_92 = arith.select %and3A_89, %sub3A_91, %div3A_70 : i32
      %mul3A_93 = arith.constant 20 : i32
      %mul3A_94 = arith.muli %select_n3A_92, %mul3A_93 : i32
      %sub3A_95 = arith.subi %add3A_68, %mul3A_94 : i32
      %mul3A_96 = arith.constant 32 : i32
      %mul3A_97 = arith.muli %select_n3A_92, %mul3A_96 : i32
      %add3A_98 = arith.addi %mul3A_97, %add3A : i32
      %lt3A_99 = arith.constant 125 : i32
      %lt3A_100 = arith.cmpi slt, %add3A_98, %lt3A_99 : i32
      %convert_element_type3A_101 = arith.extui %lt3A_100 : i1 to i32
      %cond3A_102 = arith.constant 0 : i32
      %cond3A_103 = arith.cmpi ne, %convert_element_type3A_101, %cond3A_102 : i32
      scf.if %cond3A_103 {
        %eq3A = arith.constant 0 : i32
        %eq3A_104 = arith.cmpi eq, %sub3A_95, %eq3A : i32
        %convert_element_type3A_105 = arith.extui %eq3A_104 : i1 to i32
        %cond3A_106 = arith.constant 0 : i32
        %cond3A_107 = arith.cmpi ne, %convert_element_type3A_105, %cond3A_106 : i32
        scf.if %cond3A_107 {
          %mul3A_123 = arith.constant 8 : i32
          %mul3A_124 = arith.muli %add3A_98, %mul3A_123 : i32
          "tpu.region"() ({
            %run_scoped3A = tpu.sem_alloc : memref<!tpu.dma_semaphore, #tpu.memory_space<semaphore_mem>>
            %dma_start3A_125 = arith.constant 0 : i32
            %dma_start3A_126 = tpu.memref_slice %arg2[%mul3A_124, %dma_start3A_125] : memref<1000x1000xf32, #tpu.memory_space<hbm>> -> memref<8x1000xf32, #tpu.memory_space<hbm>>
            %dma_start3A_127 = arith.constant 0 : i32
            %dma_start3A_128 = tpu.memref_slice %arg2[%mul3A_124, %dma_start3A_127] : memref<1000x1000xf32, #tpu.memory_space<hbm>> -> memref<8x1000xf32, #tpu.memory_space<hbm>>
            tpu.enqueue_dma source(%dma_start3A_128 : memref<8x1000xf32, #tpu.memory_space<hbm>>) target(%arg5 : memref<8x1000xf32, #tpu.memory_space<vmem>>) target_semaphore(%run_scoped3A : memref<!tpu.dma_semaphore, #tpu.memory_space<semaphore_mem>>)
            %dma_wait3A_129 = arith.constant 0 : i32
            %dma_wait3A_130 = tpu.memref_slice %arg2[%mul3A_124, %dma_wait3A_129] : memref<1000x1000xf32, #tpu.memory_space<hbm>> -> memref<8x1000xf32, #tpu.memory_space<hbm>>
            %dma_wait3A_131 = arith.constant 0 : i32
            %dma_wait3A_132 = tpu.memref_slice %arg2[%mul3A_124, %dma_wait3A_131] : memref<1000x1000xf32, #tpu.memory_space<hbm>> -> memref<8x1000xf32, #tpu.memory_space<hbm>>
            tpu.wait_dma2 semaphore(%run_scoped3A : memref<!tpu.dma_semaphore, #tpu.memory_space<semaphore_mem>>) src(%dma_wait3A_132 : memref<8x1000xf32, #tpu.memory_space<hbm>>) dst(%arg5 : memref<8x1000xf32, #tpu.memory_space<vmem>>)
            tpu.yield
          }) : () -> ()
        } else {
        }
        %mul3A_108 = arith.constant 4096 : i32
        %mul3A_109 = arith.muli %sub3A_95, %mul3A_108 : i32
        "tpu.region"() ({
          %run_scoped3A = tpu.sem_alloc : memref<!tpu.dma_semaphore, #tpu.memory_space<semaphore_mem>>
          %dma_start3A_123 = tpu.memref_slice %arg3[%mul3A_109] : memref<81920xi32, #tpu.memory_space<hbm>> -> memref<4096xi32, #tpu.memory_space<hbm>>
          %dma_start3A_124 = tpu.memref_slice %arg3[%mul3A_109] : memref<81920xi32, #tpu.memory_space<hbm>> -> memref<4096xi32, #tpu.memory_space<hbm>>
          tpu.enqueue_dma source(%dma_start3A_124 : memref<4096xi32, #tpu.memory_space<hbm>>) target(%arg6 : memref<4096xi32, #tpu.memory_space<vmem>>) target_semaphore(%run_scoped3A : memref<!tpu.dma_semaphore, #tpu.memory_space<semaphore_mem>>)
          %dma_wait3A_125 = tpu.memref_slice %arg3[%mul3A_109] : memref<81920xi32, #tpu.memory_space<hbm>> -> memref<4096xi32, #tpu.memory_space<hbm>>
          %dma_wait3A_126 = tpu.memref_slice %arg3[%mul3A_109] : memref<81920xi32, #tpu.memory_space<hbm>> -> memref<4096xi32, #tpu.memory_space<hbm>>
          tpu.wait_dma2 semaphore(%run_scoped3A : memref<!tpu.dma_semaphore, #tpu.memory_space<semaphore_mem>>) src(%dma_wait3A_126 : memref<4096xi32, #tpu.memory_space<hbm>>) dst(%arg6 : memref<4096xi32, #tpu.memory_space<vmem>>)
          tpu.yield
        }) : () -> ()
        %ge3A = arith.constant 2 : i32
        %ge3A_110 = arith.cmpi sge, %add3A_68, %ge3A : i32
        %convert_element_type3A_111 = arith.extui %ge3A_110 : i1 to i32
        %cond3A_112 = arith.constant 0 : i32
        %cond3A_113 = arith.cmpi ne, %convert_element_type3A_111, %cond3A_112 : i32
        scf.if %cond3A_113 {
          %dma_wait3A_123 = arith.constant 0 : i32
          %dma_wait3A_124 = arith.constant 0 : i32
          %dma_wait3A_125 = arith.constant 0 : i32
          %dma_wait3A_126 = tpu.memref_slice %arg4[%dma_wait3A_123, %dma_wait3A_124, %dma_wait3A_125] : memref<20x1000x4096xf32, #tpu.memory_space<hbm>> -> memref<1x8x4096xf32, #tpu.memory_space<hbm>>
          %dma_wait3A_127 = tpu.memref_squeeze %dma_wait3A_126 : memref<1x8x4096xf32, #tpu.memory_space<hbm>> -> memref<8x4096xf32, #tpu.memory_space<hbm>>
          %dma_wait3A_128 = arith.constant 0 : i32
          %dma_wait3A_129 = arith.constant 0 : i32
          %dma_wait3A_130 = tpu.memref_slice %arg4[%dma_wait3A_123, %dma_wait3A_128, %dma_wait3A_129] : memref<20x1000x4096xf32, #tpu.memory_space<hbm>> -> memref<1x8x4096xf32, #tpu.memory_space<hbm>>
          %dma_wait3A_131 = tpu.memref_squeeze %dma_wait3A_130 : memref<1x8x4096xf32, #tpu.memory_space<hbm>> -> memref<8x4096xf32, #tpu.memory_space<hbm>>
          tpu.wait_dma2 semaphore(%arg10 : memref<!tpu.dma_semaphore, #tpu.memory_space<semaphore_mem>>) src(%arg8 : memref<8x4096xf32, #tpu.memory_space<vmem>>) dst(%dma_wait3A_131 : memref<8x4096xf32, #tpu.memory_space<hbm>>)
        } else {
        }
        %parallel_loop3A = arith.constant 0 : i32
        %parallel_loop3A_114 = arith.constant 4096 : i32
        %parallel_loop3A_115 = arith.constant 64 : i32
        scf.for %parallel_loop3A_123 = %parallel_loop3A to %parallel_loop3A_114 step %parallel_loop3A_115  : i32 {
          %parallel_loop3A_124 = arith.constant 0 : i32
          %parallel_loop3A_125 = arith.addi %parallel_loop3A_123, %parallel_loop3A_124 : i32
          %parallel_loop3A_126 = arith.index_cast %parallel_loop3A_125 : i32 to index
          %parallel_loop3A_127 = tpu.vector_load %arg6[%parallel_loop3A_126] {strides = array<i32>} : memref<4096xi32, #tpu.memory_space<vmem>>, vector<16xi32>,
          %parallel_loop3A_128 = tpu.vector_load_idx %arg5[%broadcast_in_dim3A_1, %parallel_loop3A_127] : memref<8x1000xf32, #tpu.memory_space<vmem>>[vector<16xi32>, vector<16xi32>], vector<16xf32>,
          %parallel_loop3A_129 = arith.constant 0 : i32
          %parallel_loop3A_130 = arith.addi %parallel_loop3A_123, %parallel_loop3A_129 : i32
          %parallel_loop3A_131 = arith.constant 0 : i32
          %parallel_loop3A_132 = arith.index_cast %parallel_loop3A_131 : i32 to index
          %parallel_loop3A_133 = arith.index_cast %parallel_loop3A_130 : i32 to index
          %parallel_loop3A_134 = tpu.vector_load %arg8[%parallel_loop3A_132, %parallel_loop3A_133] {strides = array<i32>} : memref<8x4096xf32, #tpu.memory_space<vmem>>, vector<16xf32>,
          tpu.vector_store %arg8[%parallel_loop3A_132, %parallel_loop3A_133], %parallel_loop3A_128 {strides = array<i32>} : memref<8x4096xf32, #tpu.memory_space<vmem>>, vector<16xf32>,
          %parallel_loop3A_135 = tpu.vector_load_idx %arg5[%broadcast_in_dim3A_3, %parallel_loop3A_127] : memref<8x1000xf32, #tpu.memory_space<vmem>>[vector<16xi32>, vector<16xi32>], vector<16xf32>,
          %parallel_loop3A_136 = arith.constant 0 : i32
          %parallel_loop3A_137 = arith.addi %parallel_loop3A_123, %parallel_loop3A_136 : i32
          %parallel_loop3A_138 = arith.constant 1 : i32
          %parallel_loop3A_139 = arith.index_cast %parallel_loop3A_138 : i32 to index
          %parallel_loop3A_140 = arith.index_cast %parallel_loop3A_137 : i32 to index
          %parallel_loop3A_141 = tpu.vector_load %arg8[%parallel_loop3A_139, %parallel_loop3A_140] {strides = array<i32>} : memref<8x4096xf32, #tpu.memory_space<vmem>>, vector<16xf32>,
          tpu.vector_store %arg8[%parallel_loop3A_139, %parallel_loop3A_140], %parallel_loop3A_135 {strides = array<i32>} : memref<8x4096xf32, #tpu.memory_space<vmem>>, vector<16xf32>,
          %parallel_loop3A_142 = tpu.vector_load_idx %arg5[%broadcast_in_dim3A_5, %parallel_loop3A_127] : memref<8x1000xf32, #tpu.memory_space<vmem>>[vector<16xi32>, vector<16xi32>], vector<16xf32>,
          %parallel_loop3A_143 = arith.constant 0 : i32
          %parallel_loop3A_144 = arith.addi %parallel_loop3A_123, %parallel_loop3A_143 : i32
          %parallel_loop3A_145 = arith.constant 2 : i32
          %parallel_loop3A_146 = arith.index_cast %parallel_loop3A_145 : i32 to index
          %parallel_loop3A_147 = arith.index_cast %parallel_loop3A_144 : i32 to index
          %parallel_loop3A_148 = tpu.vector_load %arg8[%parallel_loop3A_146, %parallel_loop3A_147] {strides = array<i32>} : memref<8x4096xf32, #tpu.memory_space<vmem>>, vector<16xf32>,
          tpu.vector_store %arg8[%parallel_loop3A_146, %parallel_loop3A_147], %parallel_loop3A_142 {strides = array<i32>} : memref<8x4096xf32, #tpu.memory_space<vmem>>, vector<16xf32>,
          %parallel_loop3A_149 = tpu.vector_load_idx %arg5[%broadcast_in_dim3A_7, %parallel_loop3A_127] : memref<8x1000xf32, #tpu.memory_space<vmem>>[vector<16xi32>, vector<16xi32>], vector<16xf32>,
          %parallel_loop3A_150 = arith.constant 0 : i32
          %parallel_loop3A_151 = arith.addi %parallel_loop3A_123, %parallel_loop3A_150 : i32
          %parallel_loop3A_152 = arith.constant 3 : i32
          %parallel_loop3A_153 = arith.index_cast %parallel_loop3A_152 : i32 to index
          %parallel_loop3A_154 = arith.index_cast %parallel_loop3A_151 : i32 to index
          %parallel_loop3A_155 = tpu.vector_load %arg8[%parallel_loop3A_153, %parallel_loop3A_154] {strides = array<i32>} : memref<8x4096xf32, #tpu.memory_space<vmem>>, vector<16xf32>,
          tpu.vector_store %arg8[%parallel_loop3A_153, %parallel_loop3A_154], %parallel_loop3A_149 {strides = array<i32>} : memref<8x4096xf32, #tpu.memory_space<vmem>>, vector<16xf32>,
          %parallel_loop3A_156 = tpu.vector_load_idx %arg5[%broadcast_in_dim3A_9, %parallel_loop3A_127] : memref<8x1000xf32, #tpu.memory_space<vmem>>[vector<16xi32>, vector<16xi32>], vector<16xf32>,
          %parallel_loop3A_157 = arith.constant 0 : i32
          %parallel_loop3A_158 = arith.addi %parallel_loop3A_123, %parallel_loop3A_157 : i32
          %parallel_loop3A_159 = arith.constant 4 : i32
          %parallel_loop3A_160 = arith.index_cast %parallel_loop3A_159 : i32 to index
          %parallel_loop3A_161 = arith.index_cast %parallel_loop3A_158 : i32 to index
          %parallel_loop3A_162 = tpu.vector_load %arg8[%parallel_loop3A_160, %parallel_loop3A_161] {strides = array<i32>} : memref<8x4096xf32, #tpu.memory_space<vmem>>, vector<16xf32>,
          tpu.vector_store %arg8[%parallel_loop3A_160, %parallel_loop3A_161], %parallel_loop3A_156 {strides = array<i32>} : memref<8x4096xf32, #tpu.memory_space<vmem>>, vector<16xf32>,
          %parallel_loop3A_163 = tpu.vector_load_idx %arg5[%broadcast_in_dim3A_11, %parallel_loop3A_127] : memref<8x1000xf32, #tpu.memory_space<vmem>>[vector<16xi32>, vector<16xi32>], vector<16xf32>,
          %parallel_loop3A_164 = arith.constant 0 : i32
          %parallel_loop3A_165 = arith.addi %parallel_loop3A_123, %parallel_loop3A_164 : i32
          %parallel_loop3A_166 = arith.constant 5 : i32
          %parallel_loop3A_167 = arith.index_cast %parallel_loop3A_166 : i32 to index
          %parallel_loop3A_168 = arith.index_cast %parallel_loop3A_165 : i32 to index
          %parallel_loop3A_169 = tpu.vector_load %arg8[%parallel_loop3A_167, %parallel_loop3A_168] {strides = array<i32>} : memref<8x4096xf32, #tpu.memory_space<vmem>>, vector<16xf32>,
          tpu.vector_store %arg8[%parallel_loop3A_167, %parallel_loop3A_168], %parallel_loop3A_163 {strides = array<i32>} : memref<8x4096xf32, #tpu.memory_space<vmem>>, vector<16xf32>,
          %parallel_loop3A_170 = tpu.vector_load_idx %arg5[%broadcast_in_dim3A_13, %parallel_loop3A_127] : memref<8x1000xf32, #tpu.memory_space<vmem>>[vector<16xi32>, vector<16xi32>], vector<16xf32>,
          %parallel_loop3A_171 = arith.constant 0 : i32
          %parallel_loop3A_172 = arith.addi %parallel_loop3A_123, %parallel_loop3A_171 : i32
          %parallel_loop3A_173 = arith.constant 6 : i32
          %parallel_loop3A_174 = arith.index_cast %parallel_loop3A_173 : i32 to index
          %parallel_loop3A_175 = arith.index_cast %parallel_loop3A_172 : i32 to index
          %parallel_loop3A_176 = tpu.vector_load %arg8[%parallel_loop3A_174, %parallel_loop3A_175] {strides = array<i32>} : memref<8x4096xf32, #tpu.memory_space<vmem>>, vector<16xf32>,
          tpu.vector_store %arg8[%parallel_loop3A_174, %parallel_loop3A_175], %parallel_loop3A_170 {strides = array<i32>} : memref<8x4096xf32, #tpu.memory_space<vmem>>, vector<16xf32>,
          %parallel_loop3A_177 = tpu.vector_load_idx %arg5[%broadcast_in_dim3A_15, %parallel_loop3A_127] : memref<8x1000xf32, #tpu.memory_space<vmem>>[vector<16xi32>, vector<16xi32>], vector<16xf32>,
          %parallel_loop3A_178 = arith.constant 0 : i32
          %parallel_loop3A_179 = arith.addi %parallel_loop3A_123, %parallel_loop3A_178 : i32
          %parallel_loop3A_180 = arith.constant 7 : i32
          %parallel_loop3A_181 = arith.index_cast %parallel_loop3A_180 : i32 to index
          %parallel_loop3A_182 = arith.index_cast %parallel_loop3A_179 : i32 to index
          %parallel_loop3A_183 = tpu.vector_load %arg8[%parallel_loop3A_181, %parallel_loop3A_182] {strides = array<i32>} : memref<8x4096xf32, #tpu.memory_space<vmem>>, vector<16xf32>,
          tpu.vector_store %arg8[%parallel_loop3A_181, %parallel_loop3A_182], %parallel_loop3A_177 {strides = array<i32>} : memref<8x4096xf32, #tpu.memory_space<vmem>>, vector<16xf32>,
          %parallel_loop3A_184 = arith.constant 16 : i32
          %parallel_loop3A_185 = arith.addi %parallel_loop3A_123, %parallel_loop3A_184 : i32
          %parallel_loop3A_186 = arith.index_cast %parallel_loop3A_185 : i32 to index
          %parallel_loop3A_187 = tpu.vector_load %arg6[%parallel_loop3A_186] {strides = array<i32>} : memref<4096xi32, #tpu.memory_space<vmem>>, vector<16xi32>,
          %parallel_loop3A_188 = tpu.vector_load_idx %arg5[%broadcast_in_dim3A_1, %parallel_loop3A_187] : memref<8x1000xf32, #tpu.memory_space<vmem>>[vector<16xi32>, vector<16xi32>], vector<16xf32>,
          %parallel_loop3A_189 = arith.constant 16 : i32
          %parallel_loop3A_190 = arith.addi %parallel_loop3A_123, %parallel_loop3A_189 : i32
          %parallel_loop3A_191 = arith.constant 0 : i32
          %parallel_loop3A_192 = arith.index_cast %parallel_loop3A_191 : i32 to index
          %parallel_loop3A_193 = arith.index_cast %parallel_loop3A_190 : i32 to index
          %parallel_loop3A_194 = tpu.vector_load %arg8[%parallel_loop3A_192, %parallel_loop3A_193] {strides = array<i32>} : memref<8x4096xf32, #tpu.memory_space<vmem>>, vector<16xf32>,
          tpu.vector_store %arg8[%parallel_loop3A_192, %parallel_loop3A_193], %parallel_loop3A_188 {strides = array<i32>} : memref<8x4096xf32, #tpu.memory_space<vmem>>, vector<16xf32>,
          %parallel_loop3A_195 = tpu.vector_load_idx %arg5[%broadcast_in_dim3A_3, %parallel_loop3A_187] : memref<8x1000xf32, #tpu.memory_space<vmem>>[vector<16xi32>, vector<16xi32>], vector<16xf32>,
          %parallel_loop3A_196 = arith.constant 16 : i32
          %parallel_loop3A_197 = arith.addi %parallel_loop3A_123, %parallel_loop3A_196 : i32
          %parallel_loop3A_198 = arith.constant 1 : i32
          %parallel_loop3A_199 = arith.index_cast %parallel_loop3A_198 : i32 to index
          %parallel_loop3A_200 = arith.index_cast %parallel_loop3A_197 : i32 to index
          %parallel_loop3A_201 = tpu.vector_load %arg8[%parallel_loop3A_199, %parallel_loop3A_200] {strides = array<i32>} : memref<8x4096xf32, #tpu.memory_space<vmem>>, vector<16xf32>,
          tpu.vector_store %arg8[%parallel_loop3A_199, %parallel_loop3A_200], %parallel_loop3A_195 {strides = array<i32>} : memref<8x4096xf32, #tpu.memory_space<vmem>>, vector<16xf32>,
          %parallel_loop3A_202 = tpu.vector_load_idx %arg5[%broadcast_in_dim3A_5, %parallel_loop3A_187] : memref<8x1000xf32, #tpu.memory_space<vmem>>[vector<16xi32>, vector<16xi32>], vector<16xf32>,
          %parallel_loop3A_203 = arith.constant 16 : i32
          %parallel_loop3A_204 = arith.addi %parallel_loop3A_123, %parallel_loop3A_203 : i32
          %parallel_loop3A_205 = arith.constant 2 : i32
          %parallel_loop3A_206 = arith.index_cast %parallel_loop3A_205 : i32 to index
          %parallel_loop3A_207 = arith.index_cast %parallel_loop3A_204 : i32 to index
          %parallel_loop3A_208 = tpu.vector_load %arg8[%parallel_loop3A_206, %parallel_loop3A_207] {strides = array<i32>} : memref<8x4096xf32, #tpu.memory_space<vmem>>, vector<16xf32>,
          tpu.vector_store %arg8[%parallel_loop3A_206, %parallel_loop3A_207], %parallel_loop3A_202 {strides = array<i32>} : memref<8x4096xf32, #tpu.memory_space<vmem>>, vector<16xf32>,
          %parallel_loop3A_209 = tpu.vector_load_idx %arg5[%broadcast_in_dim3A_7, %parallel_loop3A_187] : memref<8x1000xf32, #tpu.memory_space<vmem>>[vector<16xi32>, vector<16xi32>], vector<16xf32>,
          %parallel_loop3A_210 = arith.constant 16 : i32
          %parallel_loop3A_211 = arith.addi %parallel_loop3A_123, %parallel_loop3A_210 : i32
          %parallel_loop3A_212 = arith.constant 3 : i32
          %parallel_loop3A_213 = arith.index_cast %parallel_loop3A_212 : i32 to index
          %parallel_loop3A_214 = arith.index_cast %parallel_loop3A_211 : i32 to index
          %parallel_loop3A_215 = tpu.vector_load %arg8[%parallel_loop3A_213, %parallel_loop3A_214] {strides = array<i32>} : memref<8x4096xf32, #tpu.memory_space<vmem>>, vector<16xf32>,
          tpu.vector_store %arg8[%parallel_loop3A_213, %parallel_loop3A_214], %parallel_loop3A_209 {strides = array<i32>} : memref<8x4096xf32, #tpu.memory_space<vmem>>, vector<16xf32>,
          %parallel_loop3A_216 = tpu.vector_load_idx %arg5[%broadcast_in_dim3A_9, %parallel_loop3A_187] : memref<8x1000xf32, #tpu.memory_space<vmem>>[vector<16xi32>, vector<16xi32>], vector<16xf32>,
          %parallel_loop3A_217 = arith.constant 16 : i32
          %parallel_loop3A_218 = arith.addi %parallel_loop3A_123, %parallel_loop3A_217 : i32
          %parallel_loop3A_219 = arith.constant 4 : i32
          %parallel_loop3A_220 = arith.index_cast %parallel_loop3A_219 : i32 to index
          %parallel_loop3A_221 = arith.index_cast %parallel_loop3A_218 : i32 to index
          %parallel_loop3A_222 = tpu.vector_load %arg8[%parallel_loop3A_220, %parallel_loop3A_221] {strides = array<i32>} : memref<8x4096xf32, #tpu.memory_space<vmem>>, vector<16xf32>,
          tpu.vector_store %arg8[%parallel_loop3A_220, %parallel_loop3A_221], %parallel_loop3A_216 {strides = array<i32>} : memref<8x4096xf32, #tpu.memory_space<vmem>>, vector<16xf32>,
          %parallel_loop3A_223 = tpu.vector_load_idx %arg5[%broadcast_in_dim3A_11, %parallel_loop3A_187] : memref<8x1000xf32, #tpu.memory_space<vmem>>[vector<16xi32>, vector<16xi32>], vector<16xf32>,
          %parallel_loop3A_224 = arith.constant 16 : i32
          %parallel_loop3A_225 = arith.addi %parallel_loop3A_123, %parallel_loop3A_224 : i32
          %parallel_loop3A_226 = arith.constant 5 : i32
          %parallel_loop3A_227 = arith.index_cast %parallel_loop3A_226 : i32 to index
          %parallel_loop3A_228 = arith.index_cast %parallel_loop3A_225 : i32 to index
          %parallel_loop3A_229 = tpu.vector_load %arg8[%parallel_loop3A_227, %parallel_loop3A_228] {strides = array<i32>} : memref<8x4096xf32, #tpu.memory_space<vmem>>, vector<16xf32>,
          tpu.vector_store %arg8[%parallel_loop3A_227, %parallel_loop3A_228], %parallel_loop3A_223 {strides = array<i32>} : memref<8x4096xf32, #tpu.memory_space<vmem>>, vector<16xf32>,
          %parallel_loop3A_230 = tpu.vector_load_idx %arg5[%broadcast_in_dim3A_13, %parallel_loop3A_187] : memref<8x1000xf32, #tpu.memory_space<vmem>>[vector<16xi32>, vector<16xi32>], vector<16xf32>,
          %parallel_loop3A_231 = arith.constant 16 : i32
          %parallel_loop3A_232 = arith.addi %parallel_loop3A_123, %parallel_loop3A_231 : i32
          %parallel_loop3A_233 = arith.constant 6 : i32
          %parallel_loop3A_234 = arith.index_cast %parallel_loop3A_233 : i32 to index
          %parallel_loop3A_235 = arith.index_cast %parallel_loop3A_232 : i32 to index
          %parallel_loop3A_236 = tpu.vector_load %arg8[%parallel_loop3A_234, %parallel_loop3A_235] {strides = array<i32>} : memref<8x4096xf32, #tpu.memory_space<vmem>>, vector<16xf32>,
          tpu.vector_store %arg8[%parallel_loop3A_234, %parallel_loop3A_235], %parallel_loop3A_230 {strides = array<i32>} : memref<8x4096xf32, #tpu.memory_space<vmem>>, vector<16xf32>,
          %parallel_loop3A_237 = tpu.vector_load_idx %arg5[%broadcast_in_dim3A_15, %parallel_loop3A_187] : memref<8x1000xf32, #tpu.memory_space<vmem>>[vector<16xi32>, vector<16xi32>], vector<16xf32>,
          %parallel_loop3A_238 = arith.constant 16 : i32
          %parallel_loop3A_239 = arith.addi %parallel_loop3A_123, %parallel_loop3A_238 : i32
          %parallel_loop3A_240 = arith.constant 7 : i32
          %parallel_loop3A_241 = arith.index_cast %parallel_loop3A_240 : i32 to index
          %parallel_loop3A_242 = arith.index_cast %parallel_loop3A_239 : i32 to index
          %parallel_loop3A_243 = tpu.vector_load %arg8[%parallel_loop3A_241, %parallel_loop3A_242] {strides = array<i32>} : memref<8x4096xf32, #tpu.memory_space<vmem>>, vector<16xf32>,
          tpu.vector_store %arg8[%parallel_loop3A_241, %parallel_loop3A_242], %parallel_loop3A_237 {strides = array<i32>} : memref<8x4096xf32, #tpu.memory_space<vmem>>, vector<16xf32>,
          %parallel_loop3A_244 = arith.constant 32 : i32
          %parallel_loop3A_245 = arith.addi %parallel_loop3A_123, %parallel_loop3A_244 : i32
          %parallel_loop3A_246 = arith.index_cast %parallel_loop3A_245 : i32 to index
          %parallel_loop3A_247 = tpu.vector_load %arg6[%parallel_loop3A_246] {strides = array<i32>} : memref<4096xi32, #tpu.memory_space<vmem>>, vector<16xi32>,
          %parallel_loop3A_248 = tpu.vector_load_idx %arg5[%broadcast_in_dim3A_1, %parallel_loop3A_247] : memref<8x1000xf32, #tpu.memory_space<vmem>>[vector<16xi32>, vector<16xi32>], vector<16xf32>,
          %parallel_loop3A_249 = arith.constant 32 : i32
          %parallel_loop3A_250 = arith.addi %parallel_loop3A_123, %parallel_loop3A_249 : i32
          %parallel_loop3A_251 = arith.constant 0 : i32
          %parallel_loop3A_252 = arith.index_cast %parallel_loop3A_251 : i32 to index
          %parallel_loop3A_253 = arith.index_cast %parallel_loop3A_250 : i32 to index
          %parallel_loop3A_254 = tpu.vector_load %arg8[%parallel_loop3A_252, %parallel_loop3A_253] {strides = array<i32>} : memref<8x4096xf32, #tpu.memory_space<vmem>>, vector<16xf32>,
          tpu.vector_store %arg8[%parallel_loop3A_252, %parallel_loop3A_253], %parallel_loop3A_248 {strides = array<i32>} : memref<8x4096xf32, #tpu.memory_space<vmem>>, vector<16xf32>,
          %parallel_loop3A_255 = tpu.vector_load_idx %arg5[%broadcast_in_dim3A_3, %parallel_loop3A_247] : memref<8x1000xf32, #tpu.memory_space<vmem>>[vector<16xi32>, vector<16xi32>], vector<16xf32>,
          %parallel_loop3A_256 = arith.constant 32 : i32
          %parallel_loop3A_257 = arith.addi %parallel_loop3A_123, %parallel_loop3A_256 : i32
          %parallel_loop3A_258 = arith.constant 1 : i32
          %parallel_loop3A_259 = arith.index_cast %parallel_loop3A_258 : i32 to index
          %parallel_loop3A_260 = arith.index_cast %parallel_loop3A_257 : i32 to index
          %parallel_loop3A_261 = tpu.vector_load %arg8[%parallel_loop3A_259, %parallel_loop3A_260] {strides = array<i32>} : memref<8x4096xf32, #tpu.memory_space<vmem>>, vector<16xf32>,
          tpu.vector_store %arg8[%parallel_loop3A_259, %parallel_loop3A_260], %parallel_loop3A_255 {strides = array<i32>} : memref<8x4096xf32, #tpu.memory_space<vmem>>, vector<16xf32>,
          %parallel_loop3A_262 = tpu.vector_load_idx %arg5[%broadcast_in_dim3A_5, %parallel_loop3A_247] : memref<8x1000xf32, #tpu.memory_space<vmem>>[vector<16xi32>, vector<16xi32>], vector<16xf32>,
          %parallel_loop3A_263 = arith.constant 32 : i32
          %parallel_loop3A_264 = arith.addi %parallel_loop3A_123, %parallel_loop3A_263 : i32
          %parallel_loop3A_265 = arith.constant 2 : i32
          %parallel_loop3A_266 = arith.index_cast %parallel_loop3A_265 : i32 to index
          %parallel_loop3A_267 = arith.index_cast %parallel_loop3A_264 : i32 to index
          %parallel_loop3A_268 = tpu.vector_load %arg8[%parallel_loop3A_266, %parallel_loop3A_267] {strides = array<i32>} : memref<8x4096xf32, #tpu.memory_space<vmem>>, vector<16xf32>,
          tpu.vector_store %arg8[%parallel_loop3A_266, %parallel_loop3A_267], %parallel_loop3A_262 {strides = array<i32>} : memref<8x4096xf32, #tpu.memory_space<vmem>>, vector<16xf32>,
          %parallel_loop3A_269 = tpu.vector_load_idx %arg5[%broadcast_in_dim3A_7, %parallel_loop3A_247] : memref<8x1000xf32, #tpu.memory_space<vmem>>[vector<16xi32>, vector<16xi32>], vector<16xf32>,
          %parallel_loop3A_270 = arith.constant 32 : i32
          %parallel_loop3A_271 = arith.addi %parallel_loop3A_123, %parallel_loop3A_270 : i32
          %parallel_loop3A_272 = arith.constant 3 : i32
          %parallel_loop3A_273 = arith.index_cast %parallel_loop3A_272 : i32 to index
          %parallel_loop3A_274 = arith.index_cast %parallel_loop3A_271 : i32 to index
          %parallel_loop3A_275 = tpu.vector_load %arg8[%parallel_loop3A_273, %parallel_loop3A_274] {strides = array<i32>} : memref<8x4096xf32, #tpu.memory_space<vmem>>, vector<16xf32>,
          tpu.vector_store %arg8[%parallel_loop3A_273, %parallel_loop3A_274], %parallel_loop3A_269 {strides = array<i32>} : memref<8x4096xf32, #tpu.memory_space<vmem>>, vector<16xf32>,
          %parallel_loop3A_276 = tpu.vector_load_idx %arg5[%broadcast_in_dim3A_9, %parallel_loop3A_247] : memref<8x1000xf32, #tpu.memory_space<vmem>>[vector<16xi32>, vector<16xi32>], vector<16xf32>,
          %parallel_loop3A_277 = arith.constant 32 : i32
          %parallel_loop3A_278 = arith.addi %parallel_loop3A_123, %parallel_loop3A_277 : i32
          %parallel_loop3A_279 = arith.constant 4 : i32
          %parallel_loop3A_280 = arith.index_cast %parallel_loop3A_279 : i32 to index
          %parallel_loop3A_281 = arith.index_cast %parallel_loop3A_278 : i32 to index
          %parallel_loop3A_282 = tpu.vector_load %arg8[%parallel_loop3A_280, %parallel_loop3A_281] {strides = array<i32>} : memref<8x4096xf32, #tpu.memory_space<vmem>>, vector<16xf32>,
          tpu.vector_store %arg8[%parallel_loop3A_280, %parallel_loop3A_281], %parallel_loop3A_276 {strides = array<i32>} : memref<8x4096xf32, #tpu.memory_space<vmem>>, vector<16xf32>,
          %parallel_loop3A_283 = tpu.vector_load_idx %arg5[%broadcast_in_dim3A_11, %parallel_loop3A_247] : memref<8x1000xf32, #tpu.memory_space<vmem>>[vector<16xi32>, vector<16xi32>], vector<16xf32>,
          %parallel_loop3A_284 = arith.constant 32 : i32
          %parallel_loop3A_285 = arith.addi %parallel_loop3A_123, %parallel_loop3A_284 : i32
          %parallel_loop3A_286 = arith.constant 5 : i32
          %parallel_loop3A_287 = arith.index_cast %parallel_loop3A_286 : i32 to index
          %parallel_loop3A_288 = arith.index_cast %parallel_loop3A_285 : i32 to index
          %parallel_loop3A_289 = tpu.vector_load %arg8[%parallel_loop3A_287, %parallel_loop3A_288] {strides = array<i32>} : memref<8x4096xf32, #tpu.memory_space<vmem>>, vector<16xf32>,
          tpu.vector_store %arg8[%parallel_loop3A_287, %parallel_loop3A_288], %parallel_loop3A_283 {strides = array<i32>} : memref<8x4096xf32, #tpu.memory_space<vmem>>, vector<16xf32>,
          %parallel_loop3A_290 = tpu.vector_load_idx %arg5[%broadcast_in_dim3A_13, %parallel_loop3A_247] : memref<8x1000xf32, #tpu.memory_space<vmem>>[vector<16xi32>, vector<16xi32>], vector<16xf32>,
          %parallel_loop3A_291 = arith.constant 32 : i32
          %parallel_loop3A_292 = arith.addi %parallel_loop3A_123, %parallel_loop3A_291 : i32
          %parallel_loop3A_293 = arith.constant 6 : i32
          %parallel_loop3A_294 = arith.index_cast %parallel_loop3A_293 : i32 to index
          %parallel_loop3A_295 = arith.index_cast %parallel_loop3A_292 : i32 to index
          %parallel_loop3A_296 = tpu.vector_load %arg8[%parallel_loop3A_294, %parallel_loop3A_295] {strides = array<i32>} : memref<8x4096xf32, #tpu.memory_space<vmem>>, vector<16xf32>,
          tpu.vector_store %arg8[%parallel_loop3A_294, %parallel_loop3A_295], %parallel_loop3A_290 {strides = array<i32>} : memref<8x4096xf32, #tpu.memory_space<vmem>>, vector<16xf32>,
          %parallel_loop3A_297 = tpu.vector_load_idx %arg5[%broadcast_in_dim3A_15, %parallel_loop3A_247] : memref<8x1000xf32, #tpu.memory_space<vmem>>[vector<16xi32>, vector<16xi32>], vector<16xf32>,
          %parallel_loop3A_298 = arith.constant 32 : i32
          %parallel_loop3A_299 = arith.addi %parallel_loop3A_123, %parallel_loop3A_298 : i32
          %parallel_loop3A_300 = arith.constant 7 : i32
          %parallel_loop3A_301 = arith.index_cast %parallel_loop3A_300 : i32 to index
          %parallel_loop3A_302 = arith.index_cast %parallel_loop3A_299 : i32 to index
          %parallel_loop3A_303 = tpu.vector_load %arg8[%parallel_loop3A_301, %parallel_loop3A_302] {strides = array<i32>} : memref<8x4096xf32, #tpu.memory_space<vmem>>, vector<16xf32>,
          tpu.vector_store %arg8[%parallel_loop3A_301, %parallel_loop3A_302], %parallel_loop3A_297 {strides = array<i32>} : memref<8x4096xf32, #tpu.memory_space<vmem>>, vector<16xf32>,
          %parallel_loop3A_304 = arith.constant 48 : i32
          %parallel_loop3A_305 = arith.addi %parallel_loop3A_123, %parallel_loop3A_304 : i32
          %parallel_loop3A_306 = arith.index_cast %parallel_loop3A_305 : i32 to index
          %parallel_loop3A_307 = tpu.vector_load %arg6[%parallel_loop3A_306] {strides = array<i32>} : memref<4096xi32, #tpu.memory_space<vmem>>, vector<16xi32>,
          %parallel_loop3A_308 = tpu.vector_load_idx %arg5[%broadcast_in_dim3A_1, %parallel_loop3A_307] : memref<8x1000xf32, #tpu.memory_space<vmem>>[vector<16xi32>, vector<16xi32>], vector<16xf32>,
          %parallel_loop3A_309 = arith.constant 48 : i32
          %parallel_loop3A_310 = arith.addi %parallel_loop3A_123, %parallel_loop3A_309 : i32
          %parallel_loop3A_311 = arith.constant 0 : i32
          %parallel_loop3A_312 = arith.index_cast %parallel_loop3A_311 : i32 to index
          %parallel_loop3A_313 = arith.index_cast %parallel_loop3A_310 : i32 to index
          %parallel_loop3A_314 = tpu.vector_load %arg8[%parallel_loop3A_312, %parallel_loop3A_313] {strides = array<i32>} : memref<8x4096xf32, #tpu.memory_space<vmem>>, vector<16xf32>,
          tpu.vector_store %arg8[%parallel_loop3A_312, %parallel_loop3A_313], %parallel_loop3A_308 {strides = array<i32>} : memref<8x4096xf32, #tpu.memory_space<vmem>>, vector<16xf32>,
          %parallel_loop3A_315 = tpu.vector_load_idx %arg5[%broadcast_in_dim3A_3, %parallel_loop3A_307] : memref<8x1000xf32, #tpu.memory_space<vmem>>[vector<16xi32>, vector<16xi32>], vector<16xf32>,
          %parallel_loop3A_316 = arith.constant 48 : i32
          %parallel_loop3A_317 = arith.addi %parallel_loop3A_123, %parallel_loop3A_316 : i32
          %parallel_loop3A_318 = arith.constant 1 : i32
          %parallel_loop3A_319 = arith.index_cast %parallel_loop3A_318 : i32 to index
          %parallel_loop3A_320 = arith.index_cast %parallel_loop3A_317 : i32 to index
          %parallel_loop3A_321 = tpu.vector_load %arg8[%parallel_loop3A_319, %parallel_loop3A_320] {strides = array<i32>} : memref<8x4096xf32, #tpu.memory_space<vmem>>, vector<16xf32>,
          tpu.vector_store %arg8[%parallel_loop3A_319, %parallel_loop3A_320], %parallel_loop3A_315 {strides = array<i32>} : memref<8x4096xf32, #tpu.memory_space<vmem>>, vector<16xf32>,
          %parallel_loop3A_322 = tpu.vector_load_idx %arg5[%broadcast_in_dim3A_5, %parallel_loop3A_307] : memref<8x1000xf32, #tpu.memory_space<vmem>>[vector<16xi32>, vector<16xi32>], vector<16xf32>,
          %parallel_loop3A_323 = arith.constant 48 : i32
          %parallel_loop3A_324 = arith.addi %parallel_loop3A_123, %parallel_loop3A_323 : i32
          %parallel_loop3A_325 = arith.constant 2 : i32
          %parallel_loop3A_326 = arith.index_cast %parallel_loop3A_325 : i32 to index
          %parallel_loop3A_327 = arith.index_cast %parallel_loop3A_324 : i32 to index
          %parallel_loop3A_328 = tpu.vector_load %arg8[%parallel_loop3A_326, %parallel_loop3A_327] {strides = array<i32>} : memref<8x4096xf32, #tpu.memory_space<vmem>>, vector<16xf32>,
          tpu.vector_store %arg8[%parallel_loop3A_326, %parallel_loop3A_327], %parallel_loop3A_322 {strides = array<i32>} : memref<8x4096xf32, #tpu.memory_space<vmem>>, vector<16xf32>,
          %parallel_loop3A_329 = tpu.vector_load_idx %arg5[%broadcast_in_dim3A_7, %parallel_loop3A_307] : memref<8x1000xf32, #tpu.memory_space<vmem>>[vector<16xi32>, vector<16xi32>], vector<16xf32>,
          %parallel_loop3A_330 = arith.constant 48 : i32
          %parallel_loop3A_331 = arith.addi %parallel_loop3A_123, %parallel_loop3A_330 : i32
          %parallel_loop3A_332 = arith.constant 3 : i32
          %parallel_loop3A_333 = arith.index_cast %parallel_loop3A_332 : i32 to index
          %parallel_loop3A_334 = arith.index_cast %parallel_loop3A_331 : i32 to index
          %parallel_loop3A_335 = tpu.vector_load %arg8[%parallel_loop3A_333, %parallel_loop3A_334] {strides = array<i32>} : memref<8x4096xf32, #tpu.memory_space<vmem>>, vector<16xf32>,
          tpu.vector_store %arg8[%parallel_loop3A_333, %parallel_loop3A_334], %parallel_loop3A_329 {strides = array<i32>} : memref<8x4096xf32, #tpu.memory_space<vmem>>, vector<16xf32>,
          %parallel_loop3A_336 = tpu.vector_load_idx %arg5[%broadcast_in_dim3A_9, %parallel_loop3A_307] : memref<8x1000xf32, #tpu.memory_space<vmem>>[vector<16xi32>, vector<16xi32>], vector<16xf32>,
          %parallel_loop3A_337 = arith.constant 48 : i32
          %parallel_loop3A_338 = arith.addi %parallel_loop3A_123, %parallel_loop3A_337 : i32
          %parallel_loop3A_339 = arith.constant 4 : i32
          %parallel_loop3A_340 = arith.index_cast %parallel_loop3A_339 : i32 to index
          %parallel_loop3A_341 = arith.index_cast %parallel_loop3A_338 : i32 to index
          %parallel_loop3A_342 = tpu.vector_load %arg8[%parallel_loop3A_340, %parallel_loop3A_341] {strides = array<i32>} : memref<8x4096xf32, #tpu.memory_space<vmem>>, vector<16xf32>,
          tpu.vector_store %arg8[%parallel_loop3A_340, %parallel_loop3A_341], %parallel_loop3A_336 {strides = array<i32>} : memref<8x4096xf32, #tpu.memory_space<vmem>>, vector<16xf32>,
          %parallel_loop3A_343 = tpu.vector_load_idx %arg5[%broadcast_in_dim3A_11, %parallel_loop3A_307] : memref<8x1000xf32, #tpu.memory_space<vmem>>[vector<16xi32>, vector<16xi32>], vector<16xf32>,
          %parallel_loop3A_344 = arith.constant 48 : i32
          %parallel_loop3A_345 = arith.addi %parallel_loop3A_123, %parallel_loop3A_344 : i32
          %parallel_loop3A_346 = arith.constant 5 : i32
          %parallel_loop3A_347 = arith.index_cast %parallel_loop3A_346 : i32 to index
          %parallel_loop3A_348 = arith.index_cast %parallel_loop3A_345 : i32 to index
          %parallel_loop3A_349 = tpu.vector_load %arg8[%parallel_loop3A_347, %parallel_loop3A_348] {strides = array<i32>} : memref<8x4096xf32, #tpu.memory_space<vmem>>, vector<16xf32>,
          tpu.vector_store %arg8[%parallel_loop3A_347, %parallel_loop3A_348], %parallel_loop3A_343 {strides = array<i32>} : memref<8x4096xf32, #tpu.memory_space<vmem>>, vector<16xf32>,
          %parallel_loop3A_350 = tpu.vector_load_idx %arg5[%broadcast_in_dim3A_13, %parallel_loop3A_307] : memref<8x1000xf32, #tpu.memory_space<vmem>>[vector<16xi32>, vector<16xi32>], vector<16xf32>,
          %parallel_loop3A_351 = arith.constant 48 : i32
          %parallel_loop3A_352 = arith.addi %parallel_loop3A_123, %parallel_loop3A_351 : i32
          %parallel_loop3A_353 = arith.constant 6 : i32
          %parallel_loop3A_354 = arith.index_cast %parallel_loop3A_353 : i32 to index
          %parallel_loop3A_355 = arith.index_cast %parallel_loop3A_352 : i32 to index
          %parallel_loop3A_356 = tpu.vector_load %arg8[%parallel_loop3A_354, %parallel_loop3A_355] {strides = array<i32>} : memref<8x4096xf32, #tpu.memory_space<vmem>>, vector<16xf32>,
          tpu.vector_store %arg8[%parallel_loop3A_354, %parallel_loop3A_355], %parallel_loop3A_350 {strides = array<i32>} : memref<8x4096xf32, #tpu.memory_space<vmem>>, vector<16xf32>,
          %parallel_loop3A_357 = tpu.vector_load_idx %arg5[%broadcast_in_dim3A_15, %parallel_loop3A_307] : memref<8x1000xf32, #tpu.memory_space<vmem>>[vector<16xi32>, vector<16xi32>], vector<16xf32>,
          %parallel_loop3A_358 = arith.constant 48 : i32
          %parallel_loop3A_359 = arith.addi %parallel_loop3A_123, %parallel_loop3A_358 : i32
          %parallel_loop3A_360 = arith.constant 7 : i32
          %parallel_loop3A_361 = arith.index_cast %parallel_loop3A_360 : i32 to index
          %parallel_loop3A_362 = arith.index_cast %parallel_loop3A_359 : i32 to index
          %parallel_loop3A_363 = tpu.vector_load %arg8[%parallel_loop3A_361, %parallel_loop3A_362] {strides = array<i32>} : memref<8x4096xf32, #tpu.memory_space<vmem>>, vector<16xf32>,
          tpu.vector_store %arg8[%parallel_loop3A_361, %parallel_loop3A_362], %parallel_loop3A_357 {strides = array<i32>} : memref<8x4096xf32, #tpu.memory_space<vmem>>, vector<16xf32>,
        } {sc.loop_unroll_factor = 8 : i64, sc.parallel_access}
        %mul3A_116 = arith.constant 8 : i32
        %mul3A_117 = arith.muli %add3A_98, %mul3A_116 : i32
        %dma_start3A = arith.constant 0 : i32
        %dma_start3A_118 = tpu.memref_slice %arg4[%sub3A_95, %mul3A_117, %dma_start3A] : memref<20x1000x4096xf32, #tpu.memory_space<hbm>> -> memref<1x8x4096xf32, #tpu.memory_space<hbm>>
        %dma_start3A_119 = tpu.memref_squeeze %dma_start3A_118 : memref<1x8x4096xf32, #tpu.memory_space<hbm>> -> memref<8x4096xf32, #tpu.memory_space<hbm>>
        %dma_start3A_120 = arith.constant 0 : i32
        %dma_start3A_121 = tpu.memref_slice %arg4[%sub3A_95, %mul3A_117, %dma_start3A_120] : memref<20x1000x4096xf32, #tpu.memory_space<hbm>> -> memref<1x8x4096xf32, #tpu.memory_space<hbm>>
        %dma_start3A_122 = tpu.memref_squeeze %dma_start3A_121 : memref<1x8x4096xf32, #tpu.memory_space<hbm>> -> memref<8x4096xf32, #tpu.memory_space<hbm>>
        tpu.enqueue_dma source(%arg8 : memref<8x4096xf32, #tpu.memory_space<vmem>>) target(%dma_start3A_122 : memref<8x4096xf32, #tpu.memory_space<hbm>>) target_semaphore(%arg10 : memref<!tpu.dma_semaphore, #tpu.memory_space<semaphore_mem>>)
      } else {
      }
    }
    %scan3A_20 = arith.constant 40 : i32
    %dma_wait3A = arith.constant 0 : i32
    %dma_wait3A_21 = arith.constant 0 : i32
    %dma_wait3A_22 = arith.constant 0 : i32
    %dma_wait3A_23 = tpu.memref_slice %arg4[%dma_wait3A, %dma_wait3A_21, %dma_wait3A_22] : memref<20x1000x4096xf32, #tpu.memory_space<hbm>> -> memref<1x8x4096xf32, #tpu.memory_space<hbm>>
    %dma_wait3A_24 = tpu.memref_squeeze %dma_wait3A_23 : memref<1x8x4096xf32, #tpu.memory_space<hbm>> -> memref<8x4096xf32, #tpu.memory_space<hbm>>
    %dma_wait3A_25 = arith.constant 0 : i32
    %dma_wait3A_26 = arith.constant 0 : i32
    %dma_wait3A_27 = tpu.memref_slice %arg4[%dma_wait3A, %dma_wait3A_25, %dma_wait3A_26] : memref<20x1000x4096xf32, #tpu.memory_space<hbm>> -> memref<1x8x4096xf32, #tpu.memory_space<hbm>>
    %dma_wait3A_28 = tpu.memref_squeeze %dma_wait3A_27 : memref<1x8x4096xf32, #tpu.memory_space<hbm>> -> memref<8x4096xf32, #tpu.memory_space<hbm>>
    tpu.wait_dma2 semaphore(%arg9 : memref<!tpu.dma_semaphore, #tpu.memory_space<semaphore_mem>>) src(%arg7 : memref<8x4096xf32, #tpu.memory_space<vmem>>) dst(%dma_wait3A_28 : memref<8x4096xf32, #tpu.memory_space<hbm>>)
    %dma_wait3A_29 = arith.constant 0 : i32
    %dma_wait3A_30 = arith.constant 0 : i32
    %dma_wait3A_31 = arith.constant 0 : i32
    %dma_wait3A_32 = tpu.memref_slice %arg4[%dma_wait3A_29, %dma_wait3A_30, %dma_wait3A_31] : memref<20x1000x4096xf32, #tpu.memory_space<hbm>> -> memref<1x8x4096xf32, #tpu.memory_space<hbm>>
    %dma_wait3A_33 = tpu.memref_squeeze %dma_wait3A_32 : memref<1x8x4096xf32, #tpu.memory_space<hbm>> -> memref<8x4096xf32, #tpu.memory_space<hbm>>
    %dma_wait3A_34 = arith.constant 0 : i32
    %dma_wait3A_35 = arith.constant 0 : i32
    %dma_wait3A_36 = tpu.memref_slice %arg4[%dma_wait3A_29, %dma_wait3A_34, %dma_wait3A_35] : memref<20x1000x4096xf32, #tpu.memory_space<hbm>> -> memref<1x8x4096xf32, #tpu.memory_space<hbm>>
    %dma_wait3A_37 = tpu.memref_squeeze %dma_wait3A_36 : memref<1x8x4096xf32, #tpu.memory_space<hbm>> -> memref<8x4096xf32, #tpu.memory_space<hbm>>
    tpu.wait_dma2 semaphore(%arg10 : memref<!tpu.dma_semaphore, #tpu.memory_space<semaphore_mem>>) src(%arg8 : memref<8x4096xf32, #tpu.memory_space<vmem>>) dst(%dma_wait3A_37 : memref<8x4096xf32, #tpu.memory_space<hbm>>)
    return
  }
}

module attributes {stable_mosaic.version = 14 : i64} {
  func.func @_table_body(%arg0: memref<1000x1000xf32, #tpu.memory_space<vmem>>, %arg1: memref<1000x1000xf32, #tpu.memory_space<vmem>>) attributes {dimension_semantics = [], scalar_prefetch = 0 : i64, scratch_operands = 0 : i64, tpu.core_type = #tpu.core_type<tc>} {
    %get3A = arith.constant 0 : index
    %get3A_0 = arith.constant 0 : index
    %get3A_1 = vector.load %arg0[%get3A, %get3A_0] : memref<1000x1000xf32, #tpu.memory_space<vmem>>, vector<1000x1000xf32>
    %add3A = arith.constant 1.000000e+00 : f32
    %add3A_2 = vector.broadcast %add3A : f32 to vector<1000x1000xf32>
    %add3A_3 = arith.addf %get3A_1, %add3A_2 : vector<1000x1000xf32>
    %reduce_sum3A = arith.constant dense<0.000000e+00> : vector<1000xf32>
    %reduce_sum3A_4 = vector.multi_reduction <add>, %add3A_3, %reduce_sum3A [1] : vector<1000x1000xf32> to vector<1000xf32>
    %broadcast_in_dim3A = vector.shape_cast %reduce_sum3A_4 : vector<1000xf32> to vector<1000x1xf32>
    %div3A = vector.broadcast %broadcast_in_dim3A : vector<1000x1xf32> to vector<1000x1000xf32>
    %div3A_5 = arith.divf %add3A_3, %div3A : vector<1000x1000xf32>
    %log3A = math.log %div3A_5 : vector<1000x1000xf32>
    %max3A = arith.constant -1.000000e+06 : f32
    %max3A_6 = vector.broadcast %max3A : f32 to vector<1000x1000xf32>
    %max3A_7 = arith.maximumf %log3A, %max3A_6 : vector<1000x1000xf32>
    %transpose3A = tpu.transpose %max3A_7, [1, 0] : vector<1000x1000xf32> -> vector<1000x1000xf32>
    %swap3A = arith.constant 0 : index
    %swap3A_8 = arith.constant 0 : index
    %swap3A_9 = vector.load %arg1[%swap3A, %swap3A_8] : memref<1000x1000xf32, #tpu.memory_space<vmem>>, vector<1000x1000xf32>
    tpu.vector_store %arg1[%swap3A, %swap3A_8], %transpose3A {strides = array<i32>} : memref<1000x1000xf32, #tpu.memory_space<vmem>>, vector<1000x1000xf32>,
    return
  }
}

</mosaic_0001>

<sc_bundles>
// kernel: kernel.4.cloned.1.call-start
scs
__scs_entry_jumppad:
0x0: {  	(pc) =	sbr.rel $0x88, $3  }
0x1: {  	(tag) =	ssettag $0x0;
	lr =	simm.s32 $0x1  }
0x2: {  	[smem:$0x3F9F] =	sst lr;
	_ =	strace $0xD0000000  }
0x3: {  	_ = 	snop  }
0x4: {  	_ = 	snop  }
0x5: {  	_ = 	snop  }
0x6: {  	_ = 	snop  }
0x7: {  	_ = 	snop  }
__scs_overlays_trampoline_lowered:
0x8: {  	[smem:$0x3FAE] =	sst s0  }
0x9: {  	[smem:$0x3FAF] =	sst s1  }
0xa: {  	[smem:$0x3FB0] =	sst s2  }
0xb: {  	[smem:$0x3FB1] =	sst s3  }
0xc: {  	[smem:$0x3FB2] =	sst s4  }
0xd: {  	[smem:$0x3FB3] =	sst s5  }
0xe: {  	[smem:$0x3FB4] =	sst s6  }
0xf: {  	[smem:$0x3FB5] =	sst s7  }
0x10: {  	[smem:$0x3FB6] =	sst s8  }
0x11: {  	[smem:$0x3FB7] =	sst s9;
	s0 =	simm.s32 @!p0 $0x0  }
0x12: {  	s1 =	sld [smem:$0x3F9D];
	s0 =	simm.s32 @p0 $0x1  }
0x13: {  	[smem:$0x3FB8] =	sst s0;
	s0 =	simm.s32 @!p1 $0x0  }
0x14: {  	s2 =	sld [smem:$0x3F9C];
	s0 =	simm.s32 @p1 $0x1  }
0x15: {  	[smem:$0x3FB9] =	sst s0;
	s0 =	simm.s32 @!p2 $0x0  }
0x16: {  	s3 =	sld [smem:$0x3FDB];
	s0 =	simm.s32 @p2 $0x1  }
0x17: {  	s4 =	simm.s32 $0x1BF5;
	[smem:$0x3FBB] =	sst s0  }
0x18: {  	s0 =	sld [smem:$0x3F9E];
	_ =	swait.ge [sflag:s4], $0x0  }
0x19: {  	s7 =	sld [smem:$0x3F9F]  }
0x1a: {  	s8 =	sadd.s32 $0xFFFFE003, lr  }
0x1b: {  	s9 =	sadd.s32 $0xFFFFFEF7, lr;
	s5 =	simm.s32 $0xFFFFFFFF;
	p2 =	slt.u32 s8, $0xFFFFF086  }
0x1c: {  	p1 =	slt.u32 s9, $0xF7A;
	s5 =	simm.s32 @!p2 $0x0  }
0x1d: {  	s5 =	simm.s32 @p1 $0x1;
	p0 =	seq.s32 s7, s2  }
0x1e: {  	s7 =	smul.u32 @!p0 $0xF7A, s2;
	p2 =	seq.s32 @!p0 s5, $0x0  }
0x1f: {  	s9 =	smul.u32 $0xF7A, s1;
	s8 =	simm.s32 @!p0 $0x1BF5;
	p2 =	por !p2, p0  }
0x20: {  	[sflag:s8] =	ssyncset.s32 @!p0 $0xFFFFF086;
	s6 =	sadd.s32 @!p0 s3, s7;
	s7 =	simm.s32 @!p0 $0x108  }
0x21: {  	s3 =	sadd.s32 s3, s9;
	s6 =	sadd.s32 @!p0 $0x88, s6;
	s7 =	simm.s32 @p2 $0x1082  }
0x22: {  	[simem:s7], [sflag:s8] =	dma.local @!p0 [hbm:s6], $0xF7A  }
0x23: {  	s9 =	sor.u32 $0xD0000000, s2;
	s6 =	simm.s32 $0x108;
	_ =	swait.ge @!p0 [sflag:s8], $0x0  }
0x24: {  	s3 =	sadd.s32 $0x88, s3;
	s6 =	simm.s32 @!p1 $0x1082;
	[sflag:s4] =	ssyncset.s32 $0xFFFFF086  }
0x25: {  	[simem:s6], [sflag:s4] =	dma.local [hbm:s3], $0xF7A  }
0x26: {  	[smem:$0x3F9F] =	sst s1;
	(tag) =	ssettag s2;
	_ =	strace s9  }
0x27: {  	s1 =	sld [smem:$0x3FAF]  }
0x28: {  	s2 =	sld [smem:$0x3FB0]  }
0x29: {  	s4 =	sld [smem:$0x3FB2]  }
0x2a: {  	p0 =	seq.s32 s5, $0x0;
	s5 =	sld [smem:$0x3FB3]  }
0x2b: {  	s6 =	sld [smem:$0x3FB4]  }
0x2c: {  	s7 =	sld [smem:$0x3FB5]  }
0x2d: {  	s3 =	simm.s32 $0x108;
	s8 =	sld [smem:$0x3FB6]  }
0x2e: {  	s3 =	simm.s32 @!p0 $0x1082;
	s9 =	sld [smem:$0x3FB7]  }
0x2f: {  	lr =	sadd.s32 s0, s3;
	s0 =	sld [smem:$0x3FAE]  }
0x30: {  	s3 =	sld [smem:$0x3FB1]  }
0x31: {  	[smem:$0x3FBA] =	sst s10  }
0x32: {  	s10 =	sld [smem:$0x3FB8];
	_ =	sdelay $0x3  }
0x33: {  	p0 =	seq.s32 s10, $0x1;
	s10 =	sld [smem:$0x3FBA];
	_ =	sdelay $0x3  }
0x34: {  	[smem:$0x3FBA] =	sst s10  }
0x35: {  	s10 =	sld [smem:$0x3FB9];
	_ =	sdelay $0x3  }
0x36: {  	p1 =	seq.s32 s10, $0x1;
	s10 =	sld [smem:$0x3FBA];
	_ =	sdelay $0x3  }
0x37: {  	[smem:$0x3FBA] =	sst s10  }
0x38: {  	s10 =	sld [smem:$0x3FBB]  }
0x39: {  	_ = 	snop;
	(pc) =	sbr.ind lr, $3  }
0x3a: {  	_ = 	snop  }
0x3b: {  	_ = 	snop  }
0x3c: {  	p2 =	seq.s32 s10, $0x1;
	s10 =	sld [smem:$0x3FBA]  }
0x3d: {  	_ =	shalt  }
0x3e: {  	_ =	shalt  }
0x3f: {  	_ =	shalt  }
0x40: {  	_ =	shalt  }
0x41: {  	_ =	shalt  }
0x42: {  	_ =	shalt  }
0x43: {  	_ =	shalt  }
0x44: {  	_ =	shalt  }
0x45: {  	_ =	shalt  }
0x46: {  	_ =	shalt  }
0x47: {  	_ =	shalt  }
0x48: {  	_ =	shalt  }
0x49: {  	_ =	shalt  }
0x4a: {  	_ =	shalt  }
0x4b: {  	_ =	shalt  }
0x4c: {  	_ =	shalt  }
0x4d: {  	_ =	shalt  }
0x4e: {  	_ =	shalt  }
0x4f: {  	_ =	shalt  }
0x50: {  	_ =	shalt  }
0x51: {  	_ =	shalt  }
0x52: {  	_ =	shalt  }
0x53: {  	_ =	shalt  }
0x54: {  	_ =	shalt  }
0x55: {  	_ =	shalt  }
0x56: {  	_ =	shalt  }
0x57: {  	_ =	shalt  }
0x58: {  	_ =	shalt  }
0x59: {  	_ =	shalt  }
0x5a: {  	_ =	shalt  }
0x5b: {  	_ =	shalt  }
0x5c: {  	_ =	shalt  }
0x5d: {  	_ =	shalt  }
0x5e: {  	_ =	shalt  }
0x5f: {  	_ =	shalt  }
0x60: {  	_ =	shalt  }
0x61: {  	_ =	shalt  }
0x62: {  	_ =	shalt  }
0x63: {  	_ =	shalt  }
0x64: {  	_ =	shalt  }
0x65: {  	_ =	shalt  }
0x66: {  	_ =	shalt  }
0x67: {  	_ =	shalt  }
0x68: {  	_ =	shalt  }
0x69: {  	_ =	shalt  }
0x6a: {  	_ =	shalt  }
0x6b: {  	_ =	shalt  }
0x6c: {  	_ =	shalt  }
0x6d: {  	_ =	shalt  }
0x6e: {  	_ =	shalt  }
0x6f: {  	_ =	shalt  }
0x70: {  	_ =	shalt  }
0x71: {  	_ =	shalt  }
0x72: {  	_ =	shalt  }
0x73: {  	_ =	shalt  }
0x74: {  	_ =	shalt  }
0x75: {  	_ =	shalt  }
0x76: {  	_ =	shalt  }
0x77: {  	_ =	shalt  }
0x78: {  	_ =	shalt  }
0x79: {  	_ =	shalt  }
0x7a: {  	_ =	shalt  }
0x7b: {  	_ =	shalt  }
0x7c: {  	_ =	shalt  }
0x7d: {  	_ =	shalt  }
0x7e: {  	_ =	shalt  }
0x7f: {  	_ =	shalt  }
0x80: {  	_ =	shalt  }
0x81: {  	_ =	shalt  }
0x82: {  	_ =	shalt  }
0x83: {  	_ =	shalt  }
0x84: {  	_ =	shalt  }
0x85: {  	_ =	shalt  }
0x86: {  	_ =	shalt  }
0x87: {  	_ =	shalt  }
.Lfunc_end0:
.L_simem_size_0:
called_computation_lowered:
.L_overlay_start_0:
0x88: {  	s2 =	sld [smem:$0x3FD9]  }
0x89: {  	s3 =	sld [smem:$0x3FFE];
	_ =	sdelay $0x1  }
0x8a: {  	s1 =	srdreg.scid  }
0x8b: {  	s0 =	sand.u32 $0x1, s1  }
0x8c: {  	s17 =	sshll.u32 s0, $0xA;
	s2 =	sadd.s32 s3, s2  }
0x8d: {  	s2 =	sadd.s32 s2, s17  }
0x8e: {  	[smem:$0x3FC6] =	sst s2  }
0x8f: {  	_ = 	snop  }
0x90: {  	s2 =	sld [smem:$0x3FD0];
	(tm) =	ssettm $0x1  }
0x91: {  	s18 =	sld [smem:$0x3FFB];
	_ =	sdelay $0x3  }
0x92: {  	_ =	strace s18  }
0x93: {  	s3 =	sld [smem:$0x3FFC];
	_ =	sdelay $0x3  }
0x94: {  	_ =	strace s3  }
0x95: {  	s3 =	sld [smem:$0x3FFD];
	_ =	sdelay $0x3  }
0x96: {  	_ =	strace s3  }
0x97: {  	_ =	strace $0x8FFFFFFF  }
0x98: {  	s19 =	sld [smem:$0x3FDB];
	_ =	sdelay $0x1  }
0x99: {  	s4 =	simm.s32 $_scs_section_size  }
0x9a: {  	s5 =	simm.s32 $_size__tile_overlayer_lowered;
	s6 =	simm.s32 $_tile_overlayer_lowered  }
0x9b: {  	s22 =	simm.s32 $0x1BFF;
	s21 =	sshll.u32 s6, $0x1;
	s3 =	sadd.s32 s4, s19  }
0x9c: {  	s7 =	simm.s32 $0x0;
	s20 =	sshll.u32 s5, $0x1;
	s5 =	sadd.s32 s21, s3  }
0x9d: {  	[timem:s7], [sflag:s22] =	dma.local [hbm:s5], s20  }
0x9e: {  	_ =	swait.ge [sflag:s22], s20  }
0x9f: {  	s4 =	ssub.s32 $0x0, s20;
	[sflag:s22] =	ssyncset.done $0x0  }
0xa0: {  	[sflag:s22] =	ssyncadd.s32 s4;
	_ =	sdelay $0x1  }
0xa1: {  	s23 =	simm.s32 $0x1B8B  }
0xa2: {  	_ =	swait.ge [sflag:s23], $0x1  }
0xa3: {  	[sflag:s23] =	ssyncset.done $0x0  }
0xa4: {  	s25 =	simm.s32 $0x1B8E;
	s24 =	sld [smem:$0x3FFE];
	[sflag:s23] =	ssyncadd.s32 $0xFFFFFFFF  }
0xa5: {  	s26 =	simm.s32 $execute0_lowered;
	[smem:$0x3FD2] =	sst s25  }
0xa6: {  	s5 =	sshll.u32 s26, $0x1;
	_ =	strace $0x80000046;
	[dreg:$0x1] =	wrdreg $0xFFFFFFFF  }
0xa7: {  	s28 =	simm.s32 $_size_execute0_lowered;
	s3 =	sadd.s32 s3, s5;
	[dreg:$0x0] =	wrdreg $0x0  }
0xa8: {  	s5 =	sshll.u32 s28, $0x1;
	[dreg:$0x2] =	wrdreg s3  }
0xa9: {  	[dreg:$0x3] =	wrdreg s5  }
0xaa: {  	[dreg:$0x4] =	wrdreg $0xC0  }
0xab: {  	_ =	task [dreg:s7], $0x5FFFF  }
0xac: {  	[dreg:$0x1] =	wrdreg $0xFFFFFFFF  }
0xad: {  	[dreg:$0x0] =	wrdreg $0x60  }
0xae: {  	[dreg:$0x2] =	wrdreg s24  }
0xaf: {  	[dreg:$0x3] =	wrdreg s2  }
0xb0: {  	[dreg:$0x4] =	wrdreg $0x9  }
0xb1: {  	_ =	task.clear_ibuf [dreg:s7], $0x5FFFF;
	_ =	strace $0x90000046  }
0xb2: {  	s29 =	simm.s32 $0x9;
	_ =	strace $0x80000048  }
0xb3: {  	_ =	swait.ge [sflag:s29], $0x1  }
0xb4: {  	[sflag:s29] =	ssyncadd.s32 $0xFFFFFFFF  }
0xb5: {  	_ =	strace $0x90000048  }
0xb6: {  	_ =	sfence  }
0xb7: {  	s30 =	sld [smem:$0x0];
	_ =	sdelay $0x2  }
0xb8: {  	s31 =	sshll.u32 s1, $0xD;
	s1 =	sshrl.u32 s1, $0x2  }
0xb9: {  	s3 =	sand.u32 $0x4000, s31;
	s1 =	sadd.s32 s1, s30  }
0xba: {  	s0 =	sor.u32 s3, s0;
	s1 =	sshll.u32 s1, $0x11  }
0xbb: {  	s0 =	sor.u32 s1, s0  }
0xbc: {  	s0 =	sadd.s32 $0x8F2B, s0  }
0xbd: {  	[sflag:s0] =	ssyncadd.remote.s32 $0x1  }
0xbe: {  	_ =	sfence.sel $0xFFFF  }
0xbf: {  	[dreg:$0x0] =	wrdreg $0xFFFFFFFF;
	(pc) =	sbr.abs _section_cstart, $3  }
0xc0: {  	[dreg:$0x1] =	wrdreg $0xFFFFFFFF  }
0xc1: {  	_ =	task.clear_ibuf [dreg:s7], $0x2FFFF;
	_ =	strace $0x9FFFFFFF  }
0xc2: {  	(tm) =	ssettm $0x7FFFFFFF  }
0xc3: {  	_ =	shalt  }
tec
execute0_lowered:
.L_overlay_start_1:
0x0: {  	(tag) =	ssettag $0x1  }
0x1: {  	s0 =	rddreg [dreg:$0x0]  }
0x2: {  	s1 =	srdreg.scid;
	s2 =	simm.s32 $0x0;
	s4 =	stileid.u32  }
0x3: {  	s7 =	sand.u32 $0x1, s1;
	[smem:$0x7FF] =	sst s2;
	s3 =	sadd.s32 $0x3000, s0  }
.Ltmp0:
0x4: {  	s0 =	sadd.s32 $0x800, s0;
	s1 =	ssub.s32 $0x2, s7;
	(pc) =	sbr.rel .LBB2_1-.Ltmp0, $4  }
0x5: {  	_ =	strace $0x80000047;
	[dreg:$0x3] =	wrdreg s3;
	s30 =	sshrl.u32 s1, $0x1  }
0x6: {  	[dreg:$0x4] =	wrdreg s0;
	s3 =	sshll.u32 s4, $0x1;
	s31 =	ssub.s32 s1, s30  }
0x7: {  	[dreg:$0x5] =	wrdreg s3;
	s0 =	smax.u32 s31, $0x1  }
0x8: {  	s10 =	simm.s32 $0x3;
	s4 =	simm.s32 $0x0;
	[dreg:$0x6] =	wrdreg s0  }
.LBB2_9:
0x9: {  	s0 =	simm.s32 $0x1  }
0xa: {  	_ =	swait.ge [sflag:s0], $0x8000  }
0xb: {  	[sflag:s0] =	ssyncset.done $0x0  }
0xc: {  	s1 =	simm.s32 $0x2;
	[sflag:s0] =	ssyncadd.s32 $0xFFFF8000  }
0xd: {  	_ =	swait.ge [sflag:s1], $0x8000  }
0xe: {  	s4 =	rddreg [dreg:$0x7]  }
0xf: {  	s31 =	rddreg [dreg:$0x6];
	s4 =	sadd.s32 $0x1, s4  }
0x10: {  	p0 =	sne.s32 s4, s31  }
.Ltmp1:
0x11: {  	_ = 	snop;
	(pc) =	sbr.rel @!p0 .LBB2_10-.Ltmp1, $3  }
0x12: {  	_ =	sdelay $0x1  }
0x13: {  	[sflag:s1] =	ssyncset.done $0x0  }
0x14: {  	[sflag:s1] =	ssyncadd.s32 $0xFFFF8000  }
.LBB2_1:
.Ltmp2:
0x15: {  	(pc) =	sbr.rel .LBB2_2-.Ltmp2, $2  }
0x16: {  	_ =	sdelay $0x2  }
0x17: {  	[dreg:$0x7] =	wrdreg s4;
	s16 =	simm.s32 $0x0  }
.LBB2_8:
0x18: {  	s16 =	sadd.s32 $0x1, s16  }
0x19: {  	p0 =	sne.s32 s16, $0x28  }
.Ltmp3:
0x1a: {  	_ = 	snop;
	(pc) =	sbr.rel @!p0 .LBB2_9-.Ltmp3, $1  }
0x1b: {  	_ =	sdelay $0x3  }
.LBB2_2:
0x1c: {  	s0 =	smul.u32 $0xCD, s16;
	_ =	sdelay $0x1  }
0x1d: {  	s0 =	sshrl.u32 s0, $0xB  }
0x1e: {  	s0 =	sand.u32 $0x1F, s0  }
0x1f: {  	s1 =	sshll.u32 s0, $0x5  }
0x20: {  	s1 =	sor.u32 s1, s3  }
0x21: {  	s18 =	sor.u32 s7, s1  }
0x22: {  	p0 =	sgt.u32 s18, $0x7C  }
.Ltmp4:
0x23: {  	_ = 	snop;
	(pc) =	sbr.rel @p0 .LBB2_8-.Ltmp4, $1  }
0x24: {  	_ =	sdelay $0x3  }
0x25: {  	s0 =	smul.u32 $0xFFFFFFEC, s0  }
0x26: {  	s1 =	sshll.u32 s16, $0x1  }
0x27: {  	s17 =	sadd.s32 s1, s0  }
0x28: {  	p0 =	sne.s32 s17, $0x0  }
0x29: {  	s1 =	rddreg [dreg:$0x3];
	s0 =	sshll.u32 @!p0 s18, $0xA  }
0x2a: {  	s0 =	sadd.s32 @!p0 s1, s0;
	s1 =	simm.s32 @!p0 $0x0  }
0x2b: {  	[tilespmem:s1], [sflag:$0x3] =	stream.linear.gather @!p0 [hbm4b:s0+s1], $0x2000, $0x38;
	[tilespmem:$0x13000] =	vst v63  }
0x2c: {  	s0 =	simm.s32 @!p0 $0x3  }
0x2d: {  	s15 =	sshll.u32 s17, $0x9;
	_ =	swait.ge @!p0 [sflag:s0], $0x2000  }
0x2e: {  	s1 =	sand.u32 $0x1FFFFC00, s15;
	[sflag:s0] =	ssyncset.done @!p0 $0x0;
	s19 =	rddreg [dreg:$0x4]  }
0x2f: {  	s20 =	simm.s32 $0x2000;
	[sflag:s0] =	ssyncadd.s32 @!p0 $0xFFFFE000;
	s0 =	sadd.s32 s19, s1  }
0x30: {  	[tilespmem:s20], [sflag:$0x3] =	stream.linear.gather [hbm4b:s0+s2], $0x1000, $0x38;
	[tilespmem:$0x13000] =	vst v63  }
0x31: {  	_ =	swait.ge [sflag:s10], $0x1000  }
0x32: {  	p0 =	seq.s32 s16, $0x0;
	[sflag:s10] =	ssyncset.done $0x0  }
0x33: {  	s0 =	simm.s32 @!p0 $0x1;
	[sflag:s10] =	ssyncadd.s32 $0xFFFFF000  }
0x34: {  	_ =	swait.ge @!p0 [sflag:s0], $0x8000  }
0x35: {  	[sflag:s0] =	ssyncset.done @!p0 $0x0  }
0x36: {  	[sflag:s0] =	ssyncadd.s32 @!p0 $0xFFFF8000;
	s0 =	simm.s32 $0x0  }
0x37: {  	v0 =	vld [tilespmem:s0+$0x2000];
	_ =	sdelay $0x4  }
0x38: {  	v1 =	vshll.u32 v0, $0x3  }
0x39: {  	v0 =	vand.u32 $0x7F, v0;
	v1 =	vand.u32 $0xFFFFFC00, v1  }
0x3a: {  	v0 =	vor.u32 v0, v1;
	_ =	sdelay $0x4  }
0x3b: {  	v1 =	vld.idx.msk [tilespmem:v0+s2+$0x0], $0xffff  }
0x3c: {  	v2 =	vor.u32 $0x80, v0;
	_ =	sdelay $0x1  }
0x3d: {  	s21 =	simm.s32 $0x0  }
0x3e: {  	s19 =	sand.u32 $0x3FFFFFF8, s21  }
0x3f: {  	[tilespmem:s19+$0x3000] =	vst v1  }
0x40: {  	v1 =	vld.idx.msk [tilespmem:v2+s2+$0x0], $0xffff  }
0x41: {  	v2 =	vor.u32 $0x100, v0;
	_ =	sdelay $0x3  }
0x42: {  	[tilespmem:s19+$0x3080] =	vst v1  }
0x43: {  	v1 =	vld.idx.msk [tilespmem:v2+s2+$0x0], $0xffff  }
0x44: {  	v2 =	vor.u32 $0x180, v0;
	_ =	sdelay $0x3  }
0x45: {  	[tilespmem:s19+$0x3100] =	vst v1  }
0x46: {  	v1 =	vld.idx.msk [tilespmem:v2+s2+$0x0], $0xffff  }
0x47: {  	v2 =	vor.u32 $0x200, v0;
	_ =	sdelay $0x3  }
0x48: {  	[tilespmem:s19+$0x3180] =	vst v1  }
0x49: {  	v1 =	vld.idx.msk [tilespmem:v2+s2+$0x0], $0xffff  }
0x4a: {  	v2 =	vor.u32 $0x280, v0;
	_ =	sdelay $0x3  }
0x4b: {  	[tilespmem:s19+$0x3200] =	vst v1  }
0x4c: {  	v1 =	vld.idx.msk [tilespmem:v2+s2+$0x0], $0xffff  }
0x4d: {  	v2 =	vor.u32 $0x300, v0;
	_ =	sdelay $0x3  }
0x4e: {  	[tilespmem:s19+$0x3280] =	vst v1  }
0x4f: {  	v1 =	vld.idx.msk [tilespmem:v2+s2+$0x0], $0xffff  }
0x50: {  	v0 =	vor.u32 $0x380, v0;
	_ =	sdelay $0x3  }
0x51: {  	[tilespmem:s19+$0x3300] =	vst v1  }
0x52: {  	v0 =	vld.idx.msk [tilespmem:v0+s2+$0x0], $0xffff;
	_ =	sdelay $0x4  }
0x53: {  	[tilespmem:s19+$0x3380] =	vst v0  }
0x54: {  	v0 =	vld [tilespmem:s0+$0x2010];
	_ =	sdelay $0x4  }
0x55: {  	v1 =	vshll.u32 v0, $0x3  }
0x56: {  	v0 =	vand.u32 $0x7F, v0;
	v1 =	vand.u32 $0xFFFFFC00, v1  }
0x57: {  	v0 =	vor.u32 v0, v1;
	_ =	sdelay $0x4  }
0x58: {  	v1 =	vld.idx.msk [tilespmem:v0+s2+$0x0], $0xffff  }
0x59: {  	v2 =	vor.u32 $0x80, v0;
	_ =	sdelay $0x3  }
0x5a: {  	[tilespmem:s19+$0x3010] =	vst v1  }
0x5b: {  	v1 =	vld.idx.msk [tilespmem:v2+s2+$0x0], $0xffff  }
0x5c: {  	v2 =	vor.u32 $0x100, v0;
	_ =	sdelay $0x3  }
0x5d: {  	[tilespmem:s19+$0x3090] =	vst v1  }
0x5e: {  	v1 =	vld.idx.msk [tilespmem:v2+s2+$0x0], $0xffff  }
0x5f: {  	v2 =	vor.u32 $0x180, v0;
	_ =	sdelay $0x3  }
0x60: {  	[tilespmem:s19+$0x3110] =	vst v1  }
0x61: {  	v1 =	vld.idx.msk [tilespmem:v2+s2+$0x0], $0xffff  }
0x62: {  	v2 =	vor.u32 $0x200, v0;
	_ =	sdelay $0x3  }
0x63: {  	[tilespmem:s19+$0x3190] =	vst v1  }
0x64: {  	v1 =	vld.idx.msk [tilespmem:v2+s2+$0x0], $0xffff  }
0x65: {  	v2 =	vor.u32 $0x280, v0;
	_ =	sdelay $0x3  }
0x66: {  	[tilespmem:s19+$0x3210] =	vst v1  }
0x67: {  	v1 =	vld.idx.msk [tilespmem:v2+s2+$0x0], $0xffff  }
0x68: {  	v2 =	vor.u32 $0x300, v0;
	_ =	sdelay $0x3  }
0x69: {  	[tilespmem:s19+$0x3290] =	vst v1  }
0x6a: {  	v1 =	vld.idx.msk [tilespmem:v2+s2+$0x0], $0xffff  }
0x6b: {  	v0 =	vor.u32 $0x380, v0;
	_ =	sdelay $0x3  }
0x6c: {  	[tilespmem:s19+$0x3310] =	vst v1  }
0x6d: {  	v0 =	vld.idx.msk [tilespmem:v0+s2+$0x0], $0xffff;
	_ =	sdelay $0x4  }
0x6e: {  	[tilespmem:s19+$0x3390] =	vst v0  }
0x6f: {  	v0 =	vld [tilespmem:s0+$0x2020];
	_ =	sdelay $0x4  }
0x70: {  	v1 =	vshll.u32 v0, $0x3  }
0x71: {  	v0 =	vand.u32 $0x7F, v0;
	v1 =	vand.u32 $0xFFFFFC00, v1  }
0x72: {  	v0 =	vor.u32 v0, v1;
	_ =	sdelay $0x4  }
0x73: {  	v1 =	vld.idx.msk [tilespmem:v0+s2+$0x0], $0xffff  }
0x74: {  	v2 =	vor.u32 $0x80, v0;
	_ =	sdelay $0x3  }
0x75: {  	[tilespmem:s19+$0x3020] =	vst v1  }
0x76: {  	v1 =	vld.idx.msk [tilespmem:v2+s2+$0x0], $0xffff  }
0x77: {  	v2 =	vor.u32 $0x100, v0;
	_ =	sdelay $0x3  }
0x78: {  	[tilespmem:s19+$0x30A0] =	vst v1  }
0x79: {  	v1 =	vld.idx.msk [tilespmem:v2+s2+$0x0], $0xffff  }
0x7a: {  	v2 =	vor.u32 $0x180, v0;
	_ =	sdelay $0x3  }
0x7b: {  	[tilespmem:s19+$0x3120] =	vst v1  }
0x7c: {  	v1 =	vld.idx.msk [tilespmem:v2+s2+$0x0], $0xffff  }
0x7d: {  	v2 =	vor.u32 $0x200, v0  }
0x7e: {  	v3 =	vld [tilespmem:s0+$0x21C0];
	_ =	sdelay $0x2  }
0x7f: {  	v7 =	vld [tilespmem:s0+$0x20C0];
	[tilespmem:s19+$0x31A0] =	vst v1  }
0x80: {  	v1 =	vld.idx.msk [tilespmem:v2+s2+$0x0], $0xffff  }
0x81: {  	v6 =	vshll.u32 v3, $0x3;
	v4 =	vor.u32 $0x280, v0;
	v2 =	vld [tilespmem:s0+$0x2040]  }
0x82: {  	v3 =	vand.u32 $0x7F, v3;
	v6 =	vand.u32 $0xFFFFFC00, v6  }
0x83: {  	v5 =	vld [tilespmem:s0+$0x2080];
	v8 =	vor.u32 v3, v6  }
0x84: {  	v6 =	vld [tilespmem:s0+$0x2100]  }
0x85: {  	v12 =	vshll.u32 v7, $0x3;
	[tilespmem:s19+$0x3220] =	vst v1;
	v1 =	vld [tilespmem:s0+$0x2140]  }
0x86: {  	v7 =	vand.u32 $0x7F, v7;
	v12 =	vand.u32 $0xFFFFFC00, v12;
	v3 =	vshll.u32 v2, $0x3;
	v10 =	vld.idx.msk [tilespmem:v4+s2+$0x0], $0xffff  }
0x87: {  	v11 =	vld [tilespmem:s0+$0x2180];
	v9 =	vor.u32 $0x300, v0;
	v2 =	vand.u32 $0x7F, v2;
	v3 =	vand.u32 $0xFFFFFC00, v3  }
0x88: {  	v14 =	vor.u32 $0x80, v8;
	v13 =	vld.idx.msk [tilespmem:v8+s2+$0x0], $0xffff;
	v4 =	vshll.u32 v5, $0x3;
	v3 =	vor.u32 v2, v3  }
0x89: {  	v5 =	vand.u32 $0x7F, v5;
	v4 =	vand.u32 $0xFFFFFC00, v4;
	v2 =	vshll.u32 v6, $0x3  }
0x8a: {  	v6 =	vand.u32 $0x7F, v6;
	v2 =	vand.u32 $0xFFFFFC00, v2;
	v4 =	vor.u32 v5, v4  }
0x8b: {  	s8 =	sor.u32 $0xC00, s21;
	v5 =	vor.u32 v7, v12;
	v7 =	vor.u32 v6, v2;
	v15 =	vshll.u32 v1, $0x3;
	[tilespmem:s19+$0x32A0] =	vst v10  }
0x8c: {  	s9 =	sand.u32 $0x7C00, s8;
	v12 =	vand.u32 $0x7F, v1;
	v15 =	vand.u32 $0xFFFFFC00, v15;
	v10 =	vshll.u32 v11, $0x3;
	v1 =	vld.idx.msk [tilespmem:v9+s2+$0x0], $0xffff  }
0x8d: {  	[tilespmem:s9+$0x3040] =	vst v13;
	v2 =	vand.u32 $0x7F, v11;
	v9 =	vand.u32 $0xFFFFFC00, v10;
	v6 =	vor.u32 v12, v15;
	v10 =	vld.idx.msk [tilespmem:v3+s2+$0x0], $0xffff  }
0x8e: {  	v2 =	vor.u32 v2, v9;
	v9 =	vld.idx.msk [tilespmem:v14+s2+$0x0], $0xffff  }
0x8f: {  	v11 =	vor.u32 $0x80, v3;
	v12 =	vld.idx.msk [tilespmem:v4+s2+$0x0], $0xffff  }
0x90: {  	v13 =	vld.idx.msk [tilespmem:v5+s2+$0x0], $0xffff;
	v14 =	vor.u32 $0x100, v8  }
0x91: {  	v15 =	vor.u32 $0x80, v4;
	v16 =	vld.idx.msk [tilespmem:v7+s2+$0x0], $0xffff  }
0x92: {  	v17 =	vor.u32 $0x80, v5;
	v18 =	vld.idx.msk [tilespmem:v6+s2+$0x0], $0xffff  }
0x93: {  	s3 =	sor.u32 $0x400, s21;
	v19 =	vor.u32 $0x80, v7;
	[tilespmem:s19+$0x3040] =	vst v10;
	v10 =	vld.idx.msk [tilespmem:v2+s2+$0x0], $0xffff  }
0x94: {  	s5 =	sand.u32 $0x3FFFFFF8, s3;
	v20 =	vor.u32 $0x80, v6;
	v11 =	vld.idx.msk [tilespmem:v11+s2+$0x0], $0xffff;
	[tilespmem:s9+$0x30C0] =	vst v9  }
0x95: {  	s4 =	sor.u32 $0x800, s21;
	s3 =	sand.u32 $0x7400, s3;
	v9 =	vor.u32 $0x80, v2;
	[tilespmem:s5+$0x3000] =	vst v12;
	v12 =	vld.idx.msk [tilespmem:v14+s2+$0x0], $0xffff  }
0x96: {  	s6 =	sand.u32 $0x3FFFFFF8, s4;
	[tilespmem:s3+$0x3040] =	vst v13;
	v14 =	vor.u32 $0x100, v3;
	v15 =	vld.idx.msk [tilespmem:v15+s2+$0x0], $0xffff  }
0x97: {  	s4 =	sand.u32 $0x7800, s4;
	v13 =	vld.idx.msk [tilespmem:v17+s2+$0x0], $0xffff;
	[tilespmem:s6+$0x3000] =	vst v16;
	v16 =	vor.u32 $0x180, v8  }
0x98: {  	s8 =	sand.u32 $0x3FFFFFF8, s8;
	v17 =	vor.u32 $0x100, v4;
	v19 =	vld.idx.msk [tilespmem:v19+s2+$0x0], $0xffff;
	[tilespmem:s4+$0x3040] =	vst v18  }
0x99: {  	v18 =	vor.u32 $0x100, v5;
	v20 =	vld.idx.msk [tilespmem:v20+s2+$0x0], $0xffff;
	[tilespmem:s8+$0x3000] =	vst v10  }
0x9a: {  	v10 =	vor.u32 $0x100, v7;
	[tilespmem:s19+$0x30C0] =	vst v11;
	v9 =	vld.idx.msk [tilespmem:v9+s2+$0x0], $0xffff  }
0x9b: {  	v11 =	vor.u32 $0x100, v6;
	v14 =	vld.idx.msk [tilespmem:v14+s2+$0x0], $0xffff;
	[tilespmem:s9+$0x3140] =	vst v12  }
0x9c: {  	v12 =	vor.u32 $0x100, v2;
	[tilespmem:s5+$0x3080] =	vst v15;
	v15 =	vld.idx.msk [tilespmem:v16+s2+$0x0], $0xffff  }
0x9d: {  	[tilespmem:s3+$0x30C0] =	vst v13;
	v16 =	vor.u32 $0x180, v3;
	v17 =	vld.idx.msk [tilespmem:v17+s2+$0x0], $0xffff  }
0x9e: {  	[tilespmem:s6+$0x3080] =	vst v19;
	v19 =	vor.u32 $0x180, v4;
	v13 =	vld.idx.msk [tilespmem:v18+s2+$0x0], $0xffff  }
0x9f: {  	v18 =	vor.u32 $0x200, v8;
	v10 =	vld.idx.msk [tilespmem:v10+s2+$0x0], $0xffff;
	[tilespmem:s4+$0x30C0] =	vst v20  }
0xa0: {  	v20 =	vor.u32 $0x180, v5;
	v11 =	vld.idx.msk [tilespmem:v11+s2+$0x0], $0xffff;
	[tilespmem:s8+$0x3080] =	vst v9  }
0xa1: {  	v9 =	vor.u32 $0x180, v7;
	[tilespmem:s19+$0x3140] =	vst v14;
	v12 =	vld.idx.msk [tilespmem:v12+s2+$0x0], $0xffff  }
0xa2: {  	v14 =	vor.u32 $0x180, v6;
	v16 =	vld.idx.msk [tilespmem:v16+s2+$0x0], $0xffff;
	[tilespmem:s5+$0x3100] =	vst v17  }
0xa3: {  	[tilespmem:s9+$0x31C0] =	vst v15;
	v15 =	vor.u32 $0x180, v2;
	v19 =	vld.idx.msk [tilespmem:v19+s2+$0x0], $0xffff  }
0xa4: {  	v17 =	vld.idx.msk [tilespmem:v18+s2+$0x0], $0xffff;
	v18 =	vor.u32 $0x200, v3;
	[tilespmem:s3+$0x3140] =	vst v13  }
0xa5: {  	v13 =	vld.idx.msk [tilespmem:v20+s2+$0x0], $0xffff;
	[tilespmem:s6+$0x3100] =	vst v10;
	v10 =	vor.u32 $0x280, v8  }
0xa6: {  	v20 =	vor.u32 $0x200, v4;
	v9 =	vld.idx.msk [tilespmem:v9+s2+$0x0], $0xffff;
	[tilespmem:s4+$0x3140] =	vst v11  }
0xa7: {  	v11 =	vor.u32 $0x200, v5;
	v14 =	vld.idx.msk [tilespmem:v14+s2+$0x0], $0xffff;
	[tilespmem:s8+$0x3100] =	vst v12  }
0xa8: {  	v12 =	vor.u32 $0x200, v7;
	[tilespmem:s19+$0x31C0] =	vst v16;
	v15 =	vld.idx.msk [tilespmem:v15+s2+$0x0], $0xffff  }
0xa9: {  	v16 =	vor.u32 $0x200, v6;
	v18 =	vld.idx.msk [tilespmem:v18+s2+$0x0], $0xffff;
	[tilespmem:s21+$0x3E40] =	vst v17  }
0xaa: {  	[tilespmem:s5+$0x3180] =	vst v19;
	v17 =	vor.u32 $0x200, v2;
	v10 =	vld.idx.msk [tilespmem:v10+s2+$0x0], $0xffff  }
0xab: {  	v19 =	vor.u32 $0x280, v3;
	v20 =	vld.idx.msk [tilespmem:v20+s2+$0x0], $0xffff;
	[tilespmem:s3+$0x31C0] =	vst v13  }
0xac: {  	v11 =	vld.idx.msk [tilespmem:v11+s2+$0x0], $0xffff;
	[tilespmem:s6+$0x3180] =	vst v9;
	v9 =	vor.u32 $0x300, v8  }
0xad: {  	v13 =	vor.u32 $0x280, v4;
	v12 =	vld.idx.msk [tilespmem:v12+s2+$0x0], $0xffff;
	[tilespmem:s4+$0x31C0] =	vst v14  }
0xae: {  	v14 =	vor.u32 $0x280, v5;
	v16 =	vld.idx.msk [tilespmem:v16+s2+$0x0], $0xffff;
	[tilespmem:s8+$0x3180] =	vst v15  }
0xaf: {  	s24 =	sor.u32 $0xEC0, s21;
	v15 =	vor.u32 $0x280, v7;
	[tilespmem:s19+$0x3240] =	vst v18;
	v17 =	vld.idx.msk [tilespmem:v17+s2+$0x0], $0xffff  }
0xb0: {  	v18 =	vor.u32 $0x280, v6;
	v19 =	vld.idx.msk [tilespmem:v19+s2+$0x0], $0xffff;
	[tilespmem:s24+$0x3000] =	vst v10  }
0xb1: {  	v10 =	vor.u32 $0x280, v2;
	[tilespmem:s5+$0x3200] =	vst v20;
	v9 =	vld.idx.msk [tilespmem:v9+s2+$0x0], $0xffff  }
0xb2: {  	v20 =	vor.u32 $0x300, v3;
	v13 =	vld.idx.msk [tilespmem:v13+s2+$0x0], $0xffff;
	[tilespmem:s21+$0x3640] =	vst v11  }
0xb3: {  	v8 =	vor.u32 $0x380, v8;
	v11 =	vld.idx.msk [tilespmem:v14+s2+$0x0], $0xffff;
	[tilespmem:s6+$0x3200] =	vst v12  }
0xb4: {  	v12 =	vor.u32 $0x300, v4;
	v14 =	vld.idx.msk [tilespmem:v15+s2+$0x0], $0xffff;
	[tilespmem:s21+$0x3A40] =	vst v16  }
0xb5: {  	v15 =	vor.u32 $0x300, v5;
	v16 =	vld.idx.msk [tilespmem:v18+s2+$0x0], $0xffff;
	[tilespmem:s8+$0x3200] =	vst v17  }
0xb6: {  	s25 =	sor.u32 $0xF40, s21;
	v17 =	vor.u32 $0x300, v7;
	[tilespmem:s19+$0x32C0] =	vst v19;
	v10 =	vld.idx.msk [tilespmem:v10+s2+$0x0], $0xffff  }
0xb7: {  	v18 =	vor.u32 $0x300, v6;
	v19 =	vld.idx.msk [tilespmem:v20+s2+$0x0], $0xffff;
	[tilespmem:s25+$0x3000] =	vst v9  }
0xb8: {  	s26 =	sor.u32 $0x6C0, s21;
	v9 =	vor.u32 $0x300, v2;
	[tilespmem:s5+$0x3280] =	vst v13;
	v8 =	vld.idx.msk [tilespmem:v8+s2+$0x0], $0xffff  }
0xb9: {  	v3 =	vor.u32 $0x380, v3;
	v12 =	vld.idx.msk [tilespmem:v12+s2+$0x0], $0xffff;
	[tilespmem:s26+$0x3000] =	vst v11  }
0xba: {  	s4 =	sor.u32 $0xAC0, s21;
	v11 =	vld.idx.msk [tilespmem:v15+s2+$0x0], $0xffff;
	[tilespmem:s6+$0x3280] =	vst v14  }
0xbb: {  	s11 =	simm.s32 $0x0;
	v4 =	vor.u32 $0x380, v4;
	v13 =	vld.idx.msk [tilespmem:v17+s2+$0x0], $0xffff;
	[tilespmem:s4+$0x3000] =	vst v16  }
0xbc: {  	s12 =	sor.u32 $0x3, s11;
	v5 =	vor.u32 $0x380, v5;
	v14 =	vld.idx.msk [tilespmem:v18+s2+$0x0], $0xffff;
	[tilespmem:s8+$0x3280] =	vst v10  }
0xbd: {  	s13 =	sor.u32 $0xFC0, s21;
	s9 =	sshll.u32 s12, $0x7;
	v7 =	vor.u32 $0x380, v7;
	[tilespmem:s19+$0x3340] =	vst v19;
	v9 =	vld.idx.msk [tilespmem:v9+s2+$0x0], $0xffff  }
0xbe: {  	s3 =	sand.u32 $0x3FFFFF80, s9;
	v6 =	vor.u32 $0x380, v6;
	v3 =	vld.idx.msk [tilespmem:v3+s2+$0x0], $0xffff;
	[tilespmem:s13+$0x3000] =	vst v8  }
0xbf: {  	s14 =	sor.u32 $0x740, s21;
	[tilespmem:s5+$0x3300] =	vst v12;
	v8 =	vld [tilespmem:s3+$0x2050]  }
0xc0: {  	v2 =	vor.u32 $0x380, v2;
	v4 =	vld.idx.msk [tilespmem:v4+s2+$0x0], $0xffff;
	[tilespmem:s14+$0x3000] =	vst v11  }
0xc1: {  	s15 =	sor.u32 $0xB40, s21;
	v5 =	vld.idx.msk [tilespmem:v5+s2+$0x0], $0xffff;
	[tilespmem:s6+$0x3300] =	vst v13  }
0xc2: {  	v10 =	vld.idx.msk [tilespmem:v7+s2+$0x0], $0xffff;
	[tilespmem:s15+$0x3000] =	vst v14  }
0xc3: {  	s20 =	sor.u32 $0x1, s11;
	v6 =	vld.idx.msk [tilespmem:v6+s2+$0x0], $0xffff;
	[tilespmem:s19+$0x33C0] =	vst v3  }
0xc4: {  	s22 =	sshll.u32 s20, $0x7;
	v0 =	vor.u32 $0x380, v0;
	[tilespmem:s8+$0x3300] =	vst v9;
	v3 =	vshll.u32 v8, $0x3;
	v9 =	vld [tilespmem:s0+$0x2050]  }
0xc5: {  	s11 =	sor.u32 $0x2, s11;
	s4 =	sand.u32 $0x3FFFFF80, s22;
	s13 =	sor.u32 $0x7C0, s21;
	v2 =	vld.idx.msk [tilespmem:v2+s2+$0x0], $0xffff;
	v7 =	vand.u32 $0x7F, v8;
	[tilespmem:s5+$0x3380] =	vst v4;
	v3 =	vand.u32 $0xFFFFFC00, v3  }
0xc6: {  	s23 =	sshll.u32 s11, $0x7;
	[tilespmem:s13+$0x3000] =	vst v5;
	v7 =	vor.u32 v7, v3;
	v3 =	vld [tilespmem:s4+$0x2010]  }
0xc7: {  	s5 =	sand.u32 $0x3FFFFF80, s23;
	v4 =	vld [tilespmem:s4+$0x2050];
	[tilespmem:s6+$0x3380] =	vst v10  }
0xc8: {  	s1 =	sor.u32 $0xBC0, s21;
	[tilespmem:s19+$0x3320] =	vst v1;
	v5 =	vld [tilespmem:s5+$0x2010]  }
0xc9: {  	v0 =	vld.idx.msk [tilespmem:v0+s2+$0x0], $0xffff;
	[tilespmem:s1+$0x3000] =	vst v6;
	v1 =	vshll.u32 v9, $0x3  }
0xca: {  	v8 =	vld [tilespmem:s5+$0x2050];
	[tilespmem:s8+$0x3380] =	vst v2;
	v6 =	vand.u32 $0x7F, v9;
	v1 =	vand.u32 $0xFFFFFC00, v1  }
0xcb: {  	v11 =	vor.u32 $0x80, v7;
	v9 =	vld [tilespmem:s3+$0x2010];
	v1 =	vor.u32 v6, v1;
	v6 =	vand.u32 $0x7F, v3  }
0xcc: {  	v2 =	vld.idx.msk [tilespmem:v7+s2+$0x0], $0xffff;
	v3 =	vshll.u32 v3, $0x3;
	v10 =	vshll.u32 v4, $0x3;
	v12 =	vand.u32 $0x7F, v4  }
0xcd: {  	v3 =	vand.u32 $0xFFFFFC00, v3;
	v10 =	vand.u32 $0xFFFFFC00, v10;
	v13 =	vshll.u32 v5, $0x3  }
0xce: {  	v14 =	vand.u32 $0x7F, v5;
	v4 =	vor.u32 v6, v3;
	v3 =	vand.u32 $0xFFFFFC00, v13  }
0xcf: {  	[tilespmem:s19+$0x33A0] =	vst v0;
	s24 =	sshll.u32 s12, $0xA;
	v6 =	vshll.u32 v8, $0x3;
	v5 =	vor.u32 v12, v10;
	v8 =	vand.u32 $0x7F, v8  }
0xd0: {  	v0 =	vld [tilespmem:s0+$0x2030];
	s21 =	sand.u32 $0x3FFFFC00, s24;
	v10 =	vand.u32 $0xFFFFFC00, v6;
	v6 =	vor.u32 v14, v3;
	v3 =	vshll.u32 v9, $0x3  }
0xd1: {  	v9 =	vand.u32 $0x7F, v9;
	v3 =	vand.u32 $0xFFFFFC00, v3;
	[tilespmem:s21+$0x3050] =	vst v2;
	v2 =	vor.u32 v8, v10;
	v10 =	vld.idx.msk [tilespmem:v1+s2+$0x0], $0xffff  }
0xd2: {  	v3 =	vor.u32 v9, v3;
	v8 =	vld.idx.msk [tilespmem:v11+s2+$0x0], $0xffff  }
0xd3: {  	v12 =	vor.u32 $0x80, v1;
	v9 =	vld.idx.msk [tilespmem:v4+s2+$0x0], $0xffff  }
0xd4: {  	v11 =	vor.u32 $0x100, v7;
	v13 =	vld.idx.msk [tilespmem:v5+s2+$0x0], $0xffff  }
0xd5: {  	v14 =	vor.u32 $0x80, v4;
	v15 =	vld.idx.msk [tilespmem:v6+s2+$0x0], $0xffff  }
0xd6: {  	v16 =	vor.u32 $0x80, v5;
	v17 =	vld.idx.msk [tilespmem:v2+s2+$0x0], $0xffff;
	[tilespmem:s19+$0x3050] =	vst v10  }
0xd7: {  	s25 =	sshll.u32 s20, $0xA;
	v10 =	vld.idx.msk [tilespmem:v3+s2+$0x0], $0xffff;
	[tilespmem:s21+$0x30D0] =	vst v8;
	v8 =	vor.u32 $0x80, v6  }
0xd8: {  	s23 =	sand.u32 $0x3FFFFC00, s25;
	v18 =	vor.u32 $0x80, v2;
	v12 =	vld.idx.msk [tilespmem:v12+s2+$0x0], $0xffff  }
0xd9: {  	s26 =	sshll.u32 s11, $0xA;
	v19 =	vor.u32 $0x80, v3;
	v11 =	vld.idx.msk [tilespmem:v11+s2+$0x0], $0xffff;
	[tilespmem:s23+$0x3010] =	vst v9  }
0xda: {  	s22 =	sand.u32 $0x3FFFFC00, s26;
	[tilespmem:s23+$0x3050] =	vst v13;
	v13 =	vor.u32 $0x100, v1;
	v14 =	vld.idx.msk [tilespmem:v14+s2+$0x0], $0xffff  }
0xdb: {  	v9 =	vor.u32 $0x180, v7;
	v16 =	vld.idx.msk [tilespmem:v16+s2+$0x0], $0xffff;
	[tilespmem:s22+$0x3010] =	vst v15  }
0xdc: {  	[tilespmem:s22+$0x3050] =	vst v17;
	v8 =	vld.idx.msk [tilespmem:v8+s2+$0x0], $0xffff  }
0xdd: {  	v15 =	vor.u32 $0x100, v4;
	[tilespmem:s21+$0x3010] =	vst v10;
	v18 =	vld.idx.msk [tilespmem:v18+s2+$0x0], $0xffff  }
0xde: {  	v17 =	vor.u32 $0x100, v5;
	[tilespmem:s19+$0x30D0] =	vst v12;
	v10 =	vld.idx.msk [tilespmem:v19+s2+$0x0], $0xffff  }
0xdf: {  	[tilespmem:s21+$0x3150] =	vst v11;
	v11 =	vor.u32 $0x100, v6;
	v12 =	vld.idx.msk [tilespmem:v13+s2+$0x0], $0xffff  }
0xe0: {  	s24 =	simm.s32 $0x200;
	v9 =	vld.idx.msk [tilespmem:v9+s2+$0x0], $0xffff;
	[tilespmem:s23+$0x3090] =	vst v14;
	v14 =	vor.u32 $0x100, v2  }
0xe1: {  	v19 =	vld [tilespmem:s24+$0x2000];
	v13 =	vor.u32 $0x200, v7;
	[tilespmem:s23+$0x30D0] =	vst v16  }
0xe2: {  	v16 =	vor.u32 $0x100, v3;
	v15 =	vld.idx.msk [tilespmem:v15+s2+$0x0], $0xffff;
	[tilespmem:s22+$0x3090] =	vst v8  }
0xe3: {  	v17 =	vld.idx.msk [tilespmem:v17+s2+$0x0], $0xffff;
	v8 =	vor.u32 $0x180, v1;
	[tilespmem:s22+$0x30D0] =	vst v18  }
0xe4: {  	v18 =	vor.u32 $0x180, v4;
	v11 =	vld.idx.msk [tilespmem:v11+s2+$0x0], $0xffff;
	[tilespmem:s19+$0x3150] =	vst v12  }
0xe5: {  	[tilespmem:s21+$0x31D0] =	vst v9;
	v9 =	vor.u32 $0x180, v5;
	v12 =	vld.idx.msk [tilespmem:v14+s2+$0x0], $0xffff  }
0xe6: {  	[tilespmem:s21+$0x3090] =	vst v10;
	v10 =	vld.idx.msk [tilespmem:v13+s2+$0x0], $0xffff;
	v13 =	vor.u32 $0x180, v6  }
0xe7: {  	v14 =	vld.idx.msk [tilespmem:v16+s2+$0x0], $0xffff;
	[tilespmem:s23+$0x3110] =	vst v15;
	v15 =	vor.u32 $0x280, v7  }
0xe8: {  	v16 =	vor.u32 $0x180, v2;
	[tilespmem:s23+$0x3150] =	vst v17;
	v20 =	vld.idx.msk [tilespmem:v8+s2+$0x0], $0xffff  }
0xe9: {  	v17 =	vor.u32 $0x180, v3;
	v8 =	vshll.u32 v19, $0x3;
	v18 =	vld.idx.msk [tilespmem:v18+s2+$0x0], $0xffff;
	[tilespmem:s22+$0x3110] =	vst v11  }
0xea: {  	v19 =	vand.u32 $0x7F, v19;
	v11 =	vor.u32 $0x200, v1;
	v8 =	vand.u32 $0xFFFFFC00, v8;
	v9 =	vld.idx.msk [tilespmem:v9+s2+$0x0], $0xffff;
	[tilespmem:s22+$0x3150] =	vst v12  }
0xeb: {  	v8 =	vor.u32 v19, v8;
	[tilespmem:s21+$0x3250] =	vst v10;
	v10 =	vld.idx.msk [tilespmem:v13+s2+$0x0], $0xffff  }
0xec: {  	v12 =	vor.u32 $0x200, v4;
	[tilespmem:s21+$0x3110] =	vst v14;
	v13 =	vld.idx.msk [tilespmem:v15+s2+$0x0], $0xffff  }
0xed: {  	v14 =	vor.u32 $0x200, v5;
	v15 =	vld.idx.msk [tilespmem:v16+s2+$0x0], $0xffff;
	[tilespmem:s19+$0x31D0] =	vst v20  }
0xee: {  	v16 =	vld.idx.msk [tilespmem:v17+s2+$0x0], $0xffff;
	v17 =	vor.u32 $0x300, v7;
	[tilespmem:s23+$0x3190] =	vst v18  }
0xef: {  	v18 =	vor.u32 $0x200, v6;
	v11 =	vld.idx.msk [tilespmem:v11+s2+$0x0], $0xffff;
	[tilespmem:s23+$0x31D0] =	vst v9  }
0xf0: {  	v9 =	vor.u32 $0x200, v2;
	v19 =	vld.idx.msk [tilespmem:v8+s2+$0x0], $0xffff;
	[tilespmem:s22+$0x3190] =	vst v10  }
0xf1: {  	v12 =	vld.idx.msk [tilespmem:v12+s2+$0x0], $0xffff;
	v10 =	vor.u32 $0x200, v3;
	[tilespmem:s21+$0x32D0] =	vst v13  }
0xf2: {  	v14 =	vld.idx.msk [tilespmem:v14+s2+$0x0], $0xffff;
	v13 =	vor.u32 $0x80, v8;
	[tilespmem:s22+$0x31D0] =	vst v15  }
0xf3: {  	v15 =	vor.u32 $0x280, v1;
	[tilespmem:s21+$0x3190] =	vst v16;
	v17 =	vld.idx.msk [tilespmem:v17+s2+$0x0], $0xffff  }
0xf4: {  	s1 =	simm.s32 $0x1000;
	v16 =	vor.u32 $0x280, v4;
	v18 =	vld.idx.msk [tilespmem:v18+s2+$0x0], $0xffff;
	[tilespmem:s19+$0x3250] =	vst v11  }
0xf5: {  	s20 =	sand.u32 $0x3FFFFFF8, s1;
	v7 =	vor.u32 $0x380, v7;
	v9 =	vld.idx.msk [tilespmem:v9+s2+$0x0], $0xffff  }
0xf6: {  	v11 =	vor.u32 $0x280, v5;
	[tilespmem:s20+$0x3000] =	vst v19;
	v10 =	vld.idx.msk [tilespmem:v10+s2+$0x0], $0xffff  }
0xf7: {  	v19 =	vor.u32 $0x280, v6;
	[tilespmem:s23+$0x3210] =	vst v12;
	v13 =	vld.idx.msk [tilespmem:v13+s2+$0x0], $0xffff  }
0xf8: {  	v20 =	vor.u32 $0x280, v2;
	[tilespmem:s23+$0x3250] =	vst v14;
	v12 =	vld.idx.msk [tilespmem:v15+s2+$0x0], $0xffff  }
0xf9: {  	v15 =	vor.u32 $0x100, v8;
	v16 =	vld.idx.msk [tilespmem:v16+s2+$0x0], $0xffff;
	[tilespmem:s21+$0x3350] =	vst v17  }
0xfa: {  	v17 =	vor.u32 $0x280, v3;
	[tilespmem:s22+$0x3210] =	vst v18;
	v7 =	vld.idx.msk [tilespmem:v7+s2+$0x0], $0xffff  }
0xfb: {  	v14 =	vor.u32 $0x300, v1;
	v11 =	vld.idx.msk [tilespmem:v11+s2+$0x0], $0xffff;
	[tilespmem:s22+$0x3250] =	vst v9  }
0xfc: {  	v18 =	vor.u32 $0x300, v4;
	v9 =	vld.idx.msk [tilespmem:v19+s2+$0x0], $0xffff;
	[tilespmem:s21+$0x3210] =	vst v10  }
0xfd: {  	[tilespmem:s20+$0x3080] =	vst v13;
	v13 =	vld.idx.msk [tilespmem:v20+s2+$0x0], $0xffff  }
0xfe: {  	v19 =	vor.u32 $0x300, v5;
	[tilespmem:s19+$0x32D0] =	vst v12;
	v10 =	vld.idx.msk [tilespmem:v15+s2+$0x0], $0xffff  }
0xff: {  	[tilespmem:s23+$0x3290] =	vst v16;
	v15 =	vor.u32 $0x300, v6;
	v12 =	vld.idx.msk [tilespmem:v17+s2+$0x0], $0xffff  }
0x100: {  	v17 =	vor.u32 $0x180, v8;
	v14 =	vld.idx.msk [tilespmem:v14+s2+$0x0], $0xffff;
	[tilespmem:s21+$0x33D0] =	vst v7  }
0x101: {  	v7 =	vor.u32 $0x300, v2;
	[tilespmem:s23+$0x32D0] =	vst v11;
	v11 =	vld.idx.msk [tilespmem:v18+s2+$0x0], $0xffff  }
0x102: {  	v20 =	vor.u32 $0x300, v3;
	v16 =	vld [tilespmem:s3+$0x2060]  }
0x103: {  	v1 =	vor.u32 $0x380, v1;
	[tilespmem:s22+$0x3290] =	vst v9;
	v18 =	vld.idx.msk [tilespmem:v19+s2+$0x0], $0xffff  }
0x104: {  	v4 =	vor.u32 $0x380, v4;
	[tilespmem:s20+$0x3100] =	vst v10;
	v10 =	vld.idx.msk [tilespmem:v15+s2+$0x0], $0xffff  }
0x105: {  	v5 =	vor.u32 $0x380, v5;
	[tilespmem:s22+$0x32D0] =	vst v13;
	v13 =	vld.idx.msk [tilespmem:v17+s2+$0x0], $0xffff  }
0x106: {  	v6 =	vor.u32 $0x380, v6;
	[tilespmem:s21+$0x3290] =	vst v12;
	v7 =	vld.idx.msk [tilespmem:v7+s2+$0x0], $0xffff  }
0x107: {  	[tilespmem:s19+$0x3350] =	vst v14;
	v12 =	vor.u32 $0x200, v8;
	v14 =	vld.idx.msk [tilespmem:v20+s2+$0x0], $0xffff  }
0x108: {  	v2 =	vor.u32 $0x380, v2;
	v1 =	vld.idx.msk [tilespmem:v1+s2+$0x0], $0xffff;
	[tilespmem:s23+$0x3310] =	vst v11;
	v9 =	vshll.u32 v16, $0x3  }
0x109: {  	v15 =	vand.u32 $0x7F, v16;
	v4 =	vld.idx.msk [tilespmem:v4+s2+$0x0], $0xffff;
	[tilespmem:s23+$0x3350] =	vst v18;
	v9 =	vand.u32 $0xFFFFFC00, v9  }
0x10a: {  	v5 =	vld.idx.msk [tilespmem:v5+s2+$0x0], $0xffff;
	v9 =	vor.u32 v15, v9;
	[tilespmem:s22+$0x3310] =	vst v10  }
0x10b: {  	[tilespmem:s20+$0x3180] =	vst v13;
	v6 =	vld.idx.msk [tilespmem:v6+s2+$0x0], $0xffff  }
0x10c: {  	v3 =	vor.u32 $0x380, v3;
	[tilespmem:s22+$0x3350] =	vst v7;
	v10 =	vld.idx.msk [tilespmem:v12+s2+$0x0], $0xffff  }
0x10d: {  	[tilespmem:s19+$0x33D0] =	vst v1;
	v1 =	vld.idx.msk [tilespmem:v2+s2+$0x0], $0xffff  }
0x10e: {  	v12 =	vld [tilespmem:s0+$0x2060]  }
0x10f: {  	v11 =	vor.u32 $0x280, v8;
	[tilespmem:s23+$0x3390] =	vst v4;
	v7 =	vld.idx.msk [tilespmem:v9+s2+$0x0], $0xffff  }
0x110: {  	[tilespmem:s21+$0x3310] =	vst v14;
	v2 =	vor.u32 $0x80, v9;
	v4 =	vld [tilespmem:s4+$0x2020]  }
0x111: {  	v3 =	vld.idx.msk [tilespmem:v3+s2+$0x0], $0xffff;
	[tilespmem:s23+$0x33D0] =	vst v5  }
0x112: {  	v5 =	vshll.u32 v0, $0x3;
	[tilespmem:s20+$0x3200] =	vst v10;
	v10 =	vld [tilespmem:s4+$0x2060]  }
0x113: {  	v24 =	vld [tilespmem:s24+$0x2100];
	v0 =	vand.u32 $0x7F, v0;
	v5 =	vand.u32 $0xFFFFFC00, v5;
	[tilespmem:s22+$0x3390] =	vst v6  }
0x114: {  	v13 =	vor.u32 $0x100, v9;
	v0 =	vor.u32 v0, v5;
	v11 =	vld.idx.msk [tilespmem:v11+s2+$0x0], $0xffff;
	[tilespmem:s21+$0x3060] =	vst v7  }
0x115: {  	v6 =	vor.u32 $0x300, v8;
	[tilespmem:s22+$0x33D0] =	vst v1;
	v1 =	vshll.u32 v4, $0x3;
	v5 =	vld.idx.msk [tilespmem:v2+s2+$0x0], $0xffff;
	v2 =	vshll.u32 v12, $0x3  }
0x116: {  	v14 =	vand.u32 $0x7F, v4;
	v7 =	vand.u32 $0x7F, v12;
	v12 =	vld [tilespmem:s5+$0x2020];
	v2 =	vand.u32 $0xFFFFFC00, v2  }
0x117: {  	[tilespmem:s21+$0x3390] =	vst v3;
	v15 =	vld [tilespmem:s5+$0x2060];
	v1 =	vand.u32 $0xFFFFFC00, v1;
	v3 =	vshll.u32 v10, $0x3;
	v4 =	vor.u32 v7, v2  }
0x118: {  	v7 =	vld [tilespmem:s3+$0x2020];
	v10 =	vand.u32 $0x7F, v10;
	v2 =	vor.u32 v14, v1;
	v3 =	vand.u32 $0xFFFFFC00, v3  }
0x119: {  	v1 =	vld.idx.msk [tilespmem:v0+s2+$0x0], $0xffff;
	[tilespmem:s20+$0x3280] =	vst v11;
	v3 =	vor.u32 v10, v3  }
0x11a: {  	v16 =	vor.u32 $0x180, v9;
	v10 =	vor.u32 $0x80, v0;
	v11 =	vld.idx.msk [tilespmem:v6+s2+$0x0], $0xffff;
	[tilespmem:s21+$0x30E0] =	vst v5  }
0x11b: {  	v8 =	vor.u32 $0x380, v8;
	v6 =	vshll.u32 v12, $0x3;
	v5 =	vand.u32 $0x7F, v12;
	v12 =	vld.idx.msk [tilespmem:v13+s2+$0x0], $0xffff  }
0x11c: {  	v14 =	vshll.u32 v15, $0x3;
	v6 =	vand.u32 $0xFFFFFC00, v6;
	v13 =	vand.u32 $0x7F, v15;
	v15 =	vld.idx.msk [tilespmem:v4+s2+$0x0], $0xffff  }
0x11d: {  	v14 =	vand.u32 $0xFFFFFC00, v14;
	v17 =	vshll.u32 v7, $0x3;
	v18 =	vld.idx.msk [tilespmem:v2+s2+$0x0], $0xffff;
	v5 =	vor.u32 v5, v6  }
0x11e: {  	v7 =	vand.u32 $0x7F, v7;
	v6 =	vor.u32 v13, v14;
	[tilespmem:s19+$0x3030] =	vst v1;
	v17 =	vand.u32 $0xFFFFFC00, v17;
	v13 =	vld.idx.msk [tilespmem:v3+s2+$0x0], $0xffff  }
0x11f: {  	v7 =	vor.u32 v7, v17;
	[tilespmem:s20+$0x3300] =	vst v11;
	v1 =	vld.idx.msk [tilespmem:v10+s2+$0x0], $0xffff  }
0x120: {  	v10 =	vor.u32 $0x80, v4;
	v8 =	vld.idx.msk [tilespmem:v8+s2+$0x0], $0xffff;
	[tilespmem:s21+$0x3160] =	vst v12  }
0x121: {  	v11 =	vor.u32 $0x80, v2;
	v12 =	vld.idx.msk [tilespmem:v16+s2+$0x0], $0xffff  }
0x122: {  	v14 =	vld.idx.msk [tilespmem:v5+s2+$0x0], $0xffff  }
0x123: {  	v19 =	vor.u32 $0x80, v3;
	v16 =	vld.idx.msk [tilespmem:v6+s2+$0x0], $0xffff;
	[tilespmem:s19+$0x3060] =	vst v15  }
0x124: {  	v17 =	vor.u32 $0x200, v9;
	[tilespmem:s23+$0x3020] =	vst v18;
	v15 =	vld.idx.msk [tilespmem:v7+s2+$0x0], $0xffff  }
0x125: {  	v20 =	vor.u32 $0x80, v5;
	v10 =	vld.idx.msk [tilespmem:v10+s2+$0x0], $0xffff;
	[tilespmem:s23+$0x3060] =	vst v13  }
0x126: {  	v18 =	vor.u32 $0x80, v6;
	[tilespmem:s20+$0x3380] =	vst v8;
	v8 =	vld.idx.msk [tilespmem:v11+s2+$0x0], $0xffff  }
0x127: {  	v11 =	vor.u32 $0x80, v7;
	v21 =	vld [tilespmem:s24+$0x2010];
	[tilespmem:s21+$0x31E0] =	vst v12  }
0x128: {  	v12 =	vor.u32 $0x100, v4;
	[tilespmem:s22+$0x3020] =	vst v14;
	v14 =	vld.idx.msk [tilespmem:v19+s2+$0x0], $0xffff  }
0x129: {  	v13 =	vld.idx.msk [tilespmem:v17+s2+$0x0], $0xffff;
	v17 =	vor.u32 $0x100, v2  }
0x12a: {  	[tilespmem:s22+$0x3060] =	vst v16;
	v19 =	vor.u32 $0x280, v9;
	v16 =	vld.idx.msk [tilespmem:v20+s2+$0x0], $0xffff  }
0x12b: {  	v20 =	vor.u32 $0x100, v3;
	[tilespmem:s21+$0x3020] =	vst v15;
	v15 =	vld.idx.msk [tilespmem:v18+s2+$0x0], $0xffff  }
0x12c: {  	v18 =	vor.u32 $0x100, v5;
	[tilespmem:s19+$0x30E0] =	vst v10;
	v11 =	vld.idx.msk [tilespmem:v11+s2+$0x0], $0xffff;
	v10 =	vshll.u32 v21, $0x3  }
0x12d: {  	v22 =	vor.u32 $0x100, v6;
	[tilespmem:s23+$0x30A0] =	vst v8;
	v8 =	vand.u32 $0x7F, v21;
	v10 =	vand.u32 $0xFFFFFC00, v10;
	v12 =	vld.idx.msk [tilespmem:v12+s2+$0x0], $0xffff  }
0x12e: {  	v8 =	vor.u32 v8, v10;
	v10 =	vld.idx.msk [tilespmem:v17+s2+$0x0], $0xffff;
	[tilespmem:s21+$0x3260] =	vst v13  }
0x12f: {  	[tilespmem:s23+$0x30E0] =	vst v14;
	v13 =	vor.u32 $0x100, v7;
	v14 =	vld.idx.msk [tilespmem:v19+s2+$0x0], $0xffff  }
0x130: {  	v17 =	vor.u32 $0x180, v4;
	[tilespmem:s22+$0x30A0] =	vst v16;
	v19 =	vld.idx.msk [tilespmem:v20+s2+$0x0], $0xffff  }
0x131: {  	v16 =	vld.idx.msk [tilespmem:v18+s2+$0x0], $0xffff;
	[tilespmem:s22+$0x30E0] =	vst v15;
	v18 =	vor.u32 $0x180, v2  }
0x132: {  	v15 =	vor.u32 $0x300, v9;
	v20 =	vld.idx.msk [tilespmem:v22+s2+$0x0], $0xffff;
	[tilespmem:s21+$0x30A0] =	vst v11  }
0x133: {  	v21 =	vor.u32 $0x180, v3;
	[tilespmem:s19+$0x3160] =	vst v12;
	v11 =	vld.idx.msk [tilespmem:v8+s2+$0x0], $0xffff  }
0x134: {  	v22 =	vor.u32 $0x180, v5;
	v12 =	vld.idx.msk [tilespmem:v13+s2+$0x0], $0xffff;
	[tilespmem:s23+$0x3120] =	vst v10  }
0x135: {  	v13 =	vor.u32 $0x80, v8;
	v17 =	vld.idx.msk [tilespmem:v17+s2+$0x0], $0xffff;
	[tilespmem:s21+$0x32E0] =	vst v14  }
0x136: {  	v14 =	vor.u32 $0x180, v6;
	[tilespmem:s23+$0x3160] =	vst v19;
	v18 =	vld.idx.msk [tilespmem:v18+s2+$0x0], $0xffff  }
0x137: {  	[tilespmem:s22+$0x3120] =	vst v16;
	v19 =	vor.u32 $0x200, v4;
	v10 =	vld.idx.msk [tilespmem:v15+s2+$0x0], $0xffff  }
0x138: {  	v15 =	vor.u32 $0x180, v7;
	v16 =	vld.idx.msk [tilespmem:v21+s2+$0x0], $0xffff;
	[tilespmem:s22+$0x3160] =	vst v20  }
0x139: {  	v21 =	vor.u32 $0x200, v2;
	[tilespmem:s20+$0x3010] =	vst v11;
	v11 =	vld.idx.msk [tilespmem:v22+s2+$0x0], $0xffff  }
0x13a: {  	v9 =	vor.u32 $0x380, v9;
	[tilespmem:s21+$0x3120] =	vst v12;
	v13 =	vld.idx.msk [tilespmem:v13+s2+$0x0], $0xffff  }
0x13b: {  	v20 =	vor.u32 $0x200, v3;
	[tilespmem:s19+$0x31E0] =	vst v17;
	v12 =	vld.idx.msk [tilespmem:v14+s2+$0x0], $0xffff  }
0x13c: {  	v14 =	vor.u32 $0x100, v8;
	[tilespmem:s23+$0x31A0] =	vst v18;
	v18 =	vld.idx.msk [tilespmem:v19+s2+$0x0], $0xffff  }
0x13d: {  	v15 =	vld.idx.msk [tilespmem:v15+s2+$0x0], $0xffff;
	[tilespmem:s21+$0x3360] =	vst v10;
	v10 =	vor.u32 $0x200, v5  }
0x13e: {  	v17 =	vor.u32 $0x200, v6;
	[tilespmem:s23+$0x31E0] =	vst v16;
	v16 =	vld.idx.msk [tilespmem:v21+s2+$0x0], $0xffff  }
0x13f: {  	v19 =	vor.u32 $0x200, v7;
	v9 =	vld.idx.msk [tilespmem:v9+s2+$0x0], $0xffff;
	[tilespmem:s22+$0x31A0] =	vst v11  }
0x140: {  	[tilespmem:s20+$0x3090] =	vst v13;
	v13 =	vld.idx.msk [tilespmem:v20+s2+$0x0], $0xffff  }
0x141: {  	v20 =	vor.u32 $0x280, v4;
	[tilespmem:s22+$0x31E0] =	vst v12;
	v11 =	vld.idx.msk [tilespmem:v14+s2+$0x0], $0xffff  }
0x142: {  	[tilespmem:s19+$0x3260] =	vst v18;
	v14 =	vor.u32 $0x280, v2;
	v10 =	vld.idx.msk [tilespmem:v10+s2+$0x0], $0xffff  }
0x143: {  	v12 =	vor.u32 $0x180, v8;
	v17 =	vld.idx.msk [tilespmem:v17+s2+$0x0], $0xffff;
	[tilespmem:s21+$0x31A0] =	vst v15  }
0x144: {  	[tilespmem:s21+$0x33E0] =	vst v9;
	v9 =	vor.u32 $0x280, v3;
	v18 =	vld.idx.msk [tilespmem:v19+s2+$0x0], $0xffff  }
0x145: {  	v21 =	vor.u32 $0x280, v5;
	v15 =	vld [tilespmem:s3+$0x2070]  }
0x146: {  	[tilespmem:s23+$0x3220] =	vst v16;
	v19 =	vor.u32 $0x280, v6;
	v16 =	vld.idx.msk [tilespmem:v20+s2+$0x0], $0xffff  }
0x147: {  	v20 =	vor.u32 $0x280, v7;
	[tilespmem:s20+$0x3110] =	vst v11;
	v11 =	vld.idx.msk [tilespmem:v14+s2+$0x0], $0xffff  }
0x148: {  	[tilespmem:s23+$0x3260] =	vst v13;
	v14 =	vor.u32 $0x300, v4;
	v12 =	vld.idx.msk [tilespmem:v12+s2+$0x0], $0xffff  }
0x149: {  	v13 =	vor.u32 $0x300, v2;
	[tilespmem:s22+$0x3220] =	vst v10;
	v10 =	vld.idx.msk [tilespmem:v9+s2+$0x0], $0xffff  }
0x14a: {  	[tilespmem:s22+$0x3260] =	vst v17;
	v17 =	vor.u32 $0x200, v8;
	v21 =	vld.idx.msk [tilespmem:v21+s2+$0x0], $0xffff;
	v9 =	vshll.u32 v15, $0x3  }
0x14b: {  	v19 =	vld.idx.msk [tilespmem:v19+s2+$0x0], $0xffff;
	[tilespmem:s21+$0x3220] =	vst v18;
	v18 =	vor.u32 $0x300, v5;
	v15 =	vand.u32 $0x7F, v15;
	v9 =	vand.u32 $0xFFFFFC00, v9  }
0x14c: {  	v9 =	vor.u32 v15, v9;
	[tilespmem:s19+$0x32E0] =	vst v16;
	v16 =	vld.idx.msk [tilespmem:v20+s2+$0x0], $0xffff  }
0x14d: {  	v15 =	vor.u32 $0x300, v3;
	v14 =	vld.idx.msk [tilespmem:v14+s2+$0x0], $0xffff;
	[tilespmem:s23+$0x32A0] =	vst v11  }
0x14e: {  	v11 =	vor.u32 $0x300, v6;
	[tilespmem:s20+$0x3190] =	vst v12;
	v12 =	vld.idx.msk [tilespmem:v13+s2+$0x0], $0xffff  }
0x14f: {  	v13 =	vor.u32 $0x300, v7;
	[tilespmem:s22+$0x32A0] =	vst v21;
	v17 =	vld.idx.msk [tilespmem:v17+s2+$0x0], $0xffff  }
0x150: {  	v4 =	vor.u32 $0x380, v4;
	[tilespmem:s23+$0x32E0] =	vst v10;
	v18 =	vld.idx.msk [tilespmem:v18+s2+$0x0], $0xffff  }
0x151: {  	v2 =	vor.u32 $0x380, v2;
	[tilespmem:s22+$0x32E0] =	vst v19;
	v10 =	vld.idx.msk [tilespmem:v9+s2+$0x0], $0xffff  }
0x152: {  	v20 =	vor.u32 $0x280, v8;
	v15 =	vld.idx.msk [tilespmem:v15+s2+$0x0], $0xffff;
	[tilespmem:s21+$0x32A0] =	vst v16  }
0x153: {  	v5 =	vor.u32 $0x380, v5;
	v11 =	vld.idx.msk [tilespmem:v11+s2+$0x0], $0xffff;
	[tilespmem:s19+$0x3360] =	vst v14  }
0x154: {  	v19 =	vor.u32 $0x80, v9;
	v13 =	vld.idx.msk [tilespmem:v13+s2+$0x0], $0xffff;
	[tilespmem:s23+$0x3320] =	vst v12  }
0x155: {  	v3 =	vor.u32 $0x380, v3;
	v4 =	vld.idx.msk [tilespmem:v4+s2+$0x0], $0xffff;
	[tilespmem:s20+$0x3210] =	vst v17  }
0x156: {  	v6 =	vor.u32 $0x380, v6;
	v2 =	vld.idx.msk [tilespmem:v2+s2+$0x0], $0xffff;
	[tilespmem:s22+$0x3320] =	vst v18  }
0x157: {  	v7 =	vor.u32 $0x380, v7;
	v14 =	vld.idx.msk [tilespmem:v20+s2+$0x0], $0xffff;
	[tilespmem:s21+$0x3070] =	vst v10  }
0x158: {  	v12 =	vor.u32 $0x300, v8;
	v5 =	vld.idx.msk [tilespmem:v5+s2+$0x0], $0xffff;
	[tilespmem:s23+$0x3360] =	vst v15  }
0x159: {  	v10 =	vld.idx.msk [tilespmem:v19+s2+$0x0], $0xffff;
	[tilespmem:s22+$0x3360] =	vst v11  }
0x15a: {  	v3 =	vld.idx.msk [tilespmem:v3+s2+$0x0], $0xffff;
	[tilespmem:s21+$0x3320] =	vst v13  }
0x15b: {  	v15 =	vor.u32 $0x100, v9;
	v6 =	vld.idx.msk [tilespmem:v6+s2+$0x0], $0xffff;
	[tilespmem:s19+$0x33E0] =	vst v4  }
0x15c: {  	v7 =	vld.idx.msk [tilespmem:v7+s2+$0x0], $0xffff;
	[tilespmem:s20+$0x3290] =	vst v14  }
0x15d: {  	[tilespmem:s23+$0x33A0] =	vst v2;
	v11 =	vld.idx.msk [tilespmem:v12+s2+$0x0], $0xffff  }
0x15e: {  	v8 =	vor.u32 $0x380, v8;
	v2 =	vld [tilespmem:s0+$0x2070];
	[tilespmem:s22+$0x33A0] =	vst v5  }
0x15f: {  	v12 =	vld [tilespmem:s5+$0x2030];
	[tilespmem:s21+$0x30F0] =	vst v10  }
0x160: {  	v4 =	vld.idx.msk [tilespmem:v15+s2+$0x0], $0xffff  }
0x161: {  	[tilespmem:s23+$0x33E0] =	vst v3;
	v3 =	vld [tilespmem:s4+$0x2030];
	v10 =	vor.u32 $0x180, v9  }
0x162: {  	v5 =	vld [tilespmem:s4+$0x2070];
	[tilespmem:s20+$0x3310] =	vst v11  }
0x163: {  	[tilespmem:s22+$0x33E0] =	vst v6;
	v13 =	vand.u32 $0x7F, v2;
	v2 =	vshll.u32 v2, $0x3;
	v6 =	vld.idx.msk [tilespmem:v8+s2+$0x0], $0xffff  }
0x164: {  	v2 =	vand.u32 $0xFFFFFC00, v2;
	v11 =	vld [tilespmem:s5+$0x2070]  }
0x165: {  	v26 =	vld [tilespmem:s24+$0x2140];
	v15 =	vor.u32 $0x200, v9;
	v2 =	vor.u32 v13, v2;
	v8 =	vor.u32 $0x100, v0;
	[tilespmem:s21+$0x3170] =	vst v4  }
0x166: {  	[tilespmem:s21+$0x33A0] =	vst v7;
	v13 =	vshll.u32 v12, $0x3;
	v4 =	vand.u32 $0x7F, v3;
	v3 =	vshll.u32 v3, $0x3;
	v7 =	vld.idx.msk [tilespmem:v10+s2+$0x0], $0xffff  }
0x167: {  	v14 =	vld [tilespmem:s3+$0x2030];
	v12 =	vand.u32 $0x7F, v12;
	v3 =	vand.u32 $0xFFFFFC00, v3;
	v10 =	vshll.u32 v5, $0x3  }
0x168: {  	v29 =	vld [tilespmem:s24+$0x2180];
	v5 =	vand.u32 $0x7F, v5;
	v10 =	vand.u32 $0xFFFFFC00, v10;
	v3 =	vor.u32 v4, v3;
	[tilespmem:s20+$0x3390] =	vst v6  }
0x169: {  	[tilespmem:s19+$0x30B0] =	vst v1;
	v4 =	vand.u32 $0xFFFFFC00, v13;
	v1 =	vor.u32 v5, v10;
	v6 =	vshll.u32 v11, $0x3;
	v10 =	vld [tilespmem:s24+$0x2020]  }
0x16a: {  	v5 =	vor.u32 v12, v4;
	v13 =	vld.idx.msk [tilespmem:v8+s2+$0x0], $0xffff;
	v8 =	vand.u32 $0x7F, v11;
	v6 =	vand.u32 $0xFFFFFC00, v6  }
0x16b: {  	v11 =	vld.idx.msk [tilespmem:v2+s2+$0x0], $0xffff;
	[tilespmem:s21+$0x31F0] =	vst v7;
	v4 =	vor.u32 v8, v6  }
0x16c: {  	v6 =	vshll.u32 v14, $0x3;
	v8 =	vld.idx.msk [tilespmem:v15+s2+$0x0], $0xffff;
	v15 =	vor.u32 $0x80, v2  }
0x16d: {  	v12 =	vor.u32 $0x280, v9;
	v7 =	vand.u32 $0x7F, v14;
	v6 =	vand.u32 $0xFFFFFC00, v6;
	v14 =	vld.idx.msk [tilespmem:v3+s2+$0x0], $0xffff  }
0x16e: {  	v7 =	vor.u32 v7, v6;
	v16 =	vld.idx.msk [tilespmem:v1+s2+$0x0], $0xffff;
	v6 =	vshll.u32 v10, $0x3  }
0x16f: {  	v17 =	vor.u32 $0x80, v3;
	v18 =	vld.idx.msk [tilespmem:v5+s2+$0x0], $0xffff;
	v10 =	vand.u32 $0x7F, v10;
	v6 =	vand.u32 $0xFFFFFC00, v6  }
0x170: {  	v19 =	vor.u32 $0x80, v5;
	[tilespmem:s19+$0x3070] =	vst v11;
	v6 =	vor.u32 v10, v6;
	v10 =	vld.idx.msk [tilespmem:v4+s2+$0x0], $0xffff  }
0x171: {  	[tilespmem:s21+$0x3270] =	vst v8;
	v15 =	vld.idx.msk [tilespmem:v15+s2+$0x0], $0xffff  }
0x172: {  	v8 =	vor.u32 $0x80, v1;
	v12 =	vld.idx.msk [tilespmem:v12+s2+$0x0], $0xffff  }
0x173: {  	v20 =	vor.u32 $0x80, v4;
	[tilespmem:s23+$0x3030] =	vst v14;
	v11 =	vld.idx.msk [tilespmem:v7+s2+$0x0], $0xffff  }
0x174: {  	v14 =	vor.u32 $0x300, v9;
	v17 =	vld.idx.msk [tilespmem:v17+s2+$0x0], $0xffff;
	[tilespmem:s22+$0x3030] =	vst v18  }
0x175: {  	v21 =	vor.u32 $0x80, v7;
	[tilespmem:s23+$0x3070] =	vst v16;
	v19 =	vld.idx.msk [tilespmem:v19+s2+$0x0], $0xffff  }
0x176: {  	v22 =	vor.u32 $0x100, v2;
	v16 =	vld.idx.msk [tilespmem:v6+s2+$0x0], $0xffff;
	[tilespmem:s22+$0x3070] =	vst v10  }
0x177: {  	v18 =	vor.u32 $0x80, v6;
	v8 =	vld.idx.msk [tilespmem:v8+s2+$0x0], $0xffff;
	[tilespmem:s21+$0x32F0] =	vst v12  }
0x178: {  	v12 =	vor.u32 $0x100, v3;
	[tilespmem:s21+$0x3030] =	vst v11;
	v11 =	vld.idx.msk [tilespmem:v20+s2+$0x0], $0xffff  }
0x179: {  	[tilespmem:s19+$0x30F0] =	vst v15;
	v20 =	vor.u32 $0x100, v5;
	v10 =	vld.idx.msk [tilespmem:v14+s2+$0x0], $0xffff  }
0x17a: {  	[tilespmem:s23+$0x30B0] =	vst v17;
	v14 =	vor.u32 $0x100, v1;
	v15 =	vld.idx.msk [tilespmem:v21+s2+$0x0], $0xffff  }
0x17b: {  	v21 =	vor.u32 $0x100, v4;
	[tilespmem:s20+$0x3020] =	vst v16;
	v16 =	vld.idx.msk [tilespmem:v22+s2+$0x0], $0xffff  }
0x17c: {  	v9 =	vor.u32 $0x380, v9;
	[tilespmem:s22+$0x30B0] =	vst v19;
	v17 =	vld.idx.msk [tilespmem:v18+s2+$0x0], $0xffff  }
0x17d: {  	[tilespmem:s23+$0x30F0] =	vst v8;
	v18 =	vor.u32 $0x100, v7;
	v12 =	vld.idx.msk [tilespmem:v12+s2+$0x0], $0xffff  }
0x17e: {  	v22 =	vor.u32 $0x100, v6;
	[tilespmem:s22+$0x30F0] =	vst v11;
	v11 =	vld.idx.msk [tilespmem:v20+s2+$0x0], $0xffff  }
0x17f: {  	v14 =	vld.idx.msk [tilespmem:v14+s2+$0x0], $0xffff;
	[tilespmem:s21+$0x3370] =	vst v10;
	v10 =	vor.u32 $0x180, v2  }
0x180: {  	v20 =	vor.u32 $0x180, v5;
	[tilespmem:s21+$0x30B0] =	vst v15;
	v15 =	vld.idx.msk [tilespmem:v21+s2+$0x0], $0xffff  }
0x181: {  	v8 =	vld.idx.msk [tilespmem:v9+s2+$0x0], $0xffff  }
0x182: {  	v9 =	vor.u32 $0x180, v3;
	[tilespmem:s20+$0x30A0] =	vst v17;
	v17 =	vld.idx.msk [tilespmem:v18+s2+$0x0], $0xffff  }
0x183: {  	v19 =	vor.u32 $0x180, v1;
	[tilespmem:s19+$0x3170] =	vst v16;
	v16 =	vld.idx.msk [tilespmem:v22+s2+$0x0], $0xffff  }
0x184: {  	v18 =	vor.u32 $0x180, v4;
	[tilespmem:s22+$0x3130] =	vst v11;
	v10 =	vld.idx.msk [tilespmem:v10+s2+$0x0], $0xffff  }
0x185: {  	v21 =	vor.u32 $0x180, v7;
	[tilespmem:s23+$0x3130] =	vst v12;
	v20 =	vld.idx.msk [tilespmem:v20+s2+$0x0], $0xffff  }
0x186: {  	[tilespmem:s23+$0x3170] =	vst v14;
	v14 =	vor.u32 $0x180, v0;
	v22 =	vld [tilespmem:s24+$0x20C0]  }
0x187: {  	[tilespmem:s19+$0x3130] =	vst v13;
	v12 =	vor.u32 $0x180, v6;
	v9 =	vld.idx.msk [tilespmem:v9+s2+$0x0], $0xffff  }
0x188: {  	v11 =	vor.u32 $0x200, v2;
	[tilespmem:s22+$0x3170] =	vst v15;
	v19 =	vld.idx.msk [tilespmem:v19+s2+$0x0], $0xffff  }
0x189: {  	v13 =	vor.u32 $0x200, v5;
	v18 =	vld.idx.msk [tilespmem:v18+s2+$0x0], $0xffff;
	[tilespmem:s21+$0x3130] =	vst v17  }
0x18a: {  	v15 =	vor.u32 $0x200, v3;
	[tilespmem:s20+$0x3120] =	vst v16;
	v16 =	vld.idx.msk [tilespmem:v21+s2+$0x0], $0xffff  }
0x18b: {  	v17 =	vor.u32 $0x200, v1;
	[tilespmem:s19+$0x31F0] =	vst v10;
	v10 =	vld.idx.msk [tilespmem:v14+s2+$0x0], $0xffff  }
0x18c: {  	v21 =	vor.u32 $0x200, v4;
	[tilespmem:s22+$0x31B0] =	vst v20;
	v12 =	vld.idx.msk [tilespmem:v12+s2+$0x0], $0xffff  }
0x18d: {  	v14 =	vor.u32 $0x200, v7;
	[tilespmem:s23+$0x31B0] =	vst v9;
	v11 =	vld.idx.msk [tilespmem:v11+s2+$0x0], $0xffff  }
0x18e: {  	[tilespmem:s23+$0x31F0] =	vst v19;
	v19 =	vor.u32 $0x200, v0;
	v13 =	vld.idx.msk [tilespmem:v13+s2+$0x0], $0xffff  }
0x18f: {  	v15 =	vld.idx.msk [tilespmem:v15+s2+$0x0], $0xffff;
	[tilespmem:s22+$0x31F0] =	vst v18  }
0x190: {  	v9 =	vor.u32 $0x200, v6;
	v17 =	vld.idx.msk [tilespmem:v17+s2+$0x0], $0xffff;
	[tilespmem:s21+$0x31B0] =	vst v16  }
0x191: {  	v20 =	vor.u32 $0x280, v2;
	[tilespmem:s20+$0x31A0] =	vst v12;
	v12 =	vld.idx.msk [tilespmem:v21+s2+$0x0], $0xffff  }
0x192: {  	[tilespmem:s19+$0x31B0] =	vst v10;
	v10 =	vld.idx.msk [tilespmem:v14+s2+$0x0], $0xffff  }
0x193: {  	v16 =	vor.u32 $0x280, v5;
	[tilespmem:s19+$0x3270] =	vst v11;
	v11 =	vld.idx.msk [tilespmem:v19+s2+$0x0], $0xffff  }
0x194: {  	v14 =	vld [tilespmem:s24+$0x21C0]  }
0x195: {  	v21 =	vor.u32 $0x280, v1;
	[tilespmem:s22+$0x3230] =	vst v13;
	v9 =	vld.idx.msk [tilespmem:v9+s2+$0x0], $0xffff  }
0x196: {  	v18 =	vor.u32 $0x280, v3;
	[tilespmem:s23+$0x3230] =	vst v15;
	v19 =	vld.idx.msk [tilespmem:v20+s2+$0x0], $0xffff  }
0x197: {  	v15 =	vor.u32 $0x280, v6;
	[tilespmem:s23+$0x3270] =	vst v17;
	v17 =	vld [tilespmem:s24+$0x2080]  }
0x198: {  	v25 =	vor.u32 $0x280, v0;
	v20 =	vld.idx.msk [tilespmem:v16+s2+$0x0], $0xffff  }
0x199: {  	v23 =	vor.u32 $0x280, v7;
	v16 =	vld [tilespmem:s24+$0x2040]  }
0x19a: {  	v13 =	vld.idx.msk [tilespmem:v21+s2+$0x0], $0xffff;
	v21 =	vor.u32 $0x280, v4;
	v27 =	vshll.u32 v14, $0x3;
	[tilespmem:s22+$0x3270] =	vst v12  }
0x19b: {  	v28 =	vor.u32 $0x300, v2;
	v18 =	vld.idx.msk [tilespmem:v18+s2+$0x0], $0xffff;
	[tilespmem:s20+$0x3220] =	vst v9;
	v9 =	vand.u32 $0x7F, v14;
	v14 =	vand.u32 $0xFFFFFC00, v27  }
0x19c: {  	[tilespmem:s19+$0x3230] =	vst v11;
	v12 =	vld.idx.msk [tilespmem:v15+s2+$0x0], $0xffff;
	v14 =	vor.u32 v9, v14  }
0x19d: {  	v30 =	vor.u32 $0x300, v1;
	v31 =	vshll.u32 v22, $0x3;
	[tilespmem:s21+$0x3230] =	vst v10;
	v27 =	vor.u32 $0x300, v6;
	v11 =	vld.idx.msk [tilespmem:v25+s2+$0x0], $0xffff  }
0x19e: {  	v31 =	vand.u32 $0xFFFFFC00, v31;
	v9 =	vld.idx.msk [tilespmem:v23+s2+$0x0], $0xffff;
	v23 =	vor.u32 $0x300, v5;
	v10 =	vshll.u32 v16, $0x3  }
0x19f: {  	[tilespmem:s19+$0x32F0] =	vst v19;
	v15 =	vld.idx.msk [tilespmem:v21+s2+$0x0], $0xffff;
	v21 =	vor.u32 $0x300, v3;
	v19 =	vand.u32 $0xFFFFFC00, v10;
	v10 =	vshll.u32 v17, $0x3  }
0x1a0: {  	[tilespmem:s23+$0x32B0] =	vst v18;
	v16 =	vand.u32 $0x7F, v16;
	v25 =	vand.u32 $0xFFFFFC00, v10;
	v10 =	vld.idx.msk [tilespmem:v28+s2+$0x0], $0xffff;
	v28 =	vand.u32 $0x7F, v17  }
0x1a1: {  	v17 =	vor.u32 v16, v19;
	v19 =	vand.u32 $0x7F, v22;
	v32 =	vld.idx.msk [tilespmem:v14+s2+$0x0], $0xffff;
	[tilespmem:s20+$0x32A0] =	vst v12;
	v12 =	vshll.u32 v24, $0x3  }
0x1a2: {  	[tilespmem:s23+$0x32F0] =	vst v13;
	v18 =	vor.u32 v28, v25;
	v27 =	vld.idx.msk [tilespmem:v27+s2+$0x0], $0xffff;
	v13 =	vand.u32 $0xFFFFFC00, v12;
	v12 =	vshll.u32 v26, $0x3  }
0x1a3: {  	[tilespmem:s22+$0x32B0] =	vst v20;
	v20 =	vor.u32 v19, v31;
	v22 =	vand.u32 $0xFFFFFC00, v12;
	v12 =	vld.idx.msk [tilespmem:v30+s2+$0x0], $0xffff  }
0x1a4: {  	v33 =	vor.u32 $0x80, v14;
	v16 =	vld.idx.msk [tilespmem:v21+s2+$0x0], $0xffff;
	v21 =	vand.u32 $0x7F, v24  }
0x1a5: {  	v24 =	vand.u32 $0x7F, v26;
	v21 =	vor.u32 v21, v13;
	v13 =	vld.idx.msk [tilespmem:v23+s2+$0x0], $0xffff  }
0x1a6: {  	s6 =	sor.u32 $0xC00, s1;
	v19 =	vshll.u32 v29, $0x3;
	v22 =	vor.u32 v24, v22;
	v24 =	vld.idx.msk [tilespmem:v17+s2+$0x0], $0xffff  }
0x1a7: {  	s9 =	sand.u32 $0x7C00, s6;
	v3 =	vor.u32 $0x380, v3;
	v19 =	vand.u32 $0xFFFFFC00, v19;
	v23 =	vand.u32 $0x7F, v29;
	v26 =	vld.idx.msk [tilespmem:v18+s2+$0x0], $0xffff  }
0x1a8: {  	[tilespmem:s9+$0x3040] =	vst v32;
	v19 =	vor.u32 v23, v19;
	v28 =	vld.idx.msk [tilespmem:v20+s2+$0x0], $0xffff  }
0x1a9: {  	[tilespmem:s21+$0x33F0] =	vst v8;
	v25 =	vor.u32 $0x80, v17;
	v23 =	vld.idx.msk [tilespmem:v33+s2+$0x0], $0xffff  }
0x1aa: {  	v30 =	vor.u32 $0x80, v18;
	[tilespmem:s20+$0x3320] =	vst v27;
	v31 =	vld.idx.msk [tilespmem:v21+s2+$0x0], $0xffff  }
0x1ab: {  	v29 =	vor.u32 $0x100, v14;
	[tilespmem:s23+$0x3330] =	vst v16;
	v27 =	vld.idx.msk [tilespmem:v22+s2+$0x0], $0xffff  }
0x1ac: {  	s11 =	sor.u32 $0x400, s1;
	[tilespmem:s19+$0x32B0] =	vst v11;
	v53 =	vor.u32 $0x80, v20;
	v3 =	vld.idx.msk [tilespmem:v3+s2+$0x0], $0xffff  }
0x1ad: {  	s4 =	sand.u32 $0x3FFFFFF8, s11;
	v54 =	vor.u32 $0x80, v21;
	[tilespmem:s20+$0x3040] =	vst v24;
	v24 =	vld.idx.msk [tilespmem:v19+s2+$0x0], $0xffff  }
0x1ae: {  	v34 =	vor.u32 $0x80, v22;
	v25 =	vld.idx.msk [tilespmem:v25+s2+$0x0], $0xffff;
	[tilespmem:s4+$0x3000] =	vst v26  }
0x1af: {  	s12 =	sor.u32 $0x800, s1;
	s13 =	sand.u32 $0x7400, s11;
	[tilespmem:s9+$0x30C0] =	vst v23;
	v23 =	vor.u32 $0x80, v19;
	v30 =	vld.idx.msk [tilespmem:v30+s2+$0x0], $0xffff  }
0x1b0: {  	s3 =	sand.u32 $0x3FFFFFF8, s12;
	[tilespmem:s13+$0x3040] =	vst v28;
	v26 =	vld.idx.msk [tilespmem:v29+s2+$0x0], $0xffff;
	v29 =	vor.u32 $0x100, v17  }
0x1b1: {  	s8 =	sand.u32 $0x7800, s12;
	v55 =	vor.u32 $0x100, v18;
	v28 =	vld.idx.msk [tilespmem:v53+s2+$0x0], $0xffff;
	[tilespmem:s3+$0x3000] =	vst v31  }
0x1b2: {  	s0 =	sand.u32 $0x3FFFFFF8, s6;
	v31 =	vor.u32 $0x180, v14;
	[tilespmem:s8+$0x3040] =	vst v27;
	v33 =	vld.idx.msk [tilespmem:v54+s2+$0x0], $0xffff  }
0x1b3: {  	v27 =	vor.u32 $0x100, v20;
	v34 =	vld.idx.msk [tilespmem:v34+s2+$0x0], $0xffff;
	[tilespmem:s0+$0x3000] =	vst v24  }
0x1b4: {  	v24 =	vor.u32 $0x100, v21;
	[tilespmem:s20+$0x30C0] =	vst v25;
	v23 =	vld.idx.msk [tilespmem:v23+s2+$0x0], $0xffff  }
0x1b5: {  	v25 =	vor.u32 $0x100, v22;
	[tilespmem:s4+$0x3080] =	vst v30;
	v29 =	vld.idx.msk [tilespmem:v29+s2+$0x0], $0xffff  }
0x1b6: {  	[tilespmem:s9+$0x3140] =	vst v26;
	v26 =	vor.u32 $0x100, v19;
	v32 =	vld.idx.msk [tilespmem:v55+s2+$0x0], $0xffff  }
0x1b7: {  	v56 =	vor.u32 $0x180, v18;
	[tilespmem:s13+$0x30C0] =	vst v28;
	v30 =	vld.idx.msk [tilespmem:v31+s2+$0x0], $0xffff  }
0x1b8: {  	v31 =	vor.u32 $0x180, v17;
	v27 =	vld.idx.msk [tilespmem:v27+s2+$0x0], $0xffff;
	[tilespmem:s3+$0x3080] =	vst v33  }
0x1b9: {  	v28 =	vor.u32 $0x200, v14;
	[tilespmem:s8+$0x30C0] =	vst v34;
	v24 =	vld.idx.msk [tilespmem:v24+s2+$0x0], $0xffff  }
0x1ba: {  	v57 =	vor.u32 $0x180, v20;
	v25 =	vld.idx.msk [tilespmem:v25+s2+$0x0], $0xffff;
	[tilespmem:s0+$0x3080] =	vst v23  }
0x1bb: {  	v23 =	vor.u32 $0x180, v21;
	v26 =	vld.idx.msk [tilespmem:v26+s2+$0x0], $0xffff;
	[tilespmem:s4+$0x3100] =	vst v32  }
0x1bc: {  	[tilespmem:s20+$0x3140] =	vst v29;
	v29 =	vor.u32 $0x180, v22;
	v33 =	vld.idx.msk [tilespmem:v56+s2+$0x0], $0xffff  }
0x1bd: {  	v31 =	vld.idx.msk [tilespmem:v31+s2+$0x0], $0xffff;
	[tilespmem:s9+$0x31C0] =	vst v30;
	v30 =	vor.u32 $0x180, v19  }
0x1be: {  	v59 =	vor.u32 $0x200, v18;
	[tilespmem:s13+$0x3140] =	vst v27;
	v28 =	vld.idx.msk [tilespmem:v28+s2+$0x0], $0xffff  }
0x1bf: {  	v58 =	vor.u32 $0x200, v17;
	v27 =	vld.idx.msk [tilespmem:v57+s2+$0x0], $0xffff;
	[tilespmem:s3+$0x3100] =	vst v24  }
0x1c0: {  	v24 =	vor.u32 $0x280, v14;
	[tilespmem:s8+$0x3140] =	vst v25;
	v23 =	vld.idx.msk [tilespmem:v23+s2+$0x0], $0xffff  }
0x1c1: {  	v25 =	vor.u32 $0x200, v20;
	v29 =	vld.idx.msk [tilespmem:v29+s2+$0x0], $0xffff;
	[tilespmem:s0+$0x3100] =	vst v26  }
0x1c2: {  	v26 =	vor.u32 $0x200, v21;
	[tilespmem:s4+$0x3180] =	vst v33;
	v30 =	vld.idx.msk [tilespmem:v30+s2+$0x0], $0xffff  }
0x1c3: {  	[tilespmem:s20+$0x31C0] =	vst v31;
	v31 =	vor.u32 $0x200, v22;
	v34 =	vld.idx.msk [tilespmem:v59+s2+$0x0], $0xffff  }
0x1c4: {  	v32 =	vld.idx.msk [tilespmem:v58+s2+$0x0], $0xffff;
	[tilespmem:s1+$0x3E40] =	vst v28;
	v28 =	vor.u32 $0x200, v19  }
0x1c5: {  	[tilespmem:s13+$0x31C0] =	vst v27;
	v27 =	vor.u32 $0x280, v18;
	v24 =	vld.idx.msk [tilespmem:v24+s2+$0x0], $0xffff  }
0x1c6: {  	v60 =	vor.u32 $0x280, v17;
	v25 =	vld.idx.msk [tilespmem:v25+s2+$0x0], $0xffff;
	[tilespmem:s3+$0x3180] =	vst v23  }
0x1c7: {  	v23 =	vor.u32 $0x300, v14;
	[tilespmem:s8+$0x31C0] =	vst v29;
	v26 =	vld.idx.msk [tilespmem:v26+s2+$0x0], $0xffff  }
0x1c8: {  	v29 =	vor.u32 $0x280, v20;
	v31 =	vld.idx.msk [tilespmem:v31+s2+$0x0], $0xffff;
	[tilespmem:s0+$0x3180] =	vst v30  }
0x1c9: {  	v30 =	vor.u32 $0x280, v21;
	[tilespmem:s4+$0x3200] =	vst v34;
	v28 =	vld.idx.msk [tilespmem:v28+s2+$0x0], $0xffff  }
0x1ca: {  	s14 =	sor.u32 $0xEC0, s1;
	v61 =	vor.u32 $0x280, v22;
	[tilespmem:s20+$0x3240] =	vst v32;
	v27 =	vld.idx.msk [tilespmem:v27+s2+$0x0], $0xffff  }
0x1cb: {  	v33 =	vld.idx.msk [tilespmem:v60+s2+$0x0], $0xffff;
	[tilespmem:s14+$0x3000] =	vst v24;
	v24 =	vor.u32 $0x280, v19  }
0x1cc: {  	v62 =	vor.u32 $0x300, v17;
	[tilespmem:s1+$0x3640] =	vst v25;
	v23 =	vld.idx.msk [tilespmem:v23+s2+$0x0], $0xffff  }
0x1cd: {  	v14 =	vor.u32 $0x380, v14;
	v25 =	vld.idx.msk [tilespmem:v29+s2+$0x0], $0xffff;
	[tilespmem:s3+$0x3200] =	vst v26  }
0x1ce: {  	v26 =	vor.u32 $0x300, v18;
	v29 =	vld.idx.msk [tilespmem:v30+s2+$0x0], $0xffff;
	[tilespmem:s1+$0x3A40] =	vst v31  }
0x1cf: {  	v30 =	vor.u32 $0x300, v20;
	v31 =	vld.idx.msk [tilespmem:v61+s2+$0x0], $0xffff;
	[tilespmem:s0+$0x3200] =	vst v28  }
0x1d0: {  	s15 =	sor.u32 $0xF40, s1;
	v28 =	vor.u32 $0x300, v21;
	[tilespmem:s20+$0x32C0] =	vst v33;
	v24 =	vld.idx.msk [tilespmem:v24+s2+$0x0], $0xffff  }
0x1d1: {  	v63 =	vor.u32 $0x300, v22;
	v33 =	vld.idx.msk [tilespmem:v62+s2+$0x0], $0xffff;
	[tilespmem:s15+$0x3000] =	vst v23  }
0x1d2: {  	s25 =	sor.u32 $0x6C0, s1;
	[tilespmem:s4+$0x3280] =	vst v27;
	v23 =	vor.u32 $0x300, v19;
	v14 =	vld.idx.msk [tilespmem:v14+s2+$0x0], $0xffff  }
0x1d3: {  	v17 =	vor.u32 $0x380, v17;
	[tilespmem:s25+$0x3000] =	vst v25;
	v26 =	vld.idx.msk [tilespmem:v26+s2+$0x0], $0xffff  }
0x1d4: {  	s26 =	sor.u32 $0xAC0, s1;
	v25 =	vld.idx.msk [tilespmem:v30+s2+$0x0], $0xffff;
	[tilespmem:s3+$0x3280] =	vst v29  }
0x1d5: {  	s6 =	simm.s32 $0x4;
	v18 =	vor.u32 $0x380, v18;
	v27 =	vld.idx.msk [tilespmem:v28+s2+$0x0], $0xffff;
	[tilespmem:s26+$0x3000] =	vst v31  }
0x1d6: {  	v20 =	vor.u32 $0x380, v20;
	s25 =	sor.u32 $0x3, s6;
	v28 =	vld.idx.msk [tilespmem:v63+s2+$0x0], $0xffff;
	[tilespmem:s0+$0x3280] =	vst v24  }
0x1d7: {  	s12 =	sor.u32 $0xFC0, s1;
	v21 =	vor.u32 $0x380, v21;
	s11 =	sshll.u32 s25, $0x7;
	[tilespmem:s20+$0x3340] =	vst v33;
	v23 =	vld.idx.msk [tilespmem:v23+s2+$0x0], $0xffff  }
0x1d8: {  	v22 =	vor.u32 $0x380, v22;
	s29 =	sand.u32 $0x3FFFFF80, s11;
	v17 =	vld.idx.msk [tilespmem:v17+s2+$0x0], $0xffff;
	[tilespmem:s12+$0x3000] =	vst v14  }
0x1d9: {  	s13 =	sor.u32 $0x740, s1;
	v14 =	vor.u32 $0x380, v19;
	[tilespmem:s4+$0x3300] =	vst v26;
	v19 =	vld [tilespmem:s29+$0x2050]  }
0x1da: {  	v18 =	vld.idx.msk [tilespmem:v18+s2+$0x0], $0xffff;
	[tilespmem:s13+$0x3000] =	vst v25  }
0x1db: {  	v6 =	vor.u32 $0x380, v6;
	s14 =	sor.u32 $0xB40, s1;
	v20 =	vld.idx.msk [tilespmem:v20+s2+$0x0], $0xffff;
	[tilespmem:s3+$0x3300] =	vst v27  }
0x1dc: {  	v21 =	vld.idx.msk [tilespmem:v21+s2+$0x0], $0xffff;
	[tilespmem:s14+$0x3000] =	vst v28  }
0x1dd: {  	v22 =	vld.idx.msk [tilespmem:v22+s2+$0x0], $0xffff;
	[tilespmem:s0+$0x3300] =	vst v23  }
0x1de: {  	s15 =	sor.u32 $0x1, s6;
	[tilespmem:s20+$0x33C0] =	vst v17;
	v17 =	vld.idx.msk [tilespmem:v14+s2+$0x0], $0xffff  }
0x1df: {  	s26 =	sor.u32 $0x7C0, s1;
	v14 =	vshll.u32 v19, $0x3;
	[tilespmem:s4+$0x3380] =	vst v18;
	s4 =	sshll.u32 s15, $0x7;
	v18 =	vld [tilespmem:s24+$0x2050]  }
0x1e0: {  	s12 =	sor.u32 $0x2, s6;
	v23 =	vor.u32 $0x300, v4;
	v19 =	vand.u32 $0x7F, v19;
	v14 =	vand.u32 $0xFFFFFC00, v14;
	[tilespmem:s26+$0x3000] =	vst v20;
	s30 =	sand.u32 $0x3FFFFF80, s4;
	v20 =	vld.idx.msk [tilespmem:v6+s2+$0x0], $0xffff  }
0x1e1: {  	[tilespmem:s21+$0x32B0] =	vst v9;
	s13 =	sshll.u32 s12, $0x7;
	v14 =	vor.u32 v19, v14;
	v19 =	vld [tilespmem:s30+$0x2010]  }
0x1e2: {  	v5 =	vor.u32 $0x380, v5;
	s1 =	sor.u32 $0xBC0, s1;
	s31 =	sand.u32 $0x3FFFFF80, s13;
	[tilespmem:s3+$0x3380] =	vst v21;
	v21 =	vld [tilespmem:s30+$0x2050]  }
0x1e3: {  	v24 =	vor.u32 $0x300, v7;
	v25 =	vor.u32 $0x380, v2;
	v6 =	vor.u32 $0x380, v1;
	[tilespmem:s1+$0x3000] =	vst v22;
	v8 =	vld [tilespmem:s31+$0x2010]  }
0x1e4: {  	[tilespmem:s22+$0x32F0] =	vst v15;
	v1 =	vor.u32 $0x380, v7;
	v22 =	vor.u32 $0x300, v0;
	v15 =	vld [tilespmem:s31+$0x2050];
	v2 =	vshll.u32 v18, $0x3  }
0x1e5: {  	v7 =	vor.u32 $0x80, v14;
	v23 =	vld.idx.msk [tilespmem:v23+s2+$0x0], $0xffff;
	[tilespmem:s0+$0x3380] =	vst v17;
	v18 =	vand.u32 $0x7F, v18;
	v2 =	vand.u32 $0xFFFFFC00, v2  }
0x1e6: {  	[tilespmem:s20+$0x33A0] =	vst v20;
	v20 =	vld [tilespmem:s29+$0x2010];
	v18 =	vor.u32 v18, v2;
	v2 =	vor.u32 $0x380, v4;
	v11 =	vshll.u32 v19, $0x3  }
0x1e7: {  	[tilespmem:s19+$0x3370] =	vst v10;
	v17 =	vld.idx.msk [tilespmem:v14+s2+$0x0], $0xffff;
	v9 =	vand.u32 $0x7F, v19;
	v19 =	vshll.u32 v21, $0x3;
	v10 =	vand.u32 $0xFFFFFC00, v11  }
0x1e8: {  	v4 =	vld [tilespmem:s24+$0x2030];
	v11 =	vand.u32 $0x7F, v21;
	v19 =	vand.u32 $0xFFFFFC00, v19;
	v16 =	vshll.u32 v8, $0x3  }
0x1e9: {  	v8 =	vand.u32 $0x7F, v8;
	v9 =	vor.u32 v9, v10;
	v10 =	vld.idx.msk [tilespmem:v22+s2+$0x0], $0xffff;
	v22 =	vshll.u32 v15, $0x3  }
0x1ea: {  	[tilespmem:s23+$0x3370] =	vst v12;
	s14 =	sshll.u32 s25, $0xA;
	v21 =	vld.idx.msk [tilespmem:v24+s2+$0x0], $0xffff;
	v47 =	vor.u32 v11, v19;
	v11 =	vand.u32 $0x7F, v15;
	v12 =	vand.u32 $0xFFFFFC00, v22  }
0x1eb: {  	[tilespmem:s22+$0x3330] =	vst v13;
	s25 =	sand.u32 $0x3FFFFC00, s14;
	v16 =	vand.u32 $0xFFFFFC00, v16;
	v15 =	vshll.u32 v20, $0x3;
	v12 =	vor.u32 v11, v12;
	v11 =	vld.idx.msk [tilespmem:v25+s2+$0x0], $0xffff  }
0x1ec: {  	v8 =	vor.u32 v8, v16;
	v13 =	vand.u32 $0x7F, v20;
	v24 =	vld.idx.msk [tilespmem:v18+s2+$0x0], $0xffff;
	[tilespmem:s25+$0x3050] =	vst v17;
	v15 =	vand.u32 $0xFFFFFC00, v15  }
0x1ed: {  	[tilespmem:s23+$0x33B0] =	vst v3;
	v0 =	vor.u32 $0x380, v0;
	v48 =	vor.u32 $0x100, v18;
	v7 =	vld.idx.msk [tilespmem:v7+s2+$0x0], $0xffff;
	v15 =	vor.u32 v13, v15  }
0x1ee: {  	[tilespmem:s22+$0x3370] =	vst v23;
	v42 =	vor.u32 $0x180, v18;
	v35 =	vor.u32 $0x200, v18;
	v16 =	vor.u32 $0x80, v18;
	v20 =	vld.idx.msk [tilespmem:v9+s2+$0x0], $0xffff  }
0x1ef: {  	v31 =	vor.u32 $0x280, v18;
	v19 =	vor.u32 $0x80, v9;
	v17 =	vor.u32 $0x100, v14;
	[tilespmem:s21+$0x3330] =	vst v21;
	v23 =	vld.idx.msk [tilespmem:v47+s2+$0x0], $0xffff  }
0x1f0: {  	v49 =	vor.u32 $0x100, v9;
	v50 =	vor.u32 $0x100, v47;
	v43 =	vor.u32 $0x180, v9;
	[tilespmem:s19+$0x3330] =	vst v10;
	v25 =	vld.idx.msk [tilespmem:v12+s2+$0x0], $0xffff  }
0x1f1: {  	v40 =	vor.u32 $0x180, v47;
	v37 =	vor.u32 $0x200, v9;
	v13 =	vor.u32 $0x80, v47;
	[tilespmem:s20+$0x3050] =	vst v24;
	v24 =	vld.idx.msk [tilespmem:v8+s2+$0x0], $0xffff  }
0x1f2: {  	s15 =	sshll.u32 s15, $0xA;
	v36 =	vor.u32 $0x200, v47;
	v30 =	vor.u32 $0x280, v9;
	v22 =	vor.u32 $0x80, v12;
	[tilespmem:s19+$0x33F0] =	vst v11;
	v11 =	vld.idx.msk [tilespmem:v15+s2+$0x0], $0xffff  }
0x1f3: {  	s0 =	sand.u32 $0x3FFFFC00, s15;
	v28 =	vor.u32 $0x280, v47;
	v52 =	vor.u32 $0x100, v8;
	v21 =	vor.u32 $0x80, v8;
	[tilespmem:s25+$0x30D0] =	vst v7;
	v3 =	vld.idx.msk [tilespmem:v16+s2+$0x0], $0xffff  }
0x1f4: {  	s26 =	sshll.u32 s12, $0xA;
	v41 =	vor.u32 $0x180, v8;
	v34 =	vor.u32 $0x200, v8;
	v10 =	vor.u32 $0x80, v15;
	v7 =	vld.idx.msk [tilespmem:v17+s2+$0x0], $0xffff;
	[tilespmem:s0+$0x3010] =	vst v20  }
0x1f5: {  	s26 =	sand.u32 $0x3FFFFC00, s26;
	v29 =	vor.u32 $0x280, v8;
	v44 =	vor.u32 $0x100, v12;
	v16 =	vor.u32 $0x180, v14;
	[tilespmem:s0+$0x3050] =	vst v23;
	v51 =	vld.idx.msk [tilespmem:v19+s2+$0x0], $0xffff  }
0x1f6: {  	v39 =	vor.u32 $0x180, v12;
	v33 =	vor.u32 $0x200, v12;
	v27 =	vor.u32 $0x280, v12;
	v53 =	vld.idx.msk [tilespmem:v13+s2+$0x0], $0xffff;
	[tilespmem:s26+$0x3050] =	vst v25  }
0x1f7: {  	v45 =	vor.u32 $0x100, v15;
	v38 =	vor.u32 $0x180, v15;
	v32 =	vor.u32 $0x200, v15;
	[tilespmem:s26+$0x3010] =	vst v24;
	v55 =	vld.idx.msk [tilespmem:v22+s2+$0x0], $0xffff  }
0x1f8: {  	v26 =	vor.u32 $0x280, v15;
	v23 =	vor.u32 $0x300, v47;
	v20 =	vor.u32 $0x300, v15;
	v54 =	vld.idx.msk [tilespmem:v21+s2+$0x0], $0xffff;
	[tilespmem:s25+$0x3010] =	vst v11  }
0x1f9: {  	v17 =	vor.u32 $0x380, v8;
	v15 =	vor.u32 $0x380, v15;
	v19 =	vor.u32 $0x380, v18;
	[tilespmem:s25+$0x3150] =	vst v7;
	v46 =	vld.idx.msk [tilespmem:v10+s2+$0x0], $0xffff  }
0x1fa: {  	v13 =	vor.u32 $0x380, v12;
	v25 =	vor.u32 $0x300, v18;
	v18 =	vor.u32 $0x380, v9;
	[tilespmem:s20+$0x30D0] =	vst v3;
	v11 =	vld.idx.msk [tilespmem:v16+s2+$0x0], $0xffff  }
0x1fb: {  	v3 =	vshll.u32 v4, $0x3;
	v16 =	vor.u32 $0x380, v47;
	v47 =	vld.idx.msk [tilespmem:v48+s2+$0x0], $0xffff;
	[tilespmem:s0+$0x3090] =	vst v51;
	v51 =	vor.u32 $0x200, v14  }
0x1fc: {  	v24 =	vor.u32 $0x300, v9;
	v4 =	vand.u32 $0x7F, v4;
	v3 =	vand.u32 $0xFFFFFC00, v3;
	[tilespmem:s0+$0x30D0] =	vst v53;
	v48 =	vld.idx.msk [tilespmem:v49+s2+$0x0], $0xffff  }
0x1fd: {  	v22 =	vor.u32 $0x300, v8;
	v21 =	vor.u32 $0x300, v12;
	v10 =	vor.u32 v4, v3;
	v49 =	vld.idx.msk [tilespmem:v50+s2+$0x0], $0xffff;
	[tilespmem:s26+$0x3090] =	vst v54  }
0x1fe: {  	s28 =	simm.s32 $0x400;
	v12 =	vor.u32 $0x80, v10;
	v7 =	vor.u32 $0x100, v10;
	v3 =	vor.u32 $0x180, v10;
	[tilespmem:s26+$0x30D0] =	vst v55;
	v50 =	vld.idx.msk [tilespmem:v52+s2+$0x0], $0xffff  }
.LBB2_4:
0x1ff: {  	v52 =	vld [tilespmem:s28+$0x2000];
	p1 =	slt.u32 s28, $0xE00;
	v9 =	vor.u32 $0x200, v10;
	v8 =	vor.u32 $0x280, v10;
	v4 =	vor.u32 $0x300, v10;
	[tilespmem:s25+$0x31D0] =	vst v11  }
0x200: {  	v11 =	vor.u32 $0x380, v10;
	[tilespmem:s25+$0x3090] =	vst v46;
	v46 =	vld.idx.msk [tilespmem:v51+s2+$0x0], $0xffff  }
0x201: {  	[tilespmem:s20+$0x3150] =	vst v47;
	v44 =	vld.idx.msk [tilespmem:v44+s2+$0x0], $0xffff  }
0x202: {  	v47 =	vor.u32 $0x280, v14;
	[tilespmem:s0+$0x3110] =	vst v48;
	v45 =	vld.idx.msk [tilespmem:v45+s2+$0x0], $0xffff  }
0x203: {  	v42 =	vld.idx.msk [tilespmem:v42+s2+$0x0], $0xffff;
	[tilespmem:s0+$0x3150] =	vst v49  }
0x204: {  	v48 =	vshll.u32 v52, $0x3;
	v43 =	vld.idx.msk [tilespmem:v43+s2+$0x0], $0xffff;
	[tilespmem:s26+$0x3110] =	vst v50  }
0x205: {  	v49 =	vand.u32 $0x7F, v52;
	v48 =	vand.u32 $0xFFFFFC00, v48;
	v50 =	vld.idx.msk [tilespmem:v40+s2+$0x0], $0xffff  }
0x206: {  	v40 =	vor.u32 v49, v48;
	v41 =	vld.idx.msk [tilespmem:v41+s2+$0x0], $0xffff;
	[tilespmem:s25+$0x3250] =	vst v46  }
0x207: {  	[tilespmem:s26+$0x3150] =	vst v44;
	v44 =	vld.idx.msk [tilespmem:v47+s2+$0x0], $0xffff  }
0x208: {  	v39 =	vld.idx.msk [tilespmem:v39+s2+$0x0], $0xffff;
	[tilespmem:s25+$0x3110] =	vst v45  }
0x209: {  	[tilespmem:s20+$0x31D0] =	vst v42;
	v38 =	vld.idx.msk [tilespmem:v38+s2+$0x0], $0xffff;
	v42 =	vor.u32 $0x300, v14  }
0x20a: {  	v35 =	vld.idx.msk [tilespmem:v35+s2+$0x0], $0xffff;
	[tilespmem:s0+$0x3190] =	vst v43  }
0x20b: {  	v43 =	vld.idx.msk [tilespmem:v40+s2+$0x0], $0xffff;
	[tilespmem:s0+$0x31D0] =	vst v50  }
0x20c: {  	v37 =	vld.idx.msk [tilespmem:v37+s2+$0x0], $0xffff;
	[tilespmem:s26+$0x3190] =	vst v41  }
0x20d: {  	v41 =	vor.u32 $0x80, v40;
	v36 =	vld.idx.msk [tilespmem:v36+s2+$0x0], $0xffff;
	[tilespmem:s25+$0x32D0] =	vst v44  }
0x20e: {  	[tilespmem:s26+$0x31D0] =	vst v39;
	v39 =	vld.idx.msk [tilespmem:v42+s2+$0x0], $0xffff  }
0x20f: {  	s15 =	sshll.u32 s28, $0x3;
	v34 =	vld.idx.msk [tilespmem:v34+s2+$0x0], $0xffff;
	[tilespmem:s25+$0x3190] =	vst v38  }
0x210: {  	s3 =	sand.u32 $0x3FFFFFF8, s15;
	s1 =	sor.u32 $0x400, s15;
	s9 =	sor.u32 $0x800, s15;
	v14 =	vor.u32 $0x380, v14;
	[tilespmem:s20+$0x3250] =	vst v35;
	v33 =	vld.idx.msk [tilespmem:v33+s2+$0x0], $0xffff  }
0x211: {  	s8 =	sand.u32 $0x3FFFFFF8, s1;
	s6 =	sand.u32 $0x7400, s1;
	s4 =	sand.u32 $0x3FFFFFF8, s9;
	[tilespmem:s3+$0x3000] =	vst v43;
	v32 =	vld.idx.msk [tilespmem:v32+s2+$0x0], $0xffff  }
0x212: {  	s5 =	sor.u32 $0x6C0, s15;
	s9 =	sand.u32 $0x7800, s9;
	s1 =	sor.u32 $0xAC0, s15;
	v35 =	vld.idx.msk [tilespmem:v41+s2+$0x0], $0xffff;
	[tilespmem:s0+$0x3210] =	vst v37  }
0x213: {  	s12 =	sor.u32 $0x740, s15;
	s13 =	sor.u32 $0x7C0, s15;
	s11 =	sor.u32 $0xB40, s15;
	v31 =	vld.idx.msk [tilespmem:v31+s2+$0x0], $0xffff;
	[tilespmem:s0+$0x3250] =	vst v36  }
0x214: {  	s14 =	sor.u32 $0xBC0, s15;
	v36 =	vor.u32 $0x100, v40;
	v30 =	vld.idx.msk [tilespmem:v30+s2+$0x0], $0xffff;
	[tilespmem:s25+$0x3350] =	vst v39  }
0x215: {  	[tilespmem:s26+$0x3210] =	vst v34  }
0x216: {  	v14 =	vld.idx.msk [tilespmem:v14+s2+$0x0], $0xffff  }
0x217: {  	v28 =	vld.idx.msk [tilespmem:v28+s2+$0x0], $0xffff;
	[tilespmem:s26+$0x3250] =	vst v33  }
0x218: {  	v29 =	vld.idx.msk [tilespmem:v29+s2+$0x0], $0xffff;
	[tilespmem:s25+$0x3210] =	vst v32  }
0x219: {  	[tilespmem:s3+$0x3080] =	vst v35;
	v27 =	vld.idx.msk [tilespmem:v27+s2+$0x0], $0xffff  }
0x21a: {  	v32 =	vld.idx.msk [tilespmem:v36+s2+$0x0], $0xffff;
	[tilespmem:s20+$0x32D0] =	vst v31  }
0x21b: {  	[tilespmem:s0+$0x3290] =	vst v30;
	v26 =	vld.idx.msk [tilespmem:v26+s2+$0x0], $0xffff  }
0x21c: {  	v30 =	vor.u32 $0x180, v40;
	v25 =	vld.idx.msk [tilespmem:v25+s2+$0x0], $0xffff;
	[tilespmem:s25+$0x33D0] =	vst v14  }
0x21d: {  	[tilespmem:s0+$0x32D0] =	vst v28;
	v14 =	vld [tilespmem:s29+$0x2060]  }
0x21e: {  	v24 =	vld.idx.msk [tilespmem:v24+s2+$0x0], $0xffff;
	[tilespmem:s26+$0x3290] =	vst v29  }
0x21f: {  	v23 =	vld.idx.msk [tilespmem:v23+s2+$0x0], $0xffff;
	[tilespmem:s26+$0x32D0] =	vst v27  }
0x220: {  	[tilespmem:s3+$0x3100] =	vst v32;
	v22 =	vld.idx.msk [tilespmem:v22+s2+$0x0], $0xffff  }
0x221: {  	v27 =	vld.idx.msk [tilespmem:v30+s2+$0x0], $0xffff;
	[tilespmem:s25+$0x3290] =	vst v26  }
0x222: {  	[tilespmem:s20+$0x3350] =	vst v25;
	v21 =	vld.idx.msk [tilespmem:v21+s2+$0x0], $0xffff;
	v25 =	vshll.u32 v14, $0x3  }
0x223: {  	v26 =	vor.u32 $0x200, v40;
	v14 =	vand.u32 $0x7F, v14;
	v20 =	vld.idx.msk [tilespmem:v20+s2+$0x0], $0xffff;
	v25 =	vand.u32 $0xFFFFFC00, v25  }
0x224: {  	v19 =	vld.idx.msk [tilespmem:v19+s2+$0x0], $0xffff;
	[tilespmem:s0+$0x3310] =	vst v24;
	v14 =	vor.u32 v14, v25  }
0x225: {  	v18 =	vld.idx.msk [tilespmem:v18+s2+$0x0], $0xffff;
	[tilespmem:s0+$0x3350] =	vst v23  }
0x226: {  	v16 =	vld.idx.msk [tilespmem:v16+s2+$0x0], $0xffff;
	[tilespmem:s26+$0x3310] =	vst v22  }
0x227: {  	[tilespmem:s3+$0x3180] =	vst v27;
	v17 =	vld.idx.msk [tilespmem:v17+s2+$0x0], $0xffff  }
0x228: {  	v22 =	vld.idx.msk [tilespmem:v26+s2+$0x0], $0xffff;
	[tilespmem:s26+$0x3350] =	vst v21  }
0x229: {  	[tilespmem:s25+$0x3310] =	vst v20;
	v20 =	vld.idx.msk [tilespmem:v14+s2+$0x0], $0xffff  }
0x22a: {  	v21 =	vor.u32 $0x280, v40;
	[tilespmem:s20+$0x33D0] =	vst v19;
	v13 =	vld.idx.msk [tilespmem:v13+s2+$0x0], $0xffff  }
0x22b: {  	[tilespmem:s0+$0x3390] =	vst v18;
	v15 =	vld.idx.msk [tilespmem:v15+s2+$0x0], $0xffff;
	v18 =	vor.u32 $0x80, v14  }
0x22c: {  	v19 =	vld [tilespmem:s24+$0x2060];
	[tilespmem:s0+$0x33D0] =	vst v16  }
0x22d: {  	v16 =	vld [tilespmem:s30+$0x2020];
	[tilespmem:s26+$0x3390] =	vst v17  }
0x22e: {  	[tilespmem:s3+$0x3200] =	vst v22;
	v17 =	vld [tilespmem:s30+$0x2060]  }
0x22f: {  	v21 =	vld.idx.msk [tilespmem:v21+s2+$0x0], $0xffff;
	[tilespmem:s25+$0x3060] =	vst v20  }
0x230: {  	[tilespmem:s26+$0x33D0] =	vst v13;
	v13 =	vld.idx.msk [tilespmem:v18+s2+$0x0], $0xffff  }
0x231: {  	v18 =	vor.u32 $0x300, v40;
	v20 =	vand.u32 $0x7F, v19;
	v19 =	vshll.u32 v19, $0x3;
	v22 =	vld [tilespmem:s31+$0x2020];
	[tilespmem:s25+$0x3390] =	vst v15  }
0x232: {  	v24 =	vor.u32 $0x100, v14;
	v15 =	vand.u32 $0xFFFFFC00, v19;
	v19 =	vshll.u32 v16, $0x3;
	v23 =	vld [tilespmem:s31+$0x2060]  }
0x233: {  	v16 =	vand.u32 $0x7F, v16;
	v19 =	vand.u32 $0xFFFFFC00, v19;
	v25 =	vshll.u32 v17, $0x3;
	v26 =	vld [tilespmem:s29+$0x2020]  }
0x234: {  	v15 =	vor.u32 v20, v15;
	v17 =	vand.u32 $0x7F, v17;
	v10 =	vld.idx.msk [tilespmem:v10+s2+$0x0], $0xffff;
	v20 =	vand.u32 $0xFFFFFC00, v25  }
0x235: {  	v16 =	vor.u32 v16, v19;
	[tilespmem:s3+$0x3280] =	vst v21;
	v21 =	vor.u32 $0x80, v15;
	v27 =	vor.u32 v17, v20;
	v6 =	vld.idx.msk [tilespmem:v6+s2+$0x0], $0xffff  }
0x236: {  	v17 =	vld.idx.msk [tilespmem:v18+s2+$0x0], $0xffff;
	v18 =	vor.u32 $0x80, v16;
	v19 =	vand.u32 $0x7F, v22;
	v20 =	vshll.u32 v22, $0x3;
	[tilespmem:s25+$0x30E0] =	vst v13  }
0x237: {  	v13 =	vand.u32 $0xFFFFFC00, v20;
	v20 =	vand.u32 $0x7F, v23;
	v22 =	vshll.u32 v23, $0x3;
	v23 =	vld.idx.msk [tilespmem:v24+s2+$0x0], $0xffff  }
0x238: {  	v24 =	vor.u32 $0x380, v40;
	v22 =	vand.u32 $0xFFFFFC00, v22;
	v25 =	vshll.u32 v26, $0x3;
	v28 =	vld.idx.msk [tilespmem:v5+s2+$0x0], $0xffff  }
0x239: {  	v29 =	vor.u32 $0x180, v14;
	v26 =	vand.u32 $0x7F, v26;
	v5 =	vld.idx.msk [tilespmem:v15+s2+$0x0], $0xffff;
	v25 =	vand.u32 $0xFFFFFC00, v25  }
0x23a: {  	v13 =	vor.u32 v19, v13;
	v31 =	vor.u32 v20, v22;
	v30 =	vld.idx.msk [tilespmem:v16+s2+$0x0], $0xffff;
	v32 =	vor.u32 v26, v25  }
0x23b: {  	v33 =	vor.u32 $0x80, v27;
	v34 =	vor.u32 $0x80, v13;
	v35 =	vor.u32 $0x80, v31;
	[tilespmem:s20+$0x3030] =	vst v10;
	v10 =	vld.idx.msk [tilespmem:v27+s2+$0x0], $0xffff  }
0x23c: {  	v36 =	vor.u32 $0x100, v15;
	v37 =	vor.u32 $0x100, v16;
	v38 =	vor.u32 $0x80, v32;
	[tilespmem:s3+$0x3300] =	vst v17;
	v12 =	vld.idx.msk [tilespmem:v12+s2+$0x0], $0xffff  }
0x23d: {  	v39 =	vor.u32 $0x100, v27;
	v40 =	vor.u32 $0x100, v13;
	v41 =	vor.u32 $0x100, v31;
	v17 =	vld.idx.msk [tilespmem:v24+s2+$0x0], $0xffff;
	[tilespmem:s25+$0x3160] =	vst v23  }
0x23e: {  	v42 =	vor.u32 $0x180, v15;
	v43 =	vor.u32 $0x180, v16;
	v44 =	vor.u32 $0x100, v32;
	v19 =	vld.idx.msk [tilespmem:v29+s2+$0x0], $0xffff;
	[tilespmem:s23+$0x33F0] =	vst v6;
	s23 =	smov.u32 s0  }
0x23f: {  	v45 =	vor.u32 $0x180, v13;
	v46 =	vor.u32 $0x180, v31;
	v29 =	vor.u32 $0x180, v27;
	[tilespmem:s20+$0x3060] =	vst v5;
	v6 =	vld.idx.msk [tilespmem:v13+s2+$0x0], $0xffff  }
0x240: {  	v49 =	vor.u32 $0x200, v14;
	v47 =	vor.u32 $0x200, v15;
	v48 =	vor.u32 $0x180, v32;
	[tilespmem:s23+$0x3020] =	vst v30;
	v30 =	vld.idx.msk [tilespmem:v31+s2+$0x0], $0xffff  }
0x241: {  	v50 =	vor.u32 $0x200, v16;
	v51 =	vor.u32 $0x200, v27;
	v52 =	vor.u32 $0x200, v13;
	[tilespmem:s23+$0x3060] =	vst v10;
	v53 =	vld.idx.msk [tilespmem:v32+s2+$0x0], $0xffff  }
0x242: {  	v54 =	vor.u32 $0x280, v15;
	v55 =	vor.u32 $0x200, v31;
	v56 =	vor.u32 $0x200, v32;
	[tilespmem:s20+$0x30B0] =	vst v12;
	v12 =	vld.idx.msk [tilespmem:v21+s2+$0x0], $0xffff  }
0x243: {  	v58 =	vor.u32 $0x280, v16;
	v26 =	vor.u32 $0x280, v27;
	v5 =	vor.u32 $0x280, v13;
	[tilespmem:s3+$0x3380] =	vst v17;
	v57 =	vld.idx.msk [tilespmem:v18+s2+$0x0], $0xffff  }
0x244: {  	v22 =	vor.u32 $0x300, v15;
	v25 =	vor.u32 $0x280, v31;
	v24 =	vor.u32 $0x280, v32;
	v59 =	vld [tilespmem:s28+$0x2010];
	[tilespmem:s25+$0x31E0] =	vst v19  }
0x245: {  	v20 =	vor.u32 $0x300, v27;
	v23 =	vor.u32 $0x300, v16;
	v19 =	vor.u32 $0x300, v13;
	[tilespmem:s26+$0x3020] =	vst v6;
	v49 =	vld.idx.msk [tilespmem:v49+s2+$0x0], $0xffff  }
0x246: {  	v21 =	vor.u32 $0x300, v31;
	v17 =	vor.u32 $0x380, v15;
	v18 =	vor.u32 $0x300, v32;
	v33 =	vld.idx.msk [tilespmem:v33+s2+$0x0], $0xffff;
	[tilespmem:s26+$0x3060] =	vst v30  }
0x247: {  	v10 =	vor.u32 $0x380, v27;
	v15 =	vor.u32 $0x380, v16;
	v30 =	vor.u32 $0x280, v14;
	v27 =	vld.idx.msk [tilespmem:v34+s2+$0x0], $0xffff;
	[tilespmem:s25+$0x3020] =	vst v53  }
0x248: {  	v16 =	vor.u32 $0x380, v13;
	v6 =	vor.u32 $0x380, v32;
	[tilespmem:s20+$0x30E0] =	vst v12;
	v34 =	vld.idx.msk [tilespmem:v35+s2+$0x0], $0xffff;
	v12 =	vor.u32 $0x380, v31  }
0x249: {  	v13 =	vshll.u32 v59, $0x3;
	[tilespmem:s23+$0x30A0] =	vst v57;
	v31 =	vld.idx.msk [tilespmem:v38+s2+$0x0], $0xffff  }
0x24a: {  	v32 =	vand.u32 $0x7F, v59;
	v13 =	vand.u32 $0xFFFFFC00, v13;
	v35 =	vld.idx.msk [tilespmem:v36+s2+$0x0], $0xffff;
	[tilespmem:s22+$0x33B0] =	vst v28  }
0x24b: {  	v13 =	vor.u32 v32, v13;
	v28 =	vld.idx.msk [tilespmem:v37+s2+$0x0], $0xffff;
	[tilespmem:s25+$0x3260] =	vst v49  }
0x24c: {  	[tilespmem:s23+$0x30E0] =	vst v33;
	v30 =	vld.idx.msk [tilespmem:v30+s2+$0x0], $0xffff  }
0x24d: {  	v32 =	vld.idx.msk [tilespmem:v39+s2+$0x0], $0xffff;
	[tilespmem:s26+$0x30A0] =	vst v27  }
0x24e: {  	v33 =	vor.u32 $0x300, v14;
	v27 =	vld.idx.msk [tilespmem:v40+s2+$0x0], $0xffff;
	[tilespmem:s26+$0x30E0] =	vst v34  }
0x24f: {  	v34 =	vld.idx.msk [tilespmem:v41+s2+$0x0], $0xffff;
	[tilespmem:s25+$0x30A0] =	vst v31  }
0x250: {  	v31 =	vld.idx.msk [tilespmem:v13+s2+$0x0], $0xffff;
	[tilespmem:s20+$0x3160] =	vst v35  }
0x251: {  	[tilespmem:s23+$0x3120] =	vst v28;
	v28 =	vld.idx.msk [tilespmem:v44+s2+$0x0], $0xffff  }
0x252: {  	v35 =	vor.u32 $0x80, v13;
	v36 =	vld.idx.msk [tilespmem:v42+s2+$0x0], $0xffff;
	[tilespmem:s25+$0x32E0] =	vst v30  }
0x253: {  	[tilespmem:s23+$0x3160] =	vst v32;
	v30 =	vld.idx.msk [tilespmem:v33+s2+$0x0], $0xffff  }
0x254: {  	v32 =	vld.idx.msk [tilespmem:v43+s2+$0x0], $0xffff;
	[tilespmem:s26+$0x3120] =	vst v27  }
0x255: {  	v14 =	vor.u32 $0x380, v14;
	v27 =	vld.idx.msk [tilespmem:v29+s2+$0x0], $0xffff;
	[tilespmem:s26+$0x3160] =	vst v34  }
0x256: {  	[tilespmem:s3+$0x3010] =	vst v31;
	v29 =	vld.idx.msk [tilespmem:v45+s2+$0x0], $0xffff  }
0x257: {  	v31 =	vld.idx.msk [tilespmem:v35+s2+$0x0], $0xffff;
	[tilespmem:s25+$0x3120] =	vst v28  }
0x258: {  	[tilespmem:s20+$0x31E0] =	vst v36;
	v28 =	vld.idx.msk [tilespmem:v46+s2+$0x0], $0xffff  }
0x259: {  	v33 =	vor.u32 $0x100, v13;
	v34 =	vld.idx.msk [tilespmem:v48+s2+$0x0], $0xffff;
	[tilespmem:s25+$0x3360] =	vst v30  }
0x25a: {  	[tilespmem:s23+$0x31A0] =	vst v32;
	v14 =	vld.idx.msk [tilespmem:v14+s2+$0x0], $0xffff  }
0x25b: {  	v30 =	vld.idx.msk [tilespmem:v47+s2+$0x0], $0xffff;
	[tilespmem:s23+$0x31E0] =	vst v27  }
0x25c: {  	v27 =	vld.idx.msk [tilespmem:v50+s2+$0x0], $0xffff;
	[tilespmem:s26+$0x31A0] =	vst v29  }
0x25d: {  	[tilespmem:s3+$0x3090] =	vst v31;
	v29 =	vld.idx.msk [tilespmem:v51+s2+$0x0], $0xffff  }
0x25e: {  	v31 =	vld.idx.msk [tilespmem:v33+s2+$0x0], $0xffff;
	[tilespmem:s26+$0x31E0] =	vst v28  }
0x25f: {  	v28 =	vld.idx.msk [tilespmem:v52+s2+$0x0], $0xffff;
	[tilespmem:s25+$0x31A0] =	vst v34  }
0x260: {  	v32 =	vor.u32 $0x180, v13;
	v33 =	vld.idx.msk [tilespmem:v55+s2+$0x0], $0xffff;
	[tilespmem:s25+$0x33E0] =	vst v14  }
0x261: {  	[tilespmem:s20+$0x3260] =	vst v30;
	v14 =	vld [tilespmem:s29+$0x2070]  }
0x262: {  	[tilespmem:s23+$0x3220] =	vst v27;
	v27 =	vld.idx.msk [tilespmem:v56+s2+$0x0], $0xffff  }
0x263: {  	v30 =	vld.idx.msk [tilespmem:v54+s2+$0x0], $0xffff;
	[tilespmem:s23+$0x3260] =	vst v29  }
0x264: {  	[tilespmem:s3+$0x3110] =	vst v31;
	v29 =	vld.idx.msk [tilespmem:v58+s2+$0x0], $0xffff  }
0x265: {  	v31 =	vld.idx.msk [tilespmem:v32+s2+$0x0], $0xffff;
	[tilespmem:s26+$0x3220] =	vst v28  }
0x266: {  	v26 =	vld.idx.msk [tilespmem:v26+s2+$0x0], $0xffff;
	[tilespmem:s26+$0x3260] =	vst v33;
	v28 =	vshll.u32 v14, $0x3  }
0x267: {  	v32 =	vor.u32 $0x200, v13;
	v33 =	vld.idx.msk [tilespmem:v5+s2+$0x0], $0xffff;
	v5 =	vand.u32 $0x7F, v14;
	v14 =	vand.u32 $0xFFFFFC00, v28  }
0x268: {  	v25 =	vld.idx.msk [tilespmem:v25+s2+$0x0], $0xffff;
	[tilespmem:s25+$0x3220] =	vst v27;
	v5 =	vor.u32 v5, v14  }
0x269: {  	[tilespmem:s20+$0x32E0] =	vst v30;
	v14 =	vld.idx.msk [tilespmem:v24+s2+$0x0], $0xffff  }
0x26a: {  	v22 =	vld.idx.msk [tilespmem:v22+s2+$0x0], $0xffff;
	[tilespmem:s23+$0x32A0] =	vst v29  }
0x26b: {  	[tilespmem:s3+$0x3190] =	vst v31;
	v23 =	vld.idx.msk [tilespmem:v23+s2+$0x0], $0xffff  }
0x26c: {  	v24 =	vld.idx.msk [tilespmem:v32+s2+$0x0], $0xffff;
	[tilespmem:s23+$0x32E0] =	vst v26  }
0x26d: {  	[tilespmem:s26+$0x32A0] =	vst v33;
	v26 =	vld.idx.msk [tilespmem:v5+s2+$0x0], $0xffff  }
0x26e: {  	v27 =	vor.u32 $0x280, v13;
	v20 =	vld.idx.msk [tilespmem:v20+s2+$0x0], $0xffff;
	[tilespmem:s26+$0x32E0] =	vst v25  }
0x26f: {  	v19 =	vld.idx.msk [tilespmem:v19+s2+$0x0], $0xffff;
	[tilespmem:s25+$0x32A0] =	vst v14;
	v14 =	vor.u32 $0x80, v5  }
0x270: {  	[tilespmem:s20+$0x3360] =	vst v22;
	v21 =	vld.idx.msk [tilespmem:v21+s2+$0x0], $0xffff  }
0x271: {  	[tilespmem:s23+$0x3320] =	vst v23;
	v18 =	vld.idx.msk [tilespmem:v18+s2+$0x0], $0xffff  }
0x272: {  	[tilespmem:s3+$0x3210] =	vst v24;
	v17 =	vld.idx.msk [tilespmem:v17+s2+$0x0], $0xffff  }
0x273: {  	v22 =	vld.idx.msk [tilespmem:v27+s2+$0x0], $0xffff;
	[tilespmem:s25+$0x3070] =	vst v26  }
0x274: {  	[tilespmem:s23+$0x3360] =	vst v20;
	v14 =	vld.idx.msk [tilespmem:v14+s2+$0x0], $0xffff  }
0x275: {  	v20 =	vor.u32 $0x300, v13;
	v15 =	vld.idx.msk [tilespmem:v15+s2+$0x0], $0xffff;
	[tilespmem:s26+$0x3320] =	vst v19  }
0x276: {  	v19 =	vor.u32 $0x100, v5;
	v10 =	vld.idx.msk [tilespmem:v10+s2+$0x0], $0xffff;
	[tilespmem:s26+$0x3360] =	vst v21  }
0x277: {  	v16 =	vld.idx.msk [tilespmem:v16+s2+$0x0], $0xffff;
	[tilespmem:s25+$0x3320] =	vst v18  }
0x278: {  	[tilespmem:s20+$0x33E0] =	vst v17;
	v12 =	vld.idx.msk [tilespmem:v12+s2+$0x0], $0xffff  }
0x279: {  	[tilespmem:s3+$0x3290] =	vst v22;
	v6 =	vld.idx.msk [tilespmem:v6+s2+$0x0], $0xffff  }
0x27a: {  	v17 =	vld.idx.msk [tilespmem:v20+s2+$0x0], $0xffff;
	[tilespmem:s25+$0x30F0] =	vst v14  }
0x27b: {  	[tilespmem:s23+$0x33A0] =	vst v15;
	v14 =	vld.idx.msk [tilespmem:v19+s2+$0x0], $0xffff  }
0x27c: {  	v13 =	vor.u32 $0x380, v13;
	v15 =	vld [tilespmem:s24+$0x2070];
	[tilespmem:s23+$0x33E0] =	vst v10;
	s24 =	smov.u32 s28  }
0x27d: {  	v10 =	vld [tilespmem:s30+$0x2030];
	[tilespmem:s26+$0x33A0] =	vst v16;
	v16 =	vor.u32 $0x180, v5  }
0x27e: {  	v18 =	vld [tilespmem:s30+$0x2070];
	[tilespmem:s26+$0x33E0] =	vst v12  }
0x27f: {  	v12 =	vld [tilespmem:s31+$0x2030];
	[tilespmem:s25+$0x33A0] =	vst v6  }
0x280: {  	[tilespmem:s3+$0x3310] =	vst v17;
	v6 =	vld [tilespmem:s31+$0x2070]  }
0x281: {  	v13 =	vld.idx.msk [tilespmem:v13+s2+$0x0], $0xffff;
	v17 =	vand.u32 $0x7F, v15;
	v15 =	vshll.u32 v15, $0x3;
	[tilespmem:s25+$0x3170] =	vst v14  }
0x282: {  	v14 =	vand.u32 $0xFFFFFC00, v15;
	v15 =	vand.u32 $0x7F, v10;
	v10 =	vshll.u32 v10, $0x3;
	v16 =	vld.idx.msk [tilespmem:v16+s2+$0x0], $0xffff  }
0x283: {  	v10 =	vand.u32 $0xFFFFFC00, v10;
	v19 =	vand.u32 $0x7F, v18;
	v18 =	vshll.u32 v18, $0x3;
	v20 =	vld [tilespmem:s29+$0x2030]  }
0x284: {  	v22 =	vor.u32 $0x200, v5;
	v7 =	vld.idx.msk [tilespmem:v7+s2+$0x0], $0xffff;
	v18 =	vand.u32 $0xFFFFFC00, v18;
	v21 =	vshll.u32 v12, $0x3  }
0x285: {  	v12 =	vand.u32 $0x7F, v12;
	v21 =	vand.u32 $0xFFFFFC00, v21;
	v23 =	vshll.u32 v6, $0x3;
	v2 =	vld.idx.msk [tilespmem:v2+s2+$0x0], $0xffff  }
0x286: {  	v24 =	vor.u32 v17, v14;
	v6 =	vand.u32 $0x7F, v6;
	v14 =	vand.u32 $0xFFFFFC00, v23;
	v1 =	vld.idx.msk [tilespmem:v1+s2+$0x0], $0xffff  }
0x287: {  	v25 =	vor.u32 v19, v18;
	v23 =	vor.u32 v15, v10;
	v26 =	vor.u32 v12, v21;
	[tilespmem:s3+$0x3390] =	vst v13  }
0x288: {  	v27 =	vor.u32 v6, v14;
	v10 =	vld [tilespmem:s28+$0x2020];
	v6 =	vand.u32 $0x7F, v20;
	v12 =	vshll.u32 v20, $0x3;
	[tilespmem:s25+$0x31F0] =	vst v16  }
0x289: {  	v13 =	vor.u32 $0x80, v24;
	v15 =	vor.u32 $0x80, v23;
	v12 =	vand.u32 $0xFFFFFC00, v12;
	v14 =	vld.idx.msk [tilespmem:v22+s2+$0x0], $0xffff  }
0x28a: {  	v16 =	vor.u32 $0x80, v26;
	[tilespmem:s20+$0x3130] =	vst v7;
	v7 =	vor.u32 $0x80, v25;
	v22 =	vor.u32 v6, v12;
	v6 =	vld.idx.msk [tilespmem:v0+s2+$0x0], $0xffff;
	v0 =	vmovc v11  }
0x28b: {  	v18 =	vor.u32 $0x280, v5;
	v28 =	vor.u32 $0x80, v27;
	v12 =	vld.idx.msk [tilespmem:v24+s2+$0x0], $0xffff;
	v29 =	vor.u32 $0x80, v22;
	[tilespmem:s22+$0x33F0] =	vst v2;
	s22 =	smov.u32 s26  }
0x28c: {  	v31 =	vor.u32 $0x100, v25;
	v30 =	vor.u32 $0x100, v23;
	v2 =	vor.u32 $0x100, v24;
	v19 =	vld.idx.msk [tilespmem:v23+s2+$0x0], $0xffff;
	[tilespmem:s21+$0x33B0] =	vst v1;
	s21 =	smov.u32 s25  }
0x28d: {  	v32 =	vor.u32 $0x100, v26;
	v33 =	vor.u32 $0x100, v27;
	v1 =	vshll.u32 v10, $0x3;
	v20 =	vld.idx.msk [tilespmem:v25+s2+$0x0], $0xffff  }
0x28e: {  	v34 =	vor.u32 $0x100, v22;
	v10 =	vand.u32 $0x7F, v10;
	v1 =	vand.u32 $0xFFFFFC00, v1;
	v21 =	vld.idx.msk [tilespmem:v26+s2+$0x0], $0xffff  }
0x28f: {  	v36 =	vor.u32 $0x180, v24;
	v37 =	vor.u32 $0x180, v23;
	v35 =	vor.u32 v10, v1;
	v1 =	vld.idx.msk [tilespmem:v27+s2+$0x0], $0xffff;
	[tilespmem:s21+$0x3270] =	vst v14  }
0x290: {  	v17 =	vor.u32 $0x280, v35;
	v14 =	vor.u32 $0x300, v35;
	v11 =	vor.u32 $0x380, v35;
	v10 =	vld.idx.msk [tilespmem:v18+s2+$0x0], $0xffff;
	[tilespmem:s19+$0x33B0] =	vst v6;
	s19 =	smov.u32 s20;
	s20 =	smov.u32 s3  }
0x291: {  	v38 =	vor.u32 $0x180, v25;
	v39 =	vor.u32 $0x180, v26;
	v40 =	vor.u32 $0x180, v27;
	[tilespmem:s19+$0x3070] =	vst v12;
	v6 =	vld.idx.msk [tilespmem:v22+s2+$0x0], $0xffff  }
0x292: {  	v41 =	vor.u32 $0x200, v24;
	v42 =	vor.u32 $0x180, v22;
	v12 =	vld.idx.msk [tilespmem:v13+s2+$0x0], $0xffff;
	[tilespmem:s23+$0x3030] =	vst v19;
	v13 =	vor.u32 $0x300, v5  }
0x293: {  	v45 =	vor.u32 $0x200, v25;
	v44 =	vor.u32 $0x200, v23;
	v46 =	vor.u32 $0x200, v26;
	v43 =	vld.idx.msk [tilespmem:v15+s2+$0x0], $0xffff;
	[tilespmem:s23+$0x3070] =	vst v20  }
0x294: {  	v48 =	vor.u32 $0x280, v24;
	v49 =	vor.u32 $0x200, v27;
	v50 =	vor.u32 $0x200, v22;
	v47 =	vld.idx.msk [tilespmem:v35+s2+$0x0], $0xffff;
	[tilespmem:s22+$0x3030] =	vst v21  }
0x295: {  	v53 =	vor.u32 $0x280, v25;
	v51 =	vor.u32 $0x280, v23;
	v54 =	vor.u32 $0x280, v26;
	v52 =	vld.idx.msk [tilespmem:v7+s2+$0x0], $0xffff;
	[tilespmem:s22+$0x3070] =	vst v1  }
0x296: {  	v20 =	vor.u32 $0x280, v22;
	v21 =	vor.u32 $0x280, v27;
	v1 =	vor.u32 $0x80, v35;
	v55 =	vld.idx.msk [tilespmem:v16+s2+$0x0], $0xffff;
	[tilespmem:s21+$0x32F0] =	vst v10  }
0x297: {  	v18 =	vor.u32 $0x300, v23;
	v19 =	vor.u32 $0x300, v24;
	v16 =	vor.u32 $0x300, v25;
	[tilespmem:s21+$0x3030] =	vst v6;
	v56 =	vld.idx.msk [tilespmem:v13+s2+$0x0], $0xffff  }
0x298: {  	v15 =	vor.u32 $0x300, v26;
	v13 =	vor.u32 $0x300, v27;
	[tilespmem:s19+$0x30F0] =	vst v12;
	v28 =	vld.idx.msk [tilespmem:v28+s2+$0x0], $0xffff;
	v12 =	vor.u32 $0x300, v22  }
0x299: {  	v7 =	vor.u32 $0x380, v23;
	v10 =	vor.u32 $0x380, v24;
	v24 =	vor.u32 $0x380, v5;
	[tilespmem:s23+$0x30B0] =	vst v43;
	v23 =	vld.idx.msk [tilespmem:v29+s2+$0x0], $0xffff  }
0x29a: {  	v5 =	vor.u32 $0x380, v26;
	v6 =	vor.u32 $0x380, v25;
	[tilespmem:s20+$0x3020] =	vst v47;
	v29 =	vld.idx.msk [tilespmem:v2+s2+$0x0], $0xffff;
	v2 =	vor.u32 $0x380, v27  }
0x29b: {  	v25 =	vld.idx.msk [tilespmem:v1+s2+$0x0], $0xffff;
	[tilespmem:s23+$0x30F0] =	vst v52;
	v1 =	vor.u32 $0x380, v22  }
0x29c: {  	v22 =	vld.idx.msk [tilespmem:v30+s2+$0x0], $0xffff;
	[tilespmem:s22+$0x30B0] =	vst v55  }
0x29d: {  	v26 =	vor.u32 $0x100, v35;
	v27 =	vld.idx.msk [tilespmem:v31+s2+$0x0], $0xffff;
	[tilespmem:s21+$0x3370] =	vst v56  }
0x29e: {  	[tilespmem:s22+$0x30F0] =	vst v28;
	v24 =	vld.idx.msk [tilespmem:v24+s2+$0x0], $0xffff  }
0x29f: {  	v28 =	vld.idx.msk [tilespmem:v32+s2+$0x0], $0xffff;
	[tilespmem:s21+$0x30B0] =	vst v23  }
0x2a0: {  	[tilespmem:s19+$0x3170] =	vst v29;
	v23 =	vld.idx.msk [tilespmem:v33+s2+$0x0], $0xffff  }
0x2a1: {  	[tilespmem:s20+$0x30A0] =	vst v25;
	v25 =	vld.idx.msk [tilespmem:v34+s2+$0x0], $0xffff  }
0x2a2: {  	v26 =	vld.idx.msk [tilespmem:v26+s2+$0x0], $0xffff;
	[tilespmem:s23+$0x3130] =	vst v22  }
0x2a3: {  	v22 =	vld.idx.msk [tilespmem:v36+s2+$0x0], $0xffff;
	[tilespmem:s23+$0x3170] =	vst v27  }
0x2a4: {  	v27 =	vor.u32 $0x180, v35;
	v29 =	vld.idx.msk [tilespmem:v37+s2+$0x0], $0xffff;
	[tilespmem:s21+$0x33F0] =	vst v24  }
0x2a5: {  	v24 =	vld.idx.msk [tilespmem:v38+s2+$0x0], $0xffff;
	[tilespmem:s22+$0x3130] =	vst v28  }
0x2a6: {  	v28 =	vld.idx.msk [tilespmem:v39+s2+$0x0], $0xffff;
	[tilespmem:s22+$0x3170] =	vst v23  }
0x2a7: {  	v23 =	vld.idx.msk [tilespmem:v40+s2+$0x0], $0xffff;
	[tilespmem:s21+$0x3130] =	vst v25  }
0x2a8: {  	[tilespmem:s20+$0x3120] =	vst v26;
	v25 =	vld.idx.msk [tilespmem:v42+s2+$0x0], $0xffff  }
0x2a9: {  	v26 =	vld.idx.msk [tilespmem:v27+s2+$0x0], $0xffff;
	[tilespmem:s19+$0x31F0] =	vst v22  }
0x2aa: {  	v3 =	vld.idx.msk [tilespmem:v3+s2+$0x0], $0xffff;
	[tilespmem:s23+$0x31B0] =	vst v29  }
0x2ab: {  	v22 =	vor.u32 $0x200, v35;
	v27 =	vld.idx.msk [tilespmem:v41+s2+$0x0], $0xffff;
	[tilespmem:s23+$0x31F0] =	vst v24  }
0x2ac: {  	v24 =	vld.idx.msk [tilespmem:v44+s2+$0x0], $0xffff;
	[tilespmem:s22+$0x31B0] =	vst v28  }
0x2ad: {  	v28 =	vld.idx.msk [tilespmem:v45+s2+$0x0], $0xffff;
	[tilespmem:s22+$0x31F0] =	vst v23  }
0x2ae: {  	v23 =	vld.idx.msk [tilespmem:v46+s2+$0x0], $0xffff;
	[tilespmem:s21+$0x31B0] =	vst v25  }
0x2af: {  	[tilespmem:s20+$0x31A0] =	vst v26;
	v25 =	vld.idx.msk [tilespmem:v49+s2+$0x0], $0xffff  }
0x2b0: {  	v22 =	vld.idx.msk [tilespmem:v22+s2+$0x0], $0xffff;
	[tilespmem:s19+$0x31B0] =	vst v3  }
0x2b1: {  	[tilespmem:s19+$0x3270] =	vst v27;
	v3 =	vld.idx.msk [tilespmem:v50+s2+$0x0], $0xffff  }
0x2b2: {  	v9 =	vld.idx.msk [tilespmem:v9+s2+$0x0], $0xffff;
	[tilespmem:s23+$0x3230] =	vst v24  }
0x2b3: {  	v24 =	vld.idx.msk [tilespmem:v48+s2+$0x0], $0xffff;
	[tilespmem:s23+$0x3270] =	vst v28  }
0x2b4: {  	v26 =	vld.idx.msk [tilespmem:v51+s2+$0x0], $0xffff;
	[tilespmem:s22+$0x3230] =	vst v23  }
0x2b5: {  	v23 =	vld.idx.msk [tilespmem:v53+s2+$0x0], $0xffff;
	[tilespmem:s22+$0x3270] =	vst v25  }
0x2b6: {  	[tilespmem:s20+$0x3220] =	vst v22;
	v22 =	vld.idx.msk [tilespmem:v54+s2+$0x0], $0xffff  }
0x2b7: {  	v25 =	vld [tilespmem:s28+$0x21C0];
	[tilespmem:s21+$0x3230] =	vst v3  }
0x2b8: {  	v27 =	vld [tilespmem:s28+$0x2040];
	[tilespmem:s19+$0x3230] =	vst v9  }
0x2b9: {  	v9 =	vld [tilespmem:s28+$0x2080];
	[tilespmem:s19+$0x32F0] =	vst v24  }
0x2ba: {  	v24 =	vld [tilespmem:s28+$0x20C0];
	[tilespmem:s23+$0x32B0] =	vst v26  }
0x2bb: {  	v26 =	vld [tilespmem:s28+$0x2100];
	[tilespmem:s23+$0x32F0] =	vst v23  }
0x2bc: {  	v23 =	vld [tilespmem:s28+$0x2140];
	v3 =	vshll.u32 v25, $0x3;
	[tilespmem:s22+$0x32B0] =	vst v22  }
0x2bd: {  	v25 =	vand.u32 $0x7F, v25;
	v22 =	vshll.u32 v27, $0x3;
	v28 =	vld [tilespmem:s28+$0x2180];
	v3 =	vand.u32 $0xFFFFFC00, v3  }
0x2be: {  	v17 =	vld.idx.msk [tilespmem:v17+s2+$0x0], $0xffff;
	v22 =	vand.u32 $0xFFFFFC00, v22;
	v29 =	vshll.u32 v9, $0x3;
	v3 =	vor.u32 v25, v3  }
0x2bf: {  	v25 =	vand.u32 $0x7F, v27;
	v27 =	vand.u32 $0xFFFFFC00, v29;
	v29 =	vshll.u32 v24, $0x3;
	v21 =	vld.idx.msk [tilespmem:v21+s2+$0x0], $0xffff  }
0x2c0: {  	v9 =	vand.u32 $0x7F, v9;
	v29 =	vand.u32 $0xFFFFFC00, v29;
	v30 =	vshll.u32 v26, $0x3;
	v20 =	vld.idx.msk [tilespmem:v20+s2+$0x0], $0xffff  }
0x2c1: {  	v24 =	vand.u32 $0x7F, v24;
	v30 =	vand.u32 $0xFFFFFC00, v30;
	v31 =	vshll.u32 v23, $0x3;
	v8 =	vld.idx.msk [tilespmem:v8+s2+$0x0], $0xffff  }
0x2c2: {  	v26 =	vand.u32 $0x7F, v26;
	v31 =	vand.u32 $0xFFFFFC00, v31;
	v32 =	vshll.u32 v28, $0x3;
	v19 =	vld.idx.msk [tilespmem:v19+s2+$0x0], $0xffff  }
0x2c3: {  	v23 =	vand.u32 $0x7F, v23;
	v28 =	vand.u32 $0x7F, v28;
	v32 =	vand.u32 $0xFFFFFC00, v32;
	v33 =	vld.idx.msk [tilespmem:v3+s2+$0x0], $0xffff  }
0x2c4: {  	v9 =	vor.u32 v9, v27;
	[tilespmem:s20+$0x32A0] =	vst v17;
	v17 =	vor.u32 v25, v22;
	v22 =	vor.u32 v24, v29  }
0x2c5: {  	v23 =	vor.u32 v23, v31;
	v24 =	vor.u32 v26, v30;
	v25 =	vor.u32 $0x80, v3;
	v14 =	vld.idx.msk [tilespmem:v14+s2+$0x0], $0xffff;
	[tilespmem:s22+$0x32F0] =	vst v21  }
0x2c6: {  	v26 =	vor.u32 $0x80, v9;
	v27 =	vor.u32 v28, v32;
	v21 =	vor.u32 $0x80, v17;
	v18 =	vld.idx.msk [tilespmem:v18+s2+$0x0], $0xffff;
	[tilespmem:s21+$0x32B0] =	vst v20  }
0x2c7: {  	s0 =	sor.u32 $0xC00, s15;
	v30 =	vor.u32 $0x80, v23;
	v28 =	vor.u32 $0x80, v22;
	v29 =	vor.u32 $0x80, v24;
	[tilespmem:s19+$0x32B0] =	vst v8;
	v8 =	vld.idx.msk [tilespmem:v16+s2+$0x0], $0xffff  }
0x2c8: {  	s3 =	sand.u32 $0x3FFFFFF8, s0;
	s0 =	sand.u32 $0x7C00, s0;
	v32 =	vor.u32 $0x100, v9;
	v31 =	vor.u32 $0x100, v17;
	v34 =	vor.u32 $0x80, v27;
	[tilespmem:s19+$0x3370] =	vst v19;
	v15 =	vld.idx.msk [tilespmem:v15+s2+$0x0], $0xffff  }
0x2c9: {  	v37 =	vor.u32 $0x100, v23;
	v35 =	vor.u32 $0x100, v22;
	v36 =	vor.u32 $0x100, v24;
	v16 =	vld.idx.msk [tilespmem:v17+s2+$0x0], $0xffff;
	[tilespmem:s0+$0x3040] =	vst v33  }
0x2ca: {  	v38 =	vor.u32 $0x180, v9;
	v39 =	vor.u32 $0x100, v27;
	v33 =	vor.u32 $0x180, v17;
	v19 =	vld.idx.msk [tilespmem:v25+s2+$0x0], $0xffff  }
0x2cb: {  	v41 =	vor.u32 $0x180, v23;
	v40 =	vor.u32 $0x180, v24;
	v25 =	vor.u32 $0x180, v22;
	[tilespmem:s20+$0x3320] =	vst v14;
	v14 =	vld.idx.msk [tilespmem:v9+s2+$0x0], $0xffff  }
0x2cc: {  	v44 =	vor.u32 $0x100, v3;
	v42 =	vor.u32 $0x200, v17;
	v43 =	vor.u32 $0x180, v27;
	v20 =	vld.idx.msk [tilespmem:v22+s2+$0x0], $0xffff;
	[tilespmem:s23+$0x3330] =	vst v18  }
0x2cd: {  	v45 =	vor.u32 $0x200, v9;
	v46 =	vor.u32 $0x200, v22;
	v48 =	vor.u32 $0x200, v24;
	v47 =	vld.idx.msk [tilespmem:v24+s2+$0x0], $0xffff;
	[tilespmem:s23+$0x3370] =	vst v8  }
0x2ce: {  	v50 =	vor.u32 $0x200, v23;
	v49 =	vor.u32 $0x280, v17;
	v51 =	vor.u32 $0x200, v27;
	v8 =	vld.idx.msk [tilespmem:v23+s2+$0x0], $0xffff;
	[tilespmem:s22+$0x3330] =	vst v15  }
0x2cf: {  	v52 =	vor.u32 $0x280, v9;
	v53 =	vor.u32 $0x280, v22;
	v54 =	vor.u32 $0x280, v24;
	[tilespmem:s20+$0x3040] =	vst v16;
	v55 =	vld.idx.msk [tilespmem:v27+s2+$0x0], $0xffff  }
0x2d0: {  	v57 =	vor.u32 $0x280, v23;
	v56 =	vor.u32 $0x300, v17;
	v58 =	vor.u32 $0x280, v27;
	v21 =	vld.idx.msk [tilespmem:v21+s2+$0x0], $0xffff;
	[tilespmem:s0+$0x30C0] =	vst v19  }
0x2d1: {  	v59 =	vor.u32 $0x300, v9;
	v60 =	vor.u32 $0x300, v22;
	v19 =	vor.u32 $0x300, v24;
	[tilespmem:s8+$0x3000] =	vst v14;
	v44 =	vld.idx.msk [tilespmem:v44+s2+$0x0], $0xffff  }
0x2d2: {  	v17 =	vor.u32 $0x380, v17;
	v18 =	vor.u32 $0x300, v27;
	v26 =	vld.idx.msk [tilespmem:v26+s2+$0x0], $0xffff;
	[tilespmem:s6+$0x3040] =	vst v20;
	v20 =	vor.u32 $0x300, v23  }
0x2d3: {  	v16 =	vor.u32 $0x380, v9;
	v9 =	vor.u32 $0x380, v22;
	v22 =	vor.u32 $0x180, v3;
	v28 =	vld.idx.msk [tilespmem:v28+s2+$0x0], $0xffff;
	[tilespmem:s4+$0x3000] =	vst v47  }
0x2d4: {  	v15 =	vor.u32 $0x380, v24;
	v14 =	vor.u32 $0x380, v23;
	v29 =	vld.idx.msk [tilespmem:v29+s2+$0x0], $0xffff;
	[tilespmem:s9+$0x3040] =	vst v8;
	v8 =	vor.u32 $0x380, v27  }
0x2d5: {  	v23 =	vld.idx.msk [tilespmem:v30+s2+$0x0], $0xffff;
	[tilespmem:s3+$0x3000] =	vst v55  }
0x2d6: {  	[tilespmem:s20+$0x30C0] =	vst v21;
	v21 =	vld.idx.msk [tilespmem:v34+s2+$0x0], $0xffff  }
0x2d7: {  	v24 =	vld.idx.msk [tilespmem:v31+s2+$0x0], $0xffff;
	[tilespmem:s0+$0x3140] =	vst v44  }
0x2d8: {  	[tilespmem:s8+$0x3080] =	vst v26;
	v22 =	vld.idx.msk [tilespmem:v22+s2+$0x0], $0xffff  }
0x2d9: {  	v26 =	vld.idx.msk [tilespmem:v32+s2+$0x0], $0xffff;
	[tilespmem:s6+$0x30C0] =	vst v28  }
0x2da: {  	v28 =	vor.u32 $0x200, v3;
	v27 =	vld.idx.msk [tilespmem:v35+s2+$0x0], $0xffff;
	[tilespmem:s4+$0x3080] =	vst v29  }
0x2db: {  	v29 =	vld.idx.msk [tilespmem:v36+s2+$0x0], $0xffff;
	[tilespmem:s9+$0x30C0] =	vst v23  }
0x2dc: {  	v23 =	vld.idx.msk [tilespmem:v37+s2+$0x0], $0xffff;
	[tilespmem:s3+$0x3080] =	vst v21  }
0x2dd: {  	[tilespmem:s20+$0x3140] =	vst v24;
	v21 =	vld.idx.msk [tilespmem:v39+s2+$0x0], $0xffff  }
0x2de: {  	v24 =	vld.idx.msk [tilespmem:v33+s2+$0x0], $0xffff;
	[tilespmem:s0+$0x31C0] =	vst v22  }
0x2df: {  	[tilespmem:s8+$0x3100] =	vst v26;
	v22 =	vld.idx.msk [tilespmem:v28+s2+$0x0], $0xffff  }
0x2e0: {  	v26 =	vld.idx.msk [tilespmem:v38+s2+$0x0], $0xffff;
	[tilespmem:s6+$0x3140] =	vst v27  }
0x2e1: {  	v27 =	vor.u32 $0x280, v3;
	v25 =	vld.idx.msk [tilespmem:v25+s2+$0x0], $0xffff;
	[tilespmem:s4+$0x3100] =	vst v29  }
0x2e2: {  	v28 =	vld.idx.msk [tilespmem:v40+s2+$0x0], $0xffff;
	[tilespmem:s9+$0x3140] =	vst v23  }
0x2e3: {  	v23 =	vld.idx.msk [tilespmem:v41+s2+$0x0], $0xffff;
	[tilespmem:s3+$0x3100] =	vst v21  }
0x2e4: {  	[tilespmem:s20+$0x31C0] =	vst v24;
	v21 =	vld.idx.msk [tilespmem:v43+s2+$0x0], $0xffff  }
0x2e5: {  	v24 =	vld.idx.msk [tilespmem:v42+s2+$0x0], $0xffff;
	[tilespmem:s15+$0x3E40] =	vst v22  }
0x2e6: {  	[tilespmem:s8+$0x3180] =	vst v26;
	v22 =	vld.idx.msk [tilespmem:v27+s2+$0x0], $0xffff  }
0x2e7: {  	v26 =	vld.idx.msk [tilespmem:v45+s2+$0x0], $0xffff;
	[tilespmem:s6+$0x31C0] =	vst v25  }
0x2e8: {  	v27 =	vor.u32 $0x300, v3;
	v25 =	vld.idx.msk [tilespmem:v46+s2+$0x0], $0xffff;
	[tilespmem:s4+$0x3180] =	vst v28  }
0x2e9: {  	v28 =	vld.idx.msk [tilespmem:v48+s2+$0x0], $0xffff;
	[tilespmem:s9+$0x31C0] =	vst v23  }
0x2ea: {  	v23 =	vld.idx.msk [tilespmem:v50+s2+$0x0], $0xffff;
	[tilespmem:s3+$0x3180] =	vst v21  }
0x2eb: {  	s0 =	sor.u32 $0xEC0, s15;
	[tilespmem:s20+$0x3240] =	vst v24;
	v21 =	vld.idx.msk [tilespmem:v51+s2+$0x0], $0xffff  }
0x2ec: {  	v24 =	vld.idx.msk [tilespmem:v49+s2+$0x0], $0xffff;
	[tilespmem:s0+$0x3000] =	vst v22  }
0x2ed: {  	[tilespmem:s8+$0x3200] =	vst v26;
	v22 =	vld.idx.msk [tilespmem:v27+s2+$0x0], $0xffff  }
0x2ee: {  	v26 =	vld.idx.msk [tilespmem:v52+s2+$0x0], $0xffff;
	[tilespmem:s15+$0x3640] =	vst v25  }
0x2ef: {  	v3 =	vor.u32 $0x380, v3;
	v25 =	vld.idx.msk [tilespmem:v53+s2+$0x0], $0xffff;
	[tilespmem:s4+$0x3200] =	vst v28  }
0x2f0: {  	v27 =	vld.idx.msk [tilespmem:v54+s2+$0x0], $0xffff;
	[tilespmem:s15+$0x3A40] =	vst v23  }
0x2f1: {  	v23 =	vld.idx.msk [tilespmem:v57+s2+$0x0], $0xffff;
	[tilespmem:s3+$0x3200] =	vst v21  }
0x2f2: {  	s0 =	sor.u32 $0xF40, s15;
	[tilespmem:s20+$0x32C0] =	vst v24;
	v21 =	vld.idx.msk [tilespmem:v58+s2+$0x0], $0xffff  }
0x2f3: {  	v24 =	vld.idx.msk [tilespmem:v56+s2+$0x0], $0xffff;
	[tilespmem:s0+$0x3000] =	vst v22  }
0x2f4: {  	[tilespmem:s8+$0x3280] =	vst v26;
	v3 =	vld.idx.msk [tilespmem:v3+s2+$0x0], $0xffff  }
0x2f5: {  	v22 =	vld.idx.msk [tilespmem:v59+s2+$0x0], $0xffff;
	[tilespmem:s5+$0x3000] =	vst v25  }
0x2f6: {  	v25 =	vld.idx.msk [tilespmem:v60+s2+$0x0], $0xffff;
	[tilespmem:s4+$0x3280] =	vst v27  }
0x2f7: {  	s0 =	sshrl.u32 s28, $0x7;
	v19 =	vld.idx.msk [tilespmem:v19+s2+$0x0], $0xffff;
	[tilespmem:s1+$0x3000] =	vst v23  }
0x2f8: {  	s6 =	sor.u32 $0x2, s0;
	s5 =	sor.u32 $0x1, s0;
	s1 =	sor.u32 $0x3, s0;
	v20 =	vld.idx.msk [tilespmem:v20+s2+$0x0], $0xffff;
	[tilespmem:s3+$0x3280] =	vst v21  }
0x2f9: {  	s15 =	sor.u32 $0xFC0, s15;
	s0 =	sshll.u32 s5, $0x7;
	s9 =	sshll.u32 s1, $0x7;
	[tilespmem:s20+$0x3340] =	vst v24;
	v18 =	vld.idx.msk [tilespmem:v18+s2+$0x0], $0xffff  }
0x2fa: {  	s30 =	sand.u32 $0x3FFFFF80, s0;
	s0 =	sshll.u32 s6, $0x7;
	s29 =	sand.u32 $0x3FFFFF80, s9;
	v17 =	vld.idx.msk [tilespmem:v17+s2+$0x0], $0xffff;
	[tilespmem:s15+$0x3000] =	vst v3  }
0x2fb: {  	s5 =	sshll.u32 s5, $0xA;
	s6 =	sshll.u32 s6, $0xA;
	s31 =	sand.u32 $0x3FFFFF80, s0;
	[tilespmem:s8+$0x3300] =	vst v22;
	v3 =	vld [tilespmem:s29+$0x2050]  }
0x2fc: {  	s0 =	sand.u32 $0x3FFFFC00, s5;
	s26 =	sand.u32 $0x3FFFFC00, s6;
	v16 =	vld.idx.msk [tilespmem:v16+s2+$0x0], $0xffff;
	[tilespmem:s12+$0x3000] =	vst v25  }
0x2fd: {  	v9 =	vld.idx.msk [tilespmem:v9+s2+$0x0], $0xffff;
	[tilespmem:s4+$0x3300] =	vst v19  }
0x2fe: {  	v15 =	vld.idx.msk [tilespmem:v15+s2+$0x0], $0xffff;
	[tilespmem:s11+$0x3000] =	vst v20  }
0x2ff: {  	v19 =	vld.idx.msk [tilespmem:v14+s2+$0x0], $0xffff;
	[tilespmem:s3+$0x3300] =	vst v18  }
0x300: {  	[tilespmem:s20+$0x33C0] =	vst v17;
	v8 =	vld.idx.msk [tilespmem:v8+s2+$0x0], $0xffff;
	v14 =	vshll.u32 v3, $0x3  }
0x301: {  	v3 =	vand.u32 $0x7F, v3;
	v17 =	vld [tilespmem:s28+$0x2050];
	v14 =	vand.u32 $0xFFFFFC00, v14  }
0x302: {  	v11 =	vld.idx.msk [tilespmem:v11+s2+$0x0], $0xffff;
	[tilespmem:s8+$0x3380] =	vst v16;
	v14 =	vor.u32 v3, v14  }
0x303: {  	v3 =	vld [tilespmem:s30+$0x2010];
	[tilespmem:s13+$0x3000] =	vst v9  }
0x304: {  	v9 =	vld [tilespmem:s30+$0x2050];
	[tilespmem:s4+$0x3380] =	vst v15  }
0x305: {  	v15 =	vld [tilespmem:s31+$0x2010];
	[tilespmem:s14+$0x3000] =	vst v19  }
0x306: {  	v16 =	vand.u32 $0x7F, v17;
	v17 =	vshll.u32 v17, $0x3;
	v18 =	vld [tilespmem:s31+$0x2050];
	[tilespmem:s3+$0x3380] =	vst v8  }
0x307: {  	v8 =	vand.u32 $0xFFFFFC00, v17;
	v17 =	vld.idx.msk [tilespmem:v14+s2+$0x0], $0xffff  }
0x308: {  	[tilespmem:s20+$0x33A0] =	vst v11;
	v8 =	vor.u32 v16, v8;
	v11 =	vand.u32 $0x7F, v3;
	v3 =	vshll.u32 v3, $0x3;
	v16 =	vld [tilespmem:s29+$0x2010]  }
0x309: {  	v20 =	vor.u32 $0x80, v14;
	v47 =	vld [tilespmem:s28+$0x2030];
	v3 =	vand.u32 $0xFFFFFC00, v3;
	v19 =	vshll.u32 v9, $0x3  }
0x30a: {  	v9 =	vand.u32 $0x7F, v9;
	v19 =	vand.u32 $0xFFFFFC00, v19;
	v21 =	vshll.u32 v15, $0x3;
	v13 =	vld.idx.msk [tilespmem:v13+s2+$0x0], $0xffff  }
0x30b: {  	s1 =	sshll.u32 s1, $0xA;
	v15 =	vand.u32 $0x7F, v15;
	v21 =	vand.u32 $0xFFFFFC00, v21;
	v22 =	vshll.u32 v18, $0x3;
	v12 =	vld.idx.msk [tilespmem:v12+s2+$0x0], $0xffff  }
0x30c: {  	s25 =	sand.u32 $0x3FFFFC00, s1;
	v3 =	vor.u32 v11, v3;
	v11 =	vand.u32 $0x7F, v18;
	v18 =	vand.u32 $0xFFFFFC00, v22;
	v4 =	vld.idx.msk [tilespmem:v4+s2+$0x0], $0xffff  }
0x30d: {  	v9 =	vor.u32 v9, v19;
	v22 =	vld.idx.msk [tilespmem:v8+s2+$0x0], $0xffff;
	v19 =	vand.u32 $0x7F, v16;
	v16 =	vshll.u32 v16, $0x3;
	[tilespmem:s25+$0x3050] =	vst v17  }
0x30e: {  	v15 =	vor.u32 v15, v21;
	v46 =	vor.u32 v11, v18;
	v11 =	vand.u32 $0xFFFFFC00, v16;
	v16 =	vld.idx.msk [tilespmem:v20+s2+$0x0], $0xffff  }
0x30f: {  	v17 =	vor.u32 $0x80, v8;
	v18 =	vor.u32 $0x80, v3;
	v48 =	vor.u32 v19, v11;
	v10 =	vld.idx.msk [tilespmem:v10+s2+$0x0], $0xffff  }
0x310: {  	v20 =	vor.u32 $0x100, v14;
	v11 =	vor.u32 $0x80, v9;
	v19 =	vor.u32 $0x80, v15;
	v7 =	vld.idx.msk [tilespmem:v7+s2+$0x0], $0xffff;
	[tilespmem:s22+$0x3370] =	vst v13  }
0x311: {  	v49 =	vor.u32 $0x100, v8;
	v21 =	vor.u32 $0x80, v46;
	v50 =	vor.u32 $0x80, v48;
	v13 =	vld.idx.msk [tilespmem:v3+s2+$0x0], $0xffff;
	[tilespmem:s21+$0x3330] =	vst v12  }
0x312: {  	v52 =	vor.u32 $0x100, v9;
	v53 =	vor.u32 $0x100, v15;
	v12 =	vor.u32 $0x100, v3;
	v23 =	vld.idx.msk [tilespmem:v9+s2+$0x0], $0xffff;
	[tilespmem:s19+$0x3330] =	vst v4  }
0x313: {  	v42 =	vor.u32 $0x180, v8;
	v44 =	vor.u32 $0x100, v46;
	v45 =	vor.u32 $0x100, v48;
	[tilespmem:s20+$0x3050] =	vst v22;
	v4 =	vld.idx.msk [tilespmem:v15+s2+$0x0], $0xffff  }
0x314: {  	v43 =	vor.u32 $0x180, v3;
	v40 =	vor.u32 $0x180, v9;
	v41 =	vor.u32 $0x180, v15;
	v22 =	vld.idx.msk [tilespmem:v46+s2+$0x0], $0xffff;
	[tilespmem:s25+$0x30D0] =	vst v16  }
0x315: {  	v35 =	vor.u32 $0x200, v8;
	v39 =	vor.u32 $0x180, v46;
	v38 =	vor.u32 $0x180, v48;
	v16 =	vld.idx.msk [tilespmem:v20+s2+$0x0], $0xffff;
	[tilespmem:s19+$0x33F0] =	vst v10  }
0x316: {  	v37 =	vor.u32 $0x200, v3;
	v36 =	vor.u32 $0x200, v9;
	v34 =	vor.u32 $0x200, v15;
	v10 =	vld.idx.msk [tilespmem:v48+s2+$0x0], $0xffff;
	[tilespmem:s23+$0x33B0] =	vst v7  }
0x317: {  	v33 =	vor.u32 $0x200, v46;
	v32 =	vor.u32 $0x200, v48;
	v7 =	vld.idx.msk [tilespmem:v17+s2+$0x0], $0xffff;
	[tilespmem:s0+$0x3010] =	vst v13;
	v13 =	vor.u32 $0x180, v14  }
0x318: {  	v31 =	vor.u32 $0x280, v8;
	v30 =	vor.u32 $0x280, v3;
	v28 =	vor.u32 $0x280, v9;
	v51 =	vld.idx.msk [tilespmem:v18+s2+$0x0], $0xffff;
	[tilespmem:s0+$0x3050] =	vst v23  }
0x319: {  	v29 =	vor.u32 $0x280, v15;
	v27 =	vor.u32 $0x280, v46;
	v26 =	vor.u32 $0x280, v48;
	v54 =	vld.idx.msk [tilespmem:v11+s2+$0x0], $0xffff;
	[tilespmem:s26+$0x3010] =	vst v4  }
0x31a: {  	v25 =	vor.u32 $0x300, v8;
	v24 =	vor.u32 $0x300, v3;
	v23 =	vor.u32 $0x300, v9;
	v4 =	vld.idx.msk [tilespmem:v19+s2+$0x0], $0xffff;
	[tilespmem:s26+$0x3050] =	vst v22  }
0x31b: {  	v20 =	vor.u32 $0x300, v48;
	v22 =	vor.u32 $0x300, v15;
	v55 =	vld.idx.msk [tilespmem:v21+s2+$0x0], $0xffff;
	v21 =	vor.u32 $0x300, v46;
	[tilespmem:s25+$0x3150] =	vst v16  }
0x31c: {  	v18 =	vor.u32 $0x380, v3;
	v19 =	vor.u32 $0x380, v8;
	v16 =	vor.u32 $0x380, v9;
	[tilespmem:s25+$0x3010] =	vst v10;
	v11 =	vld.idx.msk [tilespmem:v13+s2+$0x0], $0xffff  }
.Ltmp5:
0x31d: {  	v17 =	vor.u32 $0x380, v15;
	v15 =	vor.u32 $0x380, v48;
	v13 =	vor.u32 $0x380, v46;
	[tilespmem:s20+$0x30D0] =	vst v7;
	v46 =	vld.idx.msk [tilespmem:v50+s2+$0x0], $0xffff;
	(pc) =	sbr.rel @p1 .LBB2_4-.Ltmp5, $4  }
0x31e: {  	v3 =	vand.u32 $0x7F, v47;
	v7 =	vshll.u32 v47, $0x3;
	v47 =	vld.idx.msk [tilespmem:v49+s2+$0x0], $0xffff;
	[tilespmem:s0+$0x3090] =	vst v51;
	v51 =	vor.u32 $0x200, v14  }
0x31f: {  	v7 =	vand.u32 $0xFFFFFC00, v7;
	v48 =	vld.idx.msk [tilespmem:v12+s2+$0x0], $0xffff;
	[tilespmem:s0+$0x30D0] =	vst v54  }
0x320: {  	v10 =	vor.u32 v3, v7;
	v49 =	vld.idx.msk [tilespmem:v52+s2+$0x0], $0xffff;
	[tilespmem:s26+$0x3090] =	vst v4  }
0x321: {  	s28 =	sadd.s32 $0x200, s28;
	v12 =	vor.u32 $0x80, v10;
	v7 =	vor.u32 $0x100, v10;
	v3 =	vor.u32 $0x180, v10;
	v50 =	vld.idx.msk [tilespmem:v53+s2+$0x0], $0xffff;
	[tilespmem:s26+$0x30D0] =	vst v55  }
0x322: {  	_ =	sdelay $0x2  }
0x323: {  	[tilespmem:s25+$0x31D0] =	vst v11  }
0x324: {  	v4 =	vld.idx.msk [tilespmem:v51+s2+$0x0], $0xffff  }
0x325: {  	v8 =	vor.u32 $0x280, v14;
	[tilespmem:s25+$0x3090] =	vst v46  }
0x326: {  	v9 =	vld.idx.msk [tilespmem:v44+s2+$0x0], $0xffff;
	[tilespmem:s20+$0x3150] =	vst v47  }
0x327: {  	v11 =	vld.idx.msk [tilespmem:v45+s2+$0x0], $0xffff;
	[tilespmem:s0+$0x3110] =	vst v48  }
0x328: {  	v42 =	vld.idx.msk [tilespmem:v42+s2+$0x0], $0xffff;
	[tilespmem:s0+$0x3150] =	vst v49  }
0x329: {  	v43 =	vld.idx.msk [tilespmem:v43+s2+$0x0], $0xffff;
	[tilespmem:s25+$0x3250] =	vst v4  }
0x32a: {  	[tilespmem:s26+$0x3110] =	vst v50;
	v4 =	vld.idx.msk [tilespmem:v8+s2+$0x0], $0xffff  }
0x32b: {  	[tilespmem:s26+$0x3150] =	vst v9;
	v8 =	vld.idx.msk [tilespmem:v40+s2+$0x0], $0xffff  }
0x32c: {  	v44 =	vor.u32 $0x300, v14;
	v41 =	vld.idx.msk [tilespmem:v41+s2+$0x0], $0xffff;
	[tilespmem:s25+$0x3110] =	vst v11  }
0x32d: {  	v9 =	vld.idx.msk [tilespmem:v39+s2+$0x0], $0xffff;
	[tilespmem:s20+$0x31D0] =	vst v42  }
0x32e: {  	v11 =	vld.idx.msk [tilespmem:v38+s2+$0x0], $0xffff;
	[tilespmem:s0+$0x3190] =	vst v43  }
0x32f: {  	v35 =	vld.idx.msk [tilespmem:v35+s2+$0x0], $0xffff;
	[tilespmem:s25+$0x32D0] =	vst v4  }
0x330: {  	[tilespmem:s0+$0x31D0] =	vst v8;
	v8 =	vld.idx.msk [tilespmem:v37+s2+$0x0], $0xffff  }
0x331: {  	[tilespmem:s26+$0x3190] =	vst v41;
	v4 =	vld.idx.msk [tilespmem:v44+s2+$0x0], $0xffff  }
0x332: {  	v14 =	vor.u32 $0x380, v14;
	[tilespmem:s26+$0x31D0] =	vst v9;
	v9 =	vld.idx.msk [tilespmem:v34+s2+$0x0], $0xffff  }
0x333: {  	[tilespmem:s25+$0x3190] =	vst v11;
	v11 =	vld.idx.msk [tilespmem:v33+s2+$0x0], $0xffff  }
0x334: {  	v36 =	vld.idx.msk [tilespmem:v36+s2+$0x0], $0xffff;
	[tilespmem:s20+$0x3250] =	vst v35  }
0x335: {  	v32 =	vld.idx.msk [tilespmem:v32+s2+$0x0], $0xffff;
	[tilespmem:s0+$0x3210] =	vst v8  }
0x336: {  	v8 =	vld.idx.msk [tilespmem:v31+s2+$0x0], $0xffff;
	[tilespmem:s25+$0x3350] =	vst v4  }
0x337: {  	[tilespmem:s26+$0x3210] =	vst v9;
	v4 =	vld.idx.msk [tilespmem:v14+s2+$0x0], $0xffff  }
0x338: {  	[tilespmem:s26+$0x3250] =	vst v11;
	v11 =	vld.idx.msk [tilespmem:v29+s2+$0x0], $0xffff  }
0x339: {  	[tilespmem:s0+$0x3250] =	vst v36;
	v14 =	vld.idx.msk [tilespmem:v30+s2+$0x0], $0xffff  }
0x33a: {  	[tilespmem:s25+$0x3210] =	vst v32;
	v9 =	vld.idx.msk [tilespmem:v28+s2+$0x0], $0xffff  }
0x33b: {  	v27 =	vld.idx.msk [tilespmem:v27+s2+$0x0], $0xffff;
	[tilespmem:s20+$0x32D0] =	vst v8  }
0x33c: {  	v8 =	vld.idx.msk [tilespmem:v26+s2+$0x0], $0xffff;
	[tilespmem:s25+$0x33D0] =	vst v4  }
0x33d: {  	v4 =	vld [tilespmem:s29+$0x2060]  }
0x33e: {  	[tilespmem:s0+$0x3290] =	vst v14;
	v14 =	vld.idx.msk [tilespmem:v25+s2+$0x0], $0xffff  }
0x33f: {  	[tilespmem:s0+$0x32D0] =	vst v9;
	v9 =	vld.idx.msk [tilespmem:v24+s2+$0x0], $0xffff  }
0x340: {  	[tilespmem:s26+$0x3290] =	vst v11  }
0x341: {  	[tilespmem:s26+$0x32D0] =	vst v27;
	v11 =	vld.idx.msk [tilespmem:v23+s2+$0x0], $0xffff  }
0x342: {  	v22 =	vld.idx.msk [tilespmem:v22+s2+$0x0], $0xffff;
	[tilespmem:s25+$0x3290] =	vst v8;
	v23 =	vshll.u32 v4, $0x3  }
0x343: {  	v8 =	vld.idx.msk [tilespmem:v21+s2+$0x0], $0xffff;
	[tilespmem:s20+$0x3350] =	vst v14;
	v4 =	vand.u32 $0x7F, v4;
	v21 =	vand.u32 $0xFFFFFC00, v23  }
0x344: {  	v14 =	vld.idx.msk [tilespmem:v20+s2+$0x0], $0xffff;
	[tilespmem:s0+$0x3310] =	vst v9;
	v20 =	vor.u32 v4, v21  }
0x345: {  	v9 =	vld.idx.msk [tilespmem:v18+s2+$0x0], $0xffff  }
0x346: {  	[tilespmem:s0+$0x3350] =	vst v11;
	v4 =	vld.idx.msk [tilespmem:v19+s2+$0x0], $0xffff  }
0x347: {  	[tilespmem:s26+$0x3310] =	vst v22;
	v11 =	vld.idx.msk [tilespmem:v16+s2+$0x0], $0xffff  }
0x348: {  	v16 =	vld.idx.msk [tilespmem:v17+s2+$0x0], $0xffff  }
0x349: {  	[tilespmem:s26+$0x3350] =	vst v8;
	v8 =	vld.idx.msk [tilespmem:v20+s2+$0x0], $0xffff  }
0x34a: {  	v13 =	vld.idx.msk [tilespmem:v13+s2+$0x0], $0xffff;
	[tilespmem:s25+$0x3310] =	vst v14;
	v14 =	vor.u32 $0x80, v20  }
0x34b: {  	[tilespmem:s20+$0x33D0] =	vst v4;
	v4 =	vld.idx.msk [tilespmem:v15+s2+$0x0], $0xffff  }
0x34c: {  	[tilespmem:s0+$0x3390] =	vst v9;
	v9 =	vld [tilespmem:s24+$0x2060]  }
0x34d: {  	[tilespmem:s0+$0x33D0] =	vst v11;
	v11 =	vld [tilespmem:s30+$0x2020]  }
0x34e: {  	v15 =	vld [tilespmem:s30+$0x2060];
	[tilespmem:s25+$0x3060] =	vst v8  }
0x34f: {  	v8 =	vld.idx.msk [tilespmem:v14+s2+$0x0], $0xffff  }
0x350: {  	[tilespmem:s26+$0x3390] =	vst v16;
	v14 =	vor.u32 $0x100, v20  }
0x351: {  	v16 =	vld [tilespmem:s31+$0x2020];
	[tilespmem:s26+$0x33D0] =	vst v13;
	v13 =	vand.u32 $0x7F, v9;
	v9 =	vshll.u32 v9, $0x3  }
0x352: {  	v17 =	vld [tilespmem:s31+$0x2060];
	[tilespmem:s25+$0x3390] =	vst v4;
	v18 =	vand.u32 $0x7F, v11;
	v4 =	vand.u32 $0xFFFFFC00, v9;
	v9 =	vshll.u32 v11, $0x3  }
0x353: {  	v19 =	vshll.u32 v15, $0x3;
	v21 =	vld [tilespmem:s29+$0x2020];
	v9 =	vand.u32 $0xFFFFFC00, v9;
	v11 =	vor.u32 v13, v4  }
0x354: {  	v22 =	vld.idx.msk [tilespmem:v10+s2+$0x0], $0xffff;
	v4 =	vand.u32 $0x7F, v15;
	v13 =	vand.u32 $0xFFFFFC00, v19;
	v9 =	vor.u32 v18, v9;
	[tilespmem:s25+$0x30E0] =	vst v8  }
0x355: {  	v8 =	vor.u32 v4, v13;
	v18 =	vld.idx.msk [tilespmem:v14+s2+$0x0], $0xffff  }
0x356: {  	v4 =	vld.idx.msk [tilespmem:v6+s2+$0x0], $0xffff;
	v6 =	vand.u32 $0x7F, v16;
	v13 =	vshll.u32 v16, $0x3;
	v16 =	vor.u32 $0x180, v20  }
0x357: {  	v5 =	vld.idx.msk [tilespmem:v5+s2+$0x0], $0xffff;
	v15 =	vand.u32 $0x7F, v17;
	v13 =	vand.u32 $0xFFFFFC00, v13;
	v14 =	vshll.u32 v17, $0x3  }
0x358: {  	v19 =	vshll.u32 v21, $0x3;
	v17 =	vand.u32 $0xFFFFFC00, v14;
	v23 =	vld.idx.msk [tilespmem:v11+s2+$0x0], $0xffff;
	v14 =	vor.u32 v6, v13  }
0x359: {  	v6 =	vand.u32 $0x7F, v21;
	v13 =	vand.u32 $0xFFFFFC00, v19;
	v19 =	vld.idx.msk [tilespmem:v9+s2+$0x0], $0xffff;
	v15 =	vor.u32 v15, v17  }
0x35a: {  	v13 =	vor.u32 v6, v13;
	v17 =	vld.idx.msk [tilespmem:v8+s2+$0x0], $0xffff;
	[tilespmem:s25+$0x3160] =	vst v18  }
0x35b: {  	v21 =	vor.u32 $0x80, v9;
	[tilespmem:s20+$0x3030] =	vst v22;
	v16 =	vld.idx.msk [tilespmem:v16+s2+$0x0], $0xffff  }
0x35c: {  	v18 =	vor.u32 $0x80, v11;
	v6 =	vld.idx.msk [tilespmem:v12+s2+$0x0], $0xffff  }
0x35d: {  	v12 =	vor.u32 $0x200, v20;
	v22 =	vld.idx.msk [tilespmem:v14+s2+$0x0], $0xffff  }
0x35e: {  	v24 =	vor.u32 $0x80, v8;
	[tilespmem:s20+$0x3060] =	vst v23;
	v25 =	vld.idx.msk [tilespmem:v15+s2+$0x0], $0xffff  }
0x35f: {  	v26 =	vor.u32 $0x80, v14;
	v23 =	vld.idx.msk [tilespmem:v13+s2+$0x0], $0xffff;
	[tilespmem:s0+$0x3020] =	vst v19  }
0x360: {  	[tilespmem:s0+$0x3060] =	vst v17;
	v17 =	vld.idx.msk [tilespmem:v21+s2+$0x0], $0xffff  }
0x361: {  	v27 =	vor.u32 $0x80, v15;
	v18 =	vld.idx.msk [tilespmem:v18+s2+$0x0], $0xffff;
	[tilespmem:s25+$0x31E0] =	vst v16  }
0x362: {  	v16 =	vor.u32 $0x80, v13;
	[tilespmem:s26+$0x3020] =	vst v22;
	v12 =	vld.idx.msk [tilespmem:v12+s2+$0x0], $0xffff  }
0x363: {  	v19 =	vor.u32 $0x280, v20;
	v22 =	vld.idx.msk [tilespmem:v24+s2+$0x0], $0xffff;
	[tilespmem:s20+$0x30B0] =	vst v6  }
0x364: {  	v24 =	vor.u32 $0x100, v9;
	[tilespmem:s26+$0x3060] =	vst v25;
	v25 =	vld.idx.msk [tilespmem:v26+s2+$0x0], $0xffff  }
0x365: {  	v26 =	vor.u32 $0x100, v8;
	[tilespmem:s25+$0x3020] =	vst v23;
	v7 =	vld.idx.msk [tilespmem:v7+s2+$0x0], $0xffff  }
0x366: {  	v21 =	vor.u32 $0x100, v11;
	v23 =	vld.idx.msk [tilespmem:v27+s2+$0x0], $0xffff;
	[tilespmem:s0+$0x30A0] =	vst v17  }
0x367: {  	v27 =	vor.u32 $0x100, v14;
	v16 =	vld.idx.msk [tilespmem:v16+s2+$0x0], $0xffff;
	[tilespmem:s25+$0x3260] =	vst v12  }
0x368: {  	[tilespmem:s20+$0x30E0] =	vst v18;
	v12 =	vor.u32 $0x100, v15;
	v18 =	vld.idx.msk [tilespmem:v19+s2+$0x0], $0xffff  }
0x369: {  	v24 =	vld.idx.msk [tilespmem:v24+s2+$0x0], $0xffff;
	[tilespmem:s0+$0x30E0] =	vst v22;
	v19 =	vor.u32 $0x300, v20  }
0x36a: {  	v26 =	vld.idx.msk [tilespmem:v26+s2+$0x0], $0xffff;
	[tilespmem:s26+$0x30A0] =	vst v25;
	v25 =	vor.u32 $0x180, v9  }
0x36b: {  	v17 =	vld.idx.msk [tilespmem:v21+s2+$0x0], $0xffff;
	[tilespmem:s26+$0x30E0] =	vst v23;
	v23 =	vor.u32 $0x180, v8  }
0x36c: {  	v21 =	vor.u32 $0x100, v13;
	v27 =	vld.idx.msk [tilespmem:v27+s2+$0x0], $0xffff;
	[tilespmem:s25+$0x30A0] =	vst v16  }
0x36d: {  	v22 =	vor.u32 $0x180, v11;
	v12 =	vld.idx.msk [tilespmem:v12+s2+$0x0], $0xffff;
	[tilespmem:s25+$0x32E0] =	vst v18  }
0x36e: {  	[tilespmem:s0+$0x3120] =	vst v24;
	v18 =	vor.u32 $0x180, v14;
	v16 =	vld.idx.msk [tilespmem:v19+s2+$0x0], $0xffff  }
0x36f: {  	[tilespmem:s0+$0x3160] =	vst v26;
	v24 =	vld.idx.msk [tilespmem:v25+s2+$0x0], $0xffff;
	v19 =	vor.u32 $0x380, v20  }
0x370: {  	[tilespmem:s20+$0x3160] =	vst v17;
	v26 =	vor.u32 $0x200, v9;
	v23 =	vld.idx.msk [tilespmem:v23+s2+$0x0], $0xffff  }
0x371: {  	v17 =	vld.idx.msk [tilespmem:v21+s2+$0x0], $0xffff;
	[tilespmem:s26+$0x3120] =	vst v27;
	v20 =	vor.u32 $0x180, v15  }
0x372: {  	v21 =	vld.idx.msk [tilespmem:v22+s2+$0x0], $0xffff;
	v22 =	vor.u32 $0x180, v13;
	[tilespmem:s26+$0x3160] =	vst v12  }
0x373: {  	v25 =	vor.u32 $0x200, v11;
	v18 =	vld.idx.msk [tilespmem:v18+s2+$0x0], $0xffff;
	[tilespmem:s25+$0x3360] =	vst v16  }
0x374: {  	[tilespmem:s0+$0x31A0] =	vst v24;
	v16 =	vor.u32 $0x200, v8;
	v12 =	vld.idx.msk [tilespmem:v19+s2+$0x0], $0xffff  }
0x375: {  	[tilespmem:s0+$0x31E0] =	vst v23;
	v23 =	vld.idx.msk [tilespmem:v26+s2+$0x0], $0xffff  }
0x376: {  	[tilespmem:s25+$0x3120] =	vst v17;
	v17 =	vld.idx.msk [tilespmem:v20+s2+$0x0], $0xffff;
	v19 =	vor.u32 $0x200, v14  }
0x377: {  	[tilespmem:s20+$0x31E0] =	vst v21;
	v21 =	vor.u32 $0x200, v15;
	v20 =	vld.idx.msk [tilespmem:v22+s2+$0x0], $0xffff  }
0x378: {  	v24 =	vor.u32 $0x200, v13;
	v22 =	vld.idx.msk [tilespmem:v25+s2+$0x0], $0xffff  }
0x379: {  	v25 =	vor.u32 $0x280, v11;
	v16 =	vld.idx.msk [tilespmem:v16+s2+$0x0], $0xffff;
	[tilespmem:s25+$0x33E0] =	vst v12  }
0x37a: {  	[tilespmem:s26+$0x31A0] =	vst v18;
	v12 =	vor.u32 $0x280, v9;
	v18 =	vld [tilespmem:s29+$0x2070]  }
0x37b: {  	v26 =	vor.u32 $0x280, v8;
	[tilespmem:s26+$0x31E0] =	vst v17;
	v17 =	vld.idx.msk [tilespmem:v19+s2+$0x0], $0xffff  }
0x37c: {  	[tilespmem:s25+$0x31A0] =	vst v20;
	v19 =	vor.u32 $0x280, v14;
	v20 =	vld.idx.msk [tilespmem:v21+s2+$0x0], $0xffff  }
0x37d: {  	[tilespmem:s20+$0x3260] =	vst v22;
	v21 =	vor.u32 $0x280, v15;
	v22 =	vld.idx.msk [tilespmem:v24+s2+$0x0], $0xffff  }
0x37e: {  	[tilespmem:s0+$0x3220] =	vst v23;
	v24 =	vor.u32 $0x280, v13;
	v23 =	vld.idx.msk [tilespmem:v25+s2+$0x0], $0xffff  }
0x37f: {  	v25 =	vor.u32 $0x300, v11;
	[tilespmem:s0+$0x3260] =	vst v16;
	v16 =	vld.idx.msk [tilespmem:v12+s2+$0x0], $0xffff;
	v12 =	vshll.u32 v18, $0x3  }
0x380: {  	v27 =	vor.u32 $0x300, v9;
	[tilespmem:s26+$0x3220] =	vst v17;
	v17 =	vld.idx.msk [tilespmem:v26+s2+$0x0], $0xffff;
	v18 =	vand.u32 $0x7F, v18;
	v12 =	vand.u32 $0xFFFFFC00, v12  }
0x381: {  	[tilespmem:s26+$0x3260] =	vst v20;
	v19 =	vld.idx.msk [tilespmem:v19+s2+$0x0], $0xffff;
	v12 =	vor.u32 v18, v12  }
0x382: {  	[tilespmem:s25+$0x3220] =	vst v22;
	v20 =	vld.idx.msk [tilespmem:v21+s2+$0x0], $0xffff;
	v18 =	vor.u32 $0x300, v8  }
0x383: {  	[tilespmem:s20+$0x32E0] =	vst v23;
	v21 =	vor.u32 $0x300, v14;
	v22 =	vld.idx.msk [tilespmem:v24+s2+$0x0], $0xffff  }
0x384: {  	v23 =	vor.u32 $0x300, v15;
	v24 =	vld.idx.msk [tilespmem:v25+s2+$0x0], $0xffff;
	[tilespmem:s0+$0x32A0] =	vst v16  }
0x385: {  	v16 =	vor.u32 $0x300, v13;
	[tilespmem:s0+$0x32E0] =	vst v17;
	v25 =	vld.idx.msk [tilespmem:v27+s2+$0x0], $0xffff  }
0x386: {  	v9 =	vor.u32 $0x380, v9;
	[tilespmem:s26+$0x32A0] =	vst v19;
	v17 =	vld.idx.msk [tilespmem:v12+s2+$0x0], $0xffff  }
0x387: {  	v19 =	vor.u32 $0x80, v12;
	[tilespmem:s26+$0x32E0] =	vst v20;
	v18 =	vld.idx.msk [tilespmem:v18+s2+$0x0], $0xffff  }
0x388: {  	v8 =	vor.u32 $0x380, v8;
	[tilespmem:s25+$0x32A0] =	vst v22;
	v20 =	vld.idx.msk [tilespmem:v21+s2+$0x0], $0xffff  }
0x389: {  	v11 =	vor.u32 $0x380, v11;
	[tilespmem:s20+$0x3360] =	vst v24;
	v21 =	vld.idx.msk [tilespmem:v23+s2+$0x0], $0xffff  }
0x38a: {  	v14 =	vor.u32 $0x380, v14;
	v16 =	vld.idx.msk [tilespmem:v16+s2+$0x0], $0xffff;
	[tilespmem:s0+$0x3320] =	vst v25  }
0x38b: {  	v15 =	vor.u32 $0x380, v15;
	v9 =	vld.idx.msk [tilespmem:v9+s2+$0x0], $0xffff;
	[tilespmem:s25+$0x3070] =	vst v17  }
0x38c: {  	v13 =	vor.u32 $0x380, v13;
	[tilespmem:s0+$0x3360] =	vst v18;
	v17 =	vld.idx.msk [tilespmem:v19+s2+$0x0], $0xffff  }
0x38d: {  	[tilespmem:s26+$0x3320] =	vst v20;
	v8 =	vld.idx.msk [tilespmem:v8+s2+$0x0], $0xffff  }
0x38e: {  	v11 =	vld.idx.msk [tilespmem:v11+s2+$0x0], $0xffff;
	[tilespmem:s26+$0x3360] =	vst v21;
	v18 =	vor.u32 $0x100, v12  }
0x38f: {  	v14 =	vld.idx.msk [tilespmem:v14+s2+$0x0], $0xffff;
	[tilespmem:s25+$0x3320] =	vst v16  }
0x390: {  	v15 =	vld.idx.msk [tilespmem:v15+s2+$0x0], $0xffff;
	[tilespmem:s0+$0x33A0] =	vst v9  }
0x391: {  	v13 =	vld.idx.msk [tilespmem:v13+s2+$0x0], $0xffff;
	[tilespmem:s25+$0x30F0] =	vst v17  }
0x392: {  	[tilespmem:s0+$0x33E0] =	vst v8;
	v8 =	vld [tilespmem:s30+$0x2030]  }
0x393: {  	[tilespmem:s20+$0x33E0] =	vst v11;
	v11 =	vld.idx.msk [tilespmem:v18+s2+$0x0], $0xffff  }
0x394: {  	v16 =	vor.u32 $0x180, v12;
	v9 =	vld [tilespmem:s24+$0x2070]  }
0x395: {  	[tilespmem:s26+$0x33A0] =	vst v14;
	v14 =	vld [tilespmem:s30+$0x2070]  }
0x396: {  	[tilespmem:s26+$0x33E0] =	vst v15  }
0x397: {  	v15 =	vld [tilespmem:s31+$0x2030];
	[tilespmem:s25+$0x33A0] =	vst v13  }
0x398: {  	v17 =	vld [tilespmem:s31+$0x2070];
	v18 =	vor.u32 $0x200, v12;
	v13 =	vshll.u32 v8, $0x3;
	[tilespmem:s25+$0x3170] =	vst v11  }
0x399: {  	v8 =	vand.u32 $0x7F, v8;
	v11 =	vand.u32 $0x7F, v9;
	v9 =	vshll.u32 v9, $0x3;
	v16 =	vld.idx.msk [tilespmem:v16+s2+$0x0], $0xffff  }
0x39a: {  	[tilespmem:s20+$0x3130] =	vst v7;
	v19 =	vld [tilespmem:s29+$0x2030];
	v13 =	vand.u32 $0xFFFFFC00, v13;
	v6 =	vshll.u32 v14, $0x3;
	v9 =	vand.u32 $0xFFFFFC00, v9  }
0x39b: {  	v3 =	vld.idx.msk [tilespmem:v3+s2+$0x0], $0xffff;
	v14 =	vand.u32 $0x7F, v14;
	v20 =	vand.u32 $0xFFFFFC00, v6;
	v6 =	vor.u32 v11, v9  }
0x39c: {  	v9 =	vshll.u32 v15, $0x3;
	v11 =	vand.u32 $0x7F, v15;
	v15 =	vld.idx.msk [tilespmem:v2+s2+$0x0], $0xffff;
	v2 =	vor.u32 v8, v13  }
0x39d: {  	[tilespmem:s23+$0x33F0] =	vst v4;
	v13 =	vld.idx.msk [tilespmem:v1+s2+$0x0], $0xffff;
	v1 =	vor.u32 v14, v20;
	v8 =	vand.u32 $0xFFFFFC00, v9;
	v9 =	vshll.u32 v17, $0x3  }
0x39e: {  	v14 =	vand.u32 $0x7F, v17;
	v9 =	vand.u32 $0xFFFFFC00, v9;
	v4 =	vor.u32 v11, v8;
	v11 =	vld.idx.msk [tilespmem:v0+s2+$0x0], $0xffff;
	[tilespmem:s25+$0x31F0] =	vst v16  }
0x39f: {  	[tilespmem:s22+$0x33B0] =	vst v5;
	v5 =	vor.u32 v14, v9;
	v9 =	vshll.u32 v19, $0x3;
	v8 =	vld.idx.msk [tilespmem:v18+s2+$0x0], $0xffff  }
0x3a0: {  	[tilespmem:s20+$0x31B0] =	vst v3;
	v0 =	vand.u32 $0x7F, v19;
	v14 =	vor.u32 $0x280, v12;
	v9 =	vand.u32 $0xFFFFFC00, v9;
	v7 =	vld.idx.msk [tilespmem:v6+s2+$0x0], $0xffff  }
0x3a1: {  	v0 =	vor.u32 v0, v9;
	[tilespmem:s22+$0x33F0] =	vst v15;
	v9 =	vld.idx.msk [tilespmem:v2+s2+$0x0], $0xffff  }
0x3a2: {  	v15 =	vor.u32 $0x80, v6;
	[tilespmem:s21+$0x33B0] =	vst v13;
	v13 =	vld.idx.msk [tilespmem:v1+s2+$0x0], $0xffff  }
0x3a3: {  	v16 =	vor.u32 $0x80, v2;
	v17 =	vld.idx.msk [tilespmem:v4+s2+$0x0], $0xffff;
	[tilespmem:s19+$0x33B0] =	vst v11  }
0x3a4: {  	v11 =	vor.u32 $0x80, v4;
	v18 =	vld.idx.msk [tilespmem:v5+s2+$0x0], $0xffff;
	[tilespmem:s25+$0x3270] =	vst v8  }
0x3a5: {  	v8 =	vor.u32 $0x80, v1;
	[tilespmem:s20+$0x3070] =	vst v7;
	v14 =	vld.idx.msk [tilespmem:v14+s2+$0x0], $0xffff  }
0x3a6: {  	v7 =	vld.idx.msk [tilespmem:v0+s2+$0x0], $0xffff;
	[tilespmem:s0+$0x3030] =	vst v9;
	v9 =	vor.u32 $0x300, v12  }
0x3a7: {  	v19 =	vor.u32 $0x80, v5;
	[tilespmem:s0+$0x3070] =	vst v13;
	v15 =	vld.idx.msk [tilespmem:v15+s2+$0x0], $0xffff  }
0x3a8: {  	v13 =	vor.u32 $0x80, v0;
	v16 =	vld.idx.msk [tilespmem:v16+s2+$0x0], $0xffff;
	[tilespmem:s26+$0x3030] =	vst v17  }
0x3a9: {  	v17 =	vor.u32 $0x100, v6;
	[tilespmem:s26+$0x3070] =	vst v18;
	v11 =	vld.idx.msk [tilespmem:v11+s2+$0x0], $0xffff  }
0x3aa: {  	v18 =	vor.u32 $0x100, v2;
	v8 =	vld.idx.msk [tilespmem:v8+s2+$0x0], $0xffff;
	[tilespmem:s25+$0x32F0] =	vst v14  }
0x3ab: {  	[tilespmem:s25+$0x3030] =	vst v7;
	v14 =	vor.u32 $0x100, v1;
	v7 =	vld.idx.msk [tilespmem:v9+s2+$0x0], $0xffff  }
0x3ac: {  	v12 =	vor.u32 $0x380, v12;
	[tilespmem:s20+$0x30F0] =	vst v15;
	v9 =	vld.idx.msk [tilespmem:v19+s2+$0x0], $0xffff  }
0x3ad: {  	v15 =	vor.u32 $0x100, v4;
	[tilespmem:s0+$0x30B0] =	vst v16;
	v13 =	vld.idx.msk [tilespmem:v13+s2+$0x0], $0xffff  }
0x3ae: {  	v16 =	vor.u32 $0x100, v5;
	v17 =	vld.idx.msk [tilespmem:v17+s2+$0x0], $0xffff;
	[tilespmem:s26+$0x30B0] =	vst v11  }
0x3af: {  	v18 =	vld.idx.msk [tilespmem:v18+s2+$0x0], $0xffff;
	[tilespmem:s0+$0x30F0] =	vst v8;
	v8 =	vor.u32 $0x100, v0  }
0x3b0: {  	v11 =	vor.u32 $0x180, v6;
	v14 =	vld.idx.msk [tilespmem:v14+s2+$0x0], $0xffff;
	[tilespmem:s25+$0x3370] =	vst v7  }
0x3b1: {  	v7 =	vor.u32 $0x180, v2;
	[tilespmem:s26+$0x30F0] =	vst v9;
	v9 =	vld.idx.msk [tilespmem:v12+s2+$0x0], $0xffff  }
0x3b2: {  	v15 =	vld.idx.msk [tilespmem:v15+s2+$0x0], $0xffff;
	[tilespmem:s25+$0x30B0] =	vst v13;
	v12 =	vor.u32 $0x180, v1  }
0x3b3: {  	v13 =	vor.u32 $0x180, v4;
	[tilespmem:s20+$0x3170] =	vst v17;
	v16 =	vld.idx.msk [tilespmem:v16+s2+$0x0], $0xffff  }
0x3b4: {  	v17 =	vor.u32 $0x180, v5;
	[tilespmem:s0+$0x3130] =	vst v18;
	v8 =	vld.idx.msk [tilespmem:v8+s2+$0x0], $0xffff  }
0x3b5: {  	v18 =	vor.u32 $0x180, v0;
	v11 =	vld.idx.msk [tilespmem:v11+s2+$0x0], $0xffff;
	[tilespmem:s0+$0x3170] =	vst v14  }
0x3b6: {  	v7 =	vld.idx.msk [tilespmem:v7+s2+$0x0], $0xffff;
	[tilespmem:s25+$0x33F0] =	vst v9;
	v9 =	vor.u32 $0x200, v6  }
0x3b7: {  	[tilespmem:s26+$0x3130] =	vst v15;
	v14 =	vor.u32 $0x200, v2;
	v12 =	vld.idx.msk [tilespmem:v12+s2+$0x0], $0xffff  }
0x3b8: {  	v15 =	vor.u32 $0x200, v1;
	v13 =	vld.idx.msk [tilespmem:v13+s2+$0x0], $0xffff;
	[tilespmem:s26+$0x3170] =	vst v16  }
0x3b9: {  	v16 =	vld.idx.msk [tilespmem:v17+s2+$0x0], $0xffff;
	[tilespmem:s25+$0x3130] =	vst v8;
	v8 =	vor.u32 $0x200, v4  }
0x3ba: {  	[tilespmem:s20+$0x31F0] =	vst v11;
	v11 =	vor.u32 $0x200, v5;
	v17 =	vld.idx.msk [tilespmem:v18+s2+$0x0], $0xffff  }
0x3bb: {  	[tilespmem:s0+$0x31B0] =	vst v7;
	v7 =	vor.u32 $0x200, v0;
	v9 =	vld.idx.msk [tilespmem:v9+s2+$0x0], $0xffff  }
0x3bc: {  	[tilespmem:s0+$0x31F0] =	vst v12;
	v12 =	vor.u32 $0x200, v10;
	v14 =	vld.idx.msk [tilespmem:v14+s2+$0x0], $0xffff  }
0x3bd: {  	[tilespmem:s26+$0x31B0] =	vst v13;
	v13 =	vor.u32 $0x280, v6;
	v15 =	vld.idx.msk [tilespmem:v15+s2+$0x0], $0xffff  }
0x3be: {  	[tilespmem:s26+$0x31F0] =	vst v16;
	v16 =	vor.u32 $0x280, v2;
	v8 =	vld.idx.msk [tilespmem:v8+s2+$0x0], $0xffff  }
0x3bf: {  	v11 =	vld.idx.msk [tilespmem:v11+s2+$0x0], $0xffff;
	[tilespmem:s25+$0x31B0] =	vst v17;
	v17 =	vor.u32 $0x280, v1  }
0x3c0: {  	v3 =	vor.u32 $0x280, v4;
	v7 =	vld.idx.msk [tilespmem:v7+s2+$0x0], $0xffff;
	[tilespmem:s20+$0x3270] =	vst v9  }
0x3c1: {  	v9 =	vor.u32 $0x280, v5;
	v12 =	vld.idx.msk [tilespmem:v12+s2+$0x0], $0xffff;
	[tilespmem:s0+$0x3230] =	vst v14  }
0x3c2: {  	v14 =	vor.u32 $0x280, v0;
	v13 =	vld.idx.msk [tilespmem:v13+s2+$0x0], $0xffff;
	[tilespmem:s0+$0x3270] =	vst v15  }
0x3c3: {  	v15 =	vor.u32 $0x280, v10;
	v16 =	vld.idx.msk [tilespmem:v16+s2+$0x0], $0xffff;
	[tilespmem:s26+$0x3230] =	vst v8  }
0x3c4: {  	v8 =	vor.u32 $0x300, v6;
	[tilespmem:s26+$0x3270] =	vst v11;
	v17 =	vld.idx.msk [tilespmem:v17+s2+$0x0], $0xffff  }
0x3c5: {  	v11 =	vor.u32 $0x300, v2;
	v3 =	vld.idx.msk [tilespmem:v3+s2+$0x0], $0xffff;
	[tilespmem:s25+$0x3230] =	vst v7  }
0x3c6: {  	v7 =	vor.u32 $0x300, v1;
	[tilespmem:s20+$0x3230] =	vst v12;
	v9 =	vld.idx.msk [tilespmem:v9+s2+$0x0], $0xffff  }
0x3c7: {  	v12 =	vor.u32 $0x300, v4;
	[tilespmem:s20+$0x32F0] =	vst v13;
	v13 =	vld.idx.msk [tilespmem:v14+s2+$0x0], $0xffff  }
0x3c8: {  	v14 =	vor.u32 $0x300, v5;
	[tilespmem:s0+$0x32B0] =	vst v16;
	v15 =	vld.idx.msk [tilespmem:v15+s2+$0x0], $0xffff  }
0x3c9: {  	v16 =	vor.u32 $0x300, v0;
	v8 =	vld.idx.msk [tilespmem:v8+s2+$0x0], $0xffff;
	[tilespmem:s0+$0x32F0] =	vst v17  }
0x3ca: {  	v17 =	vor.u32 $0x300, v10;
	[tilespmem:s26+$0x32B0] =	vst v3;
	v3 =	vld.idx.msk [tilespmem:v11+s2+$0x0], $0xffff  }
0x3cb: {  	v6 =	vor.u32 $0x380, v6;
	v7 =	vld.idx.msk [tilespmem:v7+s2+$0x0], $0xffff;
	[tilespmem:s26+$0x32F0] =	vst v9  }
0x3cc: {  	v2 =	vor.u32 $0x380, v2;
	v9 =	vld.idx.msk [tilespmem:v12+s2+$0x0], $0xffff;
	[tilespmem:s25+$0x32B0] =	vst v13  }
0x3cd: {  	v1 =	vor.u32 $0x380, v1;
	[tilespmem:s20+$0x32B0] =	vst v15;
	v11 =	vld.idx.msk [tilespmem:v14+s2+$0x0], $0xffff  }
0x3ce: {  	v4 =	vor.u32 $0x380, v4;
	[tilespmem:s20+$0x3370] =	vst v8;
	v8 =	vld.idx.msk [tilespmem:v16+s2+$0x0], $0xffff  }
0x3cf: {  	v5 =	vor.u32 $0x380, v5;
	[tilespmem:s0+$0x3330] =	vst v3;
	v3 =	vld.idx.msk [tilespmem:v17+s2+$0x0], $0xffff  }
0x3d0: {  	v0 =	vor.u32 $0x380, v0;
	v6 =	vld.idx.msk [tilespmem:v6+s2+$0x0], $0xffff;
	[tilespmem:s0+$0x3370] =	vst v7  }
0x3d1: {  	v7 =	vor.u32 $0x380, v10;
	v2 =	vld.idx.msk [tilespmem:v2+s2+$0x0], $0xffff;
	[tilespmem:s26+$0x3330] =	vst v9  }
0x3d2: {  	v1 =	vld.idx.msk [tilespmem:v1+s2+$0x0], $0xffff;
	[tilespmem:s26+$0x3370] =	vst v11  }
0x3d3: {  	v4 =	vld.idx.msk [tilespmem:v4+s2+$0x0], $0xffff;
	[tilespmem:s25+$0x3330] =	vst v8  }
0x3d4: {  	[tilespmem:s20+$0x3330] =	vst v3;
	v3 =	vld.idx.msk [tilespmem:v5+s2+$0x0], $0xffff  }
0x3d5: {  	[tilespmem:s20+$0x33F0] =	vst v6;
	v0 =	vld.idx.msk [tilespmem:v0+s2+$0x0], $0xffff  }
0x3d6: {  	[tilespmem:s0+$0x33B0] =	vst v2;
	v2 =	vld.idx.msk [tilespmem:v7+s2+$0x0], $0xffff  }
0x3d7: {  	s13 =	smul.u32 $0x3E8000, s17;
	[tilespmem:s0+$0x33F0] =	vst v1  }
0x3d8: {  	s18 =	sshll.u32 s18, $0xF;
	[tilespmem:s26+$0x33B0] =	vst v4  }
0x3d9: {  	s0 =	sadd.s32 s13, s18;
	[tilespmem:s26+$0x33F0] =	vst v3  }
0x3da: {  	s17 =	sadd.s32 $0x1, s17;
	s1 =	rddreg [dreg:$0x1];
	s0 =	sshrl.u32 s0, $0x3;
	[tilespmem:s25+$0x33B0] =	vst v0  }
0x3db: {  	s14 =	simm.s32 $0x3000;
	s15 =	sshll.u32 s17, $0x9;
	s0 =	sadd.s32 s1, s0;
	[tilespmem:s20+$0x33B0] =	vst v2  }
0x3dc: {  	[hbm4b:s0+s2] =	stream.linear.scatter [tilespmem:s14], [sflag:$0x1], $0x8000, $0x38;
	[tilespmem:$0x13000] =	vst v63  }
0x3dd: {  	s0 =	sand.u32 $0x1FFFFE00, s15;
	s19 =	rddreg [dreg:$0x4]  }
0x3de: {  	s20 =	simm.s32 $0x2000;
	s0 =	sadd.s32 s19, s0  }
0x3df: {  	[tilespmem:s20], [sflag:$0x3] =	stream.linear.gather [hbm4b:s0+s2], $0x1000, $0x38;
	[tilespmem:$0x13000] =	vst v63  }
0x3e0: {  	_ =	swait.ge [sflag:s10], $0x1000  }
0x3e1: {  	[sflag:s10] =	ssyncset.done $0x0  }
0x3e2: {  	s0 =	simm.s32 @!p0 $0x2;
	[sflag:s10] =	ssyncadd.s32 $0xFFFFF000  }
0x3e3: {  	_ =	swait.ge @!p0 [sflag:s0], $0x8000  }
0x3e4: {  	[sflag:s0] =	ssyncset.done @!p0 $0x0  }
0x3e5: {  	[sflag:s0] =	ssyncadd.s32 @!p0 $0xFFFF8000;
	s0 =	simm.s32 $0x0  }
0x3e6: {  	v0 =	vld [tilespmem:s0+$0x2000];
	_ =	sdelay $0x4  }
0x3e7: {  	v1 =	vshll.u32 v0, $0x3  }
0x3e8: {  	v0 =	vand.u32 $0x7F, v0;
	v1 =	vand.u32 $0xFFFFFC00, v1  }
0x3e9: {  	v0 =	vor.u32 v0, v1;
	_ =	sdelay $0x4  }
0x3ea: {  	v1 =	vld.idx.msk [tilespmem:v0+s2+$0x0], $0xffff  }
0x3eb: {  	v2 =	vor.u32 $0x80, v0;
	_ =	sdelay $0x1  }
0x3ec: {  	s21 =	simm.s32 $0x0  }
0x3ed: {  	s19 =	sand.u32 $0x3FFFFFF8, s21  }
0x3ee: {  	[tilespmem:s19+$0xB000] =	vst v1  }
0x3ef: {  	v1 =	vld.idx.msk [tilespmem:v2+s2+$0x0], $0xffff  }
0x3f0: {  	v2 =	vor.u32 $0x100, v0;
	_ =	sdelay $0x3  }
0x3f1: {  	[tilespmem:s19+$0xB080] =	vst v1  }
0x3f2: {  	v1 =	vld.idx.msk [tilespmem:v2+s2+$0x0], $0xffff  }
0x3f3: {  	v2 =	vor.u32 $0x180, v0;
	_ =	sdelay $0x3  }
0x3f4: {  	[tilespmem:s19+$0xB100] =	vst v1  }
0x3f5: {  	v1 =	vld.idx.msk [tilespmem:v2+s2+$0x0], $0xffff  }
0x3f6: {  	v2 =	vor.u32 $0x200, v0;
	_ =	sdelay $0x3  }
0x3f7: {  	[tilespmem:s19+$0xB180] =	vst v1  }
0x3f8: {  	v1 =	vld.idx.msk [tilespmem:v2+s2+$0x0], $0xffff  }
0x3f9: {  	v2 =	vor.u32 $0x280, v0;
	_ =	sdelay $0x3  }
0x3fa: {  	[tilespmem:s19+$0xB200] =	vst v1  }
0x3fb: {  	v1 =	vld.idx.msk [tilespmem:v2+s2+$0x0], $0xffff  }
0x3fc: {  	v2 =	vor.u32 $0x300, v0;
	_ =	sdelay $0x3  }
0x3fd: {  	[tilespmem:s19+$0xB280] =	vst v1  }
0x3fe: {  	v1 =	vld.idx.msk [tilespmem:v2+s2+$0x0], $0xffff  }
0x3ff: {  	v0 =	vor.u32 $0x380, v0;
	_ =	sdelay $0x3  }
0x400: {  	[tilespmem:s19+$0xB300] =	vst v1  }
0x401: {  	v0 =	vld.idx.msk [tilespmem:v0+s2+$0x0], $0xffff;
	_ =	sdelay $0x4  }
0x402: {  	[tilespmem:s19+$0xB380] =	vst v0  }
0x403: {  	v0 =	vld [tilespmem:s0+$0x2010];
	_ =	sdelay $0x4  }
0x404: {  	v1 =	vshll.u32 v0, $0x3  }
0x405: {  	v0 =	vand.u32 $0x7F, v0;
	v1 =	vand.u32 $0xFFFFFC00, v1  }
0x406: {  	v0 =	vor.u32 v0, v1;
	_ =	sdelay $0x4  }
0x407: {  	v1 =	vld.idx.msk [tilespmem:v0+s2+$0x0], $0xffff  }
0x408: {  	v2 =	vor.u32 $0x80, v0;
	_ =	sdelay $0x3  }
0x409: {  	[tilespmem:s19+$0xB010] =	vst v1  }
0x40a: {  	v1 =	vld.idx.msk [tilespmem:v2+s2+$0x0], $0xffff  }
0x40b: {  	v2 =	vor.u32 $0x100, v0;
	_ =	sdelay $0x3  }
0x40c: {  	[tilespmem:s19+$0xB090] =	vst v1  }
0x40d: {  	v1 =	vld.idx.msk [tilespmem:v2+s2+$0x0], $0xffff  }
0x40e: {  	v2 =	vor.u32 $0x180, v0;
	_ =	sdelay $0x3  }
0x40f: {  	[tilespmem:s19+$0xB110] =	vst v1  }
0x410: {  	v1 =	vld.idx.msk [tilespmem:v2+s2+$0x0], $0xffff  }
0x411: {  	v2 =	vor.u32 $0x200, v0;
	_ =	sdelay $0x3  }
0x412: {  	[tilespmem:s19+$0xB190] =	vst v1  }
0x413: {  	v1 =	vld.idx.msk [tilespmem:v2+s2+$0x0], $0xffff  }
0x414: {  	v2 =	vor.u32 $0x280, v0;
	_ =	sdelay $0x3  }
0x415: {  	[tilespmem:s19+$0xB210] =	vst v1  }
0x416: {  	v1 =	vld.idx.msk [tilespmem:v2+s2+$0x0], $0xffff  }
0x417: {  	v2 =	vor.u32 $0x300, v0;
	_ =	sdelay $0x3  }
0x418: {  	[tilespmem:s19+$0xB290] =	vst v1  }
0x419: {  	v1 =	vld.idx.msk [tilespmem:v2+s2+$0x0], $0xffff  }
0x41a: {  	v0 =	vor.u32 $0x380, v0;
	_ =	sdelay $0x3  }
0x41b: {  	[tilespmem:s19+$0xB310] =	vst v1  }
0x41c: {  	v0 =	vld.idx.msk [tilespmem:v0+s2+$0x0], $0xffff;
	_ =	sdelay $0x4  }
0x41d: {  	[tilespmem:s19+$0xB390] =	vst v0  }
0x41e: {  	v0 =	vld [tilespmem:s0+$0x2020];
	_ =	sdelay $0x4  }
0x41f: {  	v1 =	vshll.u32 v0, $0x3  }
0x420: {  	v0 =	vand.u32 $0x7F, v0;
	v1 =	vand.u32 $0xFFFFFC00, v1  }
0x421: {  	v0 =	vor.u32 v0, v1;
	_ =	sdelay $0x4  }
0x422: {  	v1 =	vld.idx.msk [tilespmem:v0+s2+$0x0], $0xffff  }
0x423: {  	v2 =	vor.u32 $0x80, v0;
	_ =	sdelay $0x3  }
0x424: {  	[tilespmem:s19+$0xB020] =	vst v1  }
0x425: {  	v1 =	vld.idx.msk [tilespmem:v2+s2+$0x0], $0xffff  }
0x426: {  	v2 =	vor.u32 $0x100, v0;
	_ =	sdelay $0x3  }
0x427: {  	[tilespmem:s19+$0xB0A0] =	vst v1  }
0x428: {  	v1 =	vld.idx.msk [tilespmem:v2+s2+$0x0], $0xffff  }
0x429: {  	v2 =	vor.u32 $0x180, v0;
	_ =	sdelay $0x3  }
0x42a: {  	[tilespmem:s19+$0xB120] =	vst v1  }
0x42b: {  	v1 =	vld.idx.msk [tilespmem:v2+s2+$0x0], $0xffff  }
0x42c: {  	v2 =	vor.u32 $0x200, v0  }
0x42d: {  	v3 =	vld [tilespmem:s0+$0x21C0];
	_ =	sdelay $0x2  }
0x42e: {  	v7 =	vld [tilespmem:s0+$0x20C0];
	[tilespmem:s19+$0xB1A0] =	vst v1  }
0x42f: {  	v1 =	vld.idx.msk [tilespmem:v2+s2+$0x0], $0xffff  }
0x430: {  	v6 =	vshll.u32 v3, $0x3;
	v4 =	vor.u32 $0x280, v0;
	v2 =	vld [tilespmem:s0+$0x2040]  }
0x431: {  	v3 =	vand.u32 $0x7F, v3;
	v6 =	vand.u32 $0xFFFFFC00, v6  }
0x432: {  	v5 =	vld [tilespmem:s0+$0x2080];
	v8 =	vor.u32 v3, v6  }
0x433: {  	v6 =	vld [tilespmem:s0+$0x2100]  }
0x434: {  	v12 =	vshll.u32 v7, $0x3;
	[tilespmem:s19+$0xB220] =	vst v1;
	v1 =	vld [tilespmem:s0+$0x2140]  }
0x435: {  	v7 =	vand.u32 $0x7F, v7;
	v12 =	vand.u32 $0xFFFFFC00, v12;
	v3 =	vshll.u32 v2, $0x3;
	v10 =	vld.idx.msk [tilespmem:v4+s2+$0x0], $0xffff  }
0x436: {  	v11 =	vld [tilespmem:s0+$0x2180];
	v9 =	vor.u32 $0x300, v0;
	v2 =	vand.u32 $0x7F, v2;
	v3 =	vand.u32 $0xFFFFFC00, v3  }
0x437: {  	v14 =	vor.u32 $0x80, v8;
	v13 =	vld.idx.msk [tilespmem:v8+s2+$0x0], $0xffff;
	v4 =	vshll.u32 v5, $0x3;
	v3 =	vor.u32 v2, v3  }
0x438: {  	v5 =	vand.u32 $0x7F, v5;
	v4 =	vand.u32 $0xFFFFFC00, v4;
	v2 =	vshll.u32 v6, $0x3  }
0x439: {  	v6 =	vand.u32 $0x7F, v6;
	v2 =	vand.u32 $0xFFFFFC00, v2;
	v4 =	vor.u32 v5, v4  }
0x43a: {  	s8 =	sor.u32 $0xC00, s21;
	v5 =	vor.u32 v7, v12;
	v7 =	vor.u32 v6, v2;
	v15 =	vshll.u32 v1, $0x3;
	[tilespmem:s19+$0xB2A0] =	vst v10  }
0x43b: {  	s9 =	sand.u32 $0x7C00, s8;
	v12 =	vand.u32 $0x7F, v1;
	v15 =	vand.u32 $0xFFFFFC00, v15;
	v10 =	vshll.u32 v11, $0x3;
	v1 =	vld.idx.msk [tilespmem:v9+s2+$0x0], $0xffff  }
0x43c: {  	[tilespmem:s9+$0xB040] =	vst v13;
	v2 =	vand.u32 $0x7F, v11;
	v9 =	vand.u32 $0xFFFFFC00, v10;
	v6 =	vor.u32 v12, v15;
	v10 =	vld.idx.msk [tilespmem:v3+s2+$0x0], $0xffff  }
0x43d: {  	v2 =	vor.u32 v2, v9;
	v9 =	vld.idx.msk [tilespmem:v14+s2+$0x0], $0xffff  }
0x43e: {  	v11 =	vor.u32 $0x80, v3;
	v12 =	vld.idx.msk [tilespmem:v4+s2+$0x0], $0xffff  }
0x43f: {  	v13 =	vld.idx.msk [tilespmem:v5+s2+$0x0], $0xffff;
	v14 =	vor.u32 $0x100, v8  }
0x440: {  	v15 =	vor.u32 $0x80, v4;
	v16 =	vld.idx.msk [tilespmem:v7+s2+$0x0], $0xffff  }
0x441: {  	v17 =	vor.u32 $0x80, v5;
	v18 =	vld.idx.msk [tilespmem:v6+s2+$0x0], $0xffff  }
0x442: {  	s3 =	sor.u32 $0x400, s21;
	v19 =	vor.u32 $0x80, v7;
	[tilespmem:s19+$0xB040] =	vst v10;
	v10 =	vld.idx.msk [tilespmem:v2+s2+$0x0], $0xffff  }
0x443: {  	s5 =	sand.u32 $0x3FFFFFF8, s3;
	v20 =	vor.u32 $0x80, v6;
	v11 =	vld.idx.msk [tilespmem:v11+s2+$0x0], $0xffff;
	[tilespmem:s9+$0xB0C0] =	vst v9  }
0x444: {  	s4 =	sor.u32 $0x800, s21;
	s3 =	sand.u32 $0x7400, s3;
	v9 =	vor.u32 $0x80, v2;
	[tilespmem:s5+$0xB000] =	vst v12;
	v12 =	vld.idx.msk [tilespmem:v14+s2+$0x0], $0xffff  }
0x445: {  	s6 =	sand.u32 $0x3FFFFFF8, s4;
	[tilespmem:s3+$0xB040] =	vst v13;
	v14 =	vor.u32 $0x100, v3;
	v15 =	vld.idx.msk [tilespmem:v15+s2+$0x0], $0xffff  }
0x446: {  	s4 =	sand.u32 $0x7800, s4;
	v13 =	vld.idx.msk [tilespmem:v17+s2+$0x0], $0xffff;
	[tilespmem:s6+$0xB000] =	vst v16;
	v16 =	vor.u32 $0x180, v8  }
0x447: {  	s8 =	sand.u32 $0x3FFFFFF8, s8;
	v17 =	vor.u32 $0x100, v4;
	v19 =	vld.idx.msk [tilespmem:v19+s2+$0x0], $0xffff;
	[tilespmem:s4+$0xB040] =	vst v18  }
0x448: {  	v18 =	vor.u32 $0x100, v5;
	v20 =	vld.idx.msk [tilespmem:v20+s2+$0x0], $0xffff;
	[tilespmem:s8+$0xB000] =	vst v10  }
0x449: {  	v10 =	vor.u32 $0x100, v7;
	[tilespmem:s19+$0xB0C0] =	vst v11;
	v9 =	vld.idx.msk [tilespmem:v9+s2+$0x0], $0xffff  }
0x44a: {  	v11 =	vor.u32 $0x100, v6;
	v14 =	vld.idx.msk [tilespmem:v14+s2+$0x0], $0xffff;
	[tilespmem:s9+$0xB140] =	vst v12  }
0x44b: {  	v12 =	vor.u32 $0x100, v2;
	[tilespmem:s5+$0xB080] =	vst v15;
	v15 =	vld.idx.msk [tilespmem:v16+s2+$0x0], $0xffff  }
0x44c: {  	[tilespmem:s3+$0xB0C0] =	vst v13;
	v16 =	vor.u32 $0x180, v3;
	v17 =	vld.idx.msk [tilespmem:v17+s2+$0x0], $0xffff  }
0x44d: {  	[tilespmem:s6+$0xB080] =	vst v19;
	v19 =	vor.u32 $0x180, v4;
	v13 =	vld.idx.msk [tilespmem:v18+s2+$0x0], $0xffff  }
0x44e: {  	v18 =	vor.u32 $0x200, v8;
	v10 =	vld.idx.msk [tilespmem:v10+s2+$0x0], $0xffff;
	[tilespmem:s4+$0xB0C0] =	vst v20  }
0x44f: {  	v20 =	vor.u32 $0x180, v5;
	v11 =	vld.idx.msk [tilespmem:v11+s2+$0x0], $0xffff;
	[tilespmem:s8+$0xB080] =	vst v9  }
0x450: {  	v9 =	vor.u32 $0x180, v7;
	[tilespmem:s19+$0xB140] =	vst v14;
	v12 =	vld.idx.msk [tilespmem:v12+s2+$0x0], $0xffff  }
0x451: {  	v14 =	vor.u32 $0x180, v6;
	v16 =	vld.idx.msk [tilespmem:v16+s2+$0x0], $0xffff;
	[tilespmem:s5+$0xB100] =	vst v17  }
0x452: {  	[tilespmem:s9+$0xB1C0] =	vst v15;
	v15 =	vor.u32 $0x180, v2;
	v19 =	vld.idx.msk [tilespmem:v19+s2+$0x0], $0xffff  }
0x453: {  	v17 =	vld.idx.msk [tilespmem:v18+s2+$0x0], $0xffff;
	v18 =	vor.u32 $0x200, v3;
	[tilespmem:s3+$0xB140] =	vst v13  }
0x454: {  	v13 =	vld.idx.msk [tilespmem:v20+s2+$0x0], $0xffff;
	[tilespmem:s6+$0xB100] =	vst v10;
	v10 =	vor.u32 $0x280, v8  }
0x455: {  	v20 =	vor.u32 $0x200, v4;
	v9 =	vld.idx.msk [tilespmem:v9+s2+$0x0], $0xffff;
	[tilespmem:s4+$0xB140] =	vst v11  }
0x456: {  	v11 =	vor.u32 $0x200, v5;
	v14 =	vld.idx.msk [tilespmem:v14+s2+$0x0], $0xffff;
	[tilespmem:s8+$0xB100] =	vst v12  }
0x457: {  	v12 =	vor.u32 $0x200, v7;
	[tilespmem:s19+$0xB1C0] =	vst v16;
	v15 =	vld.idx.msk [tilespmem:v15+s2+$0x0], $0xffff  }
0x458: {  	v16 =	vor.u32 $0x200, v6;
	v18 =	vld.idx.msk [tilespmem:v18+s2+$0x0], $0xffff;
	[tilespmem:s21+$0xBE40] =	vst v17  }
0x459: {  	[tilespmem:s5+$0xB180] =	vst v19;
	v17 =	vor.u32 $0x200, v2;
	v10 =	vld.idx.msk [tilespmem:v10+s2+$0x0], $0xffff  }
0x45a: {  	v19 =	vor.u32 $0x280, v3;
	v20 =	vld.idx.msk [tilespmem:v20+s2+$0x0], $0xffff;
	[tilespmem:s3+$0xB1C0] =	vst v13  }
0x45b: {  	v11 =	vld.idx.msk [tilespmem:v11+s2+$0x0], $0xffff;
	[tilespmem:s6+$0xB180] =	vst v9;
	v9 =	vor.u32 $0x300, v8  }
0x45c: {  	v13 =	vor.u32 $0x280, v4;
	v12 =	vld.idx.msk [tilespmem:v12+s2+$0x0], $0xffff;
	[tilespmem:s4+$0xB1C0] =	vst v14  }
0x45d: {  	v14 =	vor.u32 $0x280, v5;
	v16 =	vld.idx.msk [tilespmem:v16+s2+$0x0], $0xffff;
	[tilespmem:s8+$0xB180] =	vst v15  }
0x45e: {  	s24 =	sor.u32 $0xEC0, s21;
	v15 =	vor.u32 $0x280, v7;
	[tilespmem:s19+$0xB240] =	vst v18;
	v17 =	vld.idx.msk [tilespmem:v17+s2+$0x0], $0xffff  }
0x45f: {  	v18 =	vor.u32 $0x280, v6;
	v19 =	vld.idx.msk [tilespmem:v19+s2+$0x0], $0xffff;
	[tilespmem:s24+$0xB000] =	vst v10  }
0x460: {  	v10 =	vor.u32 $0x280, v2;
	[tilespmem:s5+$0xB200] =	vst v20;
	v9 =	vld.idx.msk [tilespmem:v9+s2+$0x0], $0xffff  }
0x461: {  	v20 =	vor.u32 $0x300, v3;
	v13 =	vld.idx.msk [tilespmem:v13+s2+$0x0], $0xffff;
	[tilespmem:s21+$0xB640] =	vst v11  }
0x462: {  	v8 =	vor.u32 $0x380, v8;
	v11 =	vld.idx.msk [tilespmem:v14+s2+$0x0], $0xffff;
	[tilespmem:s6+$0xB200] =	vst v12  }
0x463: {  	v12 =	vor.u32 $0x300, v4;
	v14 =	vld.idx.msk [tilespmem:v15+s2+$0x0], $0xffff;
	[tilespmem:s21+$0xBA40] =	vst v16  }
0x464: {  	v15 =	vor.u32 $0x300, v5;
	v16 =	vld.idx.msk [tilespmem:v18+s2+$0x0], $0xffff;
	[tilespmem:s8+$0xB200] =	vst v17  }
0x465: {  	s25 =	sor.u32 $0xF40, s21;
	v17 =	vor.u32 $0x300, v7;
	[tilespmem:s19+$0xB2C0] =	vst v19;
	v10 =	vld.idx.msk [tilespmem:v10+s2+$0x0], $0xffff  }
0x466: {  	v18 =	vor.u32 $0x300, v6;
	v19 =	vld.idx.msk [tilespmem:v20+s2+$0x0], $0xffff;
	[tilespmem:s25+$0xB000] =	vst v9  }
0x467: {  	s26 =	sor.u32 $0x6C0, s21;
	v9 =	vor.u32 $0x300, v2;
	[tilespmem:s5+$0xB280] =	vst v13;
	v8 =	vld.idx.msk [tilespmem:v8+s2+$0x0], $0xffff  }
0x468: {  	v3 =	vor.u32 $0x380, v3;
	v12 =	vld.idx.msk [tilespmem:v12+s2+$0x0], $0xffff;
	[tilespmem:s26+$0xB000] =	vst v11  }
0x469: {  	s4 =	sor.u32 $0xAC0, s21;
	v11 =	vld.idx.msk [tilespmem:v15+s2+$0x0], $0xffff;
	[tilespmem:s6+$0xB280] =	vst v14  }
0x46a: {  	s11 =	simm.s32 $0x0;
	v4 =	vor.u32 $0x380, v4;
	v13 =	vld.idx.msk [tilespmem:v17+s2+$0x0], $0xffff;
	[tilespmem:s4+$0xB000] =	vst v16  }
0x46b: {  	s12 =	sor.u32 $0x3, s11;
	v5 =	vor.u32 $0x380, v5;
	v14 =	vld.idx.msk [tilespmem:v18+s2+$0x0], $0xffff;
	[tilespmem:s8+$0xB280] =	vst v10  }
0x46c: {  	s13 =	sor.u32 $0xFC0, s21;
	s9 =	sshll.u32 s12, $0x7;
	v7 =	vor.u32 $0x380, v7;
	[tilespmem:s19+$0xB340] =	vst v19;
	v9 =	vld.idx.msk [tilespmem:v9+s2+$0x0], $0xffff  }
0x46d: {  	s3 =	sand.u32 $0x3FFFFF80, s9;
	v6 =	vor.u32 $0x380, v6;
	v3 =	vld.idx.msk [tilespmem:v3+s2+$0x0], $0xffff;
	[tilespmem:s13+$0xB000] =	vst v8  }
0x46e: {  	s14 =	sor.u32 $0x740, s21;
	[tilespmem:s5+$0xB300] =	vst v12;
	v8 =	vld [tilespmem:s3+$0x2050]  }
0x46f: {  	v2 =	vor.u32 $0x380, v2;
	v4 =	vld.idx.msk [tilespmem:v4+s2+$0x0], $0xffff;
	[tilespmem:s14+$0xB000] =	vst v11  }
0x470: {  	s15 =	sor.u32 $0xB40, s21;
	v5 =	vld.idx.msk [tilespmem:v5+s2+$0x0], $0xffff;
	[tilespmem:s6+$0xB300] =	vst v13  }
0x471: {  	v10 =	vld.idx.msk [tilespmem:v7+s2+$0x0], $0xffff;
	[tilespmem:s15+$0xB000] =	vst v14  }
0x472: {  	s20 =	sor.u32 $0x1, s11;
	v6 =	vld.idx.msk [tilespmem:v6+s2+$0x0], $0xffff;
	[tilespmem:s19+$0xB3C0] =	vst v3  }
0x473: {  	s22 =	sshll.u32 s20, $0x7;
	v0 =	vor.u32 $0x380, v0;
	[tilespmem:s8+$0xB300] =	vst v9;
	v3 =	vshll.u32 v8, $0x3;
	v9 =	vld [tilespmem:s0+$0x2050]  }
0x474: {  	s11 =	sor.u32 $0x2, s11;
	s4 =	sand.u32 $0x3FFFFF80, s22;
	s13 =	sor.u32 $0x7C0, s21;
	v2 =	vld.idx.msk [tilespmem:v2+s2+$0x0], $0xffff;
	v7 =	vand.u32 $0x7F, v8;
	[tilespmem:s5+$0xB380] =	vst v4;
	v3 =	vand.u32 $0xFFFFFC00, v3  }
0x475: {  	s23 =	sshll.u32 s11, $0x7;
	[tilespmem:s13+$0xB000] =	vst v5;
	v7 =	vor.u32 v7, v3;
	v3 =	vld [tilespmem:s4+$0x2010]  }
0x476: {  	s5 =	sand.u32 $0x3FFFFF80, s23;
	v4 =	vld [tilespmem:s4+$0x2050];
	[tilespmem:s6+$0xB380] =	vst v10  }
0x477: {  	s1 =	sor.u32 $0xBC0, s21;
	[tilespmem:s19+$0xB320] =	vst v1;
	v5 =	vld [tilespmem:s5+$0x2010]  }
0x478: {  	v0 =	vld.idx.msk [tilespmem:v0+s2+$0x0], $0xffff;
	[tilespmem:s1+$0xB000] =	vst v6;
	v1 =	vshll.u32 v9, $0x3  }
0x479: {  	v8 =	vld [tilespmem:s5+$0x2050];
	[tilespmem:s8+$0xB380] =	vst v2;
	v6 =	vand.u32 $0x7F, v9;
	v1 =	vand.u32 $0xFFFFFC00, v1  }
0x47a: {  	v11 =	vor.u32 $0x80, v7;
	v9 =	vld [tilespmem:s3+$0x2010];
	v1 =	vor.u32 v6, v1;
	v6 =	vand.u32 $0x7F, v3  }
0x47b: {  	v2 =	vld.idx.msk [tilespmem:v7+s2+$0x0], $0xffff;
	v3 =	vshll.u32 v3, $0x3;
	v10 =	vshll.u32 v4, $0x3;
	v12 =	vand.u32 $0x7F, v4  }
0x47c: {  	v3 =	vand.u32 $0xFFFFFC00, v3;
	v10 =	vand.u32 $0xFFFFFC00, v10;
	v13 =	vshll.u32 v5, $0x3  }
0x47d: {  	v14 =	vand.u32 $0x7F, v5;
	v4 =	vor.u32 v6, v3;
	v3 =	vand.u32 $0xFFFFFC00, v13  }
0x47e: {  	[tilespmem:s19+$0xB3A0] =	vst v0;
	s24 =	sshll.u32 s12, $0xA;
	v6 =	vshll.u32 v8, $0x3;
	v5 =	vor.u32 v12, v10;
	v8 =	vand.u32 $0x7F, v8  }
0x47f: {  	v0 =	vld [tilespmem:s0+$0x2030];
	s21 =	sand.u32 $0x3FFFFC00, s24;
	v10 =	vand.u32 $0xFFFFFC00, v6;
	v6 =	vor.u32 v14, v3;
	v3 =	vshll.u32 v9, $0x3  }
0x480: {  	v9 =	vand.u32 $0x7F, v9;
	v3 =	vand.u32 $0xFFFFFC00, v3;
	[tilespmem:s21+$0xB050] =	vst v2;
	v2 =	vor.u32 v8, v10;
	v10 =	vld.idx.msk [tilespmem:v1+s2+$0x0], $0xffff  }
0x481: {  	v3 =	vor.u32 v9, v3;
	v8 =	vld.idx.msk [tilespmem:v11+s2+$0x0], $0xffff  }
0x482: {  	v12 =	vor.u32 $0x80, v1;
	v9 =	vld.idx.msk [tilespmem:v4+s2+$0x0], $0xffff  }
0x483: {  	v11 =	vor.u32 $0x100, v7;
	v13 =	vld.idx.msk [tilespmem:v5+s2+$0x0], $0xffff  }
0x484: {  	v14 =	vor.u32 $0x80, v4;
	v15 =	vld.idx.msk [tilespmem:v6+s2+$0x0], $0xffff  }
0x485: {  	v16 =	vor.u32 $0x80, v5;
	v17 =	vld.idx.msk [tilespmem:v2+s2+$0x0], $0xffff;
	[tilespmem:s19+$0xB050] =	vst v10  }
0x486: {  	s25 =	sshll.u32 s20, $0xA;
	v10 =	vld.idx.msk [tilespmem:v3+s2+$0x0], $0xffff;
	[tilespmem:s21+$0xB0D0] =	vst v8;
	v8 =	vor.u32 $0x80, v6  }
0x487: {  	s23 =	sand.u32 $0x3FFFFC00, s25;
	v18 =	vor.u32 $0x80, v2;
	v12 =	vld.idx.msk [tilespmem:v12+s2+$0x0], $0xffff  }
0x488: {  	s26 =	sshll.u32 s11, $0xA;
	v19 =	vor.u32 $0x80, v3;
	v11 =	vld.idx.msk [tilespmem:v11+s2+$0x0], $0xffff;
	[tilespmem:s23+$0xB010] =	vst v9  }
0x489: {  	s22 =	sand.u32 $0x3FFFFC00, s26;
	[tilespmem:s23+$0xB050] =	vst v13;
	v13 =	vor.u32 $0x100, v1;
	v14 =	vld.idx.msk [tilespmem:v14+s2+$0x0], $0xffff  }
0x48a: {  	v9 =	vor.u32 $0x180, v7;
	v16 =	vld.idx.msk [tilespmem:v16+s2+$0x0], $0xffff;
	[tilespmem:s22+$0xB010] =	vst v15  }
0x48b: {  	[tilespmem:s22+$0xB050] =	vst v17;
	v8 =	vld.idx.msk [tilespmem:v8+s2+$0x0], $0xffff  }
0x48c: {  	v15 =	vor.u32 $0x100, v4;
	[tilespmem:s21+$0xB010] =	vst v10;
	v18 =	vld.idx.msk [tilespmem:v18+s2+$0x0], $0xffff  }
0x48d: {  	v17 =	vor.u32 $0x100, v5;
	[tilespmem:s19+$0xB0D0] =	vst v12;
	v10 =	vld.idx.msk [tilespmem:v19+s2+$0x0], $0xffff  }
0x48e: {  	[tilespmem:s21+$0xB150] =	vst v11;
	v11 =	vor.u32 $0x100, v6;
	v12 =	vld.idx.msk [tilespmem:v13+s2+$0x0], $0xffff  }
0x48f: {  	s24 =	simm.s32 $0x200;
	v9 =	vld.idx.msk [tilespmem:v9+s2+$0x0], $0xffff;
	[tilespmem:s23+$0xB090] =	vst v14;
	v14 =	vor.u32 $0x100, v2  }
0x490: {  	v19 =	vld [tilespmem:s24+$0x2000];
	v13 =	vor.u32 $0x200, v7;
	[tilespmem:s23+$0xB0D0] =	vst v16  }
0x491: {  	v16 =	vor.u32 $0x100, v3;
	v15 =	vld.idx.msk [tilespmem:v15+s2+$0x0], $0xffff;
	[tilespmem:s22+$0xB090] =	vst v8  }
0x492: {  	v17 =	vld.idx.msk [tilespmem:v17+s2+$0x0], $0xffff;
	v8 =	vor.u32 $0x180, v1;
	[tilespmem:s22+$0xB0D0] =	vst v18  }
0x493: {  	v18 =	vor.u32 $0x180, v4;
	v11 =	vld.idx.msk [tilespmem:v11+s2+$0x0], $0xffff;
	[tilespmem:s19+$0xB150] =	vst v12  }
0x494: {  	[tilespmem:s21+$0xB1D0] =	vst v9;
	v9 =	vor.u32 $0x180, v5;
	v12 =	vld.idx.msk [tilespmem:v14+s2+$0x0], $0xffff  }
0x495: {  	[tilespmem:s21+$0xB090] =	vst v10;
	v10 =	vld.idx.msk [tilespmem:v13+s2+$0x0], $0xffff;
	v13 =	vor.u32 $0x180, v6  }
0x496: {  	v14 =	vld.idx.msk [tilespmem:v16+s2+$0x0], $0xffff;
	[tilespmem:s23+$0xB110] =	vst v15;
	v15 =	vor.u32 $0x280, v7  }
0x497: {  	v16 =	vor.u32 $0x180, v2;
	[tilespmem:s23+$0xB150] =	vst v17;
	v20 =	vld.idx.msk [tilespmem:v8+s2+$0x0], $0xffff  }
0x498: {  	v17 =	vor.u32 $0x180, v3;
	v8 =	vshll.u32 v19, $0x3;
	v18 =	vld.idx.msk [tilespmem:v18+s2+$0x0], $0xffff;
	[tilespmem:s22+$0xB110] =	vst v11  }
0x499: {  	v19 =	vand.u32 $0x7F, v19;
	v11 =	vor.u32 $0x200, v1;
	v8 =	vand.u32 $0xFFFFFC00, v8;
	v9 =	vld.idx.msk [tilespmem:v9+s2+$0x0], $0xffff;
	[tilespmem:s22+$0xB150] =	vst v12  }
0x49a: {  	v8 =	vor.u32 v19, v8;
	[tilespmem:s21+$0xB250] =	vst v10;
	v10 =	vld.idx.msk [tilespmem:v13+s2+$0x0], $0xffff  }
0x49b: {  	v12 =	vor.u32 $0x200, v4;
	[tilespmem:s21+$0xB110] =	vst v14;
	v13 =	vld.idx.msk [tilespmem:v15+s2+$0x0], $0xffff  }
0x49c: {  	v14 =	vor.u32 $0x200, v5;
	v15 =	vld.idx.msk [tilespmem:v16+s2+$0x0], $0xffff;
	[tilespmem:s19+$0xB1D0] =	vst v20  }
0x49d: {  	v16 =	vld.idx.msk [tilespmem:v17+s2+$0x0], $0xffff;
	v17 =	vor.u32 $0x300, v7;
	[tilespmem:s23+$0xB190] =	vst v18  }
0x49e: {  	v18 =	vor.u32 $0x200, v6;
	v11 =	vld.idx.msk [tilespmem:v11+s2+$0x0], $0xffff;
	[tilespmem:s23+$0xB1D0] =	vst v9  }
0x49f: {  	v9 =	vor.u32 $0x200, v2;
	v19 =	vld.idx.msk [tilespmem:v8+s2+$0x0], $0xffff;
	[tilespmem:s22+$0xB190] =	vst v10  }
0x4a0: {  	v12 =	vld.idx.msk [tilespmem:v12+s2+$0x0], $0xffff;
	v10 =	vor.u32 $0x200, v3;
	[tilespmem:s21+$0xB2D0] =	vst v13  }
0x4a1: {  	v14 =	vld.idx.msk [tilespmem:v14+s2+$0x0], $0xffff;
	v13 =	vor.u32 $0x80, v8;
	[tilespmem:s22+$0xB1D0] =	vst v15  }
0x4a2: {  	v15 =	vor.u32 $0x280, v1;
	[tilespmem:s21+$0xB190] =	vst v16;
	v17 =	vld.idx.msk [tilespmem:v17+s2+$0x0], $0xffff  }
0x4a3: {  	s1 =	simm.s32 $0x1000;
	v16 =	vor.u32 $0x280, v4;
	v18 =	vld.idx.msk [tilespmem:v18+s2+$0x0], $0xffff;
	[tilespmem:s19+$0xB250] =	vst v11  }
0x4a4: {  	s20 =	sand.u32 $0x3FFFFFF8, s1;
	v7 =	vor.u32 $0x380, v7;
	v9 =	vld.idx.msk [tilespmem:v9+s2+$0x0], $0xffff  }
0x4a5: {  	v11 =	vor.u32 $0x280, v5;
	[tilespmem:s20+$0xB000] =	vst v19;
	v10 =	vld.idx.msk [tilespmem:v10+s2+$0x0], $0xffff  }
0x4a6: {  	v19 =	vor.u32 $0x280, v6;
	[tilespmem:s23+$0xB210] =	vst v12;
	v13 =	vld.idx.msk [tilespmem:v13+s2+$0x0], $0xffff  }
0x4a7: {  	v20 =	vor.u32 $0x280, v2;
	[tilespmem:s23+$0xB250] =	vst v14;
	v12 =	vld.idx.msk [tilespmem:v15+s2+$0x0], $0xffff  }
0x4a8: {  	v15 =	vor.u32 $0x100, v8;
	v16 =	vld.idx.msk [tilespmem:v16+s2+$0x0], $0xffff;
	[tilespmem:s21+$0xB350] =	vst v17  }
0x4a9: {  	v17 =	vor.u32 $0x280, v3;
	[tilespmem:s22+$0xB210] =	vst v18;
	v7 =	vld.idx.msk [tilespmem:v7+s2+$0x0], $0xffff  }
0x4aa: {  	v14 =	vor.u32 $0x300, v1;
	v11 =	vld.idx.msk [tilespmem:v11+s2+$0x0], $0xffff;
	[tilespmem:s22+$0xB250] =	vst v9  }
0x4ab: {  	v18 =	vor.u32 $0x300, v4;
	v9 =	vld.idx.msk [tilespmem:v19+s2+$0x0], $0xffff;
	[tilespmem:s21+$0xB210] =	vst v10  }
0x4ac: {  	[tilespmem:s20+$0xB080] =	vst v13;
	v13 =	vld.idx.msk [tilespmem:v20+s2+$0x0], $0xffff  }
0x4ad: {  	v19 =	vor.u32 $0x300, v5;
	[tilespmem:s19+$0xB2D0] =	vst v12;
	v10 =	vld.idx.msk [tilespmem:v15+s2+$0x0], $0xffff  }
0x4ae: {  	[tilespmem:s23+$0xB290] =	vst v16;
	v15 =	vor.u32 $0x300, v6;
	v12 =	vld.idx.msk [tilespmem:v17+s2+$0x0], $0xffff  }
0x4af: {  	v17 =	vor.u32 $0x180, v8;
	v14 =	vld.idx.msk [tilespmem:v14+s2+$0x0], $0xffff;
	[tilespmem:s21+$0xB3D0] =	vst v7  }
0x4b0: {  	v7 =	vor.u32 $0x300, v2;
	[tilespmem:s23+$0xB2D0] =	vst v11;
	v11 =	vld.idx.msk [tilespmem:v18+s2+$0x0], $0xffff  }
0x4b1: {  	v20 =	vor.u32 $0x300, v3;
	v16 =	vld [tilespmem:s3+$0x2060]  }
0x4b2: {  	v1 =	vor.u32 $0x380, v1;
	[tilespmem:s22+$0xB290] =	vst v9;
	v18 =	vld.idx.msk [tilespmem:v19+s2+$0x0], $0xffff  }
0x4b3: {  	v4 =	vor.u32 $0x380, v4;
	[tilespmem:s20+$0xB100] =	vst v10;
	v10 =	vld.idx.msk [tilespmem:v15+s2+$0x0], $0xffff  }
0x4b4: {  	v5 =	vor.u32 $0x380, v5;
	[tilespmem:s22+$0xB2D0] =	vst v13;
	v13 =	vld.idx.msk [tilespmem:v17+s2+$0x0], $0xffff  }
0x4b5: {  	v6 =	vor.u32 $0x380, v6;
	[tilespmem:s21+$0xB290] =	vst v12;
	v7 =	vld.idx.msk [tilespmem:v7+s2+$0x0], $0xffff  }
0x4b6: {  	[tilespmem:s19+$0xB350] =	vst v14;
	v12 =	vor.u32 $0x200, v8;
	v14 =	vld.idx.msk [tilespmem:v20+s2+$0x0], $0xffff  }
0x4b7: {  	v2 =	vor.u32 $0x380, v2;
	v1 =	vld.idx.msk [tilespmem:v1+s2+$0x0], $0xffff;
	[tilespmem:s23+$0xB310] =	vst v11;
	v9 =	vshll.u32 v16, $0x3  }
0x4b8: {  	v15 =	vand.u32 $0x7F, v16;
	v4 =	vld.idx.msk [tilespmem:v4+s2+$0x0], $0xffff;
	[tilespmem:s23+$0xB350] =	vst v18;
	v9 =	vand.u32 $0xFFFFFC00, v9  }
0x4b9: {  	v5 =	vld.idx.msk [tilespmem:v5+s2+$0x0], $0xffff;
	v9 =	vor.u32 v15, v9;
	[tilespmem:s22+$0xB310] =	vst v10  }
0x4ba: {  	[tilespmem:s20+$0xB180] =	vst v13;
	v6 =	vld.idx.msk [tilespmem:v6+s2+$0x0], $0xffff  }
0x4bb: {  	v3 =	vor.u32 $0x380, v3;
	[tilespmem:s22+$0xB350] =	vst v7;
	v10 =	vld.idx.msk [tilespmem:v12+s2+$0x0], $0xffff  }
0x4bc: {  	[tilespmem:s19+$0xB3D0] =	vst v1;
	v1 =	vld.idx.msk [tilespmem:v2+s2+$0x0], $0xffff  }
0x4bd: {  	v12 =	vld [tilespmem:s0+$0x2060]  }
0x4be: {  	v11 =	vor.u32 $0x280, v8;
	[tilespmem:s23+$0xB390] =	vst v4;
	v7 =	vld.idx.msk [tilespmem:v9+s2+$0x0], $0xffff  }
0x4bf: {  	[tilespmem:s21+$0xB310] =	vst v14;
	v2 =	vor.u32 $0x80, v9;
	v4 =	vld [tilespmem:s4+$0x2020]  }
0x4c0: {  	v3 =	vld.idx.msk [tilespmem:v3+s2+$0x0], $0xffff;
	[tilespmem:s23+$0xB3D0] =	vst v5  }
0x4c1: {  	v5 =	vshll.u32 v0, $0x3;
	[tilespmem:s20+$0xB200] =	vst v10;
	v10 =	vld [tilespmem:s4+$0x2060]  }
0x4c2: {  	v24 =	vld [tilespmem:s24+$0x2100];
	v0 =	vand.u32 $0x7F, v0;
	v5 =	vand.u32 $0xFFFFFC00, v5;
	[tilespmem:s22+$0xB390] =	vst v6  }
0x4c3: {  	v13 =	vor.u32 $0x100, v9;
	v0 =	vor.u32 v0, v5;
	v11 =	vld.idx.msk [tilespmem:v11+s2+$0x0], $0xffff;
	[tilespmem:s21+$0xB060] =	vst v7  }
0x4c4: {  	v6 =	vor.u32 $0x300, v8;
	[tilespmem:s22+$0xB3D0] =	vst v1;
	v1 =	vshll.u32 v4, $0x3;
	v5 =	vld.idx.msk [tilespmem:v2+s2+$0x0], $0xffff;
	v2 =	vshll.u32 v12, $0x3  }
0x4c5: {  	v14 =	vand.u32 $0x7F, v4;
	v7 =	vand.u32 $0x7F, v12;
	v12 =	vld [tilespmem:s5+$0x2020];
	v2 =	vand.u32 $0xFFFFFC00, v2  }
0x4c6: {  	[tilespmem:s21+$0xB390] =	vst v3;
	v15 =	vld [tilespmem:s5+$0x2060];
	v1 =	vand.u32 $0xFFFFFC00, v1;
	v3 =	vshll.u32 v10, $0x3;
	v4 =	vor.u32 v7, v2  }
0x4c7: {  	v7 =	vld [tilespmem:s3+$0x2020];
	v10 =	vand.u32 $0x7F, v10;
	v2 =	vor.u32 v14, v1;
	v3 =	vand.u32 $0xFFFFFC00, v3  }
0x4c8: {  	v1 =	vld.idx.msk [tilespmem:v0+s2+$0x0], $0xffff;
	[tilespmem:s20+$0xB280] =	vst v11;
	v3 =	vor.u32 v10, v3  }
0x4c9: {  	v16 =	vor.u32 $0x180, v9;
	v10 =	vor.u32 $0x80, v0;
	v11 =	vld.idx.msk [tilespmem:v6+s2+$0x0], $0xffff;
	[tilespmem:s21+$0xB0E0] =	vst v5  }
0x4ca: {  	v8 =	vor.u32 $0x380, v8;
	v6 =	vshll.u32 v12, $0x3;
	v5 =	vand.u32 $0x7F, v12;
	v12 =	vld.idx.msk [tilespmem:v13+s2+$0x0], $0xffff  }
0x4cb: {  	v14 =	vshll.u32 v15, $0x3;
	v6 =	vand.u32 $0xFFFFFC00, v6;
	v13 =	vand.u32 $0x7F, v15;
	v15 =	vld.idx.msk [tilespmem:v4+s2+$0x0], $0xffff  }
0x4cc: {  	v14 =	vand.u32 $0xFFFFFC00, v14;
	v17 =	vshll.u32 v7, $0x3;
	v18 =	vld.idx.msk [tilespmem:v2+s2+$0x0], $0xffff;
	v5 =	vor.u32 v5, v6  }
0x4cd: {  	v7 =	vand.u32 $0x7F, v7;
	v6 =	vor.u32 v13, v14;
	[tilespmem:s19+$0xB030] =	vst v1;
	v17 =	vand.u32 $0xFFFFFC00, v17;
	v13 =	vld.idx.msk [tilespmem:v3+s2+$0x0], $0xffff  }
0x4ce: {  	v7 =	vor.u32 v7, v17;
	[tilespmem:s20+$0xB300] =	vst v11;
	v1 =	vld.idx.msk [tilespmem:v10+s2+$0x0], $0xffff  }
0x4cf: {  	v10 =	vor.u32 $0x80, v4;
	v8 =	vld.idx.msk [tilespmem:v8+s2+$0x0], $0xffff;
	[tilespmem:s21+$0xB160] =	vst v12  }
0x4d0: {  	v11 =	vor.u32 $0x80, v2;
	v12 =	vld.idx.msk [tilespmem:v16+s2+$0x0], $0xffff  }
0x4d1: {  	v14 =	vld.idx.msk [tilespmem:v5+s2+$0x0], $0xffff  }
0x4d2: {  	v19 =	vor.u32 $0x80, v3;
	v16 =	vld.idx.msk [tilespmem:v6+s2+$0x0], $0xffff;
	[tilespmem:s19+$0xB060] =	vst v15  }
0x4d3: {  	v17 =	vor.u32 $0x200, v9;
	[tilespmem:s23+$0xB020] =	vst v18;
	v15 =	vld.idx.msk [tilespmem:v7+s2+$0x0], $0xffff  }
0x4d4: {  	v20 =	vor.u32 $0x80, v5;
	v10 =	vld.idx.msk [tilespmem:v10+s2+$0x0], $0xffff;
	[tilespmem:s23+$0xB060] =	vst v13  }
0x4d5: {  	v18 =	vor.u32 $0x80, v6;
	[tilespmem:s20+$0xB380] =	vst v8;
	v8 =	vld.idx.msk [tilespmem:v11+s2+$0x0], $0xffff  }
0x4d6: {  	v11 =	vor.u32 $0x80, v7;
	v21 =	vld [tilespmem:s24+$0x2010];
	[tilespmem:s21+$0xB1E0] =	vst v12  }
0x4d7: {  	v12 =	vor.u32 $0x100, v4;
	[tilespmem:s22+$0xB020] =	vst v14;
	v14 =	vld.idx.msk [tilespmem:v19+s2+$0x0], $0xffff  }
0x4d8: {  	v13 =	vld.idx.msk [tilespmem:v17+s2+$0x0], $0xffff;
	v17 =	vor.u32 $0x100, v2  }
0x4d9: {  	[tilespmem:s22+$0xB060] =	vst v16;
	v19 =	vor.u32 $0x280, v9;
	v16 =	vld.idx.msk [tilespmem:v20+s2+$0x0], $0xffff  }
0x4da: {  	v20 =	vor.u32 $0x100, v3;
	[tilespmem:s21+$0xB020] =	vst v15;
	v15 =	vld.idx.msk [tilespmem:v18+s2+$0x0], $0xffff  }
0x4db: {  	v18 =	vor.u32 $0x100, v5;
	[tilespmem:s19+$0xB0E0] =	vst v10;
	v11 =	vld.idx.msk [tilespmem:v11+s2+$0x0], $0xffff;
	v10 =	vshll.u32 v21, $0x3  }
0x4dc: {  	v22 =	vor.u32 $0x100, v6;
	[tilespmem:s23+$0xB0A0] =	vst v8;
	v8 =	vand.u32 $0x7F, v21;
	v10 =	vand.u32 $0xFFFFFC00, v10;
	v12 =	vld.idx.msk [tilespmem:v12+s2+$0x0], $0xffff  }
0x4dd: {  	v8 =	vor.u32 v8, v10;
	v10 =	vld.idx.msk [tilespmem:v17+s2+$0x0], $0xffff;
	[tilespmem:s21+$0xB260] =	vst v13  }
0x4de: {  	[tilespmem:s23+$0xB0E0] =	vst v14;
	v13 =	vor.u32 $0x100, v7;
	v14 =	vld.idx.msk [tilespmem:v19+s2+$0x0], $0xffff  }
0x4df: {  	v17 =	vor.u32 $0x180, v4;
	[tilespmem:s22+$0xB0A0] =	vst v16;
	v19 =	vld.idx.msk [tilespmem:v20+s2+$0x0], $0xffff  }
0x4e0: {  	v16 =	vld.idx.msk [tilespmem:v18+s2+$0x0], $0xffff;
	[tilespmem:s22+$0xB0E0] =	vst v15;
	v18 =	vor.u32 $0x180, v2  }
0x4e1: {  	v15 =	vor.u32 $0x300, v9;
	v20 =	vld.idx.msk [tilespmem:v22+s2+$0x0], $0xffff;
	[tilespmem:s21+$0xB0A0] =	vst v11  }
0x4e2: {  	v21 =	vor.u32 $0x180, v3;
	[tilespmem:s19+$0xB160] =	vst v12;
	v11 =	vld.idx.msk [tilespmem:v8+s2+$0x0], $0xffff  }
0x4e3: {  	v22 =	vor.u32 $0x180, v5;
	v12 =	vld.idx.msk [tilespmem:v13+s2+$0x0], $0xffff;
	[tilespmem:s23+$0xB120] =	vst v10  }
0x4e4: {  	v13 =	vor.u32 $0x80, v8;
	v17 =	vld.idx.msk [tilespmem:v17+s2+$0x0], $0xffff;
	[tilespmem:s21+$0xB2E0] =	vst v14  }
0x4e5: {  	v14 =	vor.u32 $0x180, v6;
	[tilespmem:s23+$0xB160] =	vst v19;
	v18 =	vld.idx.msk [tilespmem:v18+s2+$0x0], $0xffff  }
0x4e6: {  	[tilespmem:s22+$0xB120] =	vst v16;
	v19 =	vor.u32 $0x200, v4;
	v10 =	vld.idx.msk [tilespmem:v15+s2+$0x0], $0xffff  }
0x4e7: {  	v15 =	vor.u32 $0x180, v7;
	v16 =	vld.idx.msk [tilespmem:v21+s2+$0x0], $0xffff;
	[tilespmem:s22+$0xB160] =	vst v20  }
0x4e8: {  	v21 =	vor.u32 $0x200, v2;
	[tilespmem:s20+$0xB010] =	vst v11;
	v11 =	vld.idx.msk [tilespmem:v22+s2+$0x0], $0xffff  }
0x4e9: {  	v9 =	vor.u32 $0x380, v9;
	[tilespmem:s21+$0xB120] =	vst v12;
	v13 =	vld.idx.msk [tilespmem:v13+s2+$0x0], $0xffff  }
0x4ea: {  	v20 =	vor.u32 $0x200, v3;
	[tilespmem:s19+$0xB1E0] =	vst v17;
	v12 =	vld.idx.msk [tilespmem:v14+s2+$0x0], $0xffff  }
0x4eb: {  	v14 =	vor.u32 $0x100, v8;
	[tilespmem:s23+$0xB1A0] =	vst v18;
	v18 =	vld.idx.msk [tilespmem:v19+s2+$0x0], $0xffff  }
0x4ec: {  	v15 =	vld.idx.msk [tilespmem:v15+s2+$0x0], $0xffff;
	[tilespmem:s21+$0xB360] =	vst v10;
	v10 =	vor.u32 $0x200, v5  }
0x4ed: {  	v17 =	vor.u32 $0x200, v6;
	[tilespmem:s23+$0xB1E0] =	vst v16;
	v16 =	vld.idx.msk [tilespmem:v21+s2+$0x0], $0xffff  }
0x4ee: {  	v19 =	vor.u32 $0x200, v7;
	v9 =	vld.idx.msk [tilespmem:v9+s2+$0x0], $0xffff;
	[tilespmem:s22+$0xB1A0] =	vst v11  }
0x4ef: {  	[tilespmem:s20+$0xB090] =	vst v13;
	v13 =	vld.idx.msk [tilespmem:v20+s2+$0x0], $0xffff  }
0x4f0: {  	v20 =	vor.u32 $0x280, v4;
	[tilespmem:s22+$0xB1E0] =	vst v12;
	v11 =	vld.idx.msk [tilespmem:v14+s2+$0x0], $0xffff  }
0x4f1: {  	[tilespmem:s19+$0xB260] =	vst v18;
	v14 =	vor.u32 $0x280, v2;
	v10 =	vld.idx.msk [tilespmem:v10+s2+$0x0], $0xffff  }
0x4f2: {  	v12 =	vor.u32 $0x180, v8;
	v17 =	vld.idx.msk [tilespmem:v17+s2+$0x0], $0xffff;
	[tilespmem:s21+$0xB1A0] =	vst v15  }
0x4f3: {  	[tilespmem:s21+$0xB3E0] =	vst v9;
	v9 =	vor.u32 $0x280, v3;
	v18 =	vld.idx.msk [tilespmem:v19+s2+$0x0], $0xffff  }
0x4f4: {  	v21 =	vor.u32 $0x280, v5;
	v15 =	vld [tilespmem:s3+$0x2070]  }
0x4f5: {  	[tilespmem:s23+$0xB220] =	vst v16;
	v19 =	vor.u32 $0x280, v6;
	v16 =	vld.idx.msk [tilespmem:v20+s2+$0x0], $0xffff  }
0x4f6: {  	v20 =	vor.u32 $0x280, v7;
	[tilespmem:s20+$0xB110] =	vst v11;
	v11 =	vld.idx.msk [tilespmem:v14+s2+$0x0], $0xffff  }
0x4f7: {  	[tilespmem:s23+$0xB260] =	vst v13;
	v14 =	vor.u32 $0x300, v4;
	v12 =	vld.idx.msk [tilespmem:v12+s2+$0x0], $0xffff  }
0x4f8: {  	v13 =	vor.u32 $0x300, v2;
	[tilespmem:s22+$0xB220] =	vst v10;
	v10 =	vld.idx.msk [tilespmem:v9+s2+$0x0], $0xffff  }
0x4f9: {  	[tilespmem:s22+$0xB260] =	vst v17;
	v17 =	vor.u32 $0x200, v8;
	v21 =	vld.idx.msk [tilespmem:v21+s2+$0x0], $0xffff;
	v9 =	vshll.u32 v15, $0x3  }
0x4fa: {  	v19 =	vld.idx.msk [tilespmem:v19+s2+$0x0], $0xffff;
	[tilespmem:s21+$0xB220] =	vst v18;
	v18 =	vor.u32 $0x300, v5;
	v15 =	vand.u32 $0x7F, v15;
	v9 =	vand.u32 $0xFFFFFC00, v9  }
0x4fb: {  	v9 =	vor.u32 v15, v9;
	[tilespmem:s19+$0xB2E0] =	vst v16;
	v16 =	vld.idx.msk [tilespmem:v20+s2+$0x0], $0xffff  }
0x4fc: {  	v15 =	vor.u32 $0x300, v3;
	v14 =	vld.idx.msk [tilespmem:v14+s2+$0x0], $0xffff;
	[tilespmem:s23+$0xB2A0] =	vst v11  }
0x4fd: {  	v11 =	vor.u32 $0x300, v6;
	[tilespmem:s20+$0xB190] =	vst v12;
	v12 =	vld.idx.msk [tilespmem:v13+s2+$0x0], $0xffff  }
0x4fe: {  	v13 =	vor.u32 $0x300, v7;
	[tilespmem:s22+$0xB2A0] =	vst v21;
	v17 =	vld.idx.msk [tilespmem:v17+s2+$0x0], $0xffff  }
0x4ff: {  	v4 =	vor.u32 $0x380, v4;
	[tilespmem:s23+$0xB2E0] =	vst v10;
	v18 =	vld.idx.msk [tilespmem:v18+s2+$0x0], $0xffff  }
0x500: {  	v2 =	vor.u32 $0x380, v2;
	[tilespmem:s22+$0xB2E0] =	vst v19;
	v10 =	vld.idx.msk [tilespmem:v9+s2+$0x0], $0xffff  }
0x501: {  	v20 =	vor.u32 $0x280, v8;
	v15 =	vld.idx.msk [tilespmem:v15+s2+$0x0], $0xffff;
	[tilespmem:s21+$0xB2A0] =	vst v16  }
0x502: {  	v5 =	vor.u32 $0x380, v5;
	v11 =	vld.idx.msk [tilespmem:v11+s2+$0x0], $0xffff;
	[tilespmem:s19+$0xB360] =	vst v14  }
0x503: {  	v19 =	vor.u32 $0x80, v9;
	v13 =	vld.idx.msk [tilespmem:v13+s2+$0x0], $0xffff;
	[tilespmem:s23+$0xB320] =	vst v12  }
0x504: {  	v3 =	vor.u32 $0x380, v3;
	v4 =	vld.idx.msk [tilespmem:v4+s2+$0x0], $0xffff;
	[tilespmem:s20+$0xB210] =	vst v17  }
0x505: {  	v6 =	vor.u32 $0x380, v6;
	v2 =	vld.idx.msk [tilespmem:v2+s2+$0x0], $0xffff;
	[tilespmem:s22+$0xB320] =	vst v18  }
0x506: {  	v7 =	vor.u32 $0x380, v7;
	v14 =	vld.idx.msk [tilespmem:v20+s2+$0x0], $0xffff;
	[tilespmem:s21+$0xB070] =	vst v10  }
0x507: {  	v12 =	vor.u32 $0x300, v8;
	v5 =	vld.idx.msk [tilespmem:v5+s2+$0x0], $0xffff;
	[tilespmem:s23+$0xB360] =	vst v15  }
0x508: {  	v10 =	vld.idx.msk [tilespmem:v19+s2+$0x0], $0xffff;
	[tilespmem:s22+$0xB360] =	vst v11  }
0x509: {  	v3 =	vld.idx.msk [tilespmem:v3+s2+$0x0], $0xffff;
	[tilespmem:s21+$0xB320] =	vst v13  }
0x50a: {  	v15 =	vor.u32 $0x100, v9;
	v6 =	vld.idx.msk [tilespmem:v6+s2+$0x0], $0xffff;
	[tilespmem:s19+$0xB3E0] =	vst v4  }
0x50b: {  	v7 =	vld.idx.msk [tilespmem:v7+s2+$0x0], $0xffff;
	[tilespmem:s20+$0xB290] =	vst v14  }
0x50c: {  	[tilespmem:s23+$0xB3A0] =	vst v2;
	v11 =	vld.idx.msk [tilespmem:v12+s2+$0x0], $0xffff  }
0x50d: {  	v8 =	vor.u32 $0x380, v8;
	v2 =	vld [tilespmem:s0+$0x2070];
	[tilespmem:s22+$0xB3A0] =	vst v5  }
0x50e: {  	v12 =	vld [tilespmem:s5+$0x2030];
	[tilespmem:s21+$0xB0F0] =	vst v10  }
0x50f: {  	v4 =	vld.idx.msk [tilespmem:v15+s2+$0x0], $0xffff  }
0x510: {  	[tilespmem:s23+$0xB3E0] =	vst v3;
	v3 =	vld [tilespmem:s4+$0x2030];
	v10 =	vor.u32 $0x180, v9  }
0x511: {  	v5 =	vld [tilespmem:s4+$0x2070];
	[tilespmem:s20+$0xB310] =	vst v11  }
0x512: {  	[tilespmem:s22+$0xB3E0] =	vst v6;
	v13 =	vand.u32 $0x7F, v2;
	v2 =	vshll.u32 v2, $0x3;
	v6 =	vld.idx.msk [tilespmem:v8+s2+$0x0], $0xffff  }
0x513: {  	v2 =	vand.u32 $0xFFFFFC00, v2;
	v11 =	vld [tilespmem:s5+$0x2070]  }
0x514: {  	v26 =	vld [tilespmem:s24+$0x2140];
	v15 =	vor.u32 $0x200, v9;
	v2 =	vor.u32 v13, v2;
	v8 =	vor.u32 $0x100, v0;
	[tilespmem:s21+$0xB170] =	vst v4  }
0x515: {  	[tilespmem:s21+$0xB3A0] =	vst v7;
	v13 =	vshll.u32 v12, $0x3;
	v4 =	vand.u32 $0x7F, v3;
	v3 =	vshll.u32 v3, $0x3;
	v7 =	vld.idx.msk [tilespmem:v10+s2+$0x0], $0xffff  }
0x516: {  	v14 =	vld [tilespmem:s3+$0x2030];
	v12 =	vand.u32 $0x7F, v12;
	v3 =	vand.u32 $0xFFFFFC00, v3;
	v10 =	vshll.u32 v5, $0x3  }
0x517: {  	v29 =	vld [tilespmem:s24+$0x2180];
	v5 =	vand.u32 $0x7F, v5;
	v10 =	vand.u32 $0xFFFFFC00, v10;
	v3 =	vor.u32 v4, v3;
	[tilespmem:s20+$0xB390] =	vst v6  }
0x518: {  	[tilespmem:s19+$0xB0B0] =	vst v1;
	v4 =	vand.u32 $0xFFFFFC00, v13;
	v1 =	vor.u32 v5, v10;
	v6 =	vshll.u32 v11, $0x3;
	v10 =	vld [tilespmem:s24+$0x2020]  }
0x519: {  	v5 =	vor.u32 v12, v4;
	v13 =	vld.idx.msk [tilespmem:v8+s2+$0x0], $0xffff;
	v8 =	vand.u32 $0x7F, v11;
	v6 =	vand.u32 $0xFFFFFC00, v6  }
0x51a: {  	v11 =	vld.idx.msk [tilespmem:v2+s2+$0x0], $0xffff;
	[tilespmem:s21+$0xB1F0] =	vst v7;
	v4 =	vor.u32 v8, v6  }
0x51b: {  	v6 =	vshll.u32 v14, $0x3;
	v8 =	vld.idx.msk [tilespmem:v15+s2+$0x0], $0xffff;
	v15 =	vor.u32 $0x80, v2  }
0x51c: {  	v12 =	vor.u32 $0x280, v9;
	v7 =	vand.u32 $0x7F, v14;
	v6 =	vand.u32 $0xFFFFFC00, v6;
	v14 =	vld.idx.msk [tilespmem:v3+s2+$0x0], $0xffff  }
0x51d: {  	v7 =	vor.u32 v7, v6;
	v16 =	vld.idx.msk [tilespmem:v1+s2+$0x0], $0xffff;
	v6 =	vshll.u32 v10, $0x3  }
0x51e: {  	v17 =	vor.u32 $0x80, v3;
	v18 =	vld.idx.msk [tilespmem:v5+s2+$0x0], $0xffff;
	v10 =	vand.u32 $0x7F, v10;
	v6 =	vand.u32 $0xFFFFFC00, v6  }
0x51f: {  	v19 =	vor.u32 $0x80, v5;
	[tilespmem:s19+$0xB070] =	vst v11;
	v6 =	vor.u32 v10, v6;
	v10 =	vld.idx.msk [tilespmem:v4+s2+$0x0], $0xffff  }
0x520: {  	[tilespmem:s21+$0xB270] =	vst v8;
	v15 =	vld.idx.msk [tilespmem:v15+s2+$0x0], $0xffff  }
0x521: {  	v8 =	vor.u32 $0x80, v1;
	v12 =	vld.idx.msk [tilespmem:v12+s2+$0x0], $0xffff  }
0x522: {  	v20 =	vor.u32 $0x80, v4;
	[tilespmem:s23+$0xB030] =	vst v14;
	v11 =	vld.idx.msk [tilespmem:v7+s2+$0x0], $0xffff  }
0x523: {  	v14 =	vor.u32 $0x300, v9;
	v17 =	vld.idx.msk [tilespmem:v17+s2+$0x0], $0xffff;
	[tilespmem:s22+$0xB030] =	vst v18  }
0x524: {  	v21 =	vor.u32 $0x80, v7;
	[tilespmem:s23+$0xB070] =	vst v16;
	v19 =	vld.idx.msk [tilespmem:v19+s2+$0x0], $0xffff  }
0x525: {  	v22 =	vor.u32 $0x100, v2;
	v16 =	vld.idx.msk [tilespmem:v6+s2+$0x0], $0xffff;
	[tilespmem:s22+$0xB070] =	vst v10  }
0x526: {  	v18 =	vor.u32 $0x80, v6;
	v8 =	vld.idx.msk [tilespmem:v8+s2+$0x0], $0xffff;
	[tilespmem:s21+$0xB2F0] =	vst v12  }
0x527: {  	v12 =	vor.u32 $0x100, v3;
	[tilespmem:s21+$0xB030] =	vst v11;
	v11 =	vld.idx.msk [tilespmem:v20+s2+$0x0], $0xffff  }
0x528: {  	[tilespmem:s19+$0xB0F0] =	vst v15;
	v20 =	vor.u32 $0x100, v5;
	v10 =	vld.idx.msk [tilespmem:v14+s2+$0x0], $0xffff  }
0x529: {  	[tilespmem:s23+$0xB0B0] =	vst v17;
	v14 =	vor.u32 $0x100, v1;
	v15 =	vld.idx.msk [tilespmem:v21+s2+$0x0], $0xffff  }
0x52a: {  	v21 =	vor.u32 $0x100, v4;
	[tilespmem:s20+$0xB020] =	vst v16;
	v16 =	vld.idx.msk [tilespmem:v22+s2+$0x0], $0xffff  }
0x52b: {  	v9 =	vor.u32 $0x380, v9;
	[tilespmem:s22+$0xB0B0] =	vst v19;
	v17 =	vld.idx.msk [tilespmem:v18+s2+$0x0], $0xffff  }
0x52c: {  	[tilespmem:s23+$0xB0F0] =	vst v8;
	v18 =	vor.u32 $0x100, v7;
	v12 =	vld.idx.msk [tilespmem:v12+s2+$0x0], $0xffff  }
0x52d: {  	v22 =	vor.u32 $0x100, v6;
	[tilespmem:s22+$0xB0F0] =	vst v11;
	v11 =	vld.idx.msk [tilespmem:v20+s2+$0x0], $0xffff  }
0x52e: {  	v14 =	vld.idx.msk [tilespmem:v14+s2+$0x0], $0xffff;
	[tilespmem:s21+$0xB370] =	vst v10;
	v10 =	vor.u32 $0x180, v2  }
0x52f: {  	v20 =	vor.u32 $0x180, v5;
	[tilespmem:s21+$0xB0B0] =	vst v15;
	v15 =	vld.idx.msk [tilespmem:v21+s2+$0x0], $0xffff  }
0x530: {  	v8 =	vld.idx.msk [tilespmem:v9+s2+$0x0], $0xffff  }
0x531: {  	v9 =	vor.u32 $0x180, v3;
	[tilespmem:s20+$0xB0A0] =	vst v17;
	v17 =	vld.idx.msk [tilespmem:v18+s2+$0x0], $0xffff  }
0x532: {  	v19 =	vor.u32 $0x180, v1;
	[tilespmem:s19+$0xB170] =	vst v16;
	v16 =	vld.idx.msk [tilespmem:v22+s2+$0x0], $0xffff  }
0x533: {  	v18 =	vor.u32 $0x180, v4;
	[tilespmem:s22+$0xB130] =	vst v11;
	v10 =	vld.idx.msk [tilespmem:v10+s2+$0x0], $0xffff  }
0x534: {  	v21 =	vor.u32 $0x180, v7;
	[tilespmem:s23+$0xB130] =	vst v12;
	v20 =	vld.idx.msk [tilespmem:v20+s2+$0x0], $0xffff  }
0x535: {  	[tilespmem:s23+$0xB170] =	vst v14;
	v14 =	vor.u32 $0x180, v0;
	v22 =	vld [tilespmem:s24+$0x20C0]  }
0x536: {  	[tilespmem:s19+$0xB130] =	vst v13;
	v12 =	vor.u32 $0x180, v6;
	v9 =	vld.idx.msk [tilespmem:v9+s2+$0x0], $0xffff  }
0x537: {  	v11 =	vor.u32 $0x200, v2;
	[tilespmem:s22+$0xB170] =	vst v15;
	v19 =	vld.idx.msk [tilespmem:v19+s2+$0x0], $0xffff  }
0x538: {  	v13 =	vor.u32 $0x200, v5;
	v18 =	vld.idx.msk [tilespmem:v18+s2+$0x0], $0xffff;
	[tilespmem:s21+$0xB130] =	vst v17  }
0x539: {  	v15 =	vor.u32 $0x200, v3;
	[tilespmem:s20+$0xB120] =	vst v16;
	v16 =	vld.idx.msk [tilespmem:v21+s2+$0x0], $0xffff  }
0x53a: {  	v17 =	vor.u32 $0x200, v1;
	[tilespmem:s19+$0xB1F0] =	vst v10;
	v10 =	vld.idx.msk [tilespmem:v14+s2+$0x0], $0xffff  }
0x53b: {  	v21 =	vor.u32 $0x200, v4;
	[tilespmem:s22+$0xB1B0] =	vst v20;
	v12 =	vld.idx.msk [tilespmem:v12+s2+$0x0], $0xffff  }
0x53c: {  	v14 =	vor.u32 $0x200, v7;
	[tilespmem:s23+$0xB1B0] =	vst v9;
	v11 =	vld.idx.msk [tilespmem:v11+s2+$0x0], $0xffff  }
0x53d: {  	[tilespmem:s23+$0xB1F0] =	vst v19;
	v19 =	vor.u32 $0x200, v0;
	v13 =	vld.idx.msk [tilespmem:v13+s2+$0x0], $0xffff  }
0x53e: {  	v15 =	vld.idx.msk [tilespmem:v15+s2+$0x0], $0xffff;
	[tilespmem:s22+$0xB1F0] =	vst v18  }
0x53f: {  	v9 =	vor.u32 $0x200, v6;
	v17 =	vld.idx.msk [tilespmem:v17+s2+$0x0], $0xffff;
	[tilespmem:s21+$0xB1B0] =	vst v16  }
0x540: {  	v20 =	vor.u32 $0x280, v2;
	[tilespmem:s20+$0xB1A0] =	vst v12;
	v12 =	vld.idx.msk [tilespmem:v21+s2+$0x0], $0xffff  }
0x541: {  	[tilespmem:s19+$0xB1B0] =	vst v10;
	v10 =	vld.idx.msk [tilespmem:v14+s2+$0x0], $0xffff  }
0x542: {  	v16 =	vor.u32 $0x280, v5;
	[tilespmem:s19+$0xB270] =	vst v11;
	v11 =	vld.idx.msk [tilespmem:v19+s2+$0x0], $0xffff  }
0x543: {  	v14 =	vld [tilespmem:s24+$0x21C0]  }
0x544: {  	v21 =	vor.u32 $0x280, v1;
	[tilespmem:s22+$0xB230] =	vst v13;
	v9 =	vld.idx.msk [tilespmem:v9+s2+$0x0], $0xffff  }
0x545: {  	v18 =	vor.u32 $0x280, v3;
	[tilespmem:s23+$0xB230] =	vst v15;
	v19 =	vld.idx.msk [tilespmem:v20+s2+$0x0], $0xffff  }
0x546: {  	v15 =	vor.u32 $0x280, v6;
	[tilespmem:s23+$0xB270] =	vst v17;
	v17 =	vld [tilespmem:s24+$0x2080]  }
0x547: {  	v25 =	vor.u32 $0x280, v0;
	v20 =	vld.idx.msk [tilespmem:v16+s2+$0x0], $0xffff  }
0x548: {  	v23 =	vor.u32 $0x280, v7;
	v16 =	vld [tilespmem:s24+$0x2040]  }
0x549: {  	v13 =	vld.idx.msk [tilespmem:v21+s2+$0x0], $0xffff;
	v21 =	vor.u32 $0x280, v4;
	v27 =	vshll.u32 v14, $0x3;
	[tilespmem:s22+$0xB270] =	vst v12  }
0x54a: {  	v28 =	vor.u32 $0x300, v2;
	v18 =	vld.idx.msk [tilespmem:v18+s2+$0x0], $0xffff;
	[tilespmem:s20+$0xB220] =	vst v9;
	v9 =	vand.u32 $0x7F, v14;
	v14 =	vand.u32 $0xFFFFFC00, v27  }
0x54b: {  	[tilespmem:s19+$0xB230] =	vst v11;
	v12 =	vld.idx.msk [tilespmem:v15+s2+$0x0], $0xffff;
	v14 =	vor.u32 v9, v14  }
0x54c: {  	v30 =	vor.u32 $0x300, v1;
	v31 =	vshll.u32 v22, $0x3;
	[tilespmem:s21+$0xB230] =	vst v10;
	v27 =	vor.u32 $0x300, v6;
	v11 =	vld.idx.msk [tilespmem:v25+s2+$0x0], $0xffff  }
0x54d: {  	v31 =	vand.u32 $0xFFFFFC00, v31;
	v9 =	vld.idx.msk [tilespmem:v23+s2+$0x0], $0xffff;
	v23 =	vor.u32 $0x300, v5;
	v10 =	vshll.u32 v16, $0x3  }
0x54e: {  	[tilespmem:s19+$0xB2F0] =	vst v19;
	v15 =	vld.idx.msk [tilespmem:v21+s2+$0x0], $0xffff;
	v21 =	vor.u32 $0x300, v3;
	v19 =	vand.u32 $0xFFFFFC00, v10;
	v10 =	vshll.u32 v17, $0x3  }
0x54f: {  	[tilespmem:s23+$0xB2B0] =	vst v18;
	v16 =	vand.u32 $0x7F, v16;
	v25 =	vand.u32 $0xFFFFFC00, v10;
	v10 =	vld.idx.msk [tilespmem:v28+s2+$0x0], $0xffff;
	v28 =	vand.u32 $0x7F, v17  }
0x550: {  	v17 =	vor.u32 v16, v19;
	v19 =	vand.u32 $0x7F, v22;
	v45 =	vld.idx.msk [tilespmem:v14+s2+$0x0], $0xffff;
	[tilespmem:s20+$0xB2A0] =	vst v12;
	v12 =	vshll.u32 v24, $0x3  }
0x551: {  	[tilespmem:s23+$0xB2F0] =	vst v13;
	v18 =	vor.u32 v28, v25;
	v27 =	vld.idx.msk [tilespmem:v27+s2+$0x0], $0xffff;
	v13 =	vand.u32 $0xFFFFFC00, v12;
	v12 =	vshll.u32 v26, $0x3  }
0x552: {  	[tilespmem:s22+$0xB2B0] =	vst v20;
	v20 =	vor.u32 v19, v31;
	v22 =	vand.u32 $0xFFFFFC00, v12;
	v12 =	vld.idx.msk [tilespmem:v30+s2+$0x0], $0xffff  }
0x553: {  	v46 =	vor.u32 $0x80, v14;
	v16 =	vld.idx.msk [tilespmem:v21+s2+$0x0], $0xffff;
	v21 =	vand.u32 $0x7F, v24  }
0x554: {  	v19 =	vshll.u32 v29, $0x3;
	v24 =	vand.u32 $0x7F, v26;
	v21 =	vor.u32 v21, v13;
	v13 =	vld.idx.msk [tilespmem:v23+s2+$0x0], $0xffff  }
0x555: {  	s6 =	sor.u32 $0xC00, s1;
	v19 =	vand.u32 $0xFFFFFC00, v19;
	v23 =	vand.u32 $0x7F, v29;
	v22 =	vor.u32 v24, v22;
	v24 =	vld.idx.msk [tilespmem:v17+s2+$0x0], $0xffff  }
0x556: {  	s9 =	sand.u32 $0x7C00, s6;
	v19 =	vor.u32 v23, v19;
	v26 =	vld.idx.msk [tilespmem:v18+s2+$0x0], $0xffff  }
0x557: {  	v25 =	vor.u32 $0x80, v17;
	[tilespmem:s9+$0xB040] =	vst v45;
	v28 =	vld.idx.msk [tilespmem:v20+s2+$0x0], $0xffff  }
0x558: {  	v30 =	vor.u32 $0x80, v18;
	v23 =	vld.idx.msk [tilespmem:v46+s2+$0x0], $0xffff  }
0x559: {  	[tilespmem:s21+$0xB3F0] =	vst v8;
	v29 =	vor.u32 $0x100, v14;
	v31 =	vld.idx.msk [tilespmem:v21+s2+$0x0], $0xffff  }
0x55a: {  	s11 =	sor.u32 $0x400, s1;
	v47 =	vor.u32 $0x80, v20;
	[tilespmem:s20+$0xB320] =	vst v27;
	v27 =	vld.idx.msk [tilespmem:v22+s2+$0x0], $0xffff  }
0x55b: {  	s4 =	sand.u32 $0x3FFFFFF8, s11;
	v48 =	vor.u32 $0x80, v21;
	[tilespmem:s20+$0xB040] =	vst v24;
	v24 =	vld.idx.msk [tilespmem:v19+s2+$0x0], $0xffff  }
0x55c: {  	v49 =	vor.u32 $0x80, v22;
	v25 =	vld.idx.msk [tilespmem:v25+s2+$0x0], $0xffff;
	[tilespmem:s4+$0xB000] =	vst v26  }
0x55d: {  	s12 =	sor.u32 $0x800, s1;
	s13 =	sand.u32 $0x7400, s11;
	[tilespmem:s9+$0xB0C0] =	vst v23;
	v23 =	vor.u32 $0x80, v19;
	v30 =	vld.idx.msk [tilespmem:v30+s2+$0x0], $0xffff  }
0x55e: {  	s3 =	sand.u32 $0x3FFFFFF8, s12;
	[tilespmem:s13+$0xB040] =	vst v28;
	v26 =	vld.idx.msk [tilespmem:v29+s2+$0x0], $0xffff;
	v29 =	vor.u32 $0x100, v17  }
0x55f: {  	s8 =	sand.u32 $0x7800, s12;
	v50 =	vor.u32 $0x100, v18;
	v28 =	vld.idx.msk [tilespmem:v47+s2+$0x0], $0xffff;
	[tilespmem:s3+$0xB000] =	vst v31  }
0x560: {  	s0 =	sand.u32 $0x3FFFFFF8, s6;
	v31 =	vor.u32 $0x180, v14;
	[tilespmem:s8+$0xB040] =	vst v27;
	v33 =	vld.idx.msk [tilespmem:v48+s2+$0x0], $0xffff  }
0x561: {  	v27 =	vor.u32 $0x100, v20;
	v34 =	vld.idx.msk [tilespmem:v49+s2+$0x0], $0xffff;
	[tilespmem:s0+$0xB000] =	vst v24  }
0x562: {  	v24 =	vor.u32 $0x100, v21;
	[tilespmem:s20+$0xB0C0] =	vst v25;
	v23 =	vld.idx.msk [tilespmem:v23+s2+$0x0], $0xffff  }
0x563: {  	v25 =	vor.u32 $0x100, v22;
	[tilespmem:s4+$0xB080] =	vst v30;
	v29 =	vld.idx.msk [tilespmem:v29+s2+$0x0], $0xffff  }
0x564: {  	[tilespmem:s9+$0xB140] =	vst v26;
	v26 =	vor.u32 $0x100, v19;
	v32 =	vld.idx.msk [tilespmem:v50+s2+$0x0], $0xffff  }
0x565: {  	v51 =	vor.u32 $0x180, v18;
	[tilespmem:s13+$0xB0C0] =	vst v28;
	v30 =	vld.idx.msk [tilespmem:v31+s2+$0x0], $0xffff  }
0x566: {  	v31 =	vor.u32 $0x180, v17;
	v27 =	vld.idx.msk [tilespmem:v27+s2+$0x0], $0xffff;
	[tilespmem:s3+$0xB080] =	vst v33  }
0x567: {  	v28 =	vor.u32 $0x200, v14;
	[tilespmem:s8+$0xB0C0] =	vst v34;
	v24 =	vld.idx.msk [tilespmem:v24+s2+$0x0], $0xffff  }
0x568: {  	v52 =	vor.u32 $0x180, v20;
	v25 =	vld.idx.msk [tilespmem:v25+s2+$0x0], $0xffff;
	[tilespmem:s0+$0xB080] =	vst v23  }
0x569: {  	v23 =	vor.u32 $0x180, v21;
	v26 =	vld.idx.msk [tilespmem:v26+s2+$0x0], $0xffff;
	[tilespmem:s4+$0xB100] =	vst v32  }
0x56a: {  	[tilespmem:s20+$0xB140] =	vst v29;
	v29 =	vor.u32 $0x180, v22;
	v33 =	vld.idx.msk [tilespmem:v51+s2+$0x0], $0xffff  }
0x56b: {  	v31 =	vld.idx.msk [tilespmem:v31+s2+$0x0], $0xffff;
	[tilespmem:s9+$0xB1C0] =	vst v30;
	v30 =	vor.u32 $0x180, v19  }
0x56c: {  	v54 =	vor.u32 $0x200, v18;
	[tilespmem:s13+$0xB140] =	vst v27;
	v28 =	vld.idx.msk [tilespmem:v28+s2+$0x0], $0xffff  }
0x56d: {  	v53 =	vor.u32 $0x200, v17;
	v27 =	vld.idx.msk [tilespmem:v52+s2+$0x0], $0xffff;
	[tilespmem:s3+$0xB100] =	vst v24  }
0x56e: {  	v24 =	vor.u32 $0x280, v14;
	[tilespmem:s8+$0xB140] =	vst v25;
	v23 =	vld.idx.msk [tilespmem:v23+s2+$0x0], $0xffff  }
0x56f: {  	v25 =	vor.u32 $0x200, v20;
	v29 =	vld.idx.msk [tilespmem:v29+s2+$0x0], $0xffff;
	[tilespmem:s0+$0xB100] =	vst v26  }
0x570: {  	v26 =	vor.u32 $0x200, v21;
	[tilespmem:s4+$0xB180] =	vst v33;
	v30 =	vld.idx.msk [tilespmem:v30+s2+$0x0], $0xffff  }
0x571: {  	[tilespmem:s20+$0xB1C0] =	vst v31;
	v31 =	vor.u32 $0x200, v22;
	v34 =	vld.idx.msk [tilespmem:v54+s2+$0x0], $0xffff  }
0x572: {  	v32 =	vld.idx.msk [tilespmem:v53+s2+$0x0], $0xffff;
	[tilespmem:s1+$0xBE40] =	vst v28;
	v28 =	vor.u32 $0x200, v19  }
0x573: {  	[tilespmem:s13+$0xB1C0] =	vst v27;
	v27 =	vor.u32 $0x280, v18;
	v24 =	vld.idx.msk [tilespmem:v24+s2+$0x0], $0xffff  }
0x574: {  	v55 =	vor.u32 $0x280, v17;
	v25 =	vld.idx.msk [tilespmem:v25+s2+$0x0], $0xffff;
	[tilespmem:s3+$0xB180] =	vst v23  }
0x575: {  	v23 =	vor.u32 $0x300, v14;
	[tilespmem:s8+$0xB1C0] =	vst v29;
	v26 =	vld.idx.msk [tilespmem:v26+s2+$0x0], $0xffff  }
0x576: {  	v29 =	vor.u32 $0x280, v20;
	v31 =	vld.idx.msk [tilespmem:v31+s2+$0x0], $0xffff;
	[tilespmem:s0+$0xB180] =	vst v30  }
0x577: {  	v30 =	vor.u32 $0x280, v21;
	[tilespmem:s4+$0xB200] =	vst v34;
	v28 =	vld.idx.msk [tilespmem:v28+s2+$0x0], $0xffff  }
0x578: {  	s14 =	sor.u32 $0xEC0, s1;
	v56 =	vor.u32 $0x280, v22;
	[tilespmem:s20+$0xB240] =	vst v32;
	v27 =	vld.idx.msk [tilespmem:v27+s2+$0x0], $0xffff  }
0x579: {  	v33 =	vld.idx.msk [tilespmem:v55+s2+$0x0], $0xffff;
	[tilespmem:s14+$0xB000] =	vst v24;
	v24 =	vor.u32 $0x280, v19  }
0x57a: {  	v57 =	vor.u32 $0x300, v17;
	[tilespmem:s1+$0xB640] =	vst v25;
	v23 =	vld.idx.msk [tilespmem:v23+s2+$0x0], $0xffff  }
0x57b: {  	v14 =	vor.u32 $0x380, v14;
	v25 =	vld.idx.msk [tilespmem:v29+s2+$0x0], $0xffff;
	[tilespmem:s3+$0xB200] =	vst v26  }
0x57c: {  	v26 =	vor.u32 $0x300, v18;
	v29 =	vld.idx.msk [tilespmem:v30+s2+$0x0], $0xffff;
	[tilespmem:s1+$0xBA40] =	vst v31  }
0x57d: {  	v30 =	vor.u32 $0x300, v20;
	v31 =	vld.idx.msk [tilespmem:v56+s2+$0x0], $0xffff;
	[tilespmem:s0+$0xB200] =	vst v28  }
0x57e: {  	s15 =	sor.u32 $0xF40, s1;
	v28 =	vor.u32 $0x300, v21;
	[tilespmem:s20+$0xB2C0] =	vst v33;
	v24 =	vld.idx.msk [tilespmem:v24+s2+$0x0], $0xffff  }
0x57f: {  	v58 =	vor.u32 $0x300, v22;
	v33 =	vld.idx.msk [tilespmem:v57+s2+$0x0], $0xffff;
	[tilespmem:s15+$0xB000] =	vst v23  }
0x580: {  	s25 =	sor.u32 $0x6C0, s1;
	[tilespmem:s4+$0xB280] =	vst v27;
	v23 =	vor.u32 $0x300, v19;
	v14 =	vld.idx.msk [tilespmem:v14+s2+$0x0], $0xffff  }
0x581: {  	v17 =	vor.u32 $0x380, v17;
	[tilespmem:s25+$0xB000] =	vst v25;
	v26 =	vld.idx.msk [tilespmem:v26+s2+$0x0], $0xffff  }
0x582: {  	s26 =	sor.u32 $0xAC0, s1;
	v25 =	vld.idx.msk [tilespmem:v30+s2+$0x0], $0xffff;
	[tilespmem:s3+$0xB280] =	vst v29  }
0x583: {  	s6 =	simm.s32 $0x4;
	v18 =	vor.u32 $0x380, v18;
	v27 =	vld.idx.msk [tilespmem:v28+s2+$0x0], $0xffff;
	[tilespmem:s26+$0xB000] =	vst v31  }
0x584: {  	v20 =	vor.u32 $0x380, v20;
	s25 =	sor.u32 $0x3, s6;
	v28 =	vld.idx.msk [tilespmem:v58+s2+$0x0], $0xffff;
	[tilespmem:s0+$0xB280] =	vst v24  }
0x585: {  	s12 =	sor.u32 $0xFC0, s1;
	v21 =	vor.u32 $0x380, v21;
	s11 =	sshll.u32 s25, $0x7;
	[tilespmem:s20+$0xB340] =	vst v33;
	v23 =	vld.idx.msk [tilespmem:v23+s2+$0x0], $0xffff  }
0x586: {  	v22 =	vor.u32 $0x380, v22;
	s29 =	sand.u32 $0x3FFFFF80, s11;
	v17 =	vld.idx.msk [tilespmem:v17+s2+$0x0], $0xffff;
	[tilespmem:s12+$0xB000] =	vst v14  }
0x587: {  	s13 =	sor.u32 $0x740, s1;
	v14 =	vor.u32 $0x380, v19;
	[tilespmem:s4+$0xB300] =	vst v26;
	v19 =	vld [tilespmem:s29+$0x2050]  }
0x588: {  	v18 =	vld.idx.msk [tilespmem:v18+s2+$0x0], $0xffff;
	[tilespmem:s13+$0xB000] =	vst v25  }
0x589: {  	v6 =	vor.u32 $0x380, v6;
	s14 =	sor.u32 $0xB40, s1;
	v20 =	vld.idx.msk [tilespmem:v20+s2+$0x0], $0xffff;
	[tilespmem:s3+$0xB300] =	vst v27  }
0x58a: {  	v21 =	vld.idx.msk [tilespmem:v21+s2+$0x0], $0xffff;
	[tilespmem:s14+$0xB000] =	vst v28  }
0x58b: {  	v22 =	vld.idx.msk [tilespmem:v22+s2+$0x0], $0xffff;
	[tilespmem:s0+$0xB300] =	vst v23  }
0x58c: {  	s15 =	sor.u32 $0x1, s6;
	[tilespmem:s20+$0xB3C0] =	vst v17;
	v17 =	vld.idx.msk [tilespmem:v14+s2+$0x0], $0xffff  }
0x58d: {  	s26 =	sor.u32 $0x7C0, s1;
	v14 =	vshll.u32 v19, $0x3;
	[tilespmem:s4+$0xB380] =	vst v18;
	s4 =	sshll.u32 s15, $0x7;
	v18 =	vld [tilespmem:s24+$0x2050]  }
0x58e: {  	s12 =	sor.u32 $0x2, s6;
	v23 =	vor.u32 $0x300, v4;
	v19 =	vand.u32 $0x7F, v19;
	v14 =	vand.u32 $0xFFFFFC00, v14;
	[tilespmem:s26+$0xB000] =	vst v20;
	s30 =	sand.u32 $0x3FFFFF80, s4;
	v20 =	vld.idx.msk [tilespmem:v6+s2+$0x0], $0xffff  }
0x58f: {  	[tilespmem:s19+$0xB2B0] =	vst v11;
	s13 =	sshll.u32 s12, $0x7;
	v14 =	vor.u32 v19, v14;
	v19 =	vld [tilespmem:s30+$0x2010]  }
0x590: {  	s1 =	sor.u32 $0xBC0, s1;
	s31 =	sand.u32 $0x3FFFFF80, s13;
	[tilespmem:s3+$0xB380] =	vst v21;
	v21 =	vld [tilespmem:s30+$0x2050]  }
0x591: {  	v24 =	vor.u32 $0x300, v7;
	v26 =	vor.u32 $0x380, v3;
	v3 =	vor.u32 $0x380, v5;
	[tilespmem:s1+$0xB000] =	vst v22;
	v8 =	vld [tilespmem:s31+$0x2010]  }
0x592: {  	[tilespmem:s22+$0xB2F0] =	vst v15;
	v25 =	vor.u32 $0x380, v2;
	v22 =	vor.u32 $0x300, v0;
	v15 =	vld [tilespmem:s31+$0x2050];
	v2 =	vshll.u32 v18, $0x3  }
0x593: {  	v6 =	vor.u32 $0x380, v1;
	v18 =	vand.u32 $0x7F, v18;
	v2 =	vand.u32 $0xFFFFFC00, v2;
	[tilespmem:s20+$0xB3A0] =	vst v20;
	v20 =	vld.idx.msk [tilespmem:v23+s2+$0x0], $0xffff  }
0x594: {  	v1 =	vor.u32 $0x380, v7;
	v7 =	vor.u32 $0x80, v14;
	[tilespmem:s0+$0xB380] =	vst v17;
	v17 =	vld.idx.msk [tilespmem:v14+s2+$0x0], $0xffff;
	v5 =	vor.u32 v18, v2  }
0x595: {  	[tilespmem:s21+$0xB2B0] =	vst v9;
	v18 =	vld [tilespmem:s29+$0x2010];
	v2 =	vor.u32 $0x380, v4;
	v9 =	vand.u32 $0x7F, v19;
	v11 =	vshll.u32 v19, $0x3  }
0x596: {  	[tilespmem:s19+$0xB370] =	vst v10;
	v4 =	vld [tilespmem:s24+$0x2030];
	v19 =	vshll.u32 v21, $0x3;
	v10 =	vand.u32 $0xFFFFFC00, v11;
	v11 =	vand.u32 $0x7F, v21  }
0x597: {  	v19 =	vand.u32 $0xFFFFFC00, v19;
	v9 =	vor.u32 v9, v10;
	v10 =	vld.idx.msk [tilespmem:v22+s2+$0x0], $0xffff;
	v22 =	vshll.u32 v15, $0x3  }
0x598: {  	[tilespmem:s23+$0xB370] =	vst v12;
	v21 =	vld.idx.msk [tilespmem:v24+s2+$0x0], $0xffff;
	v59 =	vor.u32 v11, v19;
	v11 =	vand.u32 $0x7F, v15;
	v12 =	vand.u32 $0xFFFFFC00, v22  }
0x599: {  	[tilespmem:s23+$0xB330] =	vst v16;
	s14 =	sshll.u32 s25, $0xA;
	v16 =	vshll.u32 v8, $0x3;
	v12 =	vor.u32 v11, v12;
	v11 =	vld.idx.msk [tilespmem:v25+s2+$0x0], $0xffff  }
0x59a: {  	[tilespmem:s22+$0xB330] =	vst v13;
	s25 =	sand.u32 $0x3FFFFC00, s14;
	v0 =	vor.u32 $0x380, v0;
	v8 =	vand.u32 $0x7F, v8;
	v16 =	vand.u32 $0xFFFFFC00, v16;
	v23 =	vld.idx.msk [tilespmem:v5+s2+$0x0], $0xffff  }
0x59b: {  	v8 =	vor.u32 v8, v16;
	[tilespmem:s25+$0xB050] =	vst v17;
	v13 =	vand.u32 $0x7F, v18;
	v15 =	vshll.u32 v18, $0x3;
	v18 =	vld.idx.msk [tilespmem:v26+s2+$0x0], $0xffff  }
0x59c: {  	v51 =	vor.u32 $0x200, v14;
	v60 =	vor.u32 $0x100, v5;
	v16 =	vor.u32 $0x80, v5;
	[tilespmem:s22+$0xB370] =	vst v20;
	v7 =	vld.idx.msk [tilespmem:v7+s2+$0x0], $0xffff  }
0x59d: {  	v42 =	vor.u32 $0x180, v5;
	v17 =	vor.u32 $0x100, v14;
	v15 =	vand.u32 $0xFFFFFC00, v15;
	[tilespmem:s21+$0xB330] =	vst v21;
	v20 =	vld.idx.msk [tilespmem:v9+s2+$0x0], $0xffff  }
0x59e: {  	v35 =	vor.u32 $0x200, v5;
	v31 =	vor.u32 $0x280, v5;
	v15 =	vor.u32 v13, v15;
	v24 =	vld.idx.msk [tilespmem:v59+s2+$0x0], $0xffff;
	[tilespmem:s19+$0xB330] =	vst v10  }
0x59f: {  	v19 =	vor.u32 $0x80, v9;
	v61 =	vor.u32 $0x100, v9;
	v62 =	vor.u32 $0x100, v59;
	v25 =	vld.idx.msk [tilespmem:v12+s2+$0x0], $0xffff;
	[tilespmem:s19+$0xB3F0] =	vst v11  }
0x5a0: {  	v43 =	vor.u32 $0x180, v9;
	v40 =	vor.u32 $0x180, v59;
	v13 =	vor.u32 $0x80, v59;
	[tilespmem:s20+$0xB050] =	vst v23;
	v23 =	vld.idx.msk [tilespmem:v8+s2+$0x0], $0xffff  }
0x5a1: {  	s15 =	sshll.u32 s15, $0xA;
	v37 =	vor.u32 $0x200, v9;
	v36 =	vor.u32 $0x200, v59;
	v22 =	vor.u32 $0x80, v12;
	[tilespmem:s25+$0xB0D0] =	vst v7;
	v16 =	vld.idx.msk [tilespmem:v16+s2+$0x0], $0xffff  }
0x5a2: {  	s0 =	sand.u32 $0x3FFFFC00, s15;
	v30 =	vor.u32 $0x280, v9;
	v28 =	vor.u32 $0x280, v59;
	v21 =	vor.u32 $0x80, v8;
	[tilespmem:s23+$0xB3B0] =	vst v18;
	v7 =	vld.idx.msk [tilespmem:v17+s2+$0x0], $0xffff  }
0x5a3: {  	s26 =	sshll.u32 s12, $0xA;
	v52 =	vor.u32 $0x100, v8;
	v41 =	vor.u32 $0x180, v8;
	v34 =	vor.u32 $0x200, v8;
	v11 =	vld.idx.msk [tilespmem:v15+s2+$0x0], $0xffff;
	[tilespmem:s0+$0xB010] =	vst v20  }
0x5a4: {  	s26 =	sand.u32 $0x3FFFFC00, s26;
	v29 =	vor.u32 $0x280, v8;
	v44 =	vor.u32 $0x100, v12;
	v17 =	vor.u32 $0x180, v14;
	[tilespmem:s0+$0xB050] =	vst v24;
	v63 =	vld.idx.msk [tilespmem:v19+s2+$0x0], $0xffff  }
0x5a5: {  	v39 =	vor.u32 $0x180, v12;
	v33 =	vor.u32 $0x200, v12;
	v10 =	vor.u32 $0x80, v15;
	v53 =	vld.idx.msk [tilespmem:v13+s2+$0x0], $0xffff;
	[tilespmem:s26+$0xB050] =	vst v25  }
0x5a6: {  	v27 =	vor.u32 $0x280, v12;
	v45 =	vor.u32 $0x100, v15;
	v38 =	vor.u32 $0x180, v15;
	[tilespmem:s26+$0xB010] =	vst v23;
	v55 =	vld.idx.msk [tilespmem:v22+s2+$0x0], $0xffff  }
0x5a7: {  	v32 =	vor.u32 $0x200, v15;
	v26 =	vor.u32 $0x280, v15;
	v18 =	vor.u32 $0x380, v9;
	v54 =	vld.idx.msk [tilespmem:v21+s2+$0x0], $0xffff;
	[tilespmem:s20+$0xB0D0] =	vst v16  }
0x5a8: {  	v24 =	vor.u32 $0x300, v9;
	v20 =	vor.u32 $0x300, v15;
	v15 =	vor.u32 $0x380, v15;
	[tilespmem:s25+$0xB150] =	vst v7;
	v47 =	vld.idx.msk [tilespmem:v60+s2+$0x0], $0xffff  }
0x5a9: {  	v19 =	vor.u32 $0x380, v5;
	v13 =	vor.u32 $0x380, v12;
	v25 =	vor.u32 $0x300, v5;
	[tilespmem:s25+$0xB010] =	vst v11;
	v11 =	vld.idx.msk [tilespmem:v17+s2+$0x0], $0xffff  }
0x5aa: {  	v5 =	vshll.u32 v4, $0x3;
	v4 =	vand.u32 $0x7F, v4;
	v23 =	vor.u32 $0x300, v59;
	v46 =	vld.idx.msk [tilespmem:v10+s2+$0x0], $0xffff;
	[tilespmem:s0+$0xB090] =	vst v63  }
0x5ab: {  	v22 =	vor.u32 $0x300, v8;
	v5 =	vand.u32 $0xFFFFFC00, v5;
	v21 =	vor.u32 $0x300, v12;
	[tilespmem:s0+$0xB0D0] =	vst v53;
	v48 =	vld.idx.msk [tilespmem:v61+s2+$0x0], $0xffff  }
0x5ac: {  	v16 =	vor.u32 $0x380, v59;
	v17 =	vor.u32 $0x380, v8;
	v10 =	vor.u32 v4, v5;
	v49 =	vld.idx.msk [tilespmem:v62+s2+$0x0], $0xffff;
	[tilespmem:s26+$0xB090] =	vst v54  }
0x5ad: {  	s28 =	simm.s32 $0x400;
	v12 =	vor.u32 $0x80, v10;
	v7 =	vor.u32 $0x100, v10;
	v4 =	vor.u32 $0x180, v10;
	[tilespmem:s26+$0xB0D0] =	vst v55;
	v50 =	vld.idx.msk [tilespmem:v52+s2+$0x0], $0xffff  }
.LBB2_6:
0x5ae: {  	v52 =	vld [tilespmem:s28+$0x2000];
	p0 =	slt.u32 s28, $0xE00;
	v9 =	vor.u32 $0x200, v10;
	v8 =	vor.u32 $0x280, v10;
	v5 =	vor.u32 $0x300, v10;
	[tilespmem:s25+$0xB1D0] =	vst v11  }
0x5af: {  	v11 =	vor.u32 $0x380, v10;
	[tilespmem:s25+$0xB090] =	vst v46;
	v46 =	vld.idx.msk [tilespmem:v51+s2+$0x0], $0xffff  }
0x5b0: {  	[tilespmem:s20+$0xB150] =	vst v47;
	v44 =	vld.idx.msk [tilespmem:v44+s2+$0x0], $0xffff  }
0x5b1: {  	v47 =	vor.u32 $0x280, v14;
	[tilespmem:s0+$0xB110] =	vst v48;
	v45 =	vld.idx.msk [tilespmem:v45+s2+$0x0], $0xffff  }
0x5b2: {  	v42 =	vld.idx.msk [tilespmem:v42+s2+$0x0], $0xffff;
	[tilespmem:s0+$0xB150] =	vst v49  }
0x5b3: {  	v48 =	vshll.u32 v52, $0x3;
	v43 =	vld.idx.msk [tilespmem:v43+s2+$0x0], $0xffff;
	[tilespmem:s26+$0xB110] =	vst v50  }
0x5b4: {  	v49 =	vand.u32 $0x7F, v52;
	v48 =	vand.u32 $0xFFFFFC00, v48;
	v50 =	vld.idx.msk [tilespmem:v40+s2+$0x0], $0xffff  }
0x5b5: {  	v40 =	vor.u32 v49, v48;
	v41 =	vld.idx.msk [tilespmem:v41+s2+$0x0], $0xffff;
	[tilespmem:s25+$0xB250] =	vst v46  }
0x5b6: {  	[tilespmem:s26+$0xB150] =	vst v44;
	v44 =	vld.idx.msk [tilespmem:v47+s2+$0x0], $0xffff  }
0x5b7: {  	v39 =	vld.idx.msk [tilespmem:v39+s2+$0x0], $0xffff;
	[tilespmem:s25+$0xB110] =	vst v45  }
0x5b8: {  	[tilespmem:s20+$0xB1D0] =	vst v42;
	v38 =	vld.idx.msk [tilespmem:v38+s2+$0x0], $0xffff;
	v42 =	vor.u32 $0x300, v14  }
0x5b9: {  	v35 =	vld.idx.msk [tilespmem:v35+s2+$0x0], $0xffff;
	[tilespmem:s0+$0xB190] =	vst v43  }
0x5ba: {  	v43 =	vld.idx.msk [tilespmem:v40+s2+$0x0], $0xffff;
	[tilespmem:s0+$0xB1D0] =	vst v50  }
0x5bb: {  	v37 =	vld.idx.msk [tilespmem:v37+s2+$0x0], $0xffff;
	[tilespmem:s26+$0xB190] =	vst v41  }
0x5bc: {  	v41 =	vor.u32 $0x80, v40;
	v36 =	vld.idx.msk [tilespmem:v36+s2+$0x0], $0xffff;
	[tilespmem:s25+$0xB2D0] =	vst v44  }
0x5bd: {  	[tilespmem:s26+$0xB1D0] =	vst v39;
	v39 =	vld.idx.msk [tilespmem:v42+s2+$0x0], $0xffff  }
0x5be: {  	s15 =	sshll.u32 s28, $0x3;
	v34 =	vld.idx.msk [tilespmem:v34+s2+$0x0], $0xffff;
	[tilespmem:s25+$0xB190] =	vst v38  }
0x5bf: {  	s3 =	sand.u32 $0x3FFFFFF8, s15;
	s1 =	sor.u32 $0x400, s15;
	s9 =	sor.u32 $0x800, s15;
	v14 =	vor.u32 $0x380, v14;
	[tilespmem:s20+$0xB250] =	vst v35;
	v33 =	vld.idx.msk [tilespmem:v33+s2+$0x0], $0xffff  }
0x5c0: {  	s8 =	sand.u32 $0x3FFFFFF8, s1;
	s6 =	sand.u32 $0x7400, s1;
	s4 =	sand.u32 $0x3FFFFFF8, s9;
	[tilespmem:s3+$0xB000] =	vst v43;
	v32 =	vld.idx.msk [tilespmem:v32+s2+$0x0], $0xffff  }
0x5c1: {  	s5 =	sor.u32 $0x6C0, s15;
	s9 =	sand.u32 $0x7800, s9;
	s1 =	sor.u32 $0xAC0, s15;
	v35 =	vld.idx.msk [tilespmem:v41+s2+$0x0], $0xffff;
	[tilespmem:s0+$0xB210] =	vst v37  }
0x5c2: {  	s12 =	sor.u32 $0x740, s15;
	s13 =	sor.u32 $0x7C0, s15;
	s11 =	sor.u32 $0xB40, s15;
	v31 =	vld.idx.msk [tilespmem:v31+s2+$0x0], $0xffff;
	[tilespmem:s0+$0xB250] =	vst v36  }
0x5c3: {  	s14 =	sor.u32 $0xBC0, s15;
	v36 =	vor.u32 $0x100, v40;
	v30 =	vld.idx.msk [tilespmem:v30+s2+$0x0], $0xffff;
	[tilespmem:s25+$0xB350] =	vst v39  }
0x5c4: {  	[tilespmem:s26+$0xB210] =	vst v34  }
0x5c5: {  	v14 =	vld.idx.msk [tilespmem:v14+s2+$0x0], $0xffff  }
0x5c6: {  	v28 =	vld.idx.msk [tilespmem:v28+s2+$0x0], $0xffff;
	[tilespmem:s26+$0xB250] =	vst v33  }
0x5c7: {  	v29 =	vld.idx.msk [tilespmem:v29+s2+$0x0], $0xffff;
	[tilespmem:s25+$0xB210] =	vst v32  }
0x5c8: {  	[tilespmem:s3+$0xB080] =	vst v35;
	v27 =	vld.idx.msk [tilespmem:v27+s2+$0x0], $0xffff  }
0x5c9: {  	v32 =	vld.idx.msk [tilespmem:v36+s2+$0x0], $0xffff;
	[tilespmem:s20+$0xB2D0] =	vst v31  }
0x5ca: {  	[tilespmem:s0+$0xB290] =	vst v30;
	v26 =	vld.idx.msk [tilespmem:v26+s2+$0x0], $0xffff  }
0x5cb: {  	v30 =	vor.u32 $0x180, v40;
	v25 =	vld.idx.msk [tilespmem:v25+s2+$0x0], $0xffff;
	[tilespmem:s25+$0xB3D0] =	vst v14  }
0x5cc: {  	[tilespmem:s0+$0xB2D0] =	vst v28;
	v14 =	vld [tilespmem:s29+$0x2060]  }
0x5cd: {  	v24 =	vld.idx.msk [tilespmem:v24+s2+$0x0], $0xffff;
	[tilespmem:s26+$0xB290] =	vst v29  }
0x5ce: {  	v23 =	vld.idx.msk [tilespmem:v23+s2+$0x0], $0xffff;
	[tilespmem:s26+$0xB2D0] =	vst v27  }
0x5cf: {  	[tilespmem:s3+$0xB100] =	vst v32;
	v22 =	vld.idx.msk [tilespmem:v22+s2+$0x0], $0xffff  }
0x5d0: {  	v27 =	vld.idx.msk [tilespmem:v30+s2+$0x0], $0xffff;
	[tilespmem:s25+$0xB290] =	vst v26  }
0x5d1: {  	[tilespmem:s20+$0xB350] =	vst v25;
	v21 =	vld.idx.msk [tilespmem:v21+s2+$0x0], $0xffff;
	v25 =	vshll.u32 v14, $0x3  }
0x5d2: {  	v26 =	vor.u32 $0x200, v40;
	v14 =	vand.u32 $0x7F, v14;
	v20 =	vld.idx.msk [tilespmem:v20+s2+$0x0], $0xffff;
	v25 =	vand.u32 $0xFFFFFC00, v25  }
0x5d3: {  	v19 =	vld.idx.msk [tilespmem:v19+s2+$0x0], $0xffff;
	[tilespmem:s0+$0xB310] =	vst v24;
	v14 =	vor.u32 v14, v25  }
0x5d4: {  	v18 =	vld.idx.msk [tilespmem:v18+s2+$0x0], $0xffff;
	[tilespmem:s0+$0xB350] =	vst v23  }
0x5d5: {  	v16 =	vld.idx.msk [tilespmem:v16+s2+$0x0], $0xffff;
	[tilespmem:s26+$0xB310] =	vst v22  }
0x5d6: {  	[tilespmem:s3+$0xB180] =	vst v27;
	v17 =	vld.idx.msk [tilespmem:v17+s2+$0x0], $0xffff  }
0x5d7: {  	v22 =	vld.idx.msk [tilespmem:v26+s2+$0x0], $0xffff;
	[tilespmem:s26+$0xB350] =	vst v21  }
0x5d8: {  	[tilespmem:s25+$0xB310] =	vst v20;
	v20 =	vld.idx.msk [tilespmem:v14+s2+$0x0], $0xffff  }
0x5d9: {  	v21 =	vor.u32 $0x280, v40;
	[tilespmem:s20+$0xB3D0] =	vst v19;
	v13 =	vld.idx.msk [tilespmem:v13+s2+$0x0], $0xffff  }
0x5da: {  	[tilespmem:s0+$0xB390] =	vst v18;
	v15 =	vld.idx.msk [tilespmem:v15+s2+$0x0], $0xffff;
	v18 =	vor.u32 $0x80, v14  }
0x5db: {  	v19 =	vld [tilespmem:s24+$0x2060];
	[tilespmem:s0+$0xB3D0] =	vst v16  }
0x5dc: {  	v16 =	vld [tilespmem:s30+$0x2020];
	[tilespmem:s26+$0xB390] =	vst v17  }
0x5dd: {  	[tilespmem:s3+$0xB200] =	vst v22;
	v17 =	vld [tilespmem:s30+$0x2060]  }
0x5de: {  	v21 =	vld.idx.msk [tilespmem:v21+s2+$0x0], $0xffff;
	[tilespmem:s25+$0xB060] =	vst v20  }
0x5df: {  	[tilespmem:s26+$0xB3D0] =	vst v13;
	v13 =	vld.idx.msk [tilespmem:v18+s2+$0x0], $0xffff  }
0x5e0: {  	v18 =	vor.u32 $0x300, v40;
	v20 =	vand.u32 $0x7F, v19;
	v19 =	vshll.u32 v19, $0x3;
	v22 =	vld [tilespmem:s31+$0x2020];
	[tilespmem:s25+$0xB390] =	vst v15  }
0x5e1: {  	v24 =	vor.u32 $0x100, v14;
	v15 =	vand.u32 $0xFFFFFC00, v19;
	v19 =	vshll.u32 v16, $0x3;
	v23 =	vld [tilespmem:s31+$0x2060]  }
0x5e2: {  	v16 =	vand.u32 $0x7F, v16;
	v19 =	vand.u32 $0xFFFFFC00, v19;
	v25 =	vshll.u32 v17, $0x3;
	v26 =	vld [tilespmem:s29+$0x2020]  }
0x5e3: {  	v15 =	vor.u32 v20, v15;
	v17 =	vand.u32 $0x7F, v17;
	v10 =	vld.idx.msk [tilespmem:v10+s2+$0x0], $0xffff;
	v20 =	vand.u32 $0xFFFFFC00, v25  }
0x5e4: {  	v16 =	vor.u32 v16, v19;
	[tilespmem:s3+$0xB280] =	vst v21;
	v21 =	vor.u32 $0x80, v15;
	v27 =	vor.u32 v17, v20;
	v6 =	vld.idx.msk [tilespmem:v6+s2+$0x0], $0xffff  }
0x5e5: {  	v17 =	vld.idx.msk [tilespmem:v18+s2+$0x0], $0xffff;
	v18 =	vor.u32 $0x80, v16;
	v19 =	vand.u32 $0x7F, v22;
	v20 =	vshll.u32 v22, $0x3;
	[tilespmem:s25+$0xB0E0] =	vst v13  }
0x5e6: {  	v13 =	vand.u32 $0xFFFFFC00, v20;
	v20 =	vand.u32 $0x7F, v23;
	v22 =	vshll.u32 v23, $0x3;
	v23 =	vld.idx.msk [tilespmem:v24+s2+$0x0], $0xffff  }
0x5e7: {  	v24 =	vor.u32 $0x380, v40;
	v22 =	vand.u32 $0xFFFFFC00, v22;
	v25 =	vshll.u32 v26, $0x3;
	v28 =	vld.idx.msk [tilespmem:v3+s2+$0x0], $0xffff  }
0x5e8: {  	v29 =	vor.u32 $0x180, v14;
	v26 =	vand.u32 $0x7F, v26;
	v3 =	vld.idx.msk [tilespmem:v15+s2+$0x0], $0xffff;
	v25 =	vand.u32 $0xFFFFFC00, v25  }
0x5e9: {  	v13 =	vor.u32 v19, v13;
	v31 =	vor.u32 v20, v22;
	v30 =	vld.idx.msk [tilespmem:v16+s2+$0x0], $0xffff;
	v32 =	vor.u32 v26, v25  }
0x5ea: {  	v33 =	vor.u32 $0x80, v27;
	v34 =	vor.u32 $0x80, v13;
	v35 =	vor.u32 $0x80, v31;
	[tilespmem:s20+$0xB030] =	vst v10;
	v10 =	vld.idx.msk [tilespmem:v27+s2+$0x0], $0xffff  }
0x5eb: {  	v36 =	vor.u32 $0x100, v15;
	v37 =	vor.u32 $0x100, v16;
	v38 =	vor.u32 $0x80, v32;
	[tilespmem:s3+$0xB300] =	vst v17;
	v12 =	vld.idx.msk [tilespmem:v12+s2+$0x0], $0xffff  }
0x5ec: {  	v39 =	vor.u32 $0x100, v27;
	v40 =	vor.u32 $0x100, v13;
	v41 =	vor.u32 $0x100, v31;
	v17 =	vld.idx.msk [tilespmem:v24+s2+$0x0], $0xffff;
	[tilespmem:s25+$0xB160] =	vst v23  }
0x5ed: {  	v42 =	vor.u32 $0x180, v15;
	v43 =	vor.u32 $0x180, v16;
	v44 =	vor.u32 $0x100, v32;
	v19 =	vld.idx.msk [tilespmem:v29+s2+$0x0], $0xffff;
	[tilespmem:s23+$0xB3F0] =	vst v6;
	s23 =	smov.u32 s0  }
0x5ee: {  	v45 =	vor.u32 $0x180, v13;
	v46 =	vor.u32 $0x180, v31;
	v29 =	vor.u32 $0x180, v27;
	[tilespmem:s20+$0xB060] =	vst v3;
	v6 =	vld.idx.msk [tilespmem:v13+s2+$0x0], $0xffff  }
0x5ef: {  	v49 =	vor.u32 $0x200, v14;
	v47 =	vor.u32 $0x200, v15;
	v48 =	vor.u32 $0x180, v32;
	[tilespmem:s23+$0xB020] =	vst v30;
	v30 =	vld.idx.msk [tilespmem:v31+s2+$0x0], $0xffff  }
0x5f0: {  	v50 =	vor.u32 $0x200, v16;
	v51 =	vor.u32 $0x200, v27;
	v52 =	vor.u32 $0x200, v13;
	[tilespmem:s23+$0xB060] =	vst v10;
	v53 =	vld.idx.msk [tilespmem:v32+s2+$0x0], $0xffff  }
0x5f1: {  	v54 =	vor.u32 $0x280, v15;
	v55 =	vor.u32 $0x200, v31;
	v56 =	vor.u32 $0x200, v32;
	[tilespmem:s20+$0xB0B0] =	vst v12;
	v12 =	vld.idx.msk [tilespmem:v21+s2+$0x0], $0xffff  }
0x5f2: {  	v58 =	vor.u32 $0x280, v16;
	v26 =	vor.u32 $0x280, v27;
	v3 =	vor.u32 $0x280, v13;
	[tilespmem:s3+$0xB380] =	vst v17;
	v57 =	vld.idx.msk [tilespmem:v18+s2+$0x0], $0xffff  }
0x5f3: {  	v22 =	vor.u32 $0x300, v15;
	v25 =	vor.u32 $0x280, v31;
	v24 =	vor.u32 $0x280, v32;
	v59 =	vld [tilespmem:s28+$0x2010];
	[tilespmem:s25+$0xB1E0] =	vst v19  }
0x5f4: {  	v20 =	vor.u32 $0x300, v27;
	v23 =	vor.u32 $0x300, v16;
	v19 =	vor.u32 $0x300, v13;
	[tilespmem:s26+$0xB020] =	vst v6;
	v49 =	vld.idx.msk [tilespmem:v49+s2+$0x0], $0xffff  }
0x5f5: {  	v21 =	vor.u32 $0x300, v31;
	v17 =	vor.u32 $0x380, v15;
	v18 =	vor.u32 $0x300, v32;
	v33 =	vld.idx.msk [tilespmem:v33+s2+$0x0], $0xffff;
	[tilespmem:s26+$0xB060] =	vst v30  }
0x5f6: {  	v10 =	vor.u32 $0x380, v27;
	v15 =	vor.u32 $0x380, v16;
	v30 =	vor.u32 $0x280, v14;
	v27 =	vld.idx.msk [tilespmem:v34+s2+$0x0], $0xffff;
	[tilespmem:s25+$0xB020] =	vst v53  }
0x5f7: {  	v16 =	vor.u32 $0x380, v13;
	v6 =	vor.u32 $0x380, v32;
	[tilespmem:s20+$0xB0E0] =	vst v12;
	v34 =	vld.idx.msk [tilespmem:v35+s2+$0x0], $0xffff;
	v12 =	vor.u32 $0x380, v31  }
0x5f8: {  	v13 =	vshll.u32 v59, $0x3;
	[tilespmem:s23+$0xB0A0] =	vst v57;
	v31 =	vld.idx.msk [tilespmem:v38+s2+$0x0], $0xffff  }
0x5f9: {  	v32 =	vand.u32 $0x7F, v59;
	v13 =	vand.u32 $0xFFFFFC00, v13;
	v35 =	vld.idx.msk [tilespmem:v36+s2+$0x0], $0xffff;
	[tilespmem:s22+$0xB3B0] =	vst v28  }
0x5fa: {  	v13 =	vor.u32 v32, v13;
	v28 =	vld.idx.msk [tilespmem:v37+s2+$0x0], $0xffff;
	[tilespmem:s25+$0xB260] =	vst v49  }
0x5fb: {  	[tilespmem:s23+$0xB0E0] =	vst v33;
	v30 =	vld.idx.msk [tilespmem:v30+s2+$0x0], $0xffff  }
0x5fc: {  	v32 =	vld.idx.msk [tilespmem:v39+s2+$0x0], $0xffff;
	[tilespmem:s26+$0xB0A0] =	vst v27  }
0x5fd: {  	v33 =	vor.u32 $0x300, v14;
	v27 =	vld.idx.msk [tilespmem:v40+s2+$0x0], $0xffff;
	[tilespmem:s26+$0xB0E0] =	vst v34  }
0x5fe: {  	v34 =	vld.idx.msk [tilespmem:v41+s2+$0x0], $0xffff;
	[tilespmem:s25+$0xB0A0] =	vst v31  }
0x5ff: {  	v31 =	vld.idx.msk [tilespmem:v13+s2+$0x0], $0xffff;
	[tilespmem:s20+$0xB160] =	vst v35  }
0x600: {  	[tilespmem:s23+$0xB120] =	vst v28;
	v28 =	vld.idx.msk [tilespmem:v44+s2+$0x0], $0xffff  }
0x601: {  	v35 =	vor.u32 $0x80, v13;
	v36 =	vld.idx.msk [tilespmem:v42+s2+$0x0], $0xffff;
	[tilespmem:s25+$0xB2E0] =	vst v30  }
0x602: {  	[tilespmem:s23+$0xB160] =	vst v32;
	v30 =	vld.idx.msk [tilespmem:v33+s2+$0x0], $0xffff  }
0x603: {  	v32 =	vld.idx.msk [tilespmem:v43+s2+$0x0], $0xffff;
	[tilespmem:s26+$0xB120] =	vst v27  }
0x604: {  	v14 =	vor.u32 $0x380, v14;
	v27 =	vld.idx.msk [tilespmem:v29+s2+$0x0], $0xffff;
	[tilespmem:s26+$0xB160] =	vst v34  }
0x605: {  	[tilespmem:s3+$0xB010] =	vst v31;
	v29 =	vld.idx.msk [tilespmem:v45+s2+$0x0], $0xffff  }
0x606: {  	v31 =	vld.idx.msk [tilespmem:v35+s2+$0x0], $0xffff;
	[tilespmem:s25+$0xB120] =	vst v28  }
0x607: {  	[tilespmem:s20+$0xB1E0] =	vst v36;
	v28 =	vld.idx.msk [tilespmem:v46+s2+$0x0], $0xffff  }
0x608: {  	v33 =	vor.u32 $0x100, v13;
	v34 =	vld.idx.msk [tilespmem:v48+s2+$0x0], $0xffff;
	[tilespmem:s25+$0xB360] =	vst v30  }
0x609: {  	[tilespmem:s23+$0xB1A0] =	vst v32;
	v14 =	vld.idx.msk [tilespmem:v14+s2+$0x0], $0xffff  }
0x60a: {  	v30 =	vld.idx.msk [tilespmem:v47+s2+$0x0], $0xffff;
	[tilespmem:s23+$0xB1E0] =	vst v27  }
0x60b: {  	v27 =	vld.idx.msk [tilespmem:v50+s2+$0x0], $0xffff;
	[tilespmem:s26+$0xB1A0] =	vst v29  }
0x60c: {  	[tilespmem:s3+$0xB090] =	vst v31;
	v29 =	vld.idx.msk [tilespmem:v51+s2+$0x0], $0xffff  }
0x60d: {  	v31 =	vld.idx.msk [tilespmem:v33+s2+$0x0], $0xffff;
	[tilespmem:s26+$0xB1E0] =	vst v28  }
0x60e: {  	v28 =	vld.idx.msk [tilespmem:v52+s2+$0x0], $0xffff;
	[tilespmem:s25+$0xB1A0] =	vst v34  }
0x60f: {  	v32 =	vor.u32 $0x180, v13;
	v33 =	vld.idx.msk [tilespmem:v55+s2+$0x0], $0xffff;
	[tilespmem:s25+$0xB3E0] =	vst v14  }
0x610: {  	[tilespmem:s20+$0xB260] =	vst v30;
	v14 =	vld [tilespmem:s29+$0x2070]  }
0x611: {  	[tilespmem:s23+$0xB220] =	vst v27;
	v27 =	vld.idx.msk [tilespmem:v56+s2+$0x0], $0xffff  }
0x612: {  	v30 =	vld.idx.msk [tilespmem:v54+s2+$0x0], $0xffff;
	[tilespmem:s23+$0xB260] =	vst v29  }
0x613: {  	[tilespmem:s3+$0xB110] =	vst v31;
	v29 =	vld.idx.msk [tilespmem:v58+s2+$0x0], $0xffff  }
0x614: {  	v31 =	vld.idx.msk [tilespmem:v32+s2+$0x0], $0xffff;
	[tilespmem:s26+$0xB220] =	vst v28  }
0x615: {  	v26 =	vld.idx.msk [tilespmem:v26+s2+$0x0], $0xffff;
	[tilespmem:s26+$0xB260] =	vst v33;
	v28 =	vshll.u32 v14, $0x3  }
0x616: {  	v32 =	vor.u32 $0x200, v13;
	v33 =	vld.idx.msk [tilespmem:v3+s2+$0x0], $0xffff;
	v3 =	vand.u32 $0x7F, v14;
	v14 =	vand.u32 $0xFFFFFC00, v28  }
0x617: {  	v25 =	vld.idx.msk [tilespmem:v25+s2+$0x0], $0xffff;
	[tilespmem:s25+$0xB220] =	vst v27;
	v3 =	vor.u32 v3, v14  }
0x618: {  	[tilespmem:s20+$0xB2E0] =	vst v30;
	v14 =	vld.idx.msk [tilespmem:v24+s2+$0x0], $0xffff  }
0x619: {  	v22 =	vld.idx.msk [tilespmem:v22+s2+$0x0], $0xffff;
	[tilespmem:s23+$0xB2A0] =	vst v29  }
0x61a: {  	[tilespmem:s3+$0xB190] =	vst v31;
	v23 =	vld.idx.msk [tilespmem:v23+s2+$0x0], $0xffff  }
0x61b: {  	v24 =	vld.idx.msk [tilespmem:v32+s2+$0x0], $0xffff;
	[tilespmem:s23+$0xB2E0] =	vst v26  }
0x61c: {  	[tilespmem:s26+$0xB2A0] =	vst v33;
	v26 =	vld.idx.msk [tilespmem:v3+s2+$0x0], $0xffff  }
0x61d: {  	v27 =	vor.u32 $0x280, v13;
	v20 =	vld.idx.msk [tilespmem:v20+s2+$0x0], $0xffff;
	[tilespmem:s26+$0xB2E0] =	vst v25  }
0x61e: {  	v19 =	vld.idx.msk [tilespmem:v19+s2+$0x0], $0xffff;
	[tilespmem:s25+$0xB2A0] =	vst v14;
	v14 =	vor.u32 $0x80, v3  }
0x61f: {  	[tilespmem:s20+$0xB360] =	vst v22;
	v21 =	vld.idx.msk [tilespmem:v21+s2+$0x0], $0xffff  }
0x620: {  	[tilespmem:s23+$0xB320] =	vst v23;
	v18 =	vld.idx.msk [tilespmem:v18+s2+$0x0], $0xffff  }
0x621: {  	[tilespmem:s3+$0xB210] =	vst v24;
	v17 =	vld.idx.msk [tilespmem:v17+s2+$0x0], $0xffff  }
0x622: {  	v22 =	vld.idx.msk [tilespmem:v27+s2+$0x0], $0xffff;
	[tilespmem:s25+$0xB070] =	vst v26  }
0x623: {  	[tilespmem:s23+$0xB360] =	vst v20;
	v14 =	vld.idx.msk [tilespmem:v14+s2+$0x0], $0xffff  }
0x624: {  	v20 =	vor.u32 $0x300, v13;
	v15 =	vld.idx.msk [tilespmem:v15+s2+$0x0], $0xffff;
	[tilespmem:s26+$0xB320] =	vst v19  }
0x625: {  	v19 =	vor.u32 $0x100, v3;
	v10 =	vld.idx.msk [tilespmem:v10+s2+$0x0], $0xffff;
	[tilespmem:s26+$0xB360] =	vst v21  }
0x626: {  	v16 =	vld.idx.msk [tilespmem:v16+s2+$0x0], $0xffff;
	[tilespmem:s25+$0xB320] =	vst v18  }
0x627: {  	[tilespmem:s20+$0xB3E0] =	vst v17;
	v12 =	vld.idx.msk [tilespmem:v12+s2+$0x0], $0xffff  }
0x628: {  	[tilespmem:s3+$0xB290] =	vst v22;
	v6 =	vld.idx.msk [tilespmem:v6+s2+$0x0], $0xffff  }
0x629: {  	v17 =	vld.idx.msk [tilespmem:v20+s2+$0x0], $0xffff;
	[tilespmem:s25+$0xB0F0] =	vst v14  }
0x62a: {  	[tilespmem:s23+$0xB3A0] =	vst v15;
	v14 =	vld.idx.msk [tilespmem:v19+s2+$0x0], $0xffff  }
0x62b: {  	v13 =	vor.u32 $0x380, v13;
	v15 =	vld [tilespmem:s24+$0x2070];
	[tilespmem:s23+$0xB3E0] =	vst v10;
	s24 =	smov.u32 s28  }
0x62c: {  	v10 =	vld [tilespmem:s30+$0x2030];
	[tilespmem:s26+$0xB3A0] =	vst v16;
	v16 =	vor.u32 $0x180, v3  }
0x62d: {  	v18 =	vld [tilespmem:s30+$0x2070];
	[tilespmem:s26+$0xB3E0] =	vst v12  }
0x62e: {  	v12 =	vld [tilespmem:s31+$0x2030];
	[tilespmem:s25+$0xB3A0] =	vst v6  }
0x62f: {  	[tilespmem:s3+$0xB310] =	vst v17;
	v6 =	vld [tilespmem:s31+$0x2070]  }
0x630: {  	v13 =	vld.idx.msk [tilespmem:v13+s2+$0x0], $0xffff;
	v17 =	vand.u32 $0x7F, v15;
	v15 =	vshll.u32 v15, $0x3;
	[tilespmem:s25+$0xB170] =	vst v14  }
0x631: {  	v14 =	vand.u32 $0xFFFFFC00, v15;
	v15 =	vand.u32 $0x7F, v10;
	v10 =	vshll.u32 v10, $0x3;
	v16 =	vld.idx.msk [tilespmem:v16+s2+$0x0], $0xffff  }
0x632: {  	v10 =	vand.u32 $0xFFFFFC00, v10;
	v19 =	vand.u32 $0x7F, v18;
	v18 =	vshll.u32 v18, $0x3;
	v20 =	vld [tilespmem:s29+$0x2030]  }
0x633: {  	v22 =	vor.u32 $0x200, v3;
	v7 =	vld.idx.msk [tilespmem:v7+s2+$0x0], $0xffff;
	v18 =	vand.u32 $0xFFFFFC00, v18;
	v21 =	vshll.u32 v12, $0x3  }
0x634: {  	v12 =	vand.u32 $0x7F, v12;
	v21 =	vand.u32 $0xFFFFFC00, v21;
	v23 =	vshll.u32 v6, $0x3;
	v2 =	vld.idx.msk [tilespmem:v2+s2+$0x0], $0xffff  }
0x635: {  	v24 =	vor.u32 v17, v14;
	v6 =	vand.u32 $0x7F, v6;
	v14 =	vand.u32 $0xFFFFFC00, v23;
	v1 =	vld.idx.msk [tilespmem:v1+s2+$0x0], $0xffff  }
0x636: {  	v25 =	vor.u32 v19, v18;
	v23 =	vor.u32 v15, v10;
	v26 =	vor.u32 v12, v21;
	[tilespmem:s3+$0xB390] =	vst v13  }
0x637: {  	v27 =	vor.u32 v6, v14;
	v10 =	vld [tilespmem:s28+$0x2020];
	v6 =	vand.u32 $0x7F, v20;
	v12 =	vshll.u32 v20, $0x3;
	[tilespmem:s25+$0xB1F0] =	vst v16  }
0x638: {  	v13 =	vor.u32 $0x80, v24;
	v15 =	vor.u32 $0x80, v23;
	v12 =	vand.u32 $0xFFFFFC00, v12;
	v14 =	vld.idx.msk [tilespmem:v22+s2+$0x0], $0xffff  }
0x639: {  	v16 =	vor.u32 $0x80, v26;
	[tilespmem:s20+$0xB130] =	vst v7;
	v7 =	vor.u32 $0x80, v25;
	v22 =	vor.u32 v6, v12;
	v6 =	vld.idx.msk [tilespmem:v0+s2+$0x0], $0xffff;
	v0 =	vmovc v11  }
0x63a: {  	v18 =	vor.u32 $0x280, v3;
	v28 =	vor.u32 $0x80, v27;
	v12 =	vld.idx.msk [tilespmem:v24+s2+$0x0], $0xffff;
	v29 =	vor.u32 $0x80, v22;
	[tilespmem:s22+$0xB3F0] =	vst v2;
	s22 =	smov.u32 s26  }
0x63b: {  	v31 =	vor.u32 $0x100, v25;
	v30 =	vor.u32 $0x100, v23;
	v2 =	vor.u32 $0x100, v24;
	v19 =	vld.idx.msk [tilespmem:v23+s2+$0x0], $0xffff;
	[tilespmem:s21+$0xB3B0] =	vst v1;
	s21 =	smov.u32 s25  }
0x63c: {  	v32 =	vor.u32 $0x100, v26;
	v33 =	vor.u32 $0x100, v27;
	v1 =	vshll.u32 v10, $0x3;
	v20 =	vld.idx.msk [tilespmem:v25+s2+$0x0], $0xffff  }
0x63d: {  	v34 =	vor.u32 $0x100, v22;
	v10 =	vand.u32 $0x7F, v10;
	v1 =	vand.u32 $0xFFFFFC00, v1;
	v21 =	vld.idx.msk [tilespmem:v26+s2+$0x0], $0xffff  }
0x63e: {  	v36 =	vor.u32 $0x180, v24;
	v37 =	vor.u32 $0x180, v23;
	v35 =	vor.u32 v10, v1;
	v1 =	vld.idx.msk [tilespmem:v27+s2+$0x0], $0xffff;
	[tilespmem:s21+$0xB270] =	vst v14  }
0x63f: {  	v17 =	vor.u32 $0x280, v35;
	v14 =	vor.u32 $0x300, v35;
	v11 =	vor.u32 $0x380, v35;
	v10 =	vld.idx.msk [tilespmem:v18+s2+$0x0], $0xffff;
	[tilespmem:s19+$0xB3B0] =	vst v6;
	s19 =	smov.u32 s20;
	s20 =	smov.u32 s3  }
0x640: {  	v38 =	vor.u32 $0x180, v25;
	v39 =	vor.u32 $0x180, v26;
	v40 =	vor.u32 $0x180, v27;
	[tilespmem:s19+$0xB070] =	vst v12;
	v6 =	vld.idx.msk [tilespmem:v22+s2+$0x0], $0xffff  }
0x641: {  	v41 =	vor.u32 $0x200, v24;
	v42 =	vor.u32 $0x180, v22;
	v12 =	vld.idx.msk [tilespmem:v13+s2+$0x0], $0xffff;
	[tilespmem:s23+$0xB030] =	vst v19;
	v13 =	vor.u32 $0x300, v3  }
0x642: {  	v45 =	vor.u32 $0x200, v25;
	v44 =	vor.u32 $0x200, v23;
	v46 =	vor.u32 $0x200, v26;
	v43 =	vld.idx.msk [tilespmem:v15+s2+$0x0], $0xffff;
	[tilespmem:s23+$0xB070] =	vst v20  }
0x643: {  	v48 =	vor.u32 $0x280, v24;
	v49 =	vor.u32 $0x200, v27;
	v50 =	vor.u32 $0x200, v22;
	v47 =	vld.idx.msk [tilespmem:v35+s2+$0x0], $0xffff;
	[tilespmem:s22+$0xB030] =	vst v21  }
0x644: {  	v53 =	vor.u32 $0x280, v25;
	v51 =	vor.u32 $0x280, v23;
	v54 =	vor.u32 $0x280, v26;
	v52 =	vld.idx.msk [tilespmem:v7+s2+$0x0], $0xffff;
	[tilespmem:s22+$0xB070] =	vst v1  }
0x645: {  	v20 =	vor.u32 $0x280, v22;
	v21 =	vor.u32 $0x280, v27;
	v1 =	vor.u32 $0x80, v35;
	v55 =	vld.idx.msk [tilespmem:v16+s2+$0x0], $0xffff;
	[tilespmem:s21+$0xB2F0] =	vst v10  }
0x646: {  	v18 =	vor.u32 $0x300, v23;
	v19 =	vor.u32 $0x300, v24;
	v16 =	vor.u32 $0x300, v25;
	[tilespmem:s21+$0xB030] =	vst v6;
	v56 =	vld.idx.msk [tilespmem:v13+s2+$0x0], $0xffff  }
0x647: {  	v15 =	vor.u32 $0x300, v26;
	v13 =	vor.u32 $0x300, v27;
	[tilespmem:s19+$0xB0F0] =	vst v12;
	v28 =	vld.idx.msk [tilespmem:v28+s2+$0x0], $0xffff;
	v12 =	vor.u32 $0x300, v22  }
0x648: {  	v7 =	vor.u32 $0x380, v23;
	v10 =	vor.u32 $0x380, v24;
	v24 =	vor.u32 $0x380, v3;
	[tilespmem:s23+$0xB0B0] =	vst v43;
	v23 =	vld.idx.msk [tilespmem:v29+s2+$0x0], $0xffff  }
0x649: {  	v3 =	vor.u32 $0x380, v26;
	v6 =	vor.u32 $0x380, v25;
	[tilespmem:s20+$0xB020] =	vst v47;
	v29 =	vld.idx.msk [tilespmem:v2+s2+$0x0], $0xffff;
	v2 =	vor.u32 $0x380, v27  }
0x64a: {  	v25 =	vld.idx.msk [tilespmem:v1+s2+$0x0], $0xffff;
	[tilespmem:s23+$0xB0F0] =	vst v52;
	v1 =	vor.u32 $0x380, v22  }
0x64b: {  	v22 =	vld.idx.msk [tilespmem:v30+s2+$0x0], $0xffff;
	[tilespmem:s22+$0xB0B0] =	vst v55  }
0x64c: {  	v26 =	vor.u32 $0x100, v35;
	v27 =	vld.idx.msk [tilespmem:v31+s2+$0x0], $0xffff;
	[tilespmem:s21+$0xB370] =	vst v56  }
0x64d: {  	[tilespmem:s22+$0xB0F0] =	vst v28;
	v24 =	vld.idx.msk [tilespmem:v24+s2+$0x0], $0xffff  }
0x64e: {  	v28 =	vld.idx.msk [tilespmem:v32+s2+$0x0], $0xffff;
	[tilespmem:s21+$0xB0B0] =	vst v23  }
0x64f: {  	[tilespmem:s19+$0xB170] =	vst v29;
	v23 =	vld.idx.msk [tilespmem:v33+s2+$0x0], $0xffff  }
0x650: {  	[tilespmem:s20+$0xB0A0] =	vst v25;
	v25 =	vld.idx.msk [tilespmem:v34+s2+$0x0], $0xffff  }
0x651: {  	v26 =	vld.idx.msk [tilespmem:v26+s2+$0x0], $0xffff;
	[tilespmem:s23+$0xB130] =	vst v22  }
0x652: {  	v22 =	vld.idx.msk [tilespmem:v36+s2+$0x0], $0xffff;
	[tilespmem:s23+$0xB170] =	vst v27  }
0x653: {  	v27 =	vor.u32 $0x180, v35;
	v29 =	vld.idx.msk [tilespmem:v37+s2+$0x0], $0xffff;
	[tilespmem:s21+$0xB3F0] =	vst v24  }
0x654: {  	v24 =	vld.idx.msk [tilespmem:v38+s2+$0x0], $0xffff;
	[tilespmem:s22+$0xB130] =	vst v28  }
0x655: {  	v28 =	vld.idx.msk [tilespmem:v39+s2+$0x0], $0xffff;
	[tilespmem:s22+$0xB170] =	vst v23  }
0x656: {  	v23 =	vld.idx.msk [tilespmem:v40+s2+$0x0], $0xffff;
	[tilespmem:s21+$0xB130] =	vst v25  }
0x657: {  	[tilespmem:s20+$0xB120] =	vst v26;
	v25 =	vld.idx.msk [tilespmem:v42+s2+$0x0], $0xffff  }
0x658: {  	v26 =	vld.idx.msk [tilespmem:v27+s2+$0x0], $0xffff;
	[tilespmem:s19+$0xB1F0] =	vst v22  }
0x659: {  	v4 =	vld.idx.msk [tilespmem:v4+s2+$0x0], $0xffff;
	[tilespmem:s23+$0xB1B0] =	vst v29  }
0x65a: {  	v22 =	vor.u32 $0x200, v35;
	v27 =	vld.idx.msk [tilespmem:v41+s2+$0x0], $0xffff;
	[tilespmem:s23+$0xB1F0] =	vst v24  }
0x65b: {  	v24 =	vld.idx.msk [tilespmem:v44+s2+$0x0], $0xffff;
	[tilespmem:s22+$0xB1B0] =	vst v28  }
0x65c: {  	v28 =	vld.idx.msk [tilespmem:v45+s2+$0x0], $0xffff;
	[tilespmem:s22+$0xB1F0] =	vst v23  }
0x65d: {  	v23 =	vld.idx.msk [tilespmem:v46+s2+$0x0], $0xffff;
	[tilespmem:s21+$0xB1B0] =	vst v25  }
0x65e: {  	[tilespmem:s20+$0xB1A0] =	vst v26;
	v25 =	vld.idx.msk [tilespmem:v49+s2+$0x0], $0xffff  }
0x65f: {  	v22 =	vld.idx.msk [tilespmem:v22+s2+$0x0], $0xffff;
	[tilespmem:s19+$0xB1B0] =	vst v4  }
0x660: {  	[tilespmem:s19+$0xB270] =	vst v27;
	v4 =	vld.idx.msk [tilespmem:v50+s2+$0x0], $0xffff  }
0x661: {  	v9 =	vld.idx.msk [tilespmem:v9+s2+$0x0], $0xffff;
	[tilespmem:s23+$0xB230] =	vst v24  }
0x662: {  	v24 =	vld.idx.msk [tilespmem:v48+s2+$0x0], $0xffff;
	[tilespmem:s23+$0xB270] =	vst v28  }
0x663: {  	v26 =	vld.idx.msk [tilespmem:v51+s2+$0x0], $0xffff;
	[tilespmem:s22+$0xB230] =	vst v23  }
0x664: {  	v23 =	vld.idx.msk [tilespmem:v53+s2+$0x0], $0xffff;
	[tilespmem:s22+$0xB270] =	vst v25  }
0x665: {  	[tilespmem:s20+$0xB220] =	vst v22;
	v22 =	vld.idx.msk [tilespmem:v54+s2+$0x0], $0xffff  }
0x666: {  	v25 =	vld [tilespmem:s28+$0x21C0];
	[tilespmem:s21+$0xB230] =	vst v4  }
0x667: {  	v27 =	vld [tilespmem:s28+$0x2040];
	[tilespmem:s19+$0xB230] =	vst v9  }
0x668: {  	v9 =	vld [tilespmem:s28+$0x2080];
	[tilespmem:s19+$0xB2F0] =	vst v24  }
0x669: {  	v24 =	vld [tilespmem:s28+$0x20C0];
	[tilespmem:s23+$0xB2B0] =	vst v26  }
0x66a: {  	v26 =	vld [tilespmem:s28+$0x2100];
	[tilespmem:s23+$0xB2F0] =	vst v23  }
0x66b: {  	v23 =	vld [tilespmem:s28+$0x2140];
	v4 =	vshll.u32 v25, $0x3;
	[tilespmem:s22+$0xB2B0] =	vst v22  }
0x66c: {  	v25 =	vand.u32 $0x7F, v25;
	v22 =	vshll.u32 v27, $0x3;
	v28 =	vld [tilespmem:s28+$0x2180];
	v4 =	vand.u32 $0xFFFFFC00, v4  }
0x66d: {  	v17 =	vld.idx.msk [tilespmem:v17+s2+$0x0], $0xffff;
	v22 =	vand.u32 $0xFFFFFC00, v22;
	v29 =	vshll.u32 v9, $0x3;
	v4 =	vor.u32 v25, v4  }
0x66e: {  	v25 =	vand.u32 $0x7F, v27;
	v27 =	vand.u32 $0xFFFFFC00, v29;
	v29 =	vshll.u32 v24, $0x3;
	v21 =	vld.idx.msk [tilespmem:v21+s2+$0x0], $0xffff  }
0x66f: {  	v9 =	vand.u32 $0x7F, v9;
	v29 =	vand.u32 $0xFFFFFC00, v29;
	v30 =	vshll.u32 v26, $0x3;
	v20 =	vld.idx.msk [tilespmem:v20+s2+$0x0], $0xffff  }
0x670: {  	v24 =	vand.u32 $0x7F, v24;
	v30 =	vand.u32 $0xFFFFFC00, v30;
	v31 =	vshll.u32 v23, $0x3;
	v8 =	vld.idx.msk [tilespmem:v8+s2+$0x0], $0xffff  }
0x671: {  	v26 =	vand.u32 $0x7F, v26;
	v31 =	vand.u32 $0xFFFFFC00, v31;
	v32 =	vshll.u32 v28, $0x3;
	v19 =	vld.idx.msk [tilespmem:v19+s2+$0x0], $0xffff  }
0x672: {  	v23 =	vand.u32 $0x7F, v23;
	v28 =	vand.u32 $0x7F, v28;
	v32 =	vand.u32 $0xFFFFFC00, v32;
	v33 =	vld.idx.msk [tilespmem:v4+s2+$0x0], $0xffff  }
0x673: {  	v9 =	vor.u32 v9, v27;
	[tilespmem:s20+$0xB2A0] =	vst v17;
	v17 =	vor.u32 v25, v22;
	v22 =	vor.u32 v24, v29  }
0x674: {  	v23 =	vor.u32 v23, v31;
	v24 =	vor.u32 v26, v30;
	v25 =	vor.u32 $0x80, v4;
	v14 =	vld.idx.msk [tilespmem:v14+s2+$0x0], $0xffff;
	[tilespmem:s22+$0xB2F0] =	vst v21  }
0x675: {  	v26 =	vor.u32 $0x80, v9;
	v27 =	vor.u32 v28, v32;
	v21 =	vor.u32 $0x80, v17;
	v18 =	vld.idx.msk [tilespmem:v18+s2+$0x0], $0xffff;
	[tilespmem:s21+$0xB2B0] =	vst v20  }
0x676: {  	s0 =	sor.u32 $0xC00, s15;
	v30 =	vor.u32 $0x80, v23;
	v28 =	vor.u32 $0x80, v22;
	v29 =	vor.u32 $0x80, v24;
	[tilespmem:s19+$0xB2B0] =	vst v8;
	v8 =	vld.idx.msk [tilespmem:v16+s2+$0x0], $0xffff  }
0x677: {  	s3 =	sand.u32 $0x3FFFFFF8, s0;
	s0 =	sand.u32 $0x7C00, s0;
	v32 =	vor.u32 $0x100, v9;
	v31 =	vor.u32 $0x100, v17;
	v34 =	vor.u32 $0x80, v27;
	[tilespmem:s19+$0xB370] =	vst v19;
	v15 =	vld.idx.msk [tilespmem:v15+s2+$0x0], $0xffff  }
0x678: {  	v37 =	vor.u32 $0x100, v23;
	v35 =	vor.u32 $0x100, v22;
	v36 =	vor.u32 $0x100, v24;
	v16 =	vld.idx.msk [tilespmem:v17+s2+$0x0], $0xffff;
	[tilespmem:s0+$0xB040] =	vst v33  }
0x679: {  	v38 =	vor.u32 $0x180, v9;
	v39 =	vor.u32 $0x100, v27;
	v33 =	vor.u32 $0x180, v17;
	v19 =	vld.idx.msk [tilespmem:v25+s2+$0x0], $0xffff  }
0x67a: {  	v41 =	vor.u32 $0x180, v23;
	v40 =	vor.u32 $0x180, v24;
	v25 =	vor.u32 $0x180, v22;
	[tilespmem:s20+$0xB320] =	vst v14;
	v14 =	vld.idx.msk [tilespmem:v9+s2+$0x0], $0xffff  }
0x67b: {  	v44 =	vor.u32 $0x100, v4;
	v42 =	vor.u32 $0x200, v17;
	v43 =	vor.u32 $0x180, v27;
	v20 =	vld.idx.msk [tilespmem:v22+s2+$0x0], $0xffff;
	[tilespmem:s23+$0xB330] =	vst v18  }
0x67c: {  	v45 =	vor.u32 $0x200, v9;
	v46 =	vor.u32 $0x200, v22;
	v48 =	vor.u32 $0x200, v24;
	v47 =	vld.idx.msk [tilespmem:v24+s2+$0x0], $0xffff;
	[tilespmem:s23+$0xB370] =	vst v8  }
0x67d: {  	v50 =	vor.u32 $0x200, v23;
	v49 =	vor.u32 $0x280, v17;
	v51 =	vor.u32 $0x200, v27;
	v8 =	vld.idx.msk [tilespmem:v23+s2+$0x0], $0xffff;
	[tilespmem:s22+$0xB330] =	vst v15  }
0x67e: {  	v52 =	vor.u32 $0x280, v9;
	v53 =	vor.u32 $0x280, v22;
	v54 =	vor.u32 $0x280, v24;
	[tilespmem:s20+$0xB040] =	vst v16;
	v55 =	vld.idx.msk [tilespmem:v27+s2+$0x0], $0xffff  }
0x67f: {  	v57 =	vor.u32 $0x280, v23;
	v56 =	vor.u32 $0x300, v17;
	v58 =	vor.u32 $0x280, v27;
	v21 =	vld.idx.msk [tilespmem:v21+s2+$0x0], $0xffff;
	[tilespmem:s0+$0xB0C0] =	vst v19  }
0x680: {  	v59 =	vor.u32 $0x300, v9;
	v60 =	vor.u32 $0x300, v22;
	v19 =	vor.u32 $0x300, v24;
	[tilespmem:s8+$0xB000] =	vst v14;
	v44 =	vld.idx.msk [tilespmem:v44+s2+$0x0], $0xffff  }
0x681: {  	v17 =	vor.u32 $0x380, v17;
	v18 =	vor.u32 $0x300, v27;
	v26 =	vld.idx.msk [tilespmem:v26+s2+$0x0], $0xffff;
	[tilespmem:s6+$0xB040] =	vst v20;
	v20 =	vor.u32 $0x300, v23  }
0x682: {  	v16 =	vor.u32 $0x380, v9;
	v9 =	vor.u32 $0x380, v22;
	v22 =	vor.u32 $0x180, v4;
	v28 =	vld.idx.msk [tilespmem:v28+s2+$0x0], $0xffff;
	[tilespmem:s4+$0xB000] =	vst v47  }
0x683: {  	v15 =	vor.u32 $0x380, v24;
	v14 =	vor.u32 $0x380, v23;
	v29 =	vld.idx.msk [tilespmem:v29+s2+$0x0], $0xffff;
	[tilespmem:s9+$0xB040] =	vst v8;
	v8 =	vor.u32 $0x380, v27  }
0x684: {  	v23 =	vld.idx.msk [tilespmem:v30+s2+$0x0], $0xffff;
	[tilespmem:s3+$0xB000] =	vst v55  }
0x685: {  	[tilespmem:s20+$0xB0C0] =	vst v21;
	v21 =	vld.idx.msk [tilespmem:v34+s2+$0x0], $0xffff  }
0x686: {  	v24 =	vld.idx.msk [tilespmem:v31+s2+$0x0], $0xffff;
	[tilespmem:s0+$0xB140] =	vst v44  }
0x687: {  	[tilespmem:s8+$0xB080] =	vst v26;
	v22 =	vld.idx.msk [tilespmem:v22+s2+$0x0], $0xffff  }
0x688: {  	v26 =	vld.idx.msk [tilespmem:v32+s2+$0x0], $0xffff;
	[tilespmem:s6+$0xB0C0] =	vst v28  }
0x689: {  	v28 =	vor.u32 $0x200, v4;
	v27 =	vld.idx.msk [tilespmem:v35+s2+$0x0], $0xffff;
	[tilespmem:s4+$0xB080] =	vst v29  }
0x68a: {  	v29 =	vld.idx.msk [tilespmem:v36+s2+$0x0], $0xffff;
	[tilespmem:s9+$0xB0C0] =	vst v23  }
0x68b: {  	v23 =	vld.idx.msk [tilespmem:v37+s2+$0x0], $0xffff;
	[tilespmem:s3+$0xB080] =	vst v21  }
0x68c: {  	[tilespmem:s20+$0xB140] =	vst v24;
	v21 =	vld.idx.msk [tilespmem:v39+s2+$0x0], $0xffff  }
0x68d: {  	v24 =	vld.idx.msk [tilespmem:v33+s2+$0x0], $0xffff;
	[tilespmem:s0+$0xB1C0] =	vst v22  }
0x68e: {  	[tilespmem:s8+$0xB100] =	vst v26;
	v22 =	vld.idx.msk [tilespmem:v28+s2+$0x0], $0xffff  }
0x68f: {  	v26 =	vld.idx.msk [tilespmem:v38+s2+$0x0], $0xffff;
	[tilespmem:s6+$0xB140] =	vst v27  }
0x690: {  	v27 =	vor.u32 $0x280, v4;
	v25 =	vld.idx.msk [tilespmem:v25+s2+$0x0], $0xffff;
	[tilespmem:s4+$0xB100] =	vst v29  }
0x691: {  	v28 =	vld.idx.msk [tilespmem:v40+s2+$0x0], $0xffff;
	[tilespmem:s9+$0xB140] =	vst v23  }
0x692: {  	v23 =	vld.idx.msk [tilespmem:v41+s2+$0x0], $0xffff;
	[tilespmem:s3+$0xB100] =	vst v21  }
0x693: {  	[tilespmem:s20+$0xB1C0] =	vst v24;
	v21 =	vld.idx.msk [tilespmem:v43+s2+$0x0], $0xffff  }
0x694: {  	v24 =	vld.idx.msk [tilespmem:v42+s2+$0x0], $0xffff;
	[tilespmem:s15+$0xBE40] =	vst v22  }
0x695: {  	[tilespmem:s8+$0xB180] =	vst v26;
	v22 =	vld.idx.msk [tilespmem:v27+s2+$0x0], $0xffff  }
0x696: {  	v26 =	vld.idx.msk [tilespmem:v45+s2+$0x0], $0xffff;
	[tilespmem:s6+$0xB1C0] =	vst v25  }
0x697: {  	v27 =	vor.u32 $0x300, v4;
	v25 =	vld.idx.msk [tilespmem:v46+s2+$0x0], $0xffff;
	[tilespmem:s4+$0xB180] =	vst v28  }
0x698: {  	v28 =	vld.idx.msk [tilespmem:v48+s2+$0x0], $0xffff;
	[tilespmem:s9+$0xB1C0] =	vst v23  }
0x699: {  	v23 =	vld.idx.msk [tilespmem:v50+s2+$0x0], $0xffff;
	[tilespmem:s3+$0xB180] =	vst v21  }
0x69a: {  	s0 =	sor.u32 $0xEC0, s15;
	[tilespmem:s20+$0xB240] =	vst v24;
	v21 =	vld.idx.msk [tilespmem:v51+s2+$0x0], $0xffff  }
0x69b: {  	v24 =	vld.idx.msk [tilespmem:v49+s2+$0x0], $0xffff;
	[tilespmem:s0+$0xB000] =	vst v22  }
0x69c: {  	[tilespmem:s8+$0xB200] =	vst v26;
	v22 =	vld.idx.msk [tilespmem:v27+s2+$0x0], $0xffff  }
0x69d: {  	v26 =	vld.idx.msk [tilespmem:v52+s2+$0x0], $0xffff;
	[tilespmem:s15+$0xB640] =	vst v25  }
0x69e: {  	v4 =	vor.u32 $0x380, v4;
	v25 =	vld.idx.msk [tilespmem:v53+s2+$0x0], $0xffff;
	[tilespmem:s4+$0xB200] =	vst v28  }
0x69f: {  	v27 =	vld.idx.msk [tilespmem:v54+s2+$0x0], $0xffff;
	[tilespmem:s15+$0xBA40] =	vst v23  }
0x6a0: {  	v23 =	vld.idx.msk [tilespmem:v57+s2+$0x0], $0xffff;
	[tilespmem:s3+$0xB200] =	vst v21  }
0x6a1: {  	s0 =	sor.u32 $0xF40, s15;
	[tilespmem:s20+$0xB2C0] =	vst v24;
	v21 =	vld.idx.msk [tilespmem:v58+s2+$0x0], $0xffff  }
0x6a2: {  	v24 =	vld.idx.msk [tilespmem:v56+s2+$0x0], $0xffff;
	[tilespmem:s0+$0xB000] =	vst v22  }
0x6a3: {  	[tilespmem:s8+$0xB280] =	vst v26;
	v4 =	vld.idx.msk [tilespmem:v4+s2+$0x0], $0xffff  }
0x6a4: {  	v22 =	vld.idx.msk [tilespmem:v59+s2+$0x0], $0xffff;
	[tilespmem:s5+$0xB000] =	vst v25  }
0x6a5: {  	v25 =	vld.idx.msk [tilespmem:v60+s2+$0x0], $0xffff;
	[tilespmem:s4+$0xB280] =	vst v27  }
0x6a6: {  	s0 =	sshrl.u32 s28, $0x7;
	v19 =	vld.idx.msk [tilespmem:v19+s2+$0x0], $0xffff;
	[tilespmem:s1+$0xB000] =	vst v23  }
0x6a7: {  	s6 =	sor.u32 $0x2, s0;
	s5 =	sor.u32 $0x1, s0;
	s1 =	sor.u32 $0x3, s0;
	v20 =	vld.idx.msk [tilespmem:v20+s2+$0x0], $0xffff;
	[tilespmem:s3+$0xB280] =	vst v21  }
0x6a8: {  	s15 =	sor.u32 $0xFC0, s15;
	s0 =	sshll.u32 s5, $0x7;
	s9 =	sshll.u32 s1, $0x7;
	[tilespmem:s20+$0xB340] =	vst v24;
	v18 =	vld.idx.msk [tilespmem:v18+s2+$0x0], $0xffff  }
0x6a9: {  	s30 =	sand.u32 $0x3FFFFF80, s0;
	s0 =	sshll.u32 s6, $0x7;
	s29 =	sand.u32 $0x3FFFFF80, s9;
	v17 =	vld.idx.msk [tilespmem:v17+s2+$0x0], $0xffff;
	[tilespmem:s15+$0xB000] =	vst v4  }
0x6aa: {  	s5 =	sshll.u32 s5, $0xA;
	s6 =	sshll.u32 s6, $0xA;
	s31 =	sand.u32 $0x3FFFFF80, s0;
	[tilespmem:s8+$0xB300] =	vst v22;
	v4 =	vld [tilespmem:s29+$0x2050]  }
0x6ab: {  	s0 =	sand.u32 $0x3FFFFC00, s5;
	s26 =	sand.u32 $0x3FFFFC00, s6;
	v16 =	vld.idx.msk [tilespmem:v16+s2+$0x0], $0xffff;
	[tilespmem:s12+$0xB000] =	vst v25  }
0x6ac: {  	v9 =	vld.idx.msk [tilespmem:v9+s2+$0x0], $0xffff;
	[tilespmem:s4+$0xB300] =	vst v19  }
0x6ad: {  	v15 =	vld.idx.msk [tilespmem:v15+s2+$0x0], $0xffff;
	[tilespmem:s11+$0xB000] =	vst v20  }
0x6ae: {  	v19 =	vld.idx.msk [tilespmem:v14+s2+$0x0], $0xffff;
	[tilespmem:s3+$0xB300] =	vst v18  }
0x6af: {  	[tilespmem:s20+$0xB3C0] =	vst v17;
	v8 =	vld.idx.msk [tilespmem:v8+s2+$0x0], $0xffff;
	v14 =	vshll.u32 v4, $0x3  }
0x6b0: {  	v4 =	vand.u32 $0x7F, v4;
	v17 =	vld [tilespmem:s28+$0x2050];
	v14 =	vand.u32 $0xFFFFFC00, v14  }
0x6b1: {  	v11 =	vld.idx.msk [tilespmem:v11+s2+$0x0], $0xffff;
	[tilespmem:s8+$0xB380] =	vst v16;
	v14 =	vor.u32 v4, v14  }
0x6b2: {  	v4 =	vld [tilespmem:s30+$0x2010];
	[tilespmem:s13+$0xB000] =	vst v9  }
0x6b3: {  	v9 =	vld [tilespmem:s30+$0x2050];
	[tilespmem:s4+$0xB380] =	vst v15  }
0x6b4: {  	v15 =	vld [tilespmem:s31+$0x2010];
	[tilespmem:s14+$0xB000] =	vst v19  }
0x6b5: {  	v16 =	vand.u32 $0x7F, v17;
	v17 =	vshll.u32 v17, $0x3;
	v18 =	vld [tilespmem:s31+$0x2050];
	[tilespmem:s3+$0xB380] =	vst v8  }
0x6b6: {  	v8 =	vand.u32 $0xFFFFFC00, v17;
	v17 =	vld.idx.msk [tilespmem:v14+s2+$0x0], $0xffff  }
0x6b7: {  	[tilespmem:s20+$0xB3A0] =	vst v11;
	v8 =	vor.u32 v16, v8;
	v11 =	vand.u32 $0x7F, v4;
	v4 =	vshll.u32 v4, $0x3;
	v16 =	vld [tilespmem:s29+$0x2010]  }
0x6b8: {  	v20 =	vor.u32 $0x80, v14;
	v47 =	vld [tilespmem:s28+$0x2030];
	v4 =	vand.u32 $0xFFFFFC00, v4;
	v19 =	vshll.u32 v9, $0x3  }
0x6b9: {  	v9 =	vand.u32 $0x7F, v9;
	v19 =	vand.u32 $0xFFFFFC00, v19;
	v21 =	vshll.u32 v15, $0x3;
	v13 =	vld.idx.msk [tilespmem:v13+s2+$0x0], $0xffff  }
0x6ba: {  	s1 =	sshll.u32 s1, $0xA;
	v15 =	vand.u32 $0x7F, v15;
	v21 =	vand.u32 $0xFFFFFC00, v21;
	v22 =	vshll.u32 v18, $0x3;
	v12 =	vld.idx.msk [tilespmem:v12+s2+$0x0], $0xffff  }
0x6bb: {  	s25 =	sand.u32 $0x3FFFFC00, s1;
	v4 =	vor.u32 v11, v4;
	v11 =	vand.u32 $0x7F, v18;
	v18 =	vand.u32 $0xFFFFFC00, v22;
	v5 =	vld.idx.msk [tilespmem:v5+s2+$0x0], $0xffff  }
0x6bc: {  	v9 =	vor.u32 v9, v19;
	v22 =	vld.idx.msk [tilespmem:v8+s2+$0x0], $0xffff;
	v19 =	vand.u32 $0x7F, v16;
	v16 =	vshll.u32 v16, $0x3;
	[tilespmem:s25+$0xB050] =	vst v17  }
0x6bd: {  	v15 =	vor.u32 v15, v21;
	v46 =	vor.u32 v11, v18;
	v11 =	vand.u32 $0xFFFFFC00, v16;
	v16 =	vld.idx.msk [tilespmem:v20+s2+$0x0], $0xffff  }
0x6be: {  	v17 =	vor.u32 $0x80, v8;
	v18 =	vor.u32 $0x80, v4;
	v48 =	vor.u32 v19, v11;
	v10 =	vld.idx.msk [tilespmem:v10+s2+$0x0], $0xffff  }
0x6bf: {  	v20 =	vor.u32 $0x100, v14;
	v11 =	vor.u32 $0x80, v9;
	v19 =	vor.u32 $0x80, v15;
	v7 =	vld.idx.msk [tilespmem:v7+s2+$0x0], $0xffff;
	[tilespmem:s22+$0xB370] =	vst v13  }
0x6c0: {  	v49 =	vor.u32 $0x100, v8;
	v21 =	vor.u32 $0x80, v46;
	v50 =	vor.u32 $0x80, v48;
	v13 =	vld.idx.msk [tilespmem:v4+s2+$0x0], $0xffff;
	[tilespmem:s21+$0xB330] =	vst v12  }
0x6c1: {  	v52 =	vor.u32 $0x100, v9;
	v53 =	vor.u32 $0x100, v15;
	v12 =	vor.u32 $0x100, v4;
	v23 =	vld.idx.msk [tilespmem:v9+s2+$0x0], $0xffff;
	[tilespmem:s19+$0xB330] =	vst v5  }
0x6c2: {  	v42 =	vor.u32 $0x180, v8;
	v44 =	vor.u32 $0x100, v46;
	v45 =	vor.u32 $0x100, v48;
	[tilespmem:s20+$0xB050] =	vst v22;
	v5 =	vld.idx.msk [tilespmem:v15+s2+$0x0], $0xffff  }
0x6c3: {  	v43 =	vor.u32 $0x180, v4;
	v40 =	vor.u32 $0x180, v9;
	v41 =	vor.u32 $0x180, v15;
	v22 =	vld.idx.msk [tilespmem:v46+s2+$0x0], $0xffff;
	[tilespmem:s25+$0xB0D0] =	vst v16  }
0x6c4: {  	v35 =	vor.u32 $0x200, v8;
	v39 =	vor.u32 $0x180, v46;
	v38 =	vor.u32 $0x180, v48;
	v16 =	vld.idx.msk [tilespmem:v20+s2+$0x0], $0xffff;
	[tilespmem:s19+$0xB3F0] =	vst v10  }
0x6c5: {  	v37 =	vor.u32 $0x200, v4;
	v36 =	vor.u32 $0x200, v9;
	v34 =	vor.u32 $0x200, v15;
	v10 =	vld.idx.msk [tilespmem:v48+s2+$0x0], $0xffff;
	[tilespmem:s23+$0xB3B0] =	vst v7  }
0x6c6: {  	v33 =	vor.u32 $0x200, v46;
	v32 =	vor.u32 $0x200, v48;
	v7 =	vld.idx.msk [tilespmem:v17+s2+$0x0], $0xffff;
	[tilespmem:s0+$0xB010] =	vst v13;
	v13 =	vor.u32 $0x180, v14  }
0x6c7: {  	v31 =	vor.u32 $0x280, v8;
	v30 =	vor.u32 $0x280, v4;
	v28 =	vor.u32 $0x280, v9;
	v51 =	vld.idx.msk [tilespmem:v18+s2+$0x0], $0xffff;
	[tilespmem:s0+$0xB050] =	vst v23  }
0x6c8: {  	v29 =	vor.u32 $0x280, v15;
	v27 =	vor.u32 $0x280, v46;
	v26 =	vor.u32 $0x280, v48;
	v54 =	vld.idx.msk [tilespmem:v11+s2+$0x0], $0xffff;
	[tilespmem:s26+$0xB010] =	vst v5  }
0x6c9: {  	v25 =	vor.u32 $0x300, v8;
	v24 =	vor.u32 $0x300, v4;
	v23 =	vor.u32 $0x300, v9;
	v5 =	vld.idx.msk [tilespmem:v19+s2+$0x0], $0xffff;
	[tilespmem:s26+$0xB050] =	vst v22  }
0x6ca: {  	v20 =	vor.u32 $0x300, v48;
	v22 =	vor.u32 $0x300, v15;
	v55 =	vld.idx.msk [tilespmem:v21+s2+$0x0], $0xffff;
	v21 =	vor.u32 $0x300, v46;
	[tilespmem:s25+$0xB150] =	vst v16  }
0x6cb: {  	v18 =	vor.u32 $0x380, v4;
	v19 =	vor.u32 $0x380, v8;
	v16 =	vor.u32 $0x380, v9;
	[tilespmem:s25+$0xB010] =	vst v10;
	v11 =	vld.idx.msk [tilespmem:v13+s2+$0x0], $0xffff  }
.Ltmp6:
0x6cc: {  	v17 =	vor.u32 $0x380, v15;
	v15 =	vor.u32 $0x380, v48;
	v13 =	vor.u32 $0x380, v46;
	[tilespmem:s20+$0xB0D0] =	vst v7;
	v46 =	vld.idx.msk [tilespmem:v50+s2+$0x0], $0xffff;
	(pc) =	sbr.rel @p0 .LBB2_6-.Ltmp6, $4  }
0x6cd: {  	v4 =	vand.u32 $0x7F, v47;
	v7 =	vshll.u32 v47, $0x3;
	v47 =	vld.idx.msk [tilespmem:v49+s2+$0x0], $0xffff;
	[tilespmem:s0+$0xB090] =	vst v51;
	v51 =	vor.u32 $0x200, v14  }
0x6ce: {  	v7 =	vand.u32 $0xFFFFFC00, v7;
	v48 =	vld.idx.msk [tilespmem:v12+s2+$0x0], $0xffff;
	[tilespmem:s0+$0xB0D0] =	vst v54  }
0x6cf: {  	v10 =	vor.u32 v4, v7;
	v49 =	vld.idx.msk [tilespmem:v52+s2+$0x0], $0xffff;
	[tilespmem:s26+$0xB090] =	vst v5  }
0x6d0: {  	s28 =	sadd.s32 $0x200, s28;
	v12 =	vor.u32 $0x80, v10;
	v7 =	vor.u32 $0x100, v10;
	v4 =	vor.u32 $0x180, v10;
	v50 =	vld.idx.msk [tilespmem:v53+s2+$0x0], $0xffff;
	[tilespmem:s26+$0xB0D0] =	vst v55  }
0x6d1: {  	_ =	sdelay $0x3  }
0x6d2: {  	[tilespmem:s25+$0xB1D0] =	vst v11;
	v9 =	vld.idx.msk [tilespmem:v44+s2+$0x0], $0xffff  }
0x6d3: {  	[tilespmem:s25+$0xB090] =	vst v46;
	v5 =	vld.idx.msk [tilespmem:v51+s2+$0x0], $0xffff  }
0x6d4: {  	[tilespmem:s20+$0xB150] =	vst v47;
	v51 =	vld.idx.msk [tilespmem:v45+s2+$0x0], $0xffff  }
0x6d5: {  	[tilespmem:s0+$0xB110] =	vst v48;
	v42 =	vld.idx.msk [tilespmem:v42+s2+$0x0], $0xffff  }
0x6d6: {  	v8 =	vor.u32 $0x280, v14;
	v43 =	vld.idx.msk [tilespmem:v43+s2+$0x0], $0xffff;
	[tilespmem:s0+$0xB150] =	vst v49  }
0x6d7: {  	v52 =	vld.idx.msk [tilespmem:v40+s2+$0x0], $0xffff  }
0x6d8: {  	[tilespmem:s26+$0xB110] =	vst v50;
	v50 =	vld.idx.msk [tilespmem:v10+s2+$0x0], $0xffff  }
0x6d9: {  	v41 =	vld.idx.msk [tilespmem:v41+s2+$0x0], $0xffff;
	[tilespmem:s26+$0xB150] =	vst v9  }
0x6da: {  	[tilespmem:s25+$0xB250] =	vst v5;
	v9 =	vld.idx.msk [tilespmem:v39+s2+$0x0], $0xffff  }
0x6db: {  	[tilespmem:s25+$0xB110] =	vst v51;
	v5 =	vld.idx.msk [tilespmem:v8+s2+$0x0], $0xffff  }
0x6dc: {  	[tilespmem:s20+$0xB1D0] =	vst v42;
	v11 =	vld.idx.msk [tilespmem:v38+s2+$0x0], $0xffff  }
0x6dd: {  	v53 =	vor.u32 $0x300, v14;
	v35 =	vld.idx.msk [tilespmem:v35+s2+$0x0], $0xffff;
	[tilespmem:s0+$0xB190] =	vst v43  }
0x6de: {  	[tilespmem:s0+$0xB1D0] =	vst v52;
	v54 =	vld.idx.msk [tilespmem:v37+s2+$0x0], $0xffff  }
0x6df: {  	[tilespmem:s26+$0xB190] =	vst v41;
	v36 =	vld.idx.msk [tilespmem:v36+s2+$0x0], $0xffff  }
0x6e0: {  	[tilespmem:s26+$0xB1D0] =	vst v9;
	v56 =	vld.idx.msk [tilespmem:v34+s2+$0x0], $0xffff  }
0x6e1: {  	[tilespmem:s25+$0xB2D0] =	vst v5;
	v57 =	vld.idx.msk [tilespmem:v33+s2+$0x0], $0xffff  }
0x6e2: {  	[tilespmem:s25+$0xB190] =	vst v11;
	v5 =	vld.idx.msk [tilespmem:v53+s2+$0x0], $0xffff  }
0x6e3: {  	v32 =	vld.idx.msk [tilespmem:v32+s2+$0x0], $0xffff;
	[tilespmem:s20+$0xB250] =	vst v35  }
0x6e4: {  	v55 =	vor.u32 $0x380, v14;
	[tilespmem:s0+$0xB210] =	vst v54;
	v58 =	vld.idx.msk [tilespmem:v31+s2+$0x0], $0xffff  }
0x6e5: {  	[tilespmem:s0+$0xB250] =	vst v36;
	v59 =	vld.idx.msk [tilespmem:v30+s2+$0x0], $0xffff  }
0x6e6: {  	[tilespmem:s26+$0xB210] =	vst v56;
	v60 =	vld.idx.msk [tilespmem:v28+s2+$0x0], $0xffff  }
0x6e7: {  	[tilespmem:s26+$0xB250] =	vst v57;
	v61 =	vld.idx.msk [tilespmem:v29+s2+$0x0], $0xffff  }
0x6e8: {  	[tilespmem:s25+$0xB350] =	vst v5;
	v27 =	vld.idx.msk [tilespmem:v27+s2+$0x0], $0xffff  }
0x6e9: {  	[tilespmem:s25+$0xB210] =	vst v32;
	v5 =	vld.idx.msk [tilespmem:v55+s2+$0x0], $0xffff  }
0x6ea: {  	[tilespmem:s20+$0xB2D0] =	vst v58;
	v62 =	vld.idx.msk [tilespmem:v26+s2+$0x0], $0xffff  }
0x6eb: {  	[tilespmem:s0+$0xB290] =	vst v59;
	v63 =	vld.idx.msk [tilespmem:v25+s2+$0x0], $0xffff  }
0x6ec: {  	v25 =	vld.idx.msk [tilespmem:v24+s2+$0x0], $0xffff;
	[tilespmem:s26+$0xB290] =	vst v61  }
0x6ed: {  	[tilespmem:s26+$0xB2D0] =	vst v27;
	v22 =	vld.idx.msk [tilespmem:v22+s2+$0x0], $0xffff  }
0x6ee: {  	[tilespmem:s25+$0xB3D0] =	vst v5;
	v28 =	vld.idx.msk [tilespmem:v21+s2+$0x0], $0xffff  }
0x6ef: {  	[tilespmem:s25+$0xB290] =	vst v62;
	v5 =	vld [tilespmem:s29+$0x2060]  }
0x6f0: {  	[tilespmem:s20+$0xB350] =	vst v63;
	v30 =	vld.idx.msk [tilespmem:v20+s2+$0x0], $0xffff  }
0x6f1: {  	[tilespmem:s0+$0xB2D0] =	vst v60;
	v31 =	vld.idx.msk [tilespmem:v19+s2+$0x0], $0xffff  }
0x6f2: {  	v26 =	vld.idx.msk [tilespmem:v23+s2+$0x0], $0xffff;
	[tilespmem:s0+$0xB310] =	vst v25  }
0x6f3: {  	v9 =	vld.idx.msk [tilespmem:v18+s2+$0x0], $0xffff;
	[tilespmem:s26+$0xB310] =	vst v22  }
0x6f4: {  	v32 =	vld.idx.msk [tilespmem:v17+s2+$0x0], $0xffff;
	[tilespmem:s26+$0xB350] =	vst v28  }
0x6f5: {  	[tilespmem:s25+$0xB310] =	vst v30;
	v13 =	vld.idx.msk [tilespmem:v13+s2+$0x0], $0xffff  }
0x6f6: {  	v27 =	vshll.u32 v5, $0x3;
	[tilespmem:s20+$0xB3D0] =	vst v31;
	v35 =	vld.idx.msk [tilespmem:v15+s2+$0x0], $0xffff  }
0x6f7: {  	v5 =	vand.u32 $0x7F, v5;
	v29 =	vand.u32 $0xFFFFFC00, v27;
	v36 =	vld [tilespmem:s24+$0x2060]  }
0x6f8: {  	[tilespmem:s20+$0xB030] =	vst v50;
	v20 =	vor.u32 v5, v29;
	v5 =	vld.idx.msk [tilespmem:v6+s2+$0x0], $0xffff  }
0x6f9: {  	[tilespmem:s0+$0xB390] =	vst v9;
	v6 =	vld.idx.msk [tilespmem:v12+s2+$0x0], $0xffff  }
0x6fa: {  	[tilespmem:s0+$0xB350] =	vst v26;
	v37 =	vld [tilespmem:s30+$0x2020]  }
0x6fb: {  	v11 =	vld.idx.msk [tilespmem:v16+s2+$0x0], $0xffff;
	[tilespmem:s26+$0xB390] =	vst v32  }
0x6fc: {  	[tilespmem:s26+$0xB3D0] =	vst v13;
	v16 =	vld [tilespmem:s31+$0x2020]  }
0x6fd: {  	v43 =	vld [tilespmem:s31+$0x2060]  }
0x6fe: {  	v34 =	vor.u32 $0x80, v20;
	[tilespmem:s25+$0xB390] =	vst v35;
	v33 =	vld.idx.msk [tilespmem:v20+s2+$0x0], $0xffff;
	v9 =	vshll.u32 v36, $0x3  }
0x6ff: {  	v40 =	vand.u32 $0x7F, v36;
	v46 =	vld [tilespmem:s29+$0x2020];
	[tilespmem:s20+$0xB0B0] =	vst v6;
	v41 =	vand.u32 $0xFFFFFC00, v9;
	v42 =	vshll.u32 v37, $0x3  }
0x700: {  	[tilespmem:s0+$0xB3D0] =	vst v11;
	v44 =	vand.u32 $0x7F, v37;
	v7 =	vld.idx.msk [tilespmem:v7+s2+$0x0], $0xffff;
	v9 =	vand.u32 $0xFFFFFC00, v42;
	v11 =	vor.u32 v40, v41  }
0x701: {  	v9 =	vor.u32 v44, v9;
	v52 =	vshll.u32 v16, $0x3  }
0x702: {  	v38 =	vld [tilespmem:s30+$0x2060];
	v51 =	vand.u32 $0x7F, v16;
	v54 =	vand.u32 $0xFFFFFC00, v52;
	v56 =	vshll.u32 v43, $0x3  }
0x703: {  	v55 =	vand.u32 $0x7F, v43;
	[tilespmem:s25+$0xB060] =	vst v33;
	v17 =	vand.u32 $0xFFFFFC00, v56;
	v14 =	vor.u32 v51, v54  }
0x704: {  	v57 =	vshll.u32 v46, $0x3;
	v8 =	vld.idx.msk [tilespmem:v34+s2+$0x0], $0xffff;
	v15 =	vor.u32 v55, v17  }
0x705: {  	v39 =	vor.u32 $0x100, v20;
	v59 =	vand.u32 $0x7F, v46;
	v60 =	vand.u32 $0xFFFFFC00, v57;
	[tilespmem:s20+$0xB130] =	vst v7;
	v58 =	vld.idx.msk [tilespmem:v11+s2+$0x0], $0xffff  }
0x706: {  	v13 =	vor.u32 v59, v60;
	v4 =	vld.idx.msk [tilespmem:v4+s2+$0x0], $0xffff  }
0x707: {  	v45 =	vshll.u32 v38, $0x3;
	v63 =	vor.u32 $0x80, v11;
	v61 =	vld.idx.msk [tilespmem:v9+s2+$0x0], $0xffff  }
0x708: {  	v47 =	vand.u32 $0x7F, v38;
	v48 =	vand.u32 $0xFFFFFC00, v45;
	v31 =	vor.u32 $0x80, v9;
	v32 =	vld.idx.msk [tilespmem:v14+s2+$0x0], $0xffff  }
0x709: {  	[tilespmem:s25+$0xB0E0] =	vst v8;
	v8 =	vor.u32 v47, v48;
	v34 =	vld.idx.msk [tilespmem:v15+s2+$0x0], $0xffff  }
0x70a: {  	v35 =	vor.u32 $0x80, v14;
	v49 =	vld.idx.msk [tilespmem:v39+s2+$0x0], $0xffff  }
0x70b: {  	v37 =	vor.u32 $0x80, v15;
	[tilespmem:s20+$0xB060] =	vst v58;
	v36 =	vld.idx.msk [tilespmem:v13+s2+$0x0], $0xffff  }
0x70c: {  	v53 =	vor.u32 $0x180, v20;
	v18 =	vld.idx.msk [tilespmem:v63+s2+$0x0], $0xffff;
	[tilespmem:s0+$0xB020] =	vst v61  }
0x70d: {  	v41 =	vor.u32 $0x100, v11;
	v39 =	vld.idx.msk [tilespmem:v31+s2+$0x0], $0xffff;
	[tilespmem:s26+$0xB020] =	vst v32  }
0x70e: {  	v43 =	vor.u32 $0x100, v9;
	v62 =	vld.idx.msk [tilespmem:v8+s2+$0x0], $0xffff;
	[tilespmem:s26+$0xB060] =	vst v34  }
0x70f: {  	v33 =	vor.u32 $0x80, v8;
	v44 =	vld.idx.msk [tilespmem:v35+s2+$0x0], $0xffff;
	[tilespmem:s25+$0xB160] =	vst v49  }
0x710: {  	v47 =	vor.u32 $0x100, v14;
	[tilespmem:s25+$0xB020] =	vst v36;
	v46 =	vld.idx.msk [tilespmem:v37+s2+$0x0], $0xffff  }
0x711: {  	v38 =	vor.u32 $0x80, v13;
	v16 =	vld.idx.msk [tilespmem:v53+s2+$0x0], $0xffff;
	[tilespmem:s20+$0xB0E0] =	vst v18  }
0x712: {  	v30 =	vor.u32 $0x200, v20;
	[tilespmem:s0+$0xB0A0] =	vst v39;
	v50 =	vld.idx.msk [tilespmem:v41+s2+$0x0], $0xffff  }
0x713: {  	v53 =	vor.u32 $0x180, v11;
	v24 =	vld.idx.msk [tilespmem:v43+s2+$0x0], $0xffff;
	[tilespmem:s0+$0xB060] =	vst v62  }
0x714: {  	v54 =	vor.u32 $0x180, v9;
	[tilespmem:s26+$0xB0A0] =	vst v44;
	v42 =	vld.idx.msk [tilespmem:v33+s2+$0x0], $0xffff  }
0x715: {  	v45 =	vor.u32 $0x100, v8;
	v27 =	vld.idx.msk [tilespmem:v47+s2+$0x0], $0xffff;
	[tilespmem:s26+$0xB0E0] =	vst v46  }
0x716: {  	v56 =	vor.u32 $0x180, v14;
	[tilespmem:s25+$0xB1E0] =	vst v16;
	v16 =	vld.idx.msk [tilespmem:v38+s2+$0x0], $0xffff  }
0x717: {  	v48 =	vor.u32 $0x100, v15;
	v12 =	vld.idx.msk [tilespmem:v30+s2+$0x0], $0xffff;
	[tilespmem:s20+$0xB160] =	vst v50  }
0x718: {  	v52 =	vor.u32 $0x100, v13;
	[tilespmem:s0+$0xB120] =	vst v24;
	v61 =	vld.idx.msk [tilespmem:v53+s2+$0x0], $0xffff  }
0x719: {  	v40 =	vor.u32 $0x280, v20;
	v24 =	vld.idx.msk [tilespmem:v54+s2+$0x0], $0xffff;
	[tilespmem:s0+$0xB0E0] =	vst v42  }
0x71a: {  	v63 =	vor.u32 $0x200, v11;
	[tilespmem:s26+$0xB120] =	vst v27;
	v26 =	vld.idx.msk [tilespmem:v45+s2+$0x0], $0xffff  }
0x71b: {  	v28 =	vor.u32 $0x200, v9;
	[tilespmem:s25+$0xB0A0] =	vst v16;
	v18 =	vld.idx.msk [tilespmem:v56+s2+$0x0], $0xffff  }
0x71c: {  	v55 =	vor.u32 $0x180, v8;
	[tilespmem:s25+$0xB260] =	vst v12;
	v12 =	vld.idx.msk [tilespmem:v48+s2+$0x0], $0xffff  }
0x71d: {  	v32 =	vor.u32 $0x200, v14;
	v58 =	vld.idx.msk [tilespmem:v52+s2+$0x0], $0xffff  }
0x71e: {  	v60 =	vor.u32 $0x180, v15;
	v49 =	vld.idx.msk [tilespmem:v40+s2+$0x0], $0xffff;
	[tilespmem:s20+$0xB1E0] =	vst v61  }
0x71f: {  	v62 =	vor.u32 $0x180, v13;
	[tilespmem:s0+$0xB1A0] =	vst v24;
	v35 =	vld.idx.msk [tilespmem:v63+s2+$0x0], $0xffff  }
0x720: {  	v51 =	vor.u32 $0x300, v20;
	v37 =	vld.idx.msk [tilespmem:v28+s2+$0x0], $0xffff;
	[tilespmem:s0+$0xB160] =	vst v26  }
0x721: {  	v38 =	vor.u32 $0x280, v11;
	[tilespmem:s26+$0xB1A0] =	vst v18;
	v23 =	vld.idx.msk [tilespmem:v55+s2+$0x0], $0xffff  }
0x722: {  	v39 =	vor.u32 $0x280, v9;
	[tilespmem:s26+$0xB160] =	vst v12;
	v42 =	vld.idx.msk [tilespmem:v32+s2+$0x0], $0xffff  }
0x723: {  	v29 =	vor.u32 $0x200, v8;
	[tilespmem:s25+$0xB120] =	vst v58;
	v31 =	vld.idx.msk [tilespmem:v60+s2+$0x0], $0xffff  }
0x724: {  	v43 =	vor.u32 $0x280, v14;
	[tilespmem:s25+$0xB2E0] =	vst v49;
	v33 =	vld.idx.msk [tilespmem:v62+s2+$0x0], $0xffff  }
0x725: {  	v34 =	vor.u32 $0x200, v15;
	v57 =	vld.idx.msk [tilespmem:v51+s2+$0x0], $0xffff;
	[tilespmem:s20+$0xB260] =	vst v35  }
0x726: {  	v59 =	vor.u32 $0x380, v20;
	[tilespmem:s0+$0xB220] =	vst v37;
	v48 =	vld.idx.msk [tilespmem:v38+s2+$0x0], $0xffff  }
0x727: {  	v36 =	vor.u32 $0x200, v13;
	v50 =	vld.idx.msk [tilespmem:v39+s2+$0x0], $0xffff;
	[tilespmem:s0+$0xB1E0] =	vst v23  }
0x728: {  	v49 =	vor.u32 $0x300, v11;
	[tilespmem:s26+$0xB220] =	vst v42;
	v16 =	vld.idx.msk [tilespmem:v29+s2+$0x0], $0xffff  }
0x729: {  	v52 =	vor.u32 $0x300, v9;
	[tilespmem:s26+$0xB1E0] =	vst v31;
	v19 =	vld.idx.msk [tilespmem:v43+s2+$0x0], $0xffff  }
0x72a: {  	v55 =	vor.u32 $0x300, v14;
	[tilespmem:s25+$0xB360] =	vst v57;
	v44 =	vld.idx.msk [tilespmem:v34+s2+$0x0], $0xffff  }
0x72b: {  	v45 =	vor.u32 $0x280, v15;
	[tilespmem:s25+$0xB1A0] =	vst v33;
	v30 =	vld.idx.msk [tilespmem:v59+s2+$0x0], $0xffff  }
0x72c: {  	v46 =	vld.idx.msk [tilespmem:v36+s2+$0x0], $0xffff;
	[tilespmem:s20+$0xB2E0] =	vst v48  }
0x72d: {  	v47 =	vor.u32 $0x280, v13;
	v57 =	vld.idx.msk [tilespmem:v49+s2+$0x0], $0xffff;
	[tilespmem:s0+$0xB2A0] =	vst v50  }
0x72e: {  	v41 =	vor.u32 $0x280, v8;
	v59 =	vld.idx.msk [tilespmem:v52+s2+$0x0], $0xffff;
	[tilespmem:s26+$0xB2A0] =	vst v19  }
0x72f: {  	v11 =	vor.u32 $0x380, v11;
	[tilespmem:s26+$0xB260] =	vst v44;
	v62 =	vld.idx.msk [tilespmem:v55+s2+$0x0], $0xffff  }
0x730: {  	v14 =	vor.u32 $0x380, v14;
	[tilespmem:s25+$0xB3E0] =	vst v30;
	v20 =	vld.idx.msk [tilespmem:v45+s2+$0x0], $0xffff  }
0x731: {  	v56 =	vor.u32 $0x300, v15;
	[tilespmem:s25+$0xB220] =	vst v46;
	v40 =	vld [tilespmem:s29+$0x2070]  }
0x732: {  	v9 =	vor.u32 $0x380, v9;
	[tilespmem:s0+$0xB260] =	vst v16;
	v22 =	vld.idx.msk [tilespmem:v47+s2+$0x0], $0xffff  }
0x733: {  	v58 =	vor.u32 $0x300, v13;
	v53 =	vld.idx.msk [tilespmem:v41+s2+$0x0], $0xffff;
	[tilespmem:s20+$0xB360] =	vst v57  }
0x734: {  	v54 =	vor.u32 $0x300, v8;
	v11 =	vld.idx.msk [tilespmem:v11+s2+$0x0], $0xffff;
	[tilespmem:s26+$0xB320] =	vst v62  }
0x735: {  	[tilespmem:s26+$0xB2E0] =	vst v20;
	v14 =	vld.idx.msk [tilespmem:v14+s2+$0x0], $0xffff  }
0x736: {  	[tilespmem:s0+$0xB320] =	vst v59;
	v51 =	vshll.u32 v40, $0x3;
	v63 =	vld.idx.msk [tilespmem:v56+s2+$0x0], $0xffff  }
0x737: {  	v15 =	vor.u32 $0x380, v15;
	v9 =	vld.idx.msk [tilespmem:v9+s2+$0x0], $0xffff;
	[tilespmem:s25+$0xB2A0] =	vst v22;
	v18 =	vand.u32 $0x7F, v40;
	v12 =	vand.u32 $0xFFFFFC00, v51  }
0x738: {  	[tilespmem:s0+$0xB2E0] =	vst v53;
	v16 =	vld.idx.msk [tilespmem:v58+s2+$0x0], $0xffff;
	v12 =	vor.u32 v18, v12  }
0x739: {  	[tilespmem:s20+$0xB3E0] =	vst v11;
	v18 =	vld.idx.msk [tilespmem:v54+s2+$0x0], $0xffff  }
0x73a: {  	v13 =	vor.u32 $0x380, v13;
	v24 =	vld [tilespmem:s24+$0x2070];
	[tilespmem:s26+$0xB3A0] =	vst v14  }
0x73b: {  	v8 =	vor.u32 $0x380, v8;
	[tilespmem:s26+$0xB360] =	vst v63;
	v28 =	vld [tilespmem:s31+$0x2030]  }
0x73c: {  	v15 =	vld.idx.msk [tilespmem:v15+s2+$0x0], $0xffff  }
0x73d: {  	[tilespmem:s0+$0xB3A0] =	vst v9;
	v60 =	vld.idx.msk [tilespmem:v12+s2+$0x0], $0xffff  }
0x73e: {  	v61 =	vor.u32 $0x80, v12;
	v26 =	vld [tilespmem:s30+$0x2030];
	[tilespmem:s25+$0xB320] =	vst v16  }
0x73f: {  	v13 =	vld.idx.msk [tilespmem:v13+s2+$0x0], $0xffff;
	[tilespmem:s0+$0xB360] =	vst v18  }
0x740: {  	v9 =	vshll.u32 v24, $0x3;
	v8 =	vld.idx.msk [tilespmem:v8+s2+$0x0], $0xffff  }
0x741: {  	v31 =	vld.idx.msk [tilespmem:v3+s2+$0x0], $0xffff;
	v30 =	vand.u32 $0x7F, v24;
	v32 =	vand.u32 $0xFFFFFC00, v9;
	v39 =	vshll.u32 v28, $0x3;
	[tilespmem:s26+$0xB3E0] =	vst v15  }
0x742: {  	v40 =	vld.idx.msk [tilespmem:v2+s2+$0x0], $0xffff;
	v3 =	vor.u32 v30, v32;
	v15 =	vand.u32 $0x7F, v28;
	v41 =	vand.u32 $0xFFFFFC00, v39;
	[tilespmem:s25+$0xB070] =	vst v60  }
0x743: {  	[tilespmem:s23+$0xB3F0] =	vst v5;
	v5 =	vor.u32 v15, v41;
	v17 =	vld.idx.msk [tilespmem:v61+s2+$0x0], $0xffff  }
0x744: {  	v22 =	vor.u32 $0x100, v12;
	[tilespmem:s25+$0xB3A0] =	vst v13;
	v29 =	vld [tilespmem:s31+$0x2070]  }
0x745: {  	v33 =	vshll.u32 v26, $0x3;
	v38 =	vld [tilespmem:s29+$0x2030];
	[tilespmem:s0+$0xB3E0] =	vst v8  }
0x746: {  	v35 =	vand.u32 $0x7F, v26;
	v36 =	vand.u32 $0xFFFFFC00, v33;
	v27 =	vld [tilespmem:s30+$0x2070]  }
0x747: {  	v2 =	vor.u32 v35, v36;
	v48 =	vld.idx.msk [tilespmem:v3+s2+$0x0], $0xffff  }
0x748: {  	v25 =	vor.u32 $0x180, v12;
	v51 =	vor.u32 $0x80, v3;
	v54 =	vld.idx.msk [tilespmem:v5+s2+$0x0], $0xffff;
	[tilespmem:s25+$0xB0F0] =	vst v17  }
0x749: {  	v57 =	vor.u32 $0x80, v5;
	v42 =	vshll.u32 v29, $0x3;
	v44 =	vand.u32 $0x7F, v29;
	v23 =	vld.idx.msk [tilespmem:v22+s2+$0x0], $0xffff  }
0x74a: {  	[tilespmem:s20+$0xB1B0] =	vst v4;
	v43 =	vld.idx.msk [tilespmem:v1+s2+$0x0], $0xffff;
	v45 =	vshll.u32 v38, $0x3;
	v47 =	vand.u32 $0x7F, v38;
	v8 =	vand.u32 $0xFFFFFC00, v42  }
0x74b: {  	[tilespmem:s22+$0xB3B0] =	vst v31;
	v46 =	vld.idx.msk [tilespmem:v0+s2+$0x0], $0xffff;
	v37 =	vshll.u32 v27, $0x3;
	v6 =	vor.u32 v44, v8;
	v8 =	vand.u32 $0xFFFFFC00, v45  }
0x74c: {  	v50 =	vld.idx.msk [tilespmem:v2+s2+$0x0], $0xffff;
	v14 =	vand.u32 $0x7F, v27;
	[tilespmem:s20+$0xB070] =	vst v48;
	v9 =	vand.u32 $0xFFFFFC00, v37;
	v0 =	vor.u32 v47, v8  }
0x74d: {  	v15 =	vld.idx.msk [tilespmem:v51+s2+$0x0], $0xffff;
	v1 =	vor.u32 v14, v9;
	[tilespmem:s26+$0xB030] =	vst v54  }
0x74e: {  	v62 =	vor.u32 $0x100, v3;
	v9 =	vld.idx.msk [tilespmem:v57+s2+$0x0], $0xffff;
	[tilespmem:s25+$0xB170] =	vst v23  }
0x74f: {  	[tilespmem:s21+$0xB3B0] =	vst v43;
	v53 =	vor.u32 $0x80, v2;
	v16 =	vld.idx.msk [tilespmem:v25+s2+$0x0], $0xffff  }
0x750: {  	[tilespmem:s19+$0xB3B0] =	vst v46;
	v34 =	vor.u32 $0x200, v12;
	v56 =	vld.idx.msk [tilespmem:v6+s2+$0x0], $0xffff  }
0x751: {  	v24 =	vor.u32 $0x100, v5;
	[tilespmem:s0+$0xB030] =	vst v50;
	v58 =	vld.idx.msk [tilespmem:v0+s2+$0x0], $0xffff  }
0x752: {  	v60 =	vor.u32 $0x80, v6;
	[tilespmem:s20+$0xB0F0] =	vst v15;
	v52 =	vld.idx.msk [tilespmem:v1+s2+$0x0], $0xffff  }
0x753: {  	v61 =	vor.u32 $0x80, v0;
	v17 =	vld.idx.msk [tilespmem:v62+s2+$0x0], $0xffff;
	[tilespmem:s26+$0xB0B0] =	vst v9  }
0x754: {  	v27 =	vor.u32 $0x180, v3;
	[tilespmem:s25+$0xB1F0] =	vst v16;
	v16 =	vld.idx.msk [tilespmem:v53+s2+$0x0], $0xffff  }
0x755: {  	v55 =	vor.u32 $0x80, v1;
	[tilespmem:s26+$0xB070] =	vst v56;
	v13 =	vld.idx.msk [tilespmem:v34+s2+$0x0], $0xffff  }
0x756: {  	v63 =	vor.u32 $0x100, v2;
	v15 =	vld.idx.msk [tilespmem:v24+s2+$0x0], $0xffff;
	[tilespmem:s25+$0xB030] =	vst v58  }
0x757: {  	v49 =	vor.u32 $0x280, v12;
	v23 =	vld.idx.msk [tilespmem:v60+s2+$0x0], $0xffff;
	[tilespmem:s0+$0xB070] =	vst v52  }
0x758: {  	v25 =	vor.u32 $0x100, v6;
	v11 =	vld.idx.msk [tilespmem:v61+s2+$0x0], $0xffff;
	[tilespmem:s20+$0xB170] =	vst v17  }
0x759: {  	v31 =	vor.u32 $0x180, v5;
	v9 =	vld.idx.msk [tilespmem:v27+s2+$0x0], $0xffff;
	[tilespmem:s0+$0xB0B0] =	vst v16  }
0x75a: {  	v34 =	vor.u32 $0x200, v3;
	[tilespmem:s25+$0xB270] =	vst v13;
	v13 =	vld.idx.msk [tilespmem:v55+s2+$0x0], $0xffff  }
0x75b: {  	v26 =	vor.u32 $0x100, v0;
	[tilespmem:s26+$0xB130] =	vst v15;
	v18 =	vld.idx.msk [tilespmem:v63+s2+$0x0], $0xffff  }
0x75c: {  	v21 =	vor.u32 $0x100, v1;
	[tilespmem:s26+$0xB0F0] =	vst v23;
	v14 =	vld.idx.msk [tilespmem:v49+s2+$0x0], $0xffff  }
0x75d: {  	v28 =	vor.u32 $0x180, v2;
	[tilespmem:s25+$0xB0B0] =	vst v11;
	v16 =	vld.idx.msk [tilespmem:v25+s2+$0x0], $0xffff  }
0x75e: {  	v59 =	vor.u32 $0x300, v12;
	v11 =	vld.idx.msk [tilespmem:v31+s2+$0x0], $0xffff;
	[tilespmem:s20+$0xB1F0] =	vst v9  }
0x75f: {  	v32 =	vor.u32 $0x180, v6;
	v8 =	vld.idx.msk [tilespmem:v34+s2+$0x0], $0xffff;
	[tilespmem:s0+$0xB0F0] =	vst v13  }
0x760: {  	v42 =	vor.u32 $0x280, v3;
	v13 =	vld.idx.msk [tilespmem:v26+s2+$0x0], $0xffff;
	[tilespmem:s0+$0xB130] =	vst v18  }
0x761: {  	v37 =	vor.u32 $0x200, v5;
	[tilespmem:s25+$0xB2F0] =	vst v14;
	v14 =	vld.idx.msk [tilespmem:v21+s2+$0x0], $0xffff  }
0x762: {  	v33 =	vor.u32 $0x180, v0;
	[tilespmem:s26+$0xB170] =	vst v16;
	v7 =	vld.idx.msk [tilespmem:v28+s2+$0x0], $0xffff  }
0x763: {  	v35 =	vor.u32 $0x200, v2;
	[tilespmem:s26+$0xB1B0] =	vst v11;
	v22 =	vld.idx.msk [tilespmem:v59+s2+$0x0], $0xffff  }
0x764: {  	v12 =	vor.u32 $0x380, v12;
	v16 =	vld.idx.msk [tilespmem:v32+s2+$0x0], $0xffff;
	[tilespmem:s20+$0xB270] =	vst v8  }
0x765: {  	v30 =	vor.u32 $0x180, v1;
	v11 =	vld.idx.msk [tilespmem:v42+s2+$0x0], $0xffff;
	[tilespmem:s25+$0xB130] =	vst v13  }
0x766: {  	v39 =	vor.u32 $0x200, v6;
	v13 =	vld.idx.msk [tilespmem:v37+s2+$0x0], $0xffff;
	[tilespmem:s0+$0xB170] =	vst v14  }
0x767: {  	v38 =	vld.idx.msk [tilespmem:v33+s2+$0x0], $0xffff;
	[tilespmem:s0+$0xB1B0] =	vst v7  }
0x768: {  	v49 =	vor.u32 $0x300, v3;
	[tilespmem:s25+$0xB370] =	vst v22;
	v14 =	vld.idx.msk [tilespmem:v35+s2+$0x0], $0xffff  }
0x769: {  	[tilespmem:s22+$0xB3F0] =	vst v40;
	v45 =	vor.u32 $0x280, v5;
	v29 =	vld.idx.msk [tilespmem:v12+s2+$0x0], $0xffff  }
0x76a: {  	v40 =	vor.u32 $0x200, v0;
	[tilespmem:s26+$0xB1F0] =	vst v16;
	v12 =	vld.idx.msk [tilespmem:v30+s2+$0x0], $0xffff  }
0x76b: {  	v36 =	vor.u32 $0x200, v1;
	v9 =	vld.idx.msk [tilespmem:v39+s2+$0x0], $0xffff;
	[tilespmem:s20+$0xB2F0] =	vst v11  }
0x76c: {  	v41 =	vor.u32 $0x200, v10;
	[tilespmem:s26+$0xB230] =	vst v13  }
0x76d: {  	v43 =	vor.u32 $0x280, v2;
	v13 =	vld.idx.msk [tilespmem:v49+s2+$0x0], $0xffff;
	[tilespmem:s25+$0xB1B0] =	vst v38  }
0x76e: {  	v46 =	vor.u32 $0x280, v6;
	v4 =	vld.idx.msk [tilespmem:v45+s2+$0x0], $0xffff;
	[tilespmem:s0+$0xB230] =	vst v14  }
0x76f: {  	v3 =	vor.u32 $0x380, v3;
	v7 =	vld.idx.msk [tilespmem:v40+s2+$0x0], $0xffff;
	[tilespmem:s0+$0xB1F0] =	vst v12  }
0x770: {  	v47 =	vor.u32 $0x280, v0;
	[tilespmem:s26+$0xB270] =	vst v9;
	v15 =	vld.idx.msk [tilespmem:v36+s2+$0x0], $0xffff  }
0x771: {  	v44 =	vor.u32 $0x280, v1;
	[tilespmem:s25+$0xB3F0] =	vst v29;
	v12 =	vld.idx.msk [tilespmem:v41+s2+$0x0], $0xffff  }
0x772: {  	v48 =	vor.u32 $0x280, v10;
	v16 =	vld.idx.msk [tilespmem:v43+s2+$0x0], $0xffff;
	[tilespmem:s20+$0xB370] =	vst v13  }
0x773: {  	v52 =	vor.u32 $0x300, v5;
	v8 =	vld.idx.msk [tilespmem:v46+s2+$0x0], $0xffff;
	[tilespmem:s26+$0xB2B0] =	vst v4  }
0x774: {  	v50 =	vor.u32 $0x300, v2;
	v3 =	vld.idx.msk [tilespmem:v3+s2+$0x0], $0xffff;
	[tilespmem:s25+$0xB230] =	vst v7  }
0x775: {  	v54 =	vor.u32 $0x300, v6;
	v53 =	vld.idx.msk [tilespmem:v47+s2+$0x0], $0xffff;
	[tilespmem:s0+$0xB270] =	vst v15  }
0x776: {  	v55 =	vor.u32 $0x300, v0;
	[tilespmem:s20+$0xB230] =	vst v12;
	v17 =	vld.idx.msk [tilespmem:v44+s2+$0x0], $0xffff  }
0x777: {  	v51 =	vor.u32 $0x300, v1;
	[tilespmem:s0+$0xB2B0] =	vst v16;
	v15 =	vld.idx.msk [tilespmem:v48+s2+$0x0], $0xffff  }
0x778: {  	v56 =	vor.u32 $0x300, v10;
	v58 =	vld.idx.msk [tilespmem:v52+s2+$0x0], $0xffff;
	[tilespmem:s26+$0xB2F0] =	vst v8  }
0x779: {  	v5 =	vor.u32 $0x380, v5;
	v57 =	vld.idx.msk [tilespmem:v50+s2+$0x0], $0xffff;
	[tilespmem:s20+$0xB3F0] =	vst v3  }
0x77a: {  	v2 =	vor.u32 $0x380, v2;
	v59 =	vld.idx.msk [tilespmem:v54+s2+$0x0], $0xffff;
	[tilespmem:s25+$0xB2B0] =	vst v53  }
0x77b: {  	v6 =	vor.u32 $0x380, v6;
	v11 =	vld.idx.msk [tilespmem:v55+s2+$0x0], $0xffff;
	[tilespmem:s0+$0xB2F0] =	vst v17  }
0x77c: {  	v0 =	vor.u32 $0x380, v0;
	[tilespmem:s20+$0xB2B0] =	vst v15;
	v7 =	vld.idx.msk [tilespmem:v51+s2+$0x0], $0xffff  }
0x77d: {  	v1 =	vor.u32 $0x380, v1;
	[tilespmem:s26+$0xB330] =	vst v58;
	v60 =	vld.idx.msk [tilespmem:v56+s2+$0x0], $0xffff  }
0x77e: {  	v61 =	vor.u32 $0x380, v10;
	v5 =	vld.idx.msk [tilespmem:v5+s2+$0x0], $0xffff;
	[tilespmem:s0+$0xB330] =	vst v57  }
0x77f: {  	[tilespmem:s26+$0xB370] =	vst v59;
	v2 =	vld.idx.msk [tilespmem:v2+s2+$0x0], $0xffff  }
0x780: {  	v62 =	vld.idx.msk [tilespmem:v6+s2+$0x0], $0xffff;
	[tilespmem:s25+$0xB330] =	vst v11  }
0x781: {  	v0 =	vld.idx.msk [tilespmem:v0+s2+$0x0], $0xffff;
	[tilespmem:s0+$0xB370] =	vst v7  }
0x782: {  	[tilespmem:s20+$0xB330] =	vst v60;
	v1 =	vld.idx.msk [tilespmem:v1+s2+$0x0], $0xffff  }
0x783: {  	[tilespmem:s26+$0xB3B0] =	vst v5;
	v63 =	vld.idx.msk [tilespmem:v61+s2+$0x0], $0xffff  }
0x784: {  	[tilespmem:s0+$0xB3B0] =	vst v2  }
0x785: {  	s30 =	smul.u32 $0x3E8000, s17;
	[tilespmem:s26+$0xB3F0] =	vst v62  }
.Ltmp7:
0x786: {  	[tilespmem:s25+$0xB3B0] =	vst v0;
	(pc) =	sbr.rel .LBB2_8-.Ltmp7, $4  }
0x787: {  	[tilespmem:s0+$0xB3F0] =	vst v1;
	s0 =	sadd.s32 s30, s18  }
0x788: {  	s1 =	rddreg [dreg:$0x1];
	[tilespmem:s20+$0xB3B0] =	vst v63;
	s0 =	sshrl.u32 s0, $0x3  }
0x789: {  	s31 =	simm.s32 $0xB000;
	s3 =	rddreg [dreg:$0x5];
	s0 =	sadd.s32 s1, s0  }
0x78a: {  	[hbm4b:s0+s2] =	stream.linear.scatter [tilespmem:s31], [sflag:$0x2], $0x8000, $0x38;
	[tilespmem:$0x13000] =	vst v63  }
.LBB2_10:
0x78b: {  	_ =	sfence.sel $0x180000  }
0x78c: {  	[bflag:$0x0] =	sbarrier.arrive $0xFFFF  }
0x78d: {  	_ =	strace $0x90000047  }
0x78e: {  	s0 =	stileid.u32;
	[bflag:$0x2] =	sbarrier.arrive $0xFFFF  }
0x78f: {  	p0 =	sne.s32 s0, $0x0;
	s0 =	rddreg [dreg:$0x2]  }
0x790: {  	s0 =	sadd.s32 @!p0 $0x100000, s0  }
0x791: {  	[sflag:s0] =	ssyncadd.tile.s32 @!p0 $0x1;
	_ =	shalt  }
.Lfunc_end2:
_tile_overlayer_lowered:
.L_overlay_start_2:
0x792: {  	(tag) =	ssettag $0x2  }
0x793: {  	s0 =	rddreg [dreg:$0x0];
	s2 =	stileid.u32  }
0x794: {  	s1 =	rddreg [dreg:$0x1];
	p0 =	sne.s32 s2, $0x0  }
0x795: {  	s3 =	rddreg [dreg:$0x2];
	[bflag:$0x3] =	sbarrier.arrive $0xFFFF;
	s2 =	simm.s32 @!p0 $0x1C03  }
0x796: {  	[timem:s3], [sflag:s2] =	dma.local @!p0 [hbm:s0], s1  }
0x797: {  	s0 =	simm.s32 @!p0 $0x3  }
0x798: {  	_ =	swait.ge @!p0 [sflag:s0], s1  }
0x799: {  	s1 =	ssub.s32 @!p0 $0x0, s1;
	[sflag:s0] =	ssyncset.done @!p0 $0x0  }
0x79a: {  	[sflag:s0] =	ssyncadd.s32 @!p0 s1  }
0x79b: {  	[bflag:$0x3] =	sbarrier.arrive $0xFFFF  }
0x79c: {  	_ =	shalt  }

</sc_bundles>
